<compile_context>
chip_gen: v7x
topology: tpu7x:2x2x1
jax: 0.10.2.dev20260603
libtpu: 0.0.44.dev20260713+nightly
codegen_flags: <defaults>
</compile_context>

<pallas_src>
import jax
import jax.numpy as jnp
from jax import lax
from jax.experimental import pallas as pl
from jax.experimental.pallas import tpu as pltpu
from jax.experimental.pallas import tpu_sc as plsc

NC = 2
NS = 16
NW = NC * NS
L = 16

B = 16384
D = 64
BPW = B // NW
GCHUNK = 128
HALF = BPW // 2
RCHUNK = 16


def _body(user_hbm, item_hbm, ufac_hbm, ifac_hbm,
          pred_hbm, qu_hbm, pi_hbm,
          uidx_v, iidx_v, uidx2_v, iidx2_v,
          urows_v, irows_v, pred_v, qu_v, pi_v, sem):
    wid = lax.axis_index("s") * NC + lax.axis_index("c")
    base = wid * BPW

    pltpu.sync_copy(user_hbm.at[pl.ds(base, BPW)], uidx_v)
    pltpu.sync_copy(item_hbm.at[pl.ds(base, BPW)], iidx_v)

    def shift_body(k, carry):
        s = pl.ds(k * L, L)
        uidx2_v[s] = lax.shift_right_logical(uidx_v[s], 1)
        iidx2_v[s] = lax.shift_right_logical(iidx_v[s], 1)
        return carry

    lax.fori_loop(0, BPW // L, shift_body, 0)

    lane = lax.iota(jnp.int32, L)

    for h in range(2):
        copies = []
        for k in range(HALF // GCHUNK):
            s = pl.ds(h * HALF + k * GCHUNK, GCHUNK)
            d = pl.ds(k * GCHUNK, GCHUNK)
            copies.append(pltpu.async_copy(ufac_hbm.at[uidx2_v.at[s]],
                                           urows_v.at[d], sem))
            copies.append(pltpu.async_copy(ifac_hbm.at[iidx2_v.at[s]],
                                           irows_v.at[d], sem))
        for c in copies:
            c.wait()

        def chunk_body(c, carry):
            rglob = h * HALF + c * RCHUNK
            paru = (uidx_v[pl.ds(rglob, L)] & 1) * D
            pari = (iidx_v[pl.ds(rglob, L)] & 1) * D
            predv = jnp.zeros((L,), jnp.float32)
            quv = jnp.zeros((L,), jnp.float32)
            piv = jnp.zeros((L,), jnp.float32)
            for j in range(RCHUNK):
                lr = c * RCHUNK + j
                ou = paru[j]
                oi = pari[j]
                p = jnp.zeros((L,), jnp.float32)
                q = jnp.zeros((L,), jnp.float32)
                t = jnp.zeros((L,), jnp.float32)
                for d in range(D // L):
                    u = urows_v[lr, pl.ds(ou + d * L, L)]
                    v = irows_v[lr, pl.ds(oi + d * L, L)]
                    p = p + u * v
                    q = q + u * u
                    t = t + v * v
                predv = jnp.where(lane == j, jnp.sum(p), predv)
                quv = jnp.where(lane == j, jnp.sum(q), quv)
                piv = jnp.where(lane == j, jnp.sum(t), piv)
            pred_v[pl.ds(rglob, RCHUNK)] = predv
            qu_v[pl.ds(rglob, RCHUNK)] = quv
            pi_v[pl.ds(rglob, RCHUNK)] = piv
            return carry

        lax.fori_loop(0, HALF // RCHUNK, chunk_body, 0)

    pltpu.sync_copy(pred_v, pred_hbm.at[pl.ds(base, BPW)])
    pltpu.sync_copy(qu_v, qu_hbm.at[pl.ds(base, BPW)])
    pltpu.sync_copy(pi_v, pi_hbm.at[pl.ds(base, BPW)])


_sc_call = pl.kernel(
    _body,
    out_type=(
        jax.ShapeDtypeStruct((B,), jnp.float32),
        jax.ShapeDtypeStruct((B,), jnp.float32),
        jax.ShapeDtypeStruct((B,), jnp.float32),
    ),
    mesh=plsc.VectorSubcoreMesh(core_axis_name="c", subcore_axis_name="s",
                                num_cores=NC, num_subcores=NS),
    compiler_params=pltpu.CompilerParams(needs_layout_passes=False,
                                         use_tc_tiling_on_sc=True),
    scratch_types=[
        pltpu.VMEM((BPW,), jnp.int32),
        pltpu.VMEM((BPW,), jnp.int32),
        pltpu.VMEM((BPW,), jnp.int32),
        pltpu.VMEM((BPW,), jnp.int32),
        pltpu.VMEM((HALF, 2 * D), jnp.float32),
        pltpu.VMEM((HALF, 2 * D), jnp.float32),
        pltpu.VMEM((BPW,), jnp.float32),
        pltpu.VMEM((BPW,), jnp.float32),
        pltpu.VMEM((BPW,), jnp.float32),
        pltpu.SemaphoreType.DMA,
    ],
)


@jax.jit
def kernel(user, item, user_factors, item_factors):
    uf2 = user_factors.reshape(user_factors.shape[0] // 2, 2 * D)
    if2 = item_factors.reshape(item_factors.shape[0] // 2, 2 * D)
    return _sc_call(user, item, uf2, if2)

# --- scband reference (transcript-rebuilt; emitter-appended) ---
"""Pipeline reference for scband-base-model-58213986730419 (READ-ONLY COPY).

The authoritative reference and input builder live on the scoring server;
editing this copy changes nothing except your own understanding.
"""

import jax, jax.numpy as jnp
import numpy as np

B = 16384
N_USERS = 100000
N_ITEMS = 100000
D = 64

def setup_inputs(seed: int = 0) -> dict:
    key = jax.random.key(seed)
    k1, k2, k3, k4 = jax.random.split(key, 4)
    user = jax.random.randint(k1, (B,), 0, N_USERS, dtype=jnp.int32)
    item = jax.random.randint(k2, (B,), 0, N_ITEMS, dtype=jnp.int32)
    user_factors = jax.random.normal(k3, (N_USERS, D), dtype=jnp.float32) * 0.01
    item_factors = jax.random.normal(k4, (N_ITEMS, D), dtype=jnp.float32) * 0.01
    return {"user": user, "item": item, "user_factors": user_factors, "item_factors": item_factors}

def reference(user, item, user_factors, item_factors):
    # user_matrix = self.user_factors(user)
    user_matrix = jnp.take(user_factors, user, axis=0)
    # item_matrix = self.item_factors(item)
    item_matrix = jnp.take(item_factors, item, axis=0)
    pred = (user_matrix * item_matrix).sum(axis=1)
    qu = jnp.power(user_matrix, 2).sum(axis=1)
    pi = jnp.power(item_matrix, 2).sum(axis=1)
    return (pred, qu, pi)

if __name__ == "__main__":
    import jax
    _d = setup_inputs()
    print(jax.jit(kernel)(*tuple(_d.values())))

</pallas_src>

<mosaic_0001>
#map = affine_map<(d0, d1) -> (0)>
#map1 = affine_map<(d0, d1) -> (0, 0)>
module attributes {stable_mosaic.version = 14 : i64} {
  func.func @_body(%arg0: i32, %arg1: i32, %arg2: memref<16384xi32, #tpu.memory_space<hbm>>, %arg3: memref<16384xi32, #tpu.memory_space<hbm>>, %arg4: memref<50000x128xf32, #tpu.memory_space<hbm>>, %arg5: memref<50000x128xf32, #tpu.memory_space<hbm>>, %arg6: memref<16384xf32, #tpu.memory_space<hbm>>, %arg7: memref<16384xf32, #tpu.memory_space<hbm>>, %arg8: memref<16384xf32, #tpu.memory_space<hbm>>, %arg9: memref<512xi32, #tpu.memory_space<vmem>>, %arg10: memref<512xi32, #tpu.memory_space<vmem>>, %arg11: memref<512xi32, #tpu.memory_space<vmem>>, %arg12: memref<512xi32, #tpu.memory_space<vmem>>, %arg13: memref<256x128xf32, #tpu.memory_space<vmem>>, %arg14: memref<256x128xf32, #tpu.memory_space<vmem>>, %arg15: memref<512xf32, #tpu.memory_space<vmem>>, %arg16: memref<512xf32, #tpu.memory_space<vmem>>, %arg17: memref<512xf32, #tpu.memory_space<vmem>>, %arg18: memref<!tpu.dma_semaphore, #tpu.memory_space<semaphore_mem>>) attributes {dimension_semantics = [#tpu.dimension_semantics<core_parallel>, #tpu.dimension_semantics<subcore_parallel>], iteration_bounds = array<i64: 2, 16>, scalar_prefetch = 0 : i64, scratch_operands = 10 : i64, tpu.core_type = #tpu.core_type<sc_vector_subcore>, window_params = [{transform_indices = #map}, {transform_indices = #map}, {transform_indices = #map1}, {transform_indices = #map1}, {transform_indices = #map}, {transform_indices = #map}, {transform_indices = #map}]} {
    %mul3A = arith.constant 2 : i32
    %mul3A_0 = arith.muli %arg1, %mul3A : i32
    %add3A = arith.addi %mul3A_0, %arg0 : i32
    %mul3A_1 = arith.constant 512 : i32
    %mul3A_2 = arith.muli %add3A, %mul3A_1 : i32
    "tpu.region"() ({
      %run_scoped3A = tpu.sem_alloc : memref<!tpu.dma_semaphore, #tpu.memory_space<semaphore_mem>>
      %dma_start3A_146 = tpu.memref_slice %arg2[%mul3A_2] : memref<16384xi32, #tpu.memory_space<hbm>> -> memref<512xi32, #tpu.memory_space<hbm>>
      %dma_start3A_147 = tpu.memref_slice %arg2[%mul3A_2] : memref<16384xi32, #tpu.memory_space<hbm>> -> memref<512xi32, #tpu.memory_space<hbm>>
      tpu.enqueue_dma source(%dma_start3A_147 : memref<512xi32, #tpu.memory_space<hbm>>) target(%arg9 : memref<512xi32, #tpu.memory_space<vmem>>) target_semaphore(%run_scoped3A : memref<!tpu.dma_semaphore, #tpu.memory_space<semaphore_mem>>)
      %dma_wait3A_148 = tpu.memref_slice %arg2[%mul3A_2] : memref<16384xi32, #tpu.memory_space<hbm>> -> memref<512xi32, #tpu.memory_space<hbm>>
      %dma_wait3A_149 = tpu.memref_slice %arg2[%mul3A_2] : memref<16384xi32, #tpu.memory_space<hbm>> -> memref<512xi32, #tpu.memory_space<hbm>>
      tpu.wait_dma2 semaphore(%run_scoped3A : memref<!tpu.dma_semaphore, #tpu.memory_space<semaphore_mem>>) src(%dma_wait3A_149 : memref<512xi32, #tpu.memory_space<hbm>>) dst(%arg9 : memref<512xi32, #tpu.memory_space<vmem>>)
      tpu.yield
    }) : () -> ()
    "tpu.region"() ({
      %run_scoped3A = tpu.sem_alloc : memref<!tpu.dma_semaphore, #tpu.memory_space<semaphore_mem>>
      %dma_start3A_146 = tpu.memref_slice %arg3[%mul3A_2] : memref<16384xi32, #tpu.memory_space<hbm>> -> memref<512xi32, #tpu.memory_space<hbm>>
      %dma_start3A_147 = tpu.memref_slice %arg3[%mul3A_2] : memref<16384xi32, #tpu.memory_space<hbm>> -> memref<512xi32, #tpu.memory_space<hbm>>
      tpu.enqueue_dma source(%dma_start3A_147 : memref<512xi32, #tpu.memory_space<hbm>>) target(%arg10 : memref<512xi32, #tpu.memory_space<vmem>>) target_semaphore(%run_scoped3A : memref<!tpu.dma_semaphore, #tpu.memory_space<semaphore_mem>>)
      %dma_wait3A_148 = tpu.memref_slice %arg3[%mul3A_2] : memref<16384xi32, #tpu.memory_space<hbm>> -> memref<512xi32, #tpu.memory_space<hbm>>
      %dma_wait3A_149 = tpu.memref_slice %arg3[%mul3A_2] : memref<16384xi32, #tpu.memory_space<hbm>> -> memref<512xi32, #tpu.memory_space<hbm>>
      tpu.wait_dma2 semaphore(%run_scoped3A : memref<!tpu.dma_semaphore, #tpu.memory_space<semaphore_mem>>) src(%dma_wait3A_149 : memref<512xi32, #tpu.memory_space<hbm>>) dst(%arg10 : memref<512xi32, #tpu.memory_space<vmem>>)
      tpu.yield
    }) : () -> ()
    %scan3A = arith.constant 0 : i32
    %scan3A_3 = arith.constant 0 : i32
    %scan3A_4 = arith.constant 32 : i32
    %scan3A_5 = arith.addi %scan3A_3, %scan3A_4 : i32
    %scan3A_6 = arith.constant 1 : i32
    scf.for %scan3A_146 = %scan3A_3 to %scan3A_5 step %scan3A_6  : i32 {
      %mul3A_147 = arith.constant 16 : i32
      %mul3A_148 = arith.muli %scan3A_146, %mul3A_147 : i32
      %get3A = arith.index_cast %mul3A_148 : i32 to index
      %get3A_149 = tpu.vector_load %arg9[%get3A] {strides = array<i32>} : memref<512xi32, #tpu.memory_space<vmem>>, vector<16xi32>,
      %shift_right_logical3A = arith.constant 1 : i32
      %shift_right_logical3A_150 = vector.broadcast %shift_right_logical3A : i32 to vector<16xi32>
      %shift_right_logical3A_151 = arith.shrui %get3A_149, %shift_right_logical3A_150 : vector<16xi32>
      %swap3A = arith.index_cast %mul3A_148 : i32 to index
      %swap3A_152 = tpu.vector_load %arg11[%swap3A] {strides = array<i32>} : memref<512xi32, #tpu.memory_space<vmem>>, vector<16xi32>,
      tpu.vector_store %arg11[%swap3A], %shift_right_logical3A_151 {strides = array<i32>} : memref<512xi32, #tpu.memory_space<vmem>>, vector<16xi32>,
      %get3A_153 = arith.index_cast %mul3A_148 : i32 to index
      %get3A_154 = tpu.vector_load %arg10[%get3A_153] {strides = array<i32>} : memref<512xi32, #tpu.memory_space<vmem>>, vector<16xi32>,
      %shift_right_logical3A_155 = arith.constant 1 : i32
      %shift_right_logical3A_156 = vector.broadcast %shift_right_logical3A_155 : i32 to vector<16xi32>
      %shift_right_logical3A_157 = arith.shrui %get3A_154, %shift_right_logical3A_156 : vector<16xi32>
      %swap3A_158 = arith.index_cast %mul3A_148 : i32 to index
      %swap3A_159 = tpu.vector_load %arg12[%swap3A_158] {strides = array<i32>} : memref<512xi32, #tpu.memory_space<vmem>>, vector<16xi32>,
      tpu.vector_store %arg12[%swap3A_158], %shift_right_logical3A_157 {strides = array<i32>} : memref<512xi32, #tpu.memory_space<vmem>>, vector<16xi32>,
    }
    %scan3A_7 = arith.constant 32 : i32
    %iota3A = tpu.iota {dimensions = array<i32: 0>} : vector<16xi32>
    %dma_start3A = arith.constant 0 : i32
    %dma_start3A_8 = arith.constant 0 : i32
    %dma_start3A_9 = tpu.memref_slice %arg13[%dma_start3A, %dma_start3A_8] : memref<256x128xf32, #tpu.memory_space<vmem>> -> memref<128x128xf32, #tpu.memory_space<vmem>>
    %dma_start3A_10 = arith.constant 0 : i32
    %dma_start3A_11 = tpu.memref_slice %arg11[%dma_start3A_10] : memref<512xi32, #tpu.memory_space<vmem>> -> memref<128xi32, #tpu.memory_space<vmem>>
    %dma_start3A_12 = arith.constant 0 : i32
    %dma_start3A_13 = arith.constant 0 : i32
    %dma_start3A_14 = tpu.memref_slice %arg4[%dma_start3A_12, %dma_start3A_13] : memref<50000x128xf32, #tpu.memory_space<hbm>> -> memref<50000x128xf32, #tpu.memory_space<hbm>>
    tpu.enqueue_indirect_dma source(%dma_start3A_14 : memref<50000x128xf32, #tpu.memory_space<hbm>>) target(%dma_start3A_9 : memref<128x128xf32, #tpu.memory_space<vmem>>) offsets(%dma_start3A_11 : memref<128xi32, #tpu.memory_space<vmem>>) semaphore(%arg18 : memref<!tpu.dma_semaphore, #tpu.memory_space<semaphore_mem>>)
    %dma_start3A_15 = arith.constant 0 : i32
    %dma_start3A_16 = arith.constant 0 : i32
    %dma_start3A_17 = tpu.memref_slice %arg14[%dma_start3A_15, %dma_start3A_16] : memref<256x128xf32, #tpu.memory_space<vmem>> -> memref<128x128xf32, #tpu.memory_space<vmem>>
    %dma_start3A_18 = arith.constant 0 : i32
    %dma_start3A_19 = tpu.memref_slice %arg12[%dma_start3A_18] : memref<512xi32, #tpu.memory_space<vmem>> -> memref<128xi32, #tpu.memory_space<vmem>>
    %dma_start3A_20 = arith.constant 0 : i32
    %dma_start3A_21 = arith.constant 0 : i32
    %dma_start3A_22 = tpu.memref_slice %arg5[%dma_start3A_20, %dma_start3A_21] : memref<50000x128xf32, #tpu.memory_space<hbm>> -> memref<50000x128xf32, #tpu.memory_space<hbm>>
    tpu.enqueue_indirect_dma source(%dma_start3A_22 : memref<50000x128xf32, #tpu.memory_space<hbm>>) target(%dma_start3A_17 : memref<128x128xf32, #tpu.memory_space<vmem>>) offsets(%dma_start3A_19 : memref<128xi32, #tpu.memory_space<vmem>>) semaphore(%arg18 : memref<!tpu.dma_semaphore, #tpu.memory_space<semaphore_mem>>)
    %dma_start3A_23 = arith.constant 128 : i32
    %dma_start3A_24 = arith.constant 0 : i32
    %dma_start3A_25 = tpu.memref_slice %arg13[%dma_start3A_23, %dma_start3A_24] : memref<256x128xf32, #tpu.memory_space<vmem>> -> memref<128x128xf32, #tpu.memory_space<vmem>>
    %dma_start3A_26 = arith.constant 128 : i32
    %dma_start3A_27 = tpu.memref_slice %arg11[%dma_start3A_26] : memref<512xi32, #tpu.memory_space<vmem>> -> memref<128xi32, #tpu.memory_space<vmem>>
    %dma_start3A_28 = arith.constant 0 : i32
    %dma_start3A_29 = arith.constant 0 : i32
    %dma_start3A_30 = tpu.memref_slice %arg4[%dma_start3A_28, %dma_start3A_29] : memref<50000x128xf32, #tpu.memory_space<hbm>> -> memref<50000x128xf32, #tpu.memory_space<hbm>>
    tpu.enqueue_indirect_dma source(%dma_start3A_30 : memref<50000x128xf32, #tpu.memory_space<hbm>>) target(%dma_start3A_25 : memref<128x128xf32, #tpu.memory_space<vmem>>) offsets(%dma_start3A_27 : memref<128xi32, #tpu.memory_space<vmem>>) semaphore(%arg18 : memref<!tpu.dma_semaphore, #tpu.memory_space<semaphore_mem>>)
    %dma_start3A_31 = arith.constant 128 : i32
    %dma_start3A_32 = arith.constant 0 : i32
    %dma_start3A_33 = tpu.memref_slice %arg14[%dma_start3A_31, %dma_start3A_32] : memref<256x128xf32, #tpu.memory_space<vmem>> -> memref<128x128xf32, #tpu.memory_space<vmem>>
    %dma_start3A_34 = arith.constant 128 : i32
    %dma_start3A_35 = tpu.memref_slice %arg12[%dma_start3A_34] : memref<512xi32, #tpu.memory_space<vmem>> -> memref<128xi32, #tpu.memory_space<vmem>>
    %dma_start3A_36 = arith.constant 0 : i32
    %dma_start3A_37 = arith.constant 0 : i32
    %dma_start3A_38 = tpu.memref_slice %arg5[%dma_start3A_36, %dma_start3A_37] : memref<50000x128xf32, #tpu.memory_space<hbm>> -> memref<50000x128xf32, #tpu.memory_space<hbm>>
    tpu.enqueue_indirect_dma source(%dma_start3A_38 : memref<50000x128xf32, #tpu.memory_space<hbm>>) target(%dma_start3A_33 : memref<128x128xf32, #tpu.memory_space<vmem>>) offsets(%dma_start3A_35 : memref<128xi32, #tpu.memory_space<vmem>>) semaphore(%arg18 : memref<!tpu.dma_semaphore, #tpu.memory_space<semaphore_mem>>)
    %dma_wait3A = arith.constant 0 : i32
    %dma_wait3A_39 = arith.constant 0 : i32
    %dma_wait3A_40 = tpu.memref_slice %arg13[%dma_wait3A, %dma_wait3A_39] : memref<256x128xf32, #tpu.memory_space<vmem>> -> memref<128x128xf32, #tpu.memory_space<vmem>>
    %dma_wait3A_41 = arith.constant 0 : i32
    %dma_wait3A_42 = tpu.memref_slice %arg11[%dma_wait3A_41] : memref<512xi32, #tpu.memory_space<vmem>> -> memref<128xi32, #tpu.memory_space<vmem>>
    %dma_wait3A_43 = arith.constant 0 : i32
    %dma_wait3A_44 = arith.constant 0 : i32
    %dma_wait3A_45 = tpu.memref_slice %arg4[%dma_wait3A_43, %dma_wait3A_44] : memref<50000x128xf32, #tpu.memory_space<hbm>> -> memref<50000x128xf32, #tpu.memory_space<hbm>>
    tpu.wait_indirect_dma semaphore(%arg18 : memref<!tpu.dma_semaphore, #tpu.memory_space<semaphore_mem>>) src(%dma_wait3A_45 : memref<50000x128xf32, #tpu.memory_space<hbm>>) dst(%dma_wait3A_40 : memref<128x128xf32, #tpu.memory_space<vmem>>)
    %dma_wait3A_46 = arith.constant 0 : i32
    %dma_wait3A_47 = arith.constant 0 : i32
    %dma_wait3A_48 = tpu.memref_slice %arg14[%dma_wait3A_46, %dma_wait3A_47] : memref<256x128xf32, #tpu.memory_space<vmem>> -> memref<128x128xf32, #tpu.memory_space<vmem>>
    %dma_wait3A_49 = arith.constant 0 : i32
    %dma_wait3A_50 = tpu.memref_slice %arg12[%dma_wait3A_49] : memref<512xi32, #tpu.memory_space<vmem>> -> memref<128xi32, #tpu.memory_space<vmem>>
    %dma_wait3A_51 = arith.constant 0 : i32
    %dma_wait3A_52 = arith.constant 0 : i32
    %dma_wait3A_53 = tpu.memref_slice %arg5[%dma_wait3A_51, %dma_wait3A_52] : memref<50000x128xf32, #tpu.memory_space<hbm>> -> memref<50000x128xf32, #tpu.memory_space<hbm>>
    tpu.wait_indirect_dma semaphore(%arg18 : memref<!tpu.dma_semaphore, #tpu.memory_space<semaphore_mem>>) src(%dma_wait3A_53 : memref<50000x128xf32, #tpu.memory_space<hbm>>) dst(%dma_wait3A_48 : memref<128x128xf32, #tpu.memory_space<vmem>>)
    %dma_wait3A_54 = arith.constant 128 : i32
    %dma_wait3A_55 = arith.constant 0 : i32
    %dma_wait3A_56 = tpu.memref_slice %arg13[%dma_wait3A_54, %dma_wait3A_55] : memref<256x128xf32, #tpu.memory_space<vmem>> -> memref<128x128xf32, #tpu.memory_space<vmem>>
    %dma_wait3A_57 = arith.constant 128 : i32
    %dma_wait3A_58 = tpu.memref_slice %arg11[%dma_wait3A_57] : memref<512xi32, #tpu.memory_space<vmem>> -> memref<128xi32, #tpu.memory_space<vmem>>
    %dma_wait3A_59 = arith.constant 0 : i32
    %dma_wait3A_60 = arith.constant 0 : i32
    %dma_wait3A_61 = tpu.memref_slice %arg4[%dma_wait3A_59, %dma_wait3A_60] : memref<50000x128xf32, #tpu.memory_space<hbm>> -> memref<50000x128xf32, #tpu.memory_space<hbm>>
    tpu.wait_indirect_dma semaphore(%arg18 : memref<!tpu.dma_semaphore, #tpu.memory_space<semaphore_mem>>) src(%dma_wait3A_61 : memref<50000x128xf32, #tpu.memory_space<hbm>>) dst(%dma_wait3A_56 : memref<128x128xf32, #tpu.memory_space<vmem>>)
    %dma_wait3A_62 = arith.constant 128 : i32
    %dma_wait3A_63 = arith.constant 0 : i32
    %dma_wait3A_64 = tpu.memref_slice %arg14[%dma_wait3A_62, %dma_wait3A_63] : memref<256x128xf32, #tpu.memory_space<vmem>> -> memref<128x128xf32, #tpu.memory_space<vmem>>
    %dma_wait3A_65 = arith.constant 128 : i32
    %dma_wait3A_66 = tpu.memref_slice %arg12[%dma_wait3A_65] : memref<512xi32, #tpu.memory_space<vmem>> -> memref<128xi32, #tpu.memory_space<vmem>>
    %dma_wait3A_67 = arith.constant 0 : i32
    %dma_wait3A_68 = arith.constant 0 : i32
    %dma_wait3A_69 = tpu.memref_slice %arg5[%dma_wait3A_67, %dma_wait3A_68] : memref<50000x128xf32, #tpu.memory_space<hbm>> -> memref<50000x128xf32, #tpu.memory_space<hbm>>
    tpu.wait_indirect_dma semaphore(%arg18 : memref<!tpu.dma_semaphore, #tpu.memory_space<semaphore_mem>>) src(%dma_wait3A_69 : memref<50000x128xf32, #tpu.memory_space<hbm>>) dst(%dma_wait3A_64 : memref<128x128xf32, #tpu.memory_space<vmem>>)
    %scan3A_70 = arith.constant 0 : i32
    %scan3A_71 = arith.constant 0 : i32
    %scan3A_72 = arith.constant 16 : i32
    %scan3A_73 = arith.addi %scan3A_71, %scan3A_72 : i32
    %scan3A_74 = arith.constant 1 : i32
    scf.for %scan3A_146 = %scan3A_71 to %scan3A_73 step %scan3A_74  : i32 {
      %mul3A_147 = arith.constant 16 : i32
      %mul3A_148 = arith.muli %scan3A_146, %mul3A_147 : i32
      %add3A_149 = arith.constant 0 : i32
      %add3A_150 = arith.addi %add3A_149, %mul3A_148 : i32
      %get3A = arith.index_cast %add3A_150 : i32 to index
      %get3A_151 = tpu.vector_load %arg9[%get3A] {strides = array<i32>} : memref<512xi32, #tpu.memory_space<vmem>>, vector<16xi32>,
      %and3A = arith.constant 1 : i32
      %and3A_152 = vector.broadcast %and3A : i32 to vector<16xi32>
      %and3A_153 = arith.andi %get3A_151, %and3A_152 : vector<16xi32>
      %mul3A_154 = arith.constant 64 : i32
      %mul3A_155 = vector.broadcast %mul3A_154 : i32 to vector<16xi32>
      %mul3A_156 = arith.muli %and3A_153, %mul3A_155 : vector<16xi32>
      %get3A_157 = arith.index_cast %add3A_150 : i32 to index
      %get3A_158 = tpu.vector_load %arg10[%get3A_157] {strides = array<i32>} : memref<512xi32, #tpu.memory_space<vmem>>, vector<16xi32>,
      %and3A_159 = arith.constant 1 : i32
      %and3A_160 = vector.broadcast %and3A_159 : i32 to vector<16xi32>
      %and3A_161 = arith.andi %get3A_158, %and3A_160 : vector<16xi32>
      %mul3A_162 = arith.constant 64 : i32
      %mul3A_163 = vector.broadcast %mul3A_162 : i32 to vector<16xi32>
      %mul3A_164 = arith.muli %and3A_161, %mul3A_163 : vector<16xi32>
      %broadcast_in_dim3A = arith.constant 0.000000e+00 : f32
      %broadcast_in_dim3A_165 = vector.broadcast %broadcast_in_dim3A : f32 to vector<16xf32>
      %broadcast_in_dim3A_166 = arith.constant 0.000000e+00 : f32
      %broadcast_in_dim3A_167 = vector.broadcast %broadcast_in_dim3A_166 : f32 to vector<16xf32>
      %broadcast_in_dim3A_168 = arith.constant 0.000000e+00 : f32
      %broadcast_in_dim3A_169 = vector.broadcast %broadcast_in_dim3A_168 : f32 to vector<16xf32>
      %mul3A_170 = arith.constant 16 : i32
      %mul3A_171 = arith.muli %scan3A_146, %mul3A_170 : i32
      %add3A_172 = arith.constant 0 : i32
      %add3A_173 = arith.addi %mul3A_171, %add3A_172 : i32
      %slice3A = vector.extract_strided_slice %mul3A_156 {offsets = [0], sizes = [1], strides = [1]} : vector<16xi32> to vector<1xi32>
      %squeeze3A = vector.extract %slice3A[0] : i32 from vector<1xi32>
      %slice3A_174 = vector.extract_strided_slice %mul3A_164 {offsets = [0], sizes = [1], strides = [1]} : vector<16xi32> to vector<1xi32>
      %squeeze3A_175 = vector.extract %slice3A_174[0] : i32 from vector<1xi32>
      %broadcast_in_dim3A_176 = arith.constant 0.000000e+00 : f32
      %broadcast_in_dim3A_177 = vector.broadcast %broadcast_in_dim3A_176 : f32 to vector<16xf32>
      %broadcast_in_dim3A_178 = arith.constant 0.000000e+00 : f32
      %broadcast_in_dim3A_179 = vector.broadcast %broadcast_in_dim3A_178 : f32 to vector<16xf32>
      %broadcast_in_dim3A_180 = arith.constant 0.000000e+00 : f32
      %broadcast_in_dim3A_181 = vector.broadcast %broadcast_in_dim3A_180 : f32 to vector<16xf32>
      %add3A_182 = arith.constant 0 : i32
      %add3A_183 = arith.addi %squeeze3A, %add3A_182 : i32
      %get3A_184 = arith.index_cast %add3A_173 : i32 to index
      %get3A_185 = arith.index_cast %add3A_183 : i32 to index
      %get3A_186 = tpu.vector_load %arg13[%get3A_184, %get3A_185] {strides = array<i32>} : memref<256x128xf32, #tpu.memory_space<vmem>>, vector<16xf32>,
      %add3A_187 = arith.constant 0 : i32
      %add3A_188 = arith.addi %squeeze3A_175, %add3A_187 : i32
      %get3A_189 = arith.index_cast %add3A_173 : i32 to index
      %get3A_190 = arith.index_cast %add3A_188 : i32 to index
      %get3A_191 = tpu.vector_load %arg14[%get3A_189, %get3A_190] {strides = array<i32>} : memref<256x128xf32, #tpu.memory_space<vmem>>, vector<16xf32>,
      %mul3A_192 = arith.mulf %get3A_186, %get3A_191 : vector<16xf32>
      %add3A_193 = arith.addf %broadcast_in_dim3A_177, %mul3A_192 : vector<16xf32>
      %mul3A_194 = arith.mulf %get3A_186, %get3A_186 : vector<16xf32>
      %add3A_195 = arith.addf %broadcast_in_dim3A_179, %mul3A_194 : vector<16xf32>
      %mul3A_196 = arith.mulf %get3A_191, %get3A_191 : vector<16xf32>
      %add3A_197 = arith.addf %broadcast_in_dim3A_181, %mul3A_196 : vector<16xf32>
      %add3A_198 = arith.constant 16 : i32
      %add3A_199 = arith.addi %squeeze3A, %add3A_198 : i32
      %get3A_200 = arith.index_cast %add3A_173 : i32 to index
      %get3A_201 = arith.index_cast %add3A_199 : i32 to index
      %get3A_202 = tpu.vector_load %arg13[%get3A_200, %get3A_201] {strides = array<i32>} : memref<256x128xf32, #tpu.memory_space<vmem>>, vector<16xf32>,
      %add3A_203 = arith.constant 16 : i32
      %add3A_204 = arith.addi %squeeze3A_175, %add3A_203 : i32
      %get3A_205 = arith.index_cast %add3A_173 : i32 to index
      %get3A_206 = arith.index_cast %add3A_204 : i32 to index
      %get3A_207 = tpu.vector_load %arg14[%get3A_205, %get3A_206] {strides = array<i32>} : memref<256x128xf32, #tpu.memory_space<vmem>>, vector<16xf32>,
      %mul3A_208 = arith.mulf %get3A_202, %get3A_207 : vector<16xf32>
      %add3A_209 = arith.addf %add3A_193, %mul3A_208 : vector<16xf32>
      %mul3A_210 = arith.mulf %get3A_202, %get3A_202 : vector<16xf32>
      %add3A_211 = arith.addf %add3A_195, %mul3A_210 : vector<16xf32>
      %mul3A_212 = arith.mulf %get3A_207, %get3A_207 : vector<16xf32>
      %add3A_213 = arith.addf %add3A_197, %mul3A_212 : vector<16xf32>
      %add3A_214 = arith.constant 32 : i32
      %add3A_215 = arith.addi %squeeze3A, %add3A_214 : i32
      %get3A_216 = arith.index_cast %add3A_173 : i32 to index
      %get3A_217 = arith.index_cast %add3A_215 : i32 to index
      %get3A_218 = tpu.vector_load %arg13[%get3A_216, %get3A_217] {strides = array<i32>} : memref<256x128xf32, #tpu.memory_space<vmem>>, vector<16xf32>,
      %add3A_219 = arith.constant 32 : i32
      %add3A_220 = arith.addi %squeeze3A_175, %add3A_219 : i32
      %get3A_221 = arith.index_cast %add3A_173 : i32 to index
      %get3A_222 = arith.index_cast %add3A_220 : i32 to index
      %get3A_223 = tpu.vector_load %arg14[%get3A_221, %get3A_222] {strides = array<i32>} : memref<256x128xf32, #tpu.memory_space<vmem>>, vector<16xf32>,
      %mul3A_224 = arith.mulf %get3A_218, %get3A_223 : vector<16xf32>
      %add3A_225 = arith.addf %add3A_209, %mul3A_224 : vector<16xf32>
      %mul3A_226 = arith.mulf %get3A_218, %get3A_218 : vector<16xf32>
      %add3A_227 = arith.addf %add3A_211, %mul3A_226 : vector<16xf32>
      %mul3A_228 = arith.mulf %get3A_223, %get3A_223 : vector<16xf32>
      %add3A_229 = arith.addf %add3A_213, %mul3A_228 : vector<16xf32>
      %add3A_230 = arith.constant 48 : i32
      %add3A_231 = arith.addi %squeeze3A, %add3A_230 : i32
      %get3A_232 = arith.index_cast %add3A_173 : i32 to index
      %get3A_233 = arith.index_cast %add3A_231 : i32 to index
      %get3A_234 = tpu.vector_load %arg13[%get3A_232, %get3A_233] {strides = array<i32>} : memref<256x128xf32, #tpu.memory_space<vmem>>, vector<16xf32>,
      %add3A_235 = arith.constant 48 : i32
      %add3A_236 = arith.addi %squeeze3A_175, %add3A_235 : i32
      %get3A_237 = arith.index_cast %add3A_173 : i32 to index
      %get3A_238 = arith.index_cast %add3A_236 : i32 to index
      %get3A_239 = tpu.vector_load %arg14[%get3A_237, %get3A_238] {strides = array<i32>} : memref<256x128xf32, #tpu.memory_space<vmem>>, vector<16xf32>,
      %mul3A_240 = arith.mulf %get3A_234, %get3A_239 : vector<16xf32>
      %add3A_241 = arith.addf %add3A_225, %mul3A_240 : vector<16xf32>
      %mul3A_242 = arith.mulf %get3A_234, %get3A_234 : vector<16xf32>
      %add3A_243 = arith.addf %add3A_227, %mul3A_242 : vector<16xf32>
      %mul3A_244 = arith.mulf %get3A_239, %get3A_239 : vector<16xf32>
      %add3A_245 = arith.addf %add3A_229, %mul3A_244 : vector<16xf32>
      %eq3A = arith.constant 0 : i32
      %eq3A_246 = vector.broadcast %eq3A : i32 to vector<16xi32>
      %eq3A_247 = arith.cmpi eq, %iota3A, %eq3A_246 : vector<16xi32>
      %reduce_sum3A = arith.constant true
      %reduce_sum3A_248 = vector.broadcast %reduce_sum3A : i1 to vector<16xi1>
      %reduce_sum3A_249 = tpu.scan <sum>, %add3A_241 masked %reduce_sum3A_248 : vector<16xf32>, vector<16xi1> -> vector<16xf32>
      %reduce_sum3A_250 = vector.extract %reduce_sum3A_249[15] : f32 from vector<16xf32>
      %broadcast_in_dim3A_251 = vector.broadcast %reduce_sum3A_250 : f32 to vector<16xf32>
      %select_n3A = arith.select %eq3A_247, %broadcast_in_dim3A_251, %broadcast_in_dim3A_165 : vector<16xi1>, vector<16xf32>
      %eq3A_252 = arith.constant 0 : i32
      %eq3A_253 = vector.broadcast %eq3A_252 : i32 to vector<16xi32>
      %eq3A_254 = arith.cmpi eq, %iota3A, %eq3A_253 : vector<16xi32>
      %reduce_sum3A_255 = arith.constant true
      %reduce_sum3A_256 = vector.broadcast %reduce_sum3A_255 : i1 to vector<16xi1>
      %reduce_sum3A_257 = tpu.scan <sum>, %add3A_243 masked %reduce_sum3A_256 : vector<16xf32>, vector<16xi1> -> vector<16xf32>
      %reduce_sum3A_258 = vector.extract %reduce_sum3A_257[15] : f32 from vector<16xf32>
      %broadcast_in_dim3A_259 = vector.broadcast %reduce_sum3A_258 : f32 to vector<16xf32>
      %select_n3A_260 = arith.select %eq3A_254, %broadcast_in_dim3A_259, %broadcast_in_dim3A_167 : vector<16xi1>, vector<16xf32>
      %eq3A_261 = arith.constant 0 : i32
      %eq3A_262 = vector.broadcast %eq3A_261 : i32 to vector<16xi32>
      %eq3A_263 = arith.cmpi eq, %iota3A, %eq3A_262 : vector<16xi32>
      %reduce_sum3A_264 = arith.constant true
      %reduce_sum3A_265 = vector.broadcast %reduce_sum3A_264 : i1 to vector<16xi1>
      %reduce_sum3A_266 = tpu.scan <sum>, %add3A_245 masked %reduce_sum3A_265 : vector<16xf32>, vector<16xi1> -> vector<16xf32>
      %reduce_sum3A_267 = vector.extract %reduce_sum3A_266[15] : f32 from vector<16xf32>
      %broadcast_in_dim3A_268 = vector.broadcast %reduce_sum3A_267 : f32 to vector<16xf32>
      %select_n3A_269 = arith.select %eq3A_263, %broadcast_in_dim3A_268, %broadcast_in_dim3A_169 : vector<16xi1>, vector<16xf32>
      %mul3A_270 = arith.constant 16 : i32
      %mul3A_271 = arith.muli %scan3A_146, %mul3A_270 : i32
      %add3A_272 = arith.constant 1 : i32
      %add3A_273 = arith.addi %mul3A_271, %add3A_272 : i32
      %slice3A_274 = vector.extract_strided_slice %mul3A_156 {offsets = [1], sizes = [1], strides = [1]} : vector<16xi32> to vector<1xi32>
      %squeeze3A_275 = vector.extract %slice3A_274[0] : i32 from vector<1xi32>
      %slice3A_276 = vector.extract_strided_slice %mul3A_164 {offsets = [1], sizes = [1], strides = [1]} : vector<16xi32> to vector<1xi32>
      %squeeze3A_277 = vector.extract %slice3A_276[0] : i32 from vector<1xi32>
      %broadcast_in_dim3A_278 = arith.constant 0.000000e+00 : f32
      %broadcast_in_dim3A_279 = vector.broadcast %broadcast_in_dim3A_278 : f32 to vector<16xf32>
      %broadcast_in_dim3A_280 = arith.constant 0.000000e+00 : f32
      %broadcast_in_dim3A_281 = vector.broadcast %broadcast_in_dim3A_280 : f32 to vector<16xf32>
      %broadcast_in_dim3A_282 = arith.constant 0.000000e+00 : f32
      %broadcast_in_dim3A_283 = vector.broadcast %broadcast_in_dim3A_282 : f32 to vector<16xf32>
      %add3A_284 = arith.constant 0 : i32
      %add3A_285 = arith.addi %squeeze3A_275, %add3A_284 : i32
      %get3A_286 = arith.index_cast %add3A_273 : i32 to index
      %get3A_287 = arith.index_cast %add3A_285 : i32 to index
      %get3A_288 = tpu.vector_load %arg13[%get3A_286, %get3A_287] {strides = array<i32>} : memref<256x128xf32, #tpu.memory_space<vmem>>, vector<16xf32>,
      %add3A_289 = arith.constant 0 : i32
      %add3A_290 = arith.addi %squeeze3A_277, %add3A_289 : i32
      %get3A_291 = arith.index_cast %add3A_273 : i32 to index
      %get3A_292 = arith.index_cast %add3A_290 : i32 to index
      %get3A_293 = tpu.vector_load %arg14[%get3A_291, %get3A_292] {strides = array<i32>} : memref<256x128xf32, #tpu.memory_space<vmem>>, vector<16xf32>,
      %mul3A_294 = arith.mulf %get3A_288, %get3A_293 : vector<16xf32>
      %add3A_295 = arith.addf %broadcast_in_dim3A_279, %mul3A_294 : vector<16xf32>
      %mul3A_296 = arith.mulf %get3A_288, %get3A_288 : vector<16xf32>
      %add3A_297 = arith.addf %broadcast_in_dim3A_281, %mul3A_296 : vector<16xf32>
      %mul3A_298 = arith.mulf %get3A_293, %get3A_293 : vector<16xf32>
      %add3A_299 = arith.addf %broadcast_in_dim3A_283, %mul3A_298 : vector<16xf32>
      %add3A_300 = arith.constant 16 : i32
      %add3A_301 = arith.addi %squeeze3A_275, %add3A_300 : i32
      %get3A_302 = arith.index_cast %add3A_273 : i32 to index
      %get3A_303 = arith.index_cast %add3A_301 : i32 to index
      %get3A_304 = tpu.vector_load %arg13[%get3A_302, %get3A_303] {strides = array<i32>} : memref<256x128xf32, #tpu.memory_space<vmem>>, vector<16xf32>,
      %add3A_305 = arith.constant 16 : i32
      %add3A_306 = arith.addi %squeeze3A_277, %add3A_305 : i32
      %get3A_307 = arith.index_cast %add3A_273 : i32 to index
      %get3A_308 = arith.index_cast %add3A_306 : i32 to index
      %get3A_309 = tpu.vector_load %arg14[%get3A_307, %get3A_308] {strides = array<i32>} : memref<256x128xf32, #tpu.memory_space<vmem>>, vector<16xf32>,
      %mul3A_310 = arith.mulf %get3A_304, %get3A_309 : vector<16xf32>
      %add3A_311 = arith.addf %add3A_295, %mul3A_310 : vector<16xf32>
      %mul3A_312 = arith.mulf %get3A_304, %get3A_304 : vector<16xf32>
      %add3A_313 = arith.addf %add3A_297, %mul3A_312 : vector<16xf32>
      %mul3A_314 = arith.mulf %get3A_309, %get3A_309 : vector<16xf32>
      %add3A_315 = arith.addf %add3A_299, %mul3A_314 : vector<16xf32>
      %add3A_316 = arith.constant 32 : i32
      %add3A_317 = arith.addi %squeeze3A_275, %add3A_316 : i32
      %get3A_318 = arith.index_cast %add3A_273 : i32 to index
      %get3A_319 = arith.index_cast %add3A_317 : i32 to index
      %get3A_320 = tpu.vector_load %arg13[%get3A_318, %get3A_319] {strides = array<i32>} : memref<256x128xf32, #tpu.memory_space<vmem>>, vector<16xf32>,
      %add3A_321 = arith.constant 32 : i32
      %add3A_322 = arith.addi %squeeze3A_277, %add3A_321 : i32
      %get3A_323 = arith.index_cast %add3A_273 : i32 to index
      %get3A_324 = arith.index_cast %add3A_322 : i32 to index
      %get3A_325 = tpu.vector_load %arg14[%get3A_323, %get3A_324] {strides = array<i32>} : memref<256x128xf32, #tpu.memory_space<vmem>>, vector<16xf32>,
      %mul3A_326 = arith.mulf %get3A_320, %get3A_325 : vector<16xf32>
      %add3A_327 = arith.addf %add3A_311, %mul3A_326 : vector<16xf32>
      %mul3A_328 = arith.mulf %get3A_320, %get3A_320 : vector<16xf32>
      %add3A_329 = arith.addf %add3A_313, %mul3A_328 : vector<16xf32>
      %mul3A_330 = arith.mulf %get3A_325, %get3A_325 : vector<16xf32>
      %add3A_331 = arith.addf %add3A_315, %mul3A_330 : vector<16xf32>
      %add3A_332 = arith.constant 48 : i32
      %add3A_333 = arith.addi %squeeze3A_275, %add3A_332 : i32
      %get3A_334 = arith.index_cast %add3A_273 : i32 to index
      %get3A_335 = arith.index_cast %add3A_333 : i32 to index
      %get3A_336 = tpu.vector_load %arg13[%get3A_334, %get3A_335] {strides = array<i32>} : memref<256x128xf32, #tpu.memory_space<vmem>>, vector<16xf32>,
      %add3A_337 = arith.constant 48 : i32
      %add3A_338 = arith.addi %squeeze3A_277, %add3A_337 : i32
      %get3A_339 = arith.index_cast %add3A_273 : i32 to index
      %get3A_340 = arith.index_cast %add3A_338 : i32 to index
      %get3A_341 = tpu.vector_load %arg14[%get3A_339, %get3A_340] {strides = array<i32>} : memref<256x128xf32, #tpu.memory_space<vmem>>, vector<16xf32>,
      %mul3A_342 = arith.mulf %get3A_336, %get3A_341 : vector<16xf32>
      %add3A_343 = arith.addf %add3A_327, %mul3A_342 : vector<16xf32>
      %mul3A_344 = arith.mulf %get3A_336, %get3A_336 : vector<16xf32>
      %add3A_345 = arith.addf %add3A_329, %mul3A_344 : vector<16xf32>
      %mul3A_346 = arith.mulf %get3A_341, %get3A_341 : vector<16xf32>
      %add3A_347 = arith.addf %add3A_331, %mul3A_346 : vector<16xf32>
      %eq3A_348 = arith.constant 1 : i32
      %eq3A_349 = vector.broadcast %eq3A_348 : i32 to vector<16xi32>
      %eq3A_350 = arith.cmpi eq, %iota3A, %eq3A_349 : vector<16xi32>
      %reduce_sum3A_351 = arith.constant true
      %reduce_sum3A_352 = vector.broadcast %reduce_sum3A_351 : i1 to vector<16xi1>
      %reduce_sum3A_353 = tpu.scan <sum>, %add3A_343 masked %reduce_sum3A_352 : vector<16xf32>, vector<16xi1> -> vector<16xf32>
      %reduce_sum3A_354 = vector.extract %reduce_sum3A_353[15] : f32 from vector<16xf32>
      %broadcast_in_dim3A_355 = vector.broadcast %reduce_sum3A_354 : f32 to vector<16xf32>
      %select_n3A_356 = arith.select %eq3A_350, %broadcast_in_dim3A_355, %select_n3A : vector<16xi1>, vector<16xf32>
      %eq3A_357 = arith.constant 1 : i32
      %eq3A_358 = vector.broadcast %eq3A_357 : i32 to vector<16xi32>
      %eq3A_359 = arith.cmpi eq, %iota3A, %eq3A_358 : vector<16xi32>
      %reduce_sum3A_360 = arith.constant true
      %reduce_sum3A_361 = vector.broadcast %reduce_sum3A_360 : i1 to vector<16xi1>
      %reduce_sum3A_362 = tpu.scan <sum>, %add3A_345 masked %reduce_sum3A_361 : vector<16xf32>, vector<16xi1> -> vector<16xf32>
      %reduce_sum3A_363 = vector.extract %reduce_sum3A_362[15] : f32 from vector<16xf32>
      %broadcast_in_dim3A_364 = vector.broadcast %reduce_sum3A_363 : f32 to vector<16xf32>
      %select_n3A_365 = arith.select %eq3A_359, %broadcast_in_dim3A_364, %select_n3A_260 : vector<16xi1>, vector<16xf32>
      %eq3A_366 = arith.constant 1 : i32
      %eq3A_367 = vector.broadcast %eq3A_366 : i32 to vector<16xi32>
      %eq3A_368 = arith.cmpi eq, %iota3A, %eq3A_367 : vector<16xi32>
      %reduce_sum3A_369 = arith.constant true
      %reduce_sum3A_370 = vector.broadcast %reduce_sum3A_369 : i1 to vector<16xi1>
      %reduce_sum3A_371 = tpu.scan <sum>, %add3A_347 masked %reduce_sum3A_370 : vector<16xf32>, vector<16xi1> -> vector<16xf32>
      %reduce_sum3A_372 = vector.extract %reduce_sum3A_371[15] : f32 from vector<16xf32>
      %broadcast_in_dim3A_373 = vector.broadcast %reduce_sum3A_372 : f32 to vector<16xf32>
      %select_n3A_374 = arith.select %eq3A_368, %broadcast_in_dim3A_373, %select_n3A_269 : vector<16xi1>, vector<16xf32>
      %mul3A_375 = arith.constant 16 : i32
      %mul3A_376 = arith.muli %scan3A_146, %mul3A_375 : i32
      %add3A_377 = arith.constant 2 : i32
      %add3A_378 = arith.addi %mul3A_376, %add3A_377 : i32
      %slice3A_379 = vector.extract_strided_slice %mul3A_156 {offsets = [2], sizes = [1], strides = [1]} : vector<16xi32> to vector<1xi32>
      %squeeze3A_380 = vector.extract %slice3A_379[0] : i32 from vector<1xi32>
      %slice3A_381 = vector.extract_strided_slice %mul3A_164 {offsets = [2], sizes = [1], strides = [1]} : vector<16xi32> to vector<1xi32>
      %squeeze3A_382 = vector.extract %slice3A_381[0] : i32 from vector<1xi32>
      %broadcast_in_dim3A_383 = arith.constant 0.000000e+00 : f32
      %broadcast_in_dim3A_384 = vector.broadcast %broadcast_in_dim3A_383 : f32 to vector<16xf32>
      %broadcast_in_dim3A_385 = arith.constant 0.000000e+00 : f32
      %broadcast_in_dim3A_386 = vector.broadcast %broadcast_in_dim3A_385 : f32 to vector<16xf32>
      %broadcast_in_dim3A_387 = arith.constant 0.000000e+00 : f32
      %broadcast_in_dim3A_388 = vector.broadcast %broadcast_in_dim3A_387 : f32 to vector<16xf32>
      %add3A_389 = arith.constant 0 : i32
      %add3A_390 = arith.addi %squeeze3A_380, %add3A_389 : i32
      %get3A_391 = arith.index_cast %add3A_378 : i32 to index
      %get3A_392 = arith.index_cast %add3A_390 : i32 to index
      %get3A_393 = tpu.vector_load %arg13[%get3A_391, %get3A_392] {strides = array<i32>} : memref<256x128xf32, #tpu.memory_space<vmem>>, vector<16xf32>,
      %add3A_394 = arith.constant 0 : i32
      %add3A_395 = arith.addi %squeeze3A_382, %add3A_394 : i32
      %get3A_396 = arith.index_cast %add3A_378 : i32 to index
      %get3A_397 = arith.index_cast %add3A_395 : i32 to index
      %get3A_398 = tpu.vector_load %arg14[%get3A_396, %get3A_397] {strides = array<i32>} : memref<256x128xf32, #tpu.memory_space<vmem>>, vector<16xf32>,
      %mul3A_399 = arith.mulf %get3A_393, %get3A_398 : vector<16xf32>
      %add3A_400 = arith.addf %broadcast_in_dim3A_384, %mul3A_399 : vector<16xf32>
      %mul3A_401 = arith.mulf %get3A_393, %get3A_393 : vector<16xf32>
      %add3A_402 = arith.addf %broadcast_in_dim3A_386, %mul3A_401 : vector<16xf32>
      %mul3A_403 = arith.mulf %get3A_398, %get3A_398 : vector<16xf32>
      %add3A_404 = arith.addf %broadcast_in_dim3A_388, %mul3A_403 : vector<16xf32>
      %add3A_405 = arith.constant 16 : i32
      %add3A_406 = arith.addi %squeeze3A_380, %add3A_405 : i32
      %get3A_407 = arith.index_cast %add3A_378 : i32 to index
      %get3A_408 = arith.index_cast %add3A_406 : i32 to index
      %get3A_409 = tpu.vector_load %arg13[%get3A_407, %get3A_408] {strides = array<i32>} : memref<256x128xf32, #tpu.memory_space<vmem>>, vector<16xf32>,
      %add3A_410 = arith.constant 16 : i32
      %add3A_411 = arith.addi %squeeze3A_382, %add3A_410 : i32
      %get3A_412 = arith.index_cast %add3A_378 : i32 to index
      %get3A_413 = arith.index_cast %add3A_411 : i32 to index
      %get3A_414 = tpu.vector_load %arg14[%get3A_412, %get3A_413] {strides = array<i32>} : memref<256x128xf32, #tpu.memory_space<vmem>>, vector<16xf32>,
      %mul3A_415 = arith.mulf %get3A_409, %get3A_414 : vector<16xf32>
      %add3A_416 = arith.addf %add3A_400, %mul3A_415 : vector<16xf32>
      %mul3A_417 = arith.mulf %get3A_409, %get3A_409 : vector<16xf32>
      %add3A_418 = arith.addf %add3A_402, %mul3A_417 : vector<16xf32>
      %mul3A_419 = arith.mulf %get3A_414, %get3A_414 : vector<16xf32>
      %add3A_420 = arith.addf %add3A_404, %mul3A_419 : vector<16xf32>
      %add3A_421 = arith.constant 32 : i32
      %add3A_422 = arith.addi %squeeze3A_380, %add3A_421 : i32
      %get3A_423 = arith.index_cast %add3A_378 : i32 to index
      %get3A_424 = arith.index_cast %add3A_422 : i32 to index
      %get3A_425 = tpu.vector_load %arg13[%get3A_423, %get3A_424] {strides = array<i32>} : memref<256x128xf32, #tpu.memory_space<vmem>>, vector<16xf32>,
      %add3A_426 = arith.constant 32 : i32
      %add3A_427 = arith.addi %squeeze3A_382, %add3A_426 : i32
      %get3A_428 = arith.index_cast %add3A_378 : i32 to index
      %get3A_429 = arith.index_cast %add3A_427 : i32 to index
      %get3A_430 = tpu.vector_load %arg14[%get3A_428, %get3A_429] {strides = array<i32>} : memref<256x128xf32, #tpu.memory_space<vmem>>, vector<16xf32>,
      %mul3A_431 = arith.mulf %get3A_425, %get3A_430 : vector<16xf32>
      %add3A_432 = arith.addf %add3A_416, %mul3A_431 : vector<16xf32>
      %mul3A_433 = arith.mulf %get3A_425, %get3A_425 : vector<16xf32>
      %add3A_434 = arith.addf %add3A_418, %mul3A_433 : vector<16xf32>
      %mul3A_435 = arith.mulf %get3A_430, %get3A_430 : vector<16xf32>
      %add3A_436 = arith.addf %add3A_420, %mul3A_435 : vector<16xf32>
      %add3A_437 = arith.constant 48 : i32
      %add3A_438 = arith.addi %squeeze3A_380, %add3A_437 : i32
      %get3A_439 = arith.index_cast %add3A_378 : i32 to index
      %get3A_440 = arith.index_cast %add3A_438 : i32 to index
      %get3A_441 = tpu.vector_load %arg13[%get3A_439, %get3A_440] {strides = array<i32>} : memref<256x128xf32, #tpu.memory_space<vmem>>, vector<16xf32>,
      %add3A_442 = arith.constant 48 : i32
      %add3A_443 = arith.addi %squeeze3A_382, %add3A_442 : i32
      %get3A_444 = arith.index_cast %add3A_378 : i32 to index
      %get3A_445 = arith.index_cast %add3A_443 : i32 to index
      %get3A_446 = tpu.vector_load %arg14[%get3A_444, %get3A_445] {strides = array<i32>} : memref<256x128xf32, #tpu.memory_space<vmem>>, vector<16xf32>,
      %mul3A_447 = arith.mulf %get3A_441, %get3A_446 : vector<16xf32>
      %add3A_448 = arith.addf %add3A_432, %mul3A_447 : vector<16xf32>
      %mul3A_449 = arith.mulf %get3A_441, %get3A_441 : vector<16xf32>
      %add3A_450 = arith.addf %add3A_434, %mul3A_449 : vector<16xf32>
      %mul3A_451 = arith.mulf %get3A_446, %get3A_446 : vector<16xf32>
      %add3A_452 = arith.addf %add3A_436, %mul3A_451 : vector<16xf32>
      %eq3A_453 = arith.constant 2 : i32
      %eq3A_454 = vector.broadcast %eq3A_453 : i32 to vector<16xi32>
      %eq3A_455 = arith.cmpi eq, %iota3A, %eq3A_454 : vector<16xi32>
      %reduce_sum3A_456 = arith.constant true
      %reduce_sum3A_457 = vector.broadcast %reduce_sum3A_456 : i1 to vector<16xi1>
      %reduce_sum3A_458 = tpu.scan <sum>, %add3A_448 masked %reduce_sum3A_457 : vector<16xf32>, vector<16xi1> -> vector<16xf32>
      %reduce_sum3A_459 = vector.extract %reduce_sum3A_458[15] : f32 from vector<16xf32>
      %broadcast_in_dim3A_460 = vector.broadcast %reduce_sum3A_459 : f32 to vector<16xf32>
      %select_n3A_461 = arith.select %eq3A_455, %broadcast_in_dim3A_460, %select_n3A_356 : vector<16xi1>, vector<16xf32>
      %eq3A_462 = arith.constant 2 : i32
      %eq3A_463 = vector.broadcast %eq3A_462 : i32 to vector<16xi32>
      %eq3A_464 = arith.cmpi eq, %iota3A, %eq3A_463 : vector<16xi32>
      %reduce_sum3A_465 = arith.constant true
      %reduce_sum3A_466 = vector.broadcast %reduce_sum3A_465 : i1 to vector<16xi1>
      %reduce_sum3A_467 = tpu.scan <sum>, %add3A_450 masked %reduce_sum3A_466 : vector<16xf32>, vector<16xi1> -> vector<16xf32>
      %reduce_sum3A_468 = vector.extract %reduce_sum3A_467[15] : f32 from vector<16xf32>
      %broadcast_in_dim3A_469 = vector.broadcast %reduce_sum3A_468 : f32 to vector<16xf32>
      %select_n3A_470 = arith.select %eq3A_464, %broadcast_in_dim3A_469, %select_n3A_365 : vector<16xi1>, vector<16xf32>
      %eq3A_471 = arith.constant 2 : i32
      %eq3A_472 = vector.broadcast %eq3A_471 : i32 to vector<16xi32>
      %eq3A_473 = arith.cmpi eq, %iota3A, %eq3A_472 : vector<16xi32>
      %reduce_sum3A_474 = arith.constant true
      %reduce_sum3A_475 = vector.broadcast %reduce_sum3A_474 : i1 to vector<16xi1>
      %reduce_sum3A_476 = tpu.scan <sum>, %add3A_452 masked %reduce_sum3A_475 : vector<16xf32>, vector<16xi1> -> vector<16xf32>
      %reduce_sum3A_477 = vector.extract %reduce_sum3A_476[15] : f32 from vector<16xf32>
      %broadcast_in_dim3A_478 = vector.broadcast %reduce_sum3A_477 : f32 to vector<16xf32>
      %select_n3A_479 = arith.select %eq3A_473, %broadcast_in_dim3A_478, %select_n3A_374 : vector<16xi1>, vector<16xf32>
      %mul3A_480 = arith.constant 16 : i32
      %mul3A_481 = arith.muli %scan3A_146, %mul3A_480 : i32
      %add3A_482 = arith.constant 3 : i32
      %add3A_483 = arith.addi %mul3A_481, %add3A_482 : i32
      %slice3A_484 = vector.extract_strided_slice %mul3A_156 {offsets = [3], sizes = [1], strides = [1]} : vector<16xi32> to vector<1xi32>
      %squeeze3A_485 = vector.extract %slice3A_484[0] : i32 from vector<1xi32>
      %slice3A_486 = vector.extract_strided_slice %mul3A_164 {offsets = [3], sizes = [1], strides = [1]} : vector<16xi32> to vector<1xi32>
      %squeeze3A_487 = vector.extract %slice3A_486[0] : i32 from vector<1xi32>
      %broadcast_in_dim3A_488 = arith.constant 0.000000e+00 : f32
      %broadcast_in_dim3A_489 = vector.broadcast %broadcast_in_dim3A_488 : f32 to vector<16xf32>
      %broadcast_in_dim3A_490 = arith.constant 0.000000e+00 : f32
      %broadcast_in_dim3A_491 = vector.broadcast %broadcast_in_dim3A_490 : f32 to vector<16xf32>
      %broadcast_in_dim3A_492 = arith.constant 0.000000e+00 : f32
      %broadcast_in_dim3A_493 = vector.broadcast %broadcast_in_dim3A_492 : f32 to vector<16xf32>
      %add3A_494 = arith.constant 0 : i32
      %add3A_495 = arith.addi %squeeze3A_485, %add3A_494 : i32
      %get3A_496 = arith.index_cast %add3A_483 : i32 to index
      %get3A_497 = arith.index_cast %add3A_495 : i32 to index
      %get3A_498 = tpu.vector_load %arg13[%get3A_496, %get3A_497] {strides = array<i32>} : memref<256x128xf32, #tpu.memory_space<vmem>>, vector<16xf32>,
      %add3A_499 = arith.constant 0 : i32
      %add3A_500 = arith.addi %squeeze3A_487, %add3A_499 : i32
      %get3A_501 = arith.index_cast %add3A_483 : i32 to index
      %get3A_502 = arith.index_cast %add3A_500 : i32 to index
      %get3A_503 = tpu.vector_load %arg14[%get3A_501, %get3A_502] {strides = array<i32>} : memref<256x128xf32, #tpu.memory_space<vmem>>, vector<16xf32>,
      %mul3A_504 = arith.mulf %get3A_498, %get3A_503 : vector<16xf32>
      %add3A_505 = arith.addf %broadcast_in_dim3A_489, %mul3A_504 : vector<16xf32>
      %mul3A_506 = arith.mulf %get3A_498, %get3A_498 : vector<16xf32>
      %add3A_507 = arith.addf %broadcast_in_dim3A_491, %mul3A_506 : vector<16xf32>
      %mul3A_508 = arith.mulf %get3A_503, %get3A_503 : vector<16xf32>
      %add3A_509 = arith.addf %broadcast_in_dim3A_493, %mul3A_508 : vector<16xf32>
      %add3A_510 = arith.constant 16 : i32
      %add3A_511 = arith.addi %squeeze3A_485, %add3A_510 : i32
      %get3A_512 = arith.index_cast %add3A_483 : i32 to index
      %get3A_513 = arith.index_cast %add3A_511 : i32 to index
      %get3A_514 = tpu.vector_load %arg13[%get3A_512, %get3A_513] {strides = array<i32>} : memref<256x128xf32, #tpu.memory_space<vmem>>, vector<16xf32>,
      %add3A_515 = arith.constant 16 : i32
      %add3A_516 = arith.addi %squeeze3A_487, %add3A_515 : i32
      %get3A_517 = arith.index_cast %add3A_483 : i32 to index
      %get3A_518 = arith.index_cast %add3A_516 : i32 to index
      %get3A_519 = tpu.vector_load %arg14[%get3A_517, %get3A_518] {strides = array<i32>} : memref<256x128xf32, #tpu.memory_space<vmem>>, vector<16xf32>,
      %mul3A_520 = arith.mulf %get3A_514, %get3A_519 : vector<16xf32>
      %add3A_521 = arith.addf %add3A_505, %mul3A_520 : vector<16xf32>
      %mul3A_522 = arith.mulf %get3A_514, %get3A_514 : vector<16xf32>
      %add3A_523 = arith.addf %add3A_507, %mul3A_522 : vector<16xf32>
      %mul3A_524 = arith.mulf %get3A_519, %get3A_519 : vector<16xf32>
      %add3A_525 = arith.addf %add3A_509, %mul3A_524 : vector<16xf32>
      %add3A_526 = arith.constant 32 : i32
      %add3A_527 = arith.addi %squeeze3A_485, %add3A_526 : i32
      %get3A_528 = arith.index_cast %add3A_483 : i32 to index
      %get3A_529 = arith.index_cast %add3A_527 : i32 to index
      %get3A_530 = tpu.vector_load %arg13[%get3A_528, %get3A_529] {strides = array<i32>} : memref<256x128xf32, #tpu.memory_space<vmem>>, vector<16xf32>,
      %add3A_531 = arith.constant 32 : i32
      %add3A_532 = arith.addi %squeeze3A_487, %add3A_531 : i32
      %get3A_533 = arith.index_cast %add3A_483 : i32 to index
      %get3A_534 = arith.index_cast %add3A_532 : i32 to index
      %get3A_535 = tpu.vector_load %arg14[%get3A_533, %get3A_534] {strides = array<i32>} : memref<256x128xf32, #tpu.memory_space<vmem>>, vector<16xf32>,
      %mul3A_536 = arith.mulf %get3A_530, %get3A_535 : vector<16xf32>
      %add3A_537 = arith.addf %add3A_521, %mul3A_536 : vector<16xf32>
      %mul3A_538 = arith.mulf %get3A_530, %get3A_530 : vector<16xf32>
      %add3A_539 = arith.addf %add3A_523, %mul3A_538 : vector<16xf32>
      %mul3A_540 = arith.mulf %get3A_535, %get3A_535 : vector<16xf32>
      %add3A_541 = arith.addf %add3A_525, %mul3A_540 : vector<16xf32>
      %add3A_542 = arith.constant 48 : i32
      %add3A_543 = arith.addi %squeeze3A_485, %add3A_542 : i32
      %get3A_544 = arith.index_cast %add3A_483 : i32 to index
      %get3A_545 = arith.index_cast %add3A_543 : i32 to index
      %get3A_546 = tpu.vector_load %arg13[%get3A_544, %get3A_545] {strides = array<i32>} : memref<256x128xf32, #tpu.memory_space<vmem>>, vector<16xf32>,
      %add3A_547 = arith.constant 48 : i32
      %add3A_548 = arith.addi %squeeze3A_487, %add3A_547 : i32
      %get3A_549 = arith.index_cast %add3A_483 : i32 to index
      %get3A_550 = arith.index_cast %add3A_548 : i32 to index
      %get3A_551 = tpu.vector_load %arg14[%get3A_549, %get3A_550] {strides = array<i32>} : memref<256x128xf32, #tpu.memory_space<vmem>>, vector<16xf32>,
      %mul3A_552 = arith.mulf %get3A_546, %get3A_551 : vector<16xf32>
      %add3A_553 = arith.addf %add3A_537, %mul3A_552 : vector<16xf32>
      %mul3A_554 = arith.mulf %get3A_546, %get3A_546 : vector<16xf32>
      %add3A_555 = arith.addf %add3A_539, %mul3A_554 : vector<16xf32>
      %mul3A_556 = arith.mulf %get3A_551, %get3A_551 : vector<16xf32>
      %add3A_557 = arith.addf %add3A_541, %mul3A_556 : vector<16xf32>
      %eq3A_558 = arith.constant 3 : i32
      %eq3A_559 = vector.broadcast %eq3A_558 : i32 to vector<16xi32>
      %eq3A_560 = arith.cmpi eq, %iota3A, %eq3A_559 : vector<16xi32>
      %reduce_sum3A_561 = arith.constant true
      %reduce_sum3A_562 = vector.broadcast %reduce_sum3A_561 : i1 to vector<16xi1>
      %reduce_sum3A_563 = tpu.scan <sum>, %add3A_553 masked %reduce_sum3A_562 : vector<16xf32>, vector<16xi1> -> vector<16xf32>
      %reduce_sum3A_564 = vector.extract %reduce_sum3A_563[15] : f32 from vector<16xf32>
      %broadcast_in_dim3A_565 = vector.broadcast %reduce_sum3A_564 : f32 to vector<16xf32>
      %select_n3A_566 = arith.select %eq3A_560, %broadcast_in_dim3A_565, %select_n3A_461 : vector<16xi1>, vector<16xf32>
      %eq3A_567 = arith.constant 3 : i32
      %eq3A_568 = vector.broadcast %eq3A_567 : i32 to vector<16xi32>
      %eq3A_569 = arith.cmpi eq, %iota3A, %eq3A_568 : vector<16xi32>
      %reduce_sum3A_570 = arith.constant true
      %reduce_sum3A_571 = vector.broadcast %reduce_sum3A_570 : i1 to vector<16xi1>
      %reduce_sum3A_572 = tpu.scan <sum>, %add3A_555 masked %reduce_sum3A_571 : vector<16xf32>, vector<16xi1> -> vector<16xf32>
      %reduce_sum3A_573 = vector.extract %reduce_sum3A_572[15] : f32 from vector<16xf32>
      %broadcast_in_dim3A_574 = vector.broadcast %reduce_sum3A_573 : f32 to vector<16xf32>
      %select_n3A_575 = arith.select %eq3A_569, %broadcast_in_dim3A_574, %select_n3A_470 : vector<16xi1>, vector<16xf32>
      %eq3A_576 = arith.constant 3 : i32
      %eq3A_577 = vector.broadcast %eq3A_576 : i32 to vector<16xi32>
      %eq3A_578 = arith.cmpi eq, %iota3A, %eq3A_577 : vector<16xi32>
      %reduce_sum3A_579 = arith.constant true
      %reduce_sum3A_580 = vector.broadcast %reduce_sum3A_579 : i1 to vector<16xi1>
      %reduce_sum3A_581 = tpu.scan <sum>, %add3A_557 masked %reduce_sum3A_580 : vector<16xf32>, vector<16xi1> -> vector<16xf32>
      %reduce_sum3A_582 = vector.extract %reduce_sum3A_581[15] : f32 from vector<16xf32>
      %broadcast_in_dim3A_583 = vector.broadcast %reduce_sum3A_582 : f32 to vector<16xf32>
      %select_n3A_584 = arith.select %eq3A_578, %broadcast_in_dim3A_583, %select_n3A_479 : vector<16xi1>, vector<16xf32>
      %mul3A_585 = arith.constant 16 : i32
      %mul3A_586 = arith.muli %scan3A_146, %mul3A_585 : i32
      %add3A_587 = arith.constant 4 : i32
      %add3A_588 = arith.addi %mul3A_586, %add3A_587 : i32
      %slice3A_589 = vector.extract_strided_slice %mul3A_156 {offsets = [4], sizes = [1], strides = [1]} : vector<16xi32> to vector<1xi32>
      %squeeze3A_590 = vector.extract %slice3A_589[0] : i32 from vector<1xi32>
      %slice3A_591 = vector.extract_strided_slice %mul3A_164 {offsets = [4], sizes = [1], strides = [1]} : vector<16xi32> to vector<1xi32>
      %squeeze3A_592 = vector.extract %slice3A_591[0] : i32 from vector<1xi32>
      %broadcast_in_dim3A_593 = arith.constant 0.000000e+00 : f32
      %broadcast_in_dim3A_594 = vector.broadcast %broadcast_in_dim3A_593 : f32 to vector<16xf32>
      %broadcast_in_dim3A_595 = arith.constant 0.000000e+00 : f32
      %broadcast_in_dim3A_596 = vector.broadcast %broadcast_in_dim3A_595 : f32 to vector<16xf32>
      %broadcast_in_dim3A_597 = arith.constant 0.000000e+00 : f32
      %broadcast_in_dim3A_598 = vector.broadcast %broadcast_in_dim3A_597 : f32 to vector<16xf32>
      %add3A_599 = arith.constant 0 : i32
      %add3A_600 = arith.addi %squeeze3A_590, %add3A_599 : i32
      %get3A_601 = arith.index_cast %add3A_588 : i32 to index
      %get3A_602 = arith.index_cast %add3A_600 : i32 to index
      %get3A_603 = tpu.vector_load %arg13[%get3A_601, %get3A_602] {strides = array<i32>} : memref<256x128xf32, #tpu.memory_space<vmem>>, vector<16xf32>,
      %add3A_604 = arith.constant 0 : i32
      %add3A_605 = arith.addi %squeeze3A_592, %add3A_604 : i32
      %get3A_606 = arith.index_cast %add3A_588 : i32 to index
      %get3A_607 = arith.index_cast %add3A_605 : i32 to index
      %get3A_608 = tpu.vector_load %arg14[%get3A_606, %get3A_607] {strides = array<i32>} : memref<256x128xf32, #tpu.memory_space<vmem>>, vector<16xf32>,
      %mul3A_609 = arith.mulf %get3A_603, %get3A_608 : vector<16xf32>
      %add3A_610 = arith.addf %broadcast_in_dim3A_594, %mul3A_609 : vector<16xf32>
      %mul3A_611 = arith.mulf %get3A_603, %get3A_603 : vector<16xf32>
      %add3A_612 = arith.addf %broadcast_in_dim3A_596, %mul3A_611 : vector<16xf32>
      %mul3A_613 = arith.mulf %get3A_608, %get3A_608 : vector<16xf32>
      %add3A_614 = arith.addf %broadcast_in_dim3A_598, %mul3A_613 : vector<16xf32>
      %add3A_615 = arith.constant 16 : i32
      %add3A_616 = arith.addi %squeeze3A_590, %add3A_615 : i32
      %get3A_617 = arith.index_cast %add3A_588 : i32 to index
      %get3A_618 = arith.index_cast %add3A_616 : i32 to index
      %get3A_619 = tpu.vector_load %arg13[%get3A_617, %get3A_618] {strides = array<i32>} : memref<256x128xf32, #tpu.memory_space<vmem>>, vector<16xf32>,
      %add3A_620 = arith.constant 16 : i32
      %add3A_621 = arith.addi %squeeze3A_592, %add3A_620 : i32
      %get3A_622 = arith.index_cast %add3A_588 : i32 to index
      %get3A_623 = arith.index_cast %add3A_621 : i32 to index
      %get3A_624 = tpu.vector_load %arg14[%get3A_622, %get3A_623] {strides = array<i32>} : memref<256x128xf32, #tpu.memory_space<vmem>>, vector<16xf32>,
      %mul3A_625 = arith.mulf %get3A_619, %get3A_624 : vector<16xf32>
      %add3A_626 = arith.addf %add3A_610, %mul3A_625 : vector<16xf32>
      %mul3A_627 = arith.mulf %get3A_619, %get3A_619 : vector<16xf32>
      %add3A_628 = arith.addf %add3A_612, %mul3A_627 : vector<16xf32>
      %mul3A_629 = arith.mulf %get3A_624, %get3A_624 : vector<16xf32>
      %add3A_630 = arith.addf %add3A_614, %mul3A_629 : vector<16xf32>
      %add3A_631 = arith.constant 32 : i32
      %add3A_632 = arith.addi %squeeze3A_590, %add3A_631 : i32
      %get3A_633 = arith.index_cast %add3A_588 : i32 to index
      %get3A_634 = arith.index_cast %add3A_632 : i32 to index
      %get3A_635 = tpu.vector_load %arg13[%get3A_633, %get3A_634] {strides = array<i32>} : memref<256x128xf32, #tpu.memory_space<vmem>>, vector<16xf32>,
      %add3A_636 = arith.constant 32 : i32
      %add3A_637 = arith.addi %squeeze3A_592, %add3A_636 : i32
      %get3A_638 = arith.index_cast %add3A_588 : i32 to index
      %get3A_639 = arith.index_cast %add3A_637 : i32 to index
      %get3A_640 = tpu.vector_load %arg14[%get3A_638, %get3A_639] {strides = array<i32>} : memref<256x128xf32, #tpu.memory_space<vmem>>, vector<16xf32>,
      %mul3A_641 = arith.mulf %get3A_635, %get3A_640 : vector<16xf32>
      %add3A_642 = arith.addf %add3A_626, %mul3A_641 : vector<16xf32>
      %mul3A_643 = arith.mulf %get3A_635, %get3A_635 : vector<16xf32>
      %add3A_644 = arith.addf %add3A_628, %mul3A_643 : vector<16xf32>
      %mul3A_645 = arith.mulf %get3A_640, %get3A_640 : vector<16xf32>
      %add3A_646 = arith.addf %add3A_630, %mul3A_645 : vector<16xf32>
      %add3A_647 = arith.constant 48 : i32
      %add3A_648 = arith.addi %squeeze3A_590, %add3A_647 : i32
      %get3A_649 = arith.index_cast %add3A_588 : i32 to index
      %get3A_650 = arith.index_cast %add3A_648 : i32 to index
      %get3A_651 = tpu.vector_load %arg13[%get3A_649, %get3A_650] {strides = array<i32>} : memref<256x128xf32, #tpu.memory_space<vmem>>, vector<16xf32>,
      %add3A_652 = arith.constant 48 : i32
      %add3A_653 = arith.addi %squeeze3A_592, %add3A_652 : i32
      %get3A_654 = arith.index_cast %add3A_588 : i32 to index
      %get3A_655 = arith.index_cast %add3A_653 : i32 to index
      %get3A_656 = tpu.vector_load %arg14[%get3A_654, %get3A_655] {strides = array<i32>} : memref<256x128xf32, #tpu.memory_space<vmem>>, vector<16xf32>,
      %mul3A_657 = arith.mulf %get3A_651, %get3A_656 : vector<16xf32>
      %add3A_658 = arith.addf %add3A_642, %mul3A_657 : vector<16xf32>
      %mul3A_659 = arith.mulf %get3A_651, %get3A_651 : vector<16xf32>
      %add3A_660 = arith.addf %add3A_644, %mul3A_659 : vector<16xf32>
      %mul3A_661 = arith.mulf %get3A_656, %get3A_656 : vector<16xf32>
      %add3A_662 = arith.addf %add3A_646, %mul3A_661 : vector<16xf32>
      %eq3A_663 = arith.constant 4 : i32
      %eq3A_664 = vector.broadcast %eq3A_663 : i32 to vector<16xi32>
      %eq3A_665 = arith.cmpi eq, %iota3A, %eq3A_664 : vector<16xi32>
      %reduce_sum3A_666 = arith.constant true
      %reduce_sum3A_667 = vector.broadcast %reduce_sum3A_666 : i1 to vector<16xi1>
      %reduce_sum3A_668 = tpu.scan <sum>, %add3A_658 masked %reduce_sum3A_667 : vector<16xf32>, vector<16xi1> -> vector<16xf32>
      %reduce_sum3A_669 = vector.extract %reduce_sum3A_668[15] : f32 from vector<16xf32>
      %broadcast_in_dim3A_670 = vector.broadcast %reduce_sum3A_669 : f32 to vector<16xf32>
      %select_n3A_671 = arith.select %eq3A_665, %broadcast_in_dim3A_670, %select_n3A_566 : vector<16xi1>, vector<16xf32>
      %eq3A_672 = arith.constant 4 : i32
      %eq3A_673 = vector.broadcast %eq3A_672 : i32 to vector<16xi32>
      %eq3A_674 = arith.cmpi eq, %iota3A, %eq3A_673 : vector<16xi32>
      %reduce_sum3A_675 = arith.constant true
      %reduce_sum3A_676 = vector.broadcast %reduce_sum3A_675 : i1 to vector<16xi1>
      %reduce_sum3A_677 = tpu.scan <sum>, %add3A_660 masked %reduce_sum3A_676 : vector<16xf32>, vector<16xi1> -> vector<16xf32>
      %reduce_sum3A_678 = vector.extract %reduce_sum3A_677[15] : f32 from vector<16xf32>
      %broadcast_in_dim3A_679 = vector.broadcast %reduce_sum3A_678 : f32 to vector<16xf32>
      %select_n3A_680 = arith.select %eq3A_674, %broadcast_in_dim3A_679, %select_n3A_575 : vector<16xi1>, vector<16xf32>
      %eq3A_681 = arith.constant 4 : i32
      %eq3A_682 = vector.broadcast %eq3A_681 : i32 to vector<16xi32>
      %eq3A_683 = arith.cmpi eq, %iota3A, %eq3A_682 : vector<16xi32>
      %reduce_sum3A_684 = arith.constant true
      %reduce_sum3A_685 = vector.broadcast %reduce_sum3A_684 : i1 to vector<16xi1>
      %reduce_sum3A_686 = tpu.scan <sum>, %add3A_662 masked %reduce_sum3A_685 : vector<16xf32>, vector<16xi1> -> vector<16xf32>
      %reduce_sum3A_687 = vector.extract %reduce_sum3A_686[15] : f32 from vector<16xf32>
      %broadcast_in_dim3A_688 = vector.broadcast %reduce_sum3A_687 : f32 to vector<16xf32>
      %select_n3A_689 = arith.select %eq3A_683, %broadcast_in_dim3A_688, %select_n3A_584 : vector<16xi1>, vector<16xf32>
      %mul3A_690 = arith.constant 16 : i32
      %mul3A_691 = arith.muli %scan3A_146, %mul3A_690 : i32
      %add3A_692 = arith.constant 5 : i32
      %add3A_693 = arith.addi %mul3A_691, %add3A_692 : i32
      %slice3A_694 = vector.extract_strided_slice %mul3A_156 {offsets = [5], sizes = [1], strides = [1]} : vector<16xi32> to vector<1xi32>
      %squeeze3A_695 = vector.extract %slice3A_694[0] : i32 from vector<1xi32>
      %slice3A_696 = vector.extract_strided_slice %mul3A_164 {offsets = [5], sizes = [1], strides = [1]} : vector<16xi32> to vector<1xi32>
      %squeeze3A_697 = vector.extract %slice3A_696[0] : i32 from vector<1xi32>
      %broadcast_in_dim3A_698 = arith.constant 0.000000e+00 : f32
      %broadcast_in_dim3A_699 = vector.broadcast %broadcast_in_dim3A_698 : f32 to vector<16xf32>
      %broadcast_in_dim3A_700 = arith.constant 0.000000e+00 : f32
      %broadcast_in_dim3A_701 = vector.broadcast %broadcast_in_dim3A_700 : f32 to vector<16xf32>
      %broadcast_in_dim3A_702 = arith.constant 0.000000e+00 : f32
      %broadcast_in_dim3A_703 = vector.broadcast %broadcast_in_dim3A_702 : f32 to vector<16xf32>
      %add3A_704 = arith.constant 0 : i32
      %add3A_705 = arith.addi %squeeze3A_695, %add3A_704 : i32
      %get3A_706 = arith.index_cast %add3A_693 : i32 to index
      %get3A_707 = arith.index_cast %add3A_705 : i32 to index
      %get3A_708 = tpu.vector_load %arg13[%get3A_706, %get3A_707] {strides = array<i32>} : memref<256x128xf32, #tpu.memory_space<vmem>>, vector<16xf32>,
      %add3A_709 = arith.constant 0 : i32
      %add3A_710 = arith.addi %squeeze3A_697, %add3A_709 : i32
      %get3A_711 = arith.index_cast %add3A_693 : i32 to index
      %get3A_712 = arith.index_cast %add3A_710 : i32 to index
      %get3A_713 = tpu.vector_load %arg14[%get3A_711, %get3A_712] {strides = array<i32>} : memref<256x128xf32, #tpu.memory_space<vmem>>, vector<16xf32>,
      %mul3A_714 = arith.mulf %get3A_708, %get3A_713 : vector<16xf32>
      %add3A_715 = arith.addf %broadcast_in_dim3A_699, %mul3A_714 : vector<16xf32>
      %mul3A_716 = arith.mulf %get3A_708, %get3A_708 : vector<16xf32>
      %add3A_717 = arith.addf %broadcast_in_dim3A_701, %mul3A_716 : vector<16xf32>
      %mul3A_718 = arith.mulf %get3A_713, %get3A_713 : vector<16xf32>
      %add3A_719 = arith.addf %broadcast_in_dim3A_703, %mul3A_718 : vector<16xf32>
      %add3A_720 = arith.constant 16 : i32
      %add3A_721 = arith.addi %squeeze3A_695, %add3A_720 : i32
      %get3A_722 = arith.index_cast %add3A_693 : i32 to index
      %get3A_723 = arith.index_cast %add3A_721 : i32 to index
      %get3A_724 = tpu.vector_load %arg13[%get3A_722, %get3A_723] {strides = array<i32>} : memref<256x128xf32, #tpu.memory_space<vmem>>, vector<16xf32>,
      %add3A_725 = arith.constant 16 : i32
      %add3A_726 = arith.addi %squeeze3A_697, %add3A_725 : i32
      %get3A_727 = arith.index_cast %add3A_693 : i32 to index
      %get3A_728 = arith.index_cast %add3A_726 : i32 to index
      %get3A_729 = tpu.vector_load %arg14[%get3A_727, %get3A_728] {strides = array<i32>} : memref<256x128xf32, #tpu.memory_space<vmem>>, vector<16xf32>,
      %mul3A_730 = arith.mulf %get3A_724, %get3A_729 : vector<16xf32>
      %add3A_731 = arith.addf %add3A_715, %mul3A_730 : vector<16xf32>
      %mul3A_732 = arith.mulf %get3A_724, %get3A_724 : vector<16xf32>
      %add3A_733 = arith.addf %add3A_717, %mul3A_732 : vector<16xf32>
      %mul3A_734 = arith.mulf %get3A_729, %get3A_729 : vector<16xf32>
      %add3A_735 = arith.addf %add3A_719, %mul3A_734 : vector<16xf32>
      %add3A_736 = arith.constant 32 : i32
      %add3A_737 = arith.addi %squeeze3A_695, %add3A_736 : i32
      %get3A_738 = arith.index_cast %add3A_693 : i32 to index
      %get3A_739 = arith.index_cast %add3A_737 : i32 to index
      %get3A_740 = tpu.vector_load %arg13[%get3A_738, %get3A_739] {strides = array<i32>} : memref<256x128xf32, #tpu.memory_space<vmem>>, vector<16xf32>,
      %add3A_741 = arith.constant 32 : i32
      %add3A_742 = arith.addi %squeeze3A_697, %add3A_741 : i32
      %get3A_743 = arith.index_cast %add3A_693 : i32 to index
      %get3A_744 = arith.index_cast %add3A_742 : i32 to index
      %get3A_745 = tpu.vector_load %arg14[%get3A_743, %get3A_744] {strides = array<i32>} : memref<256x128xf32, #tpu.memory_space<vmem>>, vector<16xf32>,
      %mul3A_746 = arith.mulf %get3A_740, %get3A_745 : vector<16xf32>
      %add3A_747 = arith.addf %add3A_731, %mul3A_746 : vector<16xf32>
      %mul3A_748 = arith.mulf %get3A_740, %get3A_740 : vector<16xf32>
      %add3A_749 = arith.addf %add3A_733, %mul3A_748 : vector<16xf32>
      %mul3A_750 = arith.mulf %get3A_745, %get3A_745 : vector<16xf32>
      %add3A_751 = arith.addf %add3A_735, %mul3A_750 : vector<16xf32>
      %add3A_752 = arith.constant 48 : i32
      %add3A_753 = arith.addi %squeeze3A_695, %add3A_752 : i32
      %get3A_754 = arith.index_cast %add3A_693 : i32 to index
      %get3A_755 = arith.index_cast %add3A_753 : i32 to index
      %get3A_756 = tpu.vector_load %arg13[%get3A_754, %get3A_755] {strides = array<i32>} : memref<256x128xf32, #tpu.memory_space<vmem>>, vector<16xf32>,
      %add3A_757 = arith.constant 48 : i32
      %add3A_758 = arith.addi %squeeze3A_697, %add3A_757 : i32
      %get3A_759 = arith.index_cast %add3A_693 : i32 to index
      %get3A_760 = arith.index_cast %add3A_758 : i32 to index
      %get3A_761 = tpu.vector_load %arg14[%get3A_759, %get3A_760] {strides = array<i32>} : memref<256x128xf32, #tpu.memory_space<vmem>>, vector<16xf32>,
      %mul3A_762 = arith.mulf %get3A_756, %get3A_761 : vector<16xf32>
      %add3A_763 = arith.addf %add3A_747, %mul3A_762 : vector<16xf32>
      %mul3A_764 = arith.mulf %get3A_756, %get3A_756 : vector<16xf32>
      %add3A_765 = arith.addf %add3A_749, %mul3A_764 : vector<16xf32>
      %mul3A_766 = arith.mulf %get3A_761, %get3A_761 : vector<16xf32>
      %add3A_767 = arith.addf %add3A_751, %mul3A_766 : vector<16xf32>
      %eq3A_768 = arith.constant 5 : i32
      %eq3A_769 = vector.broadcast %eq3A_768 : i32 to vector<16xi32>
      %eq3A_770 = arith.cmpi eq, %iota3A, %eq3A_769 : vector<16xi32>
      %reduce_sum3A_771 = arith.constant true
      %reduce_sum3A_772 = vector.broadcast %reduce_sum3A_771 : i1 to vector<16xi1>
      %reduce_sum3A_773 = tpu.scan <sum>, %add3A_763 masked %reduce_sum3A_772 : vector<16xf32>, vector<16xi1> -> vector<16xf32>
      %reduce_sum3A_774 = vector.extract %reduce_sum3A_773[15] : f32 from vector<16xf32>
      %broadcast_in_dim3A_775 = vector.broadcast %reduce_sum3A_774 : f32 to vector<16xf32>
      %select_n3A_776 = arith.select %eq3A_770, %broadcast_in_dim3A_775, %select_n3A_671 : vector<16xi1>, vector<16xf32>
      %eq3A_777 = arith.constant 5 : i32
      %eq3A_778 = vector.broadcast %eq3A_777 : i32 to vector<16xi32>
      %eq3A_779 = arith.cmpi eq, %iota3A, %eq3A_778 : vector<16xi32>
      %reduce_sum3A_780 = arith.constant true
      %reduce_sum3A_781 = vector.broadcast %reduce_sum3A_780 : i1 to vector<16xi1>
      %reduce_sum3A_782 = tpu.scan <sum>, %add3A_765 masked %reduce_sum3A_781 : vector<16xf32>, vector<16xi1> -> vector<16xf32>
      %reduce_sum3A_783 = vector.extract %reduce_sum3A_782[15] : f32 from vector<16xf32>
      %broadcast_in_dim3A_784 = vector.broadcast %reduce_sum3A_783 : f32 to vector<16xf32>
      %select_n3A_785 = arith.select %eq3A_779, %broadcast_in_dim3A_784, %select_n3A_680 : vector<16xi1>, vector<16xf32>
      %eq3A_786 = arith.constant 5 : i32
      %eq3A_787 = vector.broadcast %eq3A_786 : i32 to vector<16xi32>
      %eq3A_788 = arith.cmpi eq, %iota3A, %eq3A_787 : vector<16xi32>
      %reduce_sum3A_789 = arith.constant true
      %reduce_sum3A_790 = vector.broadcast %reduce_sum3A_789 : i1 to vector<16xi1>
      %reduce_sum3A_791 = tpu.scan <sum>, %add3A_767 masked %reduce_sum3A_790 : vector<16xf32>, vector<16xi1> -> vector<16xf32>
      %reduce_sum3A_792 = vector.extract %reduce_sum3A_791[15] : f32 from vector<16xf32>
      %broadcast_in_dim3A_793 = vector.broadcast %reduce_sum3A_792 : f32 to vector<16xf32>
      %select_n3A_794 = arith.select %eq3A_788, %broadcast_in_dim3A_793, %select_n3A_689 : vector<16xi1>, vector<16xf32>
      %mul3A_795 = arith.constant 16 : i32
      %mul3A_796 = arith.muli %scan3A_146, %mul3A_795 : i32
      %add3A_797 = arith.constant 6 : i32
      %add3A_798 = arith.addi %mul3A_796, %add3A_797 : i32
      %slice3A_799 = vector.extract_strided_slice %mul3A_156 {offsets = [6], sizes = [1], strides = [1]} : vector<16xi32> to vector<1xi32>
      %squeeze3A_800 = vector.extract %slice3A_799[0] : i32 from vector<1xi32>
      %slice3A_801 = vector.extract_strided_slice %mul3A_164 {offsets = [6], sizes = [1], strides = [1]} : vector<16xi32> to vector<1xi32>
      %squeeze3A_802 = vector.extract %slice3A_801[0] : i32 from vector<1xi32>
      %broadcast_in_dim3A_803 = arith.constant 0.000000e+00 : f32
      %broadcast_in_dim3A_804 = vector.broadcast %broadcast_in_dim3A_803 : f32 to vector<16xf32>
      %broadcast_in_dim3A_805 = arith.constant 0.000000e+00 : f32
      %broadcast_in_dim3A_806 = vector.broadcast %broadcast_in_dim3A_805 : f32 to vector<16xf32>
      %broadcast_in_dim3A_807 = arith.constant 0.000000e+00 : f32
      %broadcast_in_dim3A_808 = vector.broadcast %broadcast_in_dim3A_807 : f32 to vector<16xf32>
      %add3A_809 = arith.constant 0 : i32
      %add3A_810 = arith.addi %squeeze3A_800, %add3A_809 : i32
      %get3A_811 = arith.index_cast %add3A_798 : i32 to index
      %get3A_812 = arith.index_cast %add3A_810 : i32 to index
      %get3A_813 = tpu.vector_load %arg13[%get3A_811, %get3A_812] {strides = array<i32>} : memref<256x128xf32, #tpu.memory_space<vmem>>, vector<16xf32>,
      %add3A_814 = arith.constant 0 : i32
      %add3A_815 = arith.addi %squeeze3A_802, %add3A_814 : i32
      %get3A_816 = arith.index_cast %add3A_798 : i32 to index
      %get3A_817 = arith.index_cast %add3A_815 : i32 to index
      %get3A_818 = tpu.vector_load %arg14[%get3A_816, %get3A_817] {strides = array<i32>} : memref<256x128xf32, #tpu.memory_space<vmem>>, vector<16xf32>,
      %mul3A_819 = arith.mulf %get3A_813, %get3A_818 : vector<16xf32>
      %add3A_820 = arith.addf %broadcast_in_dim3A_804, %mul3A_819 : vector<16xf32>
      %mul3A_821 = arith.mulf %get3A_813, %get3A_813 : vector<16xf32>
      %add3A_822 = arith.addf %broadcast_in_dim3A_806, %mul3A_821 : vector<16xf32>
      %mul3A_823 = arith.mulf %get3A_818, %get3A_818 : vector<16xf32>
      %add3A_824 = arith.addf %broadcast_in_dim3A_808, %mul3A_823 : vector<16xf32>
      %add3A_825 = arith.constant 16 : i32
      %add3A_826 = arith.addi %squeeze3A_800, %add3A_825 : i32
      %get3A_827 = arith.index_cast %add3A_798 : i32 to index
      %get3A_828 = arith.index_cast %add3A_826 : i32 to index
      %get3A_829 = tpu.vector_load %arg13[%get3A_827, %get3A_828] {strides = array<i32>} : memref<256x128xf32, #tpu.memory_space<vmem>>, vector<16xf32>,
      %add3A_830 = arith.constant 16 : i32
      %add3A_831 = arith.addi %squeeze3A_802, %add3A_830 : i32
      %get3A_832 = arith.index_cast %add3A_798 : i32 to index
      %get3A_833 = arith.index_cast %add3A_831 : i32 to index
      %get3A_834 = tpu.vector_load %arg14[%get3A_832, %get3A_833] {strides = array<i32>} : memref<256x128xf32, #tpu.memory_space<vmem>>, vector<16xf32>,
      %mul3A_835 = arith.mulf %get3A_829, %get3A_834 : vector<16xf32>
      %add3A_836 = arith.addf %add3A_820, %mul3A_835 : vector<16xf32>
      %mul3A_837 = arith.mulf %get3A_829, %get3A_829 : vector<16xf32>
      %add3A_838 = arith.addf %add3A_822, %mul3A_837 : vector<16xf32>
      %mul3A_839 = arith.mulf %get3A_834, %get3A_834 : vector<16xf32>
      %add3A_840 = arith.addf %add3A_824, %mul3A_839 : vector<16xf32>
      %add3A_841 = arith.constant 32 : i32
      %add3A_842 = arith.addi %squeeze3A_800, %add3A_841 : i32
      %get3A_843 = arith.index_cast %add3A_798 : i32 to index
      %get3A_844 = arith.index_cast %add3A_842 : i32 to index
      %get3A_845 = tpu.vector_load %arg13[%get3A_843, %get3A_844] {strides = array<i32>} : memref<256x128xf32, #tpu.memory_space<vmem>>, vector<16xf32>,
      %add3A_846 = arith.constant 32 : i32
      %add3A_847 = arith.addi %squeeze3A_802, %add3A_846 : i32
      %get3A_848 = arith.index_cast %add3A_798 : i32 to index
      %get3A_849 = arith.index_cast %add3A_847 : i32 to index
      %get3A_850 = tpu.vector_load %arg14[%get3A_848, %get3A_849] {strides = array<i32>} : memref<256x128xf32, #tpu.memory_space<vmem>>, vector<16xf32>,
      %mul3A_851 = arith.mulf %get3A_845, %get3A_850 : vector<16xf32>
      %add3A_852 = arith.addf %add3A_836, %mul3A_851 : vector<16xf32>
      %mul3A_853 = arith.mulf %get3A_845, %get3A_845 : vector<16xf32>
      %add3A_854 = arith.addf %add3A_838, %mul3A_853 : vector<16xf32>
      %mul3A_855 = arith.mulf %get3A_850, %get3A_850 : vector<16xf32>
      %add3A_856 = arith.addf %add3A_840, %mul3A_855 : vector<16xf32>
      %add3A_857 = arith.constant 48 : i32
      %add3A_858 = arith.addi %squeeze3A_800, %add3A_857 : i32
      %get3A_859 = arith.index_cast %add3A_798 : i32 to index
      %get3A_860 = arith.index_cast %add3A_858 : i32 to index
      %get3A_861 = tpu.vector_load %arg13[%get3A_859, %get3A_860] {strides = array<i32>} : memref<256x128xf32, #tpu.memory_space<vmem>>, vector<16xf32>,
      %add3A_862 = arith.constant 48 : i32
      %add3A_863 = arith.addi %squeeze3A_802, %add3A_862 : i32
      %get3A_864 = arith.index_cast %add3A_798 : i32 to index
      %get3A_865 = arith.index_cast %add3A_863 : i32 to index
      %get3A_866 = tpu.vector_load %arg14[%get3A_864, %get3A_865] {strides = array<i32>} : memref<256x128xf32, #tpu.memory_space<vmem>>, vector<16xf32>,
      %mul3A_867 = arith.mulf %get3A_861, %get3A_866 : vector<16xf32>
      %add3A_868 = arith.addf %add3A_852, %mul3A_867 : vector<16xf32>
      %mul3A_869 = arith.mulf %get3A_861, %get3A_861 : vector<16xf32>
      %add3A_870 = arith.addf %add3A_854, %mul3A_869 : vector<16xf32>
      %mul3A_871 = arith.mulf %get3A_866, %get3A_866 : vector<16xf32>
      %add3A_872 = arith.addf %add3A_856, %mul3A_871 : vector<16xf32>
      %eq3A_873 = arith.constant 6 : i32
      %eq3A_874 = vector.broadcast %eq3A_873 : i32 to vector<16xi32>
      %eq3A_875 = arith.cmpi eq, %iota3A, %eq3A_874 : vector<16xi32>
      %reduce_sum3A_876 = arith.constant true
      %reduce_sum3A_877 = vector.broadcast %reduce_sum3A_876 : i1 to vector<16xi1>
      %reduce_sum3A_878 = tpu.scan <sum>, %add3A_868 masked %reduce_sum3A_877 : vector<16xf32>, vector<16xi1> -> vector<16xf32>
      %reduce_sum3A_879 = vector.extract %reduce_sum3A_878[15] : f32 from vector<16xf32>
      %broadcast_in_dim3A_880 = vector.broadcast %reduce_sum3A_879 : f32 to vector<16xf32>
      %select_n3A_881 = arith.select %eq3A_875, %broadcast_in_dim3A_880, %select_n3A_776 : vector<16xi1>, vector<16xf32>
      %eq3A_882 = arith.constant 6 : i32
      %eq3A_883 = vector.broadcast %eq3A_882 : i32 to vector<16xi32>
      %eq3A_884 = arith.cmpi eq, %iota3A, %eq3A_883 : vector<16xi32>
      %reduce_sum3A_885 = arith.constant true
      %reduce_sum3A_886 = vector.broadcast %reduce_sum3A_885 : i1 to vector<16xi1>
      %reduce_sum3A_887 = tpu.scan <sum>, %add3A_870 masked %reduce_sum3A_886 : vector<16xf32>, vector<16xi1> -> vector<16xf32>
      %reduce_sum3A_888 = vector.extract %reduce_sum3A_887[15] : f32 from vector<16xf32>
      %broadcast_in_dim3A_889 = vector.broadcast %reduce_sum3A_888 : f32 to vector<16xf32>
      %select_n3A_890 = arith.select %eq3A_884, %broadcast_in_dim3A_889, %select_n3A_785 : vector<16xi1>, vector<16xf32>
      %eq3A_891 = arith.constant 6 : i32
      %eq3A_892 = vector.broadcast %eq3A_891 : i32 to vector<16xi32>
      %eq3A_893 = arith.cmpi eq, %iota3A, %eq3A_892 : vector<16xi32>
      %reduce_sum3A_894 = arith.constant true
      %reduce_sum3A_895 = vector.broadcast %reduce_sum3A_894 : i1 to vector<16xi1>
      %reduce_sum3A_896 = tpu.scan <sum>, %add3A_872 masked %reduce_sum3A_895 : vector<16xf32>, vector<16xi1> -> vector<16xf32>
      %reduce_sum3A_897 = vector.extract %reduce_sum3A_896[15] : f32 from vector<16xf32>
      %broadcast_in_dim3A_898 = vector.broadcast %reduce_sum3A_897 : f32 to vector<16xf32>
      %select_n3A_899 = arith.select %eq3A_893, %broadcast_in_dim3A_898, %select_n3A_794 : vector<16xi1>, vector<16xf32>
      %mul3A_900 = arith.constant 16 : i32
      %mul3A_901 = arith.muli %scan3A_146, %mul3A_900 : i32
      %add3A_902 = arith.constant 7 : i32
      %add3A_903 = arith.addi %mul3A_901, %add3A_902 : i32
      %slice3A_904 = vector.extract_strided_slice %mul3A_156 {offsets = [7], sizes = [1], strides = [1]} : vector<16xi32> to vector<1xi32>
      %squeeze3A_905 = vector.extract %slice3A_904[0] : i32 from vector<1xi32>
      %slice3A_906 = vector.extract_strided_slice %mul3A_164 {offsets = [7], sizes = [1], strides = [1]} : vector<16xi32> to vector<1xi32>
      %squeeze3A_907 = vector.extract %slice3A_906[0] : i32 from vector<1xi32>
      %broadcast_in_dim3A_908 = arith.constant 0.000000e+00 : f32
      %broadcast_in_dim3A_909 = vector.broadcast %broadcast_in_dim3A_908 : f32 to vector<16xf32>
      %broadcast_in_dim3A_910 = arith.constant 0.000000e+00 : f32
      %broadcast_in_dim3A_911 = vector.broadcast %broadcast_in_dim3A_910 : f32 to vector<16xf32>
      %broadcast_in_dim3A_912 = arith.constant 0.000000e+00 : f32
      %broadcast_in_dim3A_913 = vector.broadcast %broadcast_in_dim3A_912 : f32 to vector<16xf32>
      %add3A_914 = arith.constant 0 : i32
      %add3A_915 = arith.addi %squeeze3A_905, %add3A_914 : i32
      %get3A_916 = arith.index_cast %add3A_903 : i32 to index
      %get3A_917 = arith.index_cast %add3A_915 : i32 to index
      %get3A_918 = tpu.vector_load %arg13[%get3A_916, %get3A_917] {strides = array<i32>} : memref<256x128xf32, #tpu.memory_space<vmem>>, vector<16xf32>,
      %add3A_919 = arith.constant 0 : i32
      %add3A_920 = arith.addi %squeeze3A_907, %add3A_919 : i32
      %get3A_921 = arith.index_cast %add3A_903 : i32 to index
      %get3A_922 = arith.index_cast %add3A_920 : i32 to index
      %get3A_923 = tpu.vector_load %arg14[%get3A_921, %get3A_922] {strides = array<i32>} : memref<256x128xf32, #tpu.memory_space<vmem>>, vector<16xf32>,
      %mul3A_924 = arith.mulf %get3A_918, %get3A_923 : vector<16xf32>
      %add3A_925 = arith.addf %broadcast_in_dim3A_909, %mul3A_924 : vector<16xf32>
      %mul3A_926 = arith.mulf %get3A_918, %get3A_918 : vector<16xf32>
      %add3A_927 = arith.addf %broadcast_in_dim3A_911, %mul3A_926 : vector<16xf32>
      %mul3A_928 = arith.mulf %get3A_923, %get3A_923 : vector<16xf32>
      %add3A_929 = arith.addf %broadcast_in_dim3A_913, %mul3A_928 : vector<16xf32>
      %add3A_930 = arith.constant 16 : i32
      %add3A_931 = arith.addi %squeeze3A_905, %add3A_930 : i32
      %get3A_932 = arith.index_cast %add3A_903 : i32 to index
      %get3A_933 = arith.index_cast %add3A_931 : i32 to index
      %get3A_934 = tpu.vector_load %arg13[%get3A_932, %get3A_933] {strides = array<i32>} : memref<256x128xf32, #tpu.memory_space<vmem>>, vector<16xf32>,
      %add3A_935 = arith.constant 16 : i32
      %add3A_936 = arith.addi %squeeze3A_907, %add3A_935 : i32
      %get3A_937 = arith.index_cast %add3A_903 : i32 to index
      %get3A_938 = arith.index_cast %add3A_936 : i32 to index
      %get3A_939 = tpu.vector_load %arg14[%get3A_937, %get3A_938] {strides = array<i32>} : memref<256x128xf32, #tpu.memory_space<vmem>>, vector<16xf32>,
      %mul3A_940 = arith.mulf %get3A_934, %get3A_939 : vector<16xf32>
      %add3A_941 = arith.addf %add3A_925, %mul3A_940 : vector<16xf32>
      %mul3A_942 = arith.mulf %get3A_934, %get3A_934 : vector<16xf32>
      %add3A_943 = arith.addf %add3A_927, %mul3A_942 : vector<16xf32>
      %mul3A_944 = arith.mulf %get3A_939, %get3A_939 : vector<16xf32>
      %add3A_945 = arith.addf %add3A_929, %mul3A_944 : vector<16xf32>
      %add3A_946 = arith.constant 32 : i32
      %add3A_947 = arith.addi %squeeze3A_905, %add3A_946 : i32
      %get3A_948 = arith.index_cast %add3A_903 : i32 to index
      %get3A_949 = arith.index_cast %add3A_947 : i32 to index
      %get3A_950 = tpu.vector_load %arg13[%get3A_948, %get3A_949] {strides = array<i32>} : memref<256x128xf32, #tpu.memory_space<vmem>>, vector<16xf32>,
      %add3A_951 = arith.constant 32 : i32
      %add3A_952 = arith.addi %squeeze3A_907, %add3A_951 : i32
      %get3A_953 = arith.index_cast %add3A_903 : i32 to index
      %get3A_954 = arith.index_cast %add3A_952 : i32 to index
      %get3A_955 = tpu.vector_load %arg14[%get3A_953, %get3A_954] {strides = array<i32>} : memref<256x128xf32, #tpu.memory_space<vmem>>, vector<16xf32>,
      %mul3A_956 = arith.mulf %get3A_950, %get3A_955 : vector<16xf32>
      %add3A_957 = arith.addf %add3A_941, %mul3A_956 : vector<16xf32>
      %mul3A_958 = arith.mulf %get3A_950, %get3A_950 : vector<16xf32>
      %add3A_959 = arith.addf %add3A_943, %mul3A_958 : vector<16xf32>
      %mul3A_960 = arith.mulf %get3A_955, %get3A_955 : vector<16xf32>
      %add3A_961 = arith.addf %add3A_945, %mul3A_960 : vector<16xf32>
      %add3A_962 = arith.constant 48 : i32
      %add3A_963 = arith.addi %squeeze3A_905, %add3A_962 : i32
      %get3A_964 = arith.index_cast %add3A_903 : i32 to index
      %get3A_965 = arith.index_cast %add3A_963 : i32 to index
      %get3A_966 = tpu.vector_load %arg13[%get3A_964, %get3A_965] {strides = array<i32>} : memref<256x128xf32, #tpu.memory_space<vmem>>, vector<16xf32>,
      %add3A_967 = arith.constant 48 : i32
      %add3A_968 = arith.addi %squeeze3A_907, %add3A_967 : i32
      %get3A_969 = arith.index_cast %add3A_903 : i32 to index
      %get3A_970 = arith.index_cast %add3A_968 : i32 to index
      %get3A_971 = tpu.vector_load %arg14[%get3A_969, %get3A_970] {strides = array<i32>} : memref<256x128xf32, #tpu.memory_space<vmem>>, vector<16xf32>,
      %mul3A_972 = arith.mulf %get3A_966, %get3A_971 : vector<16xf32>
      %add3A_973 = arith.addf %add3A_957, %mul3A_972 : vector<16xf32>
      %mul3A_974 = arith.mulf %get3A_966, %get3A_966 : vector<16xf32>
      %add3A_975 = arith.addf %add3A_959, %mul3A_974 : vector<16xf32>
      %mul3A_976 = arith.mulf %get3A_971, %get3A_971 : vector<16xf32>
      %add3A_977 = arith.addf %add3A_961, %mul3A_976 : vector<16xf32>
      %eq3A_978 = arith.constant 7 : i32
      %eq3A_979 = vector.broadcast %eq3A_978 : i32 to vector<16xi32>
      %eq3A_980 = arith.cmpi eq, %iota3A, %eq3A_979 : vector<16xi32>
      %reduce_sum3A_981 = arith.constant true
      %reduce_sum3A_982 = vector.broadcast %reduce_sum3A_981 : i1 to vector<16xi1>
      %reduce_sum3A_983 = tpu.scan <sum>, %add3A_973 masked %reduce_sum3A_982 : vector<16xf32>, vector<16xi1> -> vector<16xf32>
      %reduce_sum3A_984 = vector.extract %reduce_sum3A_983[15] : f32 from vector<16xf32>
      %broadcast_in_dim3A_985 = vector.broadcast %reduce_sum3A_984 : f32 to vector<16xf32>
      %select_n3A_986 = arith.select %eq3A_980, %broadcast_in_dim3A_985, %select_n3A_881 : vector<16xi1>, vector<16xf32>
      %eq3A_987 = arith.constant 7 : i32
      %eq3A_988 = vector.broadcast %eq3A_987 : i32 to vector<16xi32>
      %eq3A_989 = arith.cmpi eq, %iota3A, %eq3A_988 : vector<16xi32>
      %reduce_sum3A_990 = arith.constant true
      %reduce_sum3A_991 = vector.broadcast %reduce_sum3A_990 : i1 to vector<16xi1>
      %reduce_sum3A_992 = tpu.scan <sum>, %add3A_975 masked %reduce_sum3A_991 : vector<16xf32>, vector<16xi1> -> vector<16xf32>
      %reduce_sum3A_993 = vector.extract %reduce_sum3A_992[15] : f32 from vector<16xf32>
      %broadcast_in_dim3A_994 = vector.broadcast %reduce_sum3A_993 : f32 to vector<16xf32>
      %select_n3A_995 = arith.select %eq3A_989, %broadcast_in_dim3A_994, %select_n3A_890 : vector<16xi1>, vector<16xf32>
      %eq3A_996 = arith.constant 7 : i32
      %eq3A_997 = vector.broadcast %eq3A_996 : i32 to vector<16xi32>
      %eq3A_998 = arith.cmpi eq, %iota3A, %eq3A_997 : vector<16xi32>
      %reduce_sum3A_999 = arith.constant true
      %reduce_sum3A_1000 = vector.broadcast %reduce_sum3A_999 : i1 to vector<16xi1>
      %reduce_sum3A_1001 = tpu.scan <sum>, %add3A_977 masked %reduce_sum3A_1000 : vector<16xf32>, vector<16xi1> -> vector<16xf32>
      %reduce_sum3A_1002 = vector.extract %reduce_sum3A_1001[15] : f32 from vector<16xf32>
      %broadcast_in_dim3A_1003 = vector.broadcast %reduce_sum3A_1002 : f32 to vector<16xf32>
      %select_n3A_1004 = arith.select %eq3A_998, %broadcast_in_dim3A_1003, %select_n3A_899 : vector<16xi1>, vector<16xf32>
      %mul3A_1005 = arith.constant 16 : i32
      %mul3A_1006 = arith.muli %scan3A_146, %mul3A_1005 : i32
      %add3A_1007 = arith.constant 8 : i32
      %add3A_1008 = arith.addi %mul3A_1006, %add3A_1007 : i32
      %slice3A_1009 = vector.extract_strided_slice %mul3A_156 {offsets = [8], sizes = [1], strides = [1]} : vector<16xi32> to vector<1xi32>
      %squeeze3A_1010 = vector.extract %slice3A_1009[0] : i32 from vector<1xi32>
      %slice3A_1011 = vector.extract_strided_slice %mul3A_164 {offsets = [8], sizes = [1], strides = [1]} : vector<16xi32> to vector<1xi32>
      %squeeze3A_1012 = vector.extract %slice3A_1011[0] : i32 from vector<1xi32>
      %broadcast_in_dim3A_1013 = arith.constant 0.000000e+00 : f32
      %broadcast_in_dim3A_1014 = vector.broadcast %broadcast_in_dim3A_1013 : f32 to vector<16xf32>
      %broadcast_in_dim3A_1015 = arith.constant 0.000000e+00 : f32
      %broadcast_in_dim3A_1016 = vector.broadcast %broadcast_in_dim3A_1015 : f32 to vector<16xf32>
      %broadcast_in_dim3A_1017 = arith.constant 0.000000e+00 : f32
      %broadcast_in_dim3A_1018 = vector.broadcast %broadcast_in_dim3A_1017 : f32 to vector<16xf32>
      %add3A_1019 = arith.constant 0 : i32
      %add3A_1020 = arith.addi %squeeze3A_1010, %add3A_1019 : i32
      %get3A_1021 = arith.index_cast %add3A_1008 : i32 to index
      %get3A_1022 = arith.index_cast %add3A_1020 : i32 to index
      %get3A_1023 = tpu.vector_load %arg13[%get3A_1021, %get3A_1022] {strides = array<i32>} : memref<256x128xf32, #tpu.memory_space<vmem>>, vector<16xf32>,
      %add3A_1024 = arith.constant 0 : i32
      %add3A_1025 = arith.addi %squeeze3A_1012, %add3A_1024 : i32
      %get3A_1026 = arith.index_cast %add3A_1008 : i32 to index
      %get3A_1027 = arith.index_cast %add3A_1025 : i32 to index
      %get3A_1028 = tpu.vector_load %arg14[%get3A_1026, %get3A_1027] {strides = array<i32>} : memref<256x128xf32, #tpu.memory_space<vmem>>, vector<16xf32>,
      %mul3A_1029 = arith.mulf %get3A_1023, %get3A_1028 : vector<16xf32>
      %add3A_1030 = arith.addf %broadcast_in_dim3A_1014, %mul3A_1029 : vector<16xf32>
      %mul3A_1031 = arith.mulf %get3A_1023, %get3A_1023 : vector<16xf32>
      %add3A_1032 = arith.addf %broadcast_in_dim3A_1016, %mul3A_1031 : vector<16xf32>
      %mul3A_1033 = arith.mulf %get3A_1028, %get3A_1028 : vector<16xf32>
      %add3A_1034 = arith.addf %broadcast_in_dim3A_1018, %mul3A_1033 : vector<16xf32>
      %add3A_1035 = arith.constant 16 : i32
      %add3A_1036 = arith.addi %squeeze3A_1010, %add3A_1035 : i32
      %get3A_1037 = arith.index_cast %add3A_1008 : i32 to index
      %get3A_1038 = arith.index_cast %add3A_1036 : i32 to index
      %get3A_1039 = tpu.vector_load %arg13[%get3A_1037, %get3A_1038] {strides = array<i32>} : memref<256x128xf32, #tpu.memory_space<vmem>>, vector<16xf32>,
      %add3A_1040 = arith.constant 16 : i32
      %add3A_1041 = arith.addi %squeeze3A_1012, %add3A_1040 : i32
      %get3A_1042 = arith.index_cast %add3A_1008 : i32 to index
      %get3A_1043 = arith.index_cast %add3A_1041 : i32 to index
      %get3A_1044 = tpu.vector_load %arg14[%get3A_1042, %get3A_1043] {strides = array<i32>} : memref<256x128xf32, #tpu.memory_space<vmem>>, vector<16xf32>,
      %mul3A_1045 = arith.mulf %get3A_1039, %get3A_1044 : vector<16xf32>
      %add3A_1046 = arith.addf %add3A_1030, %mul3A_1045 : vector<16xf32>
      %mul3A_1047 = arith.mulf %get3A_1039, %get3A_1039 : vector<16xf32>
      %add3A_1048 = arith.addf %add3A_1032, %mul3A_1047 : vector<16xf32>
      %mul3A_1049 = arith.mulf %get3A_1044, %get3A_1044 : vector<16xf32>
      %add3A_1050 = arith.addf %add3A_1034, %mul3A_1049 : vector<16xf32>
      %add3A_1051 = arith.constant 32 : i32
      %add3A_1052 = arith.addi %squeeze3A_1010, %add3A_1051 : i32
      %get3A_1053 = arith.index_cast %add3A_1008 : i32 to index
      %get3A_1054 = arith.index_cast %add3A_1052 : i32 to index
      %get3A_1055 = tpu.vector_load %arg13[%get3A_1053, %get3A_1054] {strides = array<i32>} : memref<256x128xf32, #tpu.memory_space<vmem>>, vector<16xf32>,
      %add3A_1056 = arith.constant 32 : i32
      %add3A_1057 = arith.addi %squeeze3A_1012, %add3A_1056 : i32
      %get3A_1058 = arith.index_cast %add3A_1008 : i32 to index
      %get3A_1059 = arith.index_cast %add3A_1057 : i32 to index
      %get3A_1060 = tpu.vector_load %arg14[%get3A_1058, %get3A_1059] {strides = array<i32>} : memref<256x128xf32, #tpu.memory_space<vmem>>, vector<16xf32>,
      %mul3A_1061 = arith.mulf %get3A_1055, %get3A_1060 : vector<16xf32>
      %add3A_1062 = arith.addf %add3A_1046, %mul3A_1061 : vector<16xf32>
      %mul3A_1063 = arith.mulf %get3A_1055, %get3A_1055 : vector<16xf32>
      %add3A_1064 = arith.addf %add3A_1048, %mul3A_1063 : vector<16xf32>
      %mul3A_1065 = arith.mulf %get3A_1060, %get3A_1060 : vector<16xf32>
      %add3A_1066 = arith.addf %add3A_1050, %mul3A_1065 : vector<16xf32>
      %add3A_1067 = arith.constant 48 : i32
      %add3A_1068 = arith.addi %squeeze3A_1010, %add3A_1067 : i32
      %get3A_1069 = arith.index_cast %add3A_1008 : i32 to index
      %get3A_1070 = arith.index_cast %add3A_1068 : i32 to index
      %get3A_1071 = tpu.vector_load %arg13[%get3A_1069, %get3A_1070] {strides = array<i32>} : memref<256x128xf32, #tpu.memory_space<vmem>>, vector<16xf32>,
      %add3A_1072 = arith.constant 48 : i32
      %add3A_1073 = arith.addi %squeeze3A_1012, %add3A_1072 : i32
      %get3A_1074 = arith.index_cast %add3A_1008 : i32 to index
      %get3A_1075 = arith.index_cast %add3A_1073 : i32 to index
      %get3A_1076 = tpu.vector_load %arg14[%get3A_1074, %get3A_1075] {strides = array<i32>} : memref<256x128xf32, #tpu.memory_space<vmem>>, vector<16xf32>,
      %mul3A_1077 = arith.mulf %get3A_1071, %get3A_1076 : vector<16xf32>
      %add3A_1078 = arith.addf %add3A_1062, %mul3A_1077 : vector<16xf32>
      %mul3A_1079 = arith.mulf %get3A_1071, %get3A_1071 : vector<16xf32>
      %add3A_1080 = arith.addf %add3A_1064, %mul3A_1079 : vector<16xf32>
      %mul3A_1081 = arith.mulf %get3A_1076, %get3A_1076 : vector<16xf32>
      %add3A_1082 = arith.addf %add3A_1066, %mul3A_1081 : vector<16xf32>
      %eq3A_1083 = arith.constant 8 : i32
      %eq3A_1084 = vector.broadcast %eq3A_1083 : i32 to vector<16xi32>
      %eq3A_1085 = arith.cmpi eq, %iota3A, %eq3A_1084 : vector<16xi32>
      %reduce_sum3A_1086 = arith.constant true
      %reduce_sum3A_1087 = vector.broadcast %reduce_sum3A_1086 : i1 to vector<16xi1>
      %reduce_sum3A_1088 = tpu.scan <sum>, %add3A_1078 masked %reduce_sum3A_1087 : vector<16xf32>, vector<16xi1> -> vector<16xf32>
      %reduce_sum3A_1089 = vector.extract %reduce_sum3A_1088[15] : f32 from vector<16xf32>
      %broadcast_in_dim3A_1090 = vector.broadcast %reduce_sum3A_1089 : f32 to vector<16xf32>
      %select_n3A_1091 = arith.select %eq3A_1085, %broadcast_in_dim3A_1090, %select_n3A_986 : vector<16xi1>, vector<16xf32>
      %eq3A_1092 = arith.constant 8 : i32
      %eq3A_1093 = vector.broadcast %eq3A_1092 : i32 to vector<16xi32>
      %eq3A_1094 = arith.cmpi eq, %iota3A, %eq3A_1093 : vector<16xi32>
      %reduce_sum3A_1095 = arith.constant true
      %reduce_sum3A_1096 = vector.broadcast %reduce_sum3A_1095 : i1 to vector<16xi1>
      %reduce_sum3A_1097 = tpu.scan <sum>, %add3A_1080 masked %reduce_sum3A_1096 : vector<16xf32>, vector<16xi1> -> vector<16xf32>
      %reduce_sum3A_1098 = vector.extract %reduce_sum3A_1097[15] : f32 from vector<16xf32>
      %broadcast_in_dim3A_1099 = vector.broadcast %reduce_sum3A_1098 : f32 to vector<16xf32>
      %select_n3A_1100 = arith.select %eq3A_1094, %broadcast_in_dim3A_1099, %select_n3A_995 : vector<16xi1>, vector<16xf32>
      %eq3A_1101 = arith.constant 8 : i32
      %eq3A_1102 = vector.broadcast %eq3A_1101 : i32 to vector<16xi32>
      %eq3A_1103 = arith.cmpi eq, %iota3A, %eq3A_1102 : vector<16xi32>
      %reduce_sum3A_1104 = arith.constant true
      %reduce_sum3A_1105 = vector.broadcast %reduce_sum3A_1104 : i1 to vector<16xi1>
      %reduce_sum3A_1106 = tpu.scan <sum>, %add3A_1082 masked %reduce_sum3A_1105 : vector<16xf32>, vector<16xi1> -> vector<16xf32>
      %reduce_sum3A_1107 = vector.extract %reduce_sum3A_1106[15] : f32 from vector<16xf32>
      %broadcast_in_dim3A_1108 = vector.broadcast %reduce_sum3A_1107 : f32 to vector<16xf32>
      %select_n3A_1109 = arith.select %eq3A_1103, %broadcast_in_dim3A_1108, %select_n3A_1004 : vector<16xi1>, vector<16xf32>
      %mul3A_1110 = arith.constant 16 : i32
      %mul3A_1111 = arith.muli %scan3A_146, %mul3A_1110 : i32
      %add3A_1112 = arith.constant 9 : i32
      %add3A_1113 = arith.addi %mul3A_1111, %add3A_1112 : i32
      %slice3A_1114 = vector.extract_strided_slice %mul3A_156 {offsets = [9], sizes = [1], strides = [1]} : vector<16xi32> to vector<1xi32>
      %squeeze3A_1115 = vector.extract %slice3A_1114[0] : i32 from vector<1xi32>
      %slice3A_1116 = vector.extract_strided_slice %mul3A_164 {offsets = [9], sizes = [1], strides = [1]} : vector<16xi32> to vector<1xi32>
      %squeeze3A_1117 = vector.extract %slice3A_1116[0] : i32 from vector<1xi32>
      %broadcast_in_dim3A_1118 = arith.constant 0.000000e+00 : f32
      %broadcast_in_dim3A_1119 = vector.broadcast %broadcast_in_dim3A_1118 : f32 to vector<16xf32>
      %broadcast_in_dim3A_1120 = arith.constant 0.000000e+00 : f32
      %broadcast_in_dim3A_1121 = vector.broadcast %broadcast_in_dim3A_1120 : f32 to vector<16xf32>
      %broadcast_in_dim3A_1122 = arith.constant 0.000000e+00 : f32
      %broadcast_in_dim3A_1123 = vector.broadcast %broadcast_in_dim3A_1122 : f32 to vector<16xf32>
      %add3A_1124 = arith.constant 0 : i32
      %add3A_1125 = arith.addi %squeeze3A_1115, %add3A_1124 : i32
      %get3A_1126 = arith.index_cast %add3A_1113 : i32 to index
      %get3A_1127 = arith.index_cast %add3A_1125 : i32 to index
      %get3A_1128 = tpu.vector_load %arg13[%get3A_1126, %get3A_1127] {strides = array<i32>} : memref<256x128xf32, #tpu.memory_space<vmem>>, vector<16xf32>,
      %add3A_1129 = arith.constant 0 : i32
      %add3A_1130 = arith.addi %squeeze3A_1117, %add3A_1129 : i32
      %get3A_1131 = arith.index_cast %add3A_1113 : i32 to index
      %get3A_1132 = arith.index_cast %add3A_1130 : i32 to index
      %get3A_1133 = tpu.vector_load %arg14[%get3A_1131, %get3A_1132] {strides = array<i32>} : memref<256x128xf32, #tpu.memory_space<vmem>>, vector<16xf32>,
      %mul3A_1134 = arith.mulf %get3A_1128, %get3A_1133 : vector<16xf32>
      %add3A_1135 = arith.addf %broadcast_in_dim3A_1119, %mul3A_1134 : vector<16xf32>
      %mul3A_1136 = arith.mulf %get3A_1128, %get3A_1128 : vector<16xf32>
      %add3A_1137 = arith.addf %broadcast_in_dim3A_1121, %mul3A_1136 : vector<16xf32>
      %mul3A_1138 = arith.mulf %get3A_1133, %get3A_1133 : vector<16xf32>
      %add3A_1139 = arith.addf %broadcast_in_dim3A_1123, %mul3A_1138 : vector<16xf32>
      %add3A_1140 = arith.constant 16 : i32
      %add3A_1141 = arith.addi %squeeze3A_1115, %add3A_1140 : i32
      %get3A_1142 = arith.index_cast %add3A_1113 : i32 to index
      %get3A_1143 = arith.index_cast %add3A_1141 : i32 to index
      %get3A_1144 = tpu.vector_load %arg13[%get3A_1142, %get3A_1143] {strides = array<i32>} : memref<256x128xf32, #tpu.memory_space<vmem>>, vector<16xf32>,
      %add3A_1145 = arith.constant 16 : i32
      %add3A_1146 = arith.addi %squeeze3A_1117, %add3A_1145 : i32
      %get3A_1147 = arith.index_cast %add3A_1113 : i32 to index
      %get3A_1148 = arith.index_cast %add3A_1146 : i32 to index
      %get3A_1149 = tpu.vector_load %arg14[%get3A_1147, %get3A_1148] {strides = array<i32>} : memref<256x128xf32, #tpu.memory_space<vmem>>, vector<16xf32>,
      %mul3A_1150 = arith.mulf %get3A_1144, %get3A_1149 : vector<16xf32>
      %add3A_1151 = arith.addf %add3A_1135, %mul3A_1150 : vector<16xf32>
      %mul3A_1152 = arith.mulf %get3A_1144, %get3A_1144 : vector<16xf32>
      %add3A_1153 = arith.addf %add3A_1137, %mul3A_1152 : vector<16xf32>
      %mul3A_1154 = arith.mulf %get3A_1149, %get3A_1149 : vector<16xf32>
      %add3A_1155 = arith.addf %add3A_1139, %mul3A_1154 : vector<16xf32>
      %add3A_1156 = arith.constant 32 : i32
      %add3A_1157 = arith.addi %squeeze3A_1115, %add3A_1156 : i32
      %get3A_1158 = arith.index_cast %add3A_1113 : i32 to index
      %get3A_1159 = arith.index_cast %add3A_1157 : i32 to index
      %get3A_1160 = tpu.vector_load %arg13[%get3A_1158, %get3A_1159] {strides = array<i32>} : memref<256x128xf32, #tpu.memory_space<vmem>>, vector<16xf32>,
      %add3A_1161 = arith.constant 32 : i32
      %add3A_1162 = arith.addi %squeeze3A_1117, %add3A_1161 : i32
      %get3A_1163 = arith.index_cast %add3A_1113 : i32 to index
      %get3A_1164 = arith.index_cast %add3A_1162 : i32 to index
      %get3A_1165 = tpu.vector_load %arg14[%get3A_1163, %get3A_1164] {strides = array<i32>} : memref<256x128xf32, #tpu.memory_space<vmem>>, vector<16xf32>,
      %mul3A_1166 = arith.mulf %get3A_1160, %get3A_1165 : vector<16xf32>
      %add3A_1167 = arith.addf %add3A_1151, %mul3A_1166 : vector<16xf32>
      %mul3A_1168 = arith.mulf %get3A_1160, %get3A_1160 : vector<16xf32>
      %add3A_1169 = arith.addf %add3A_1153, %mul3A_1168 : vector<16xf32>
      %mul3A_1170 = arith.mulf %get3A_1165, %get3A_1165 : vector<16xf32>
      %add3A_1171 = arith.addf %add3A_1155, %mul3A_1170 : vector<16xf32>
      %add3A_1172 = arith.constant 48 : i32
      %add3A_1173 = arith.addi %squeeze3A_1115, %add3A_1172 : i32
      %get3A_1174 = arith.index_cast %add3A_1113 : i32 to index
      %get3A_1175 = arith.index_cast %add3A_1173 : i32 to index
      %get3A_1176 = tpu.vector_load %arg13[%get3A_1174, %get3A_1175] {strides = array<i32>} : memref<256x128xf32, #tpu.memory_space<vmem>>, vector<16xf32>,
      %add3A_1177 = arith.constant 48 : i32
      %add3A_1178 = arith.addi %squeeze3A_1117, %add3A_1177 : i32
      %get3A_1179 = arith.index_cast %add3A_1113 : i32 to index
      %get3A_1180 = arith.index_cast %add3A_1178 : i32 to index
      %get3A_1181 = tpu.vector_load %arg14[%get3A_1179, %get3A_1180] {strides = array<i32>} : memref<256x128xf32, #tpu.memory_space<vmem>>, vector<16xf32>,
      %mul3A_1182 = arith.mulf %get3A_1176, %get3A_1181 : vector<16xf32>
      %add3A_1183 = arith.addf %add3A_1167, %mul3A_1182 : vector<16xf32>
      %mul3A_1184 = arith.mulf %get3A_1176, %get3A_1176 : vector<16xf32>
      %add3A_1185 = arith.addf %add3A_1169, %mul3A_1184 : vector<16xf32>
      %mul3A_1186 = arith.mulf %get3A_1181, %get3A_1181 : vector<16xf32>
      %add3A_1187 = arith.addf %add3A_1171, %mul3A_1186 : vector<16xf32>
      %eq3A_1188 = arith.constant 9 : i32
      %eq3A_1189 = vector.broadcast %eq3A_1188 : i32 to vector<16xi32>
      %eq3A_1190 = arith.cmpi eq, %iota3A, %eq3A_1189 : vector<16xi32>
      %reduce_sum3A_1191 = arith.constant true
      %reduce_sum3A_1192 = vector.broadcast %reduce_sum3A_1191 : i1 to vector<16xi1>
      %reduce_sum3A_1193 = tpu.scan <sum>, %add3A_1183 masked %reduce_sum3A_1192 : vector<16xf32>, vector<16xi1> -> vector<16xf32>
      %reduce_sum3A_1194 = vector.extract %reduce_sum3A_1193[15] : f32 from vector<16xf32>
      %broadcast_in_dim3A_1195 = vector.broadcast %reduce_sum3A_1194 : f32 to vector<16xf32>
      %select_n3A_1196 = arith.select %eq3A_1190, %broadcast_in_dim3A_1195, %select_n3A_1091 : vector<16xi1>, vector<16xf32>
      %eq3A_1197 = arith.constant 9 : i32
      %eq3A_1198 = vector.broadcast %eq3A_1197 : i32 to vector<16xi32>
      %eq3A_1199 = arith.cmpi eq, %iota3A, %eq3A_1198 : vector<16xi32>
      %reduce_sum3A_1200 = arith.constant true
      %reduce_sum3A_1201 = vector.broadcast %reduce_sum3A_1200 : i1 to vector<16xi1>
      %reduce_sum3A_1202 = tpu.scan <sum>, %add3A_1185 masked %reduce_sum3A_1201 : vector<16xf32>, vector<16xi1> -> vector<16xf32>
      %reduce_sum3A_1203 = vector.extract %reduce_sum3A_1202[15] : f32 from vector<16xf32>
      %broadcast_in_dim3A_1204 = vector.broadcast %reduce_sum3A_1203 : f32 to vector<16xf32>
      %select_n3A_1205 = arith.select %eq3A_1199, %broadcast_in_dim3A_1204, %select_n3A_1100 : vector<16xi1>, vector<16xf32>
      %eq3A_1206 = arith.constant 9 : i32
      %eq3A_1207 = vector.broadcast %eq3A_1206 : i32 to vector<16xi32>
      %eq3A_1208 = arith.cmpi eq, %iota3A, %eq3A_1207 : vector<16xi32>
      %reduce_sum3A_1209 = arith.constant true
      %reduce_sum3A_1210 = vector.broadcast %reduce_sum3A_1209 : i1 to vector<16xi1>
      %reduce_sum3A_1211 = tpu.scan <sum>, %add3A_1187 masked %reduce_sum3A_1210 : vector<16xf32>, vector<16xi1> -> vector<16xf32>
      %reduce_sum3A_1212 = vector.extract %reduce_sum3A_1211[15] : f32 from vector<16xf32>
      %broadcast_in_dim3A_1213 = vector.broadcast %reduce_sum3A_1212 : f32 to vector<16xf32>
      %select_n3A_1214 = arith.select %eq3A_1208, %broadcast_in_dim3A_1213, %select_n3A_1109 : vector<16xi1>, vector<16xf32>
      %mul3A_1215 = arith.constant 16 : i32
      %mul3A_1216 = arith.muli %scan3A_146, %mul3A_1215 : i32
      %add3A_1217 = arith.constant 10 : i32
      %add3A_1218 = arith.addi %mul3A_1216, %add3A_1217 : i32
      %slice3A_1219 = vector.extract_strided_slice %mul3A_156 {offsets = [10], sizes = [1], strides = [1]} : vector<16xi32> to vector<1xi32>
      %squeeze3A_1220 = vector.extract %slice3A_1219[0] : i32 from vector<1xi32>
      %slice3A_1221 = vector.extract_strided_slice %mul3A_164 {offsets = [10], sizes = [1], strides = [1]} : vector<16xi32> to vector<1xi32>
      %squeeze3A_1222 = vector.extract %slice3A_1221[0] : i32 from vector<1xi32>
      %broadcast_in_dim3A_1223 = arith.constant 0.000000e+00 : f32
      %broadcast_in_dim3A_1224 = vector.broadcast %broadcast_in_dim3A_1223 : f32 to vector<16xf32>
      %broadcast_in_dim3A_1225 = arith.constant 0.000000e+00 : f32
      %broadcast_in_dim3A_1226 = vector.broadcast %broadcast_in_dim3A_1225 : f32 to vector<16xf32>
      %broadcast_in_dim3A_1227 = arith.constant 0.000000e+00 : f32
      %broadcast_in_dim3A_1228 = vector.broadcast %broadcast_in_dim3A_1227 : f32 to vector<16xf32>
      %add3A_1229 = arith.constant 0 : i32
      %add3A_1230 = arith.addi %squeeze3A_1220, %add3A_1229 : i32
      %get3A_1231 = arith.index_cast %add3A_1218 : i32 to index
      %get3A_1232 = arith.index_cast %add3A_1230 : i32 to index
      %get3A_1233 = tpu.vector_load %arg13[%get3A_1231, %get3A_1232] {strides = array<i32>} : memref<256x128xf32, #tpu.memory_space<vmem>>, vector<16xf32>,
      %add3A_1234 = arith.constant 0 : i32
      %add3A_1235 = arith.addi %squeeze3A_1222, %add3A_1234 : i32
      %get3A_1236 = arith.index_cast %add3A_1218 : i32 to index
      %get3A_1237 = arith.index_cast %add3A_1235 : i32 to index
      %get3A_1238 = tpu.vector_load %arg14[%get3A_1236, %get3A_1237] {strides = array<i32>} : memref<256x128xf32, #tpu.memory_space<vmem>>, vector<16xf32>,
      %mul3A_1239 = arith.mulf %get3A_1233, %get3A_1238 : vector<16xf32>
      %add3A_1240 = arith.addf %broadcast_in_dim3A_1224, %mul3A_1239 : vector<16xf32>
      %mul3A_1241 = arith.mulf %get3A_1233, %get3A_1233 : vector<16xf32>
      %add3A_1242 = arith.addf %broadcast_in_dim3A_1226, %mul3A_1241 : vector<16xf32>
      %mul3A_1243 = arith.mulf %get3A_1238, %get3A_1238 : vector<16xf32>
      %add3A_1244 = arith.addf %broadcast_in_dim3A_1228, %mul3A_1243 : vector<16xf32>
      %add3A_1245 = arith.constant 16 : i32
      %add3A_1246 = arith.addi %squeeze3A_1220, %add3A_1245 : i32
      %get3A_1247 = arith.index_cast %add3A_1218 : i32 to index
      %get3A_1248 = arith.index_cast %add3A_1246 : i32 to index
      %get3A_1249 = tpu.vector_load %arg13[%get3A_1247, %get3A_1248] {strides = array<i32>} : memref<256x128xf32, #tpu.memory_space<vmem>>, vector<16xf32>,
      %add3A_1250 = arith.constant 16 : i32
      %add3A_1251 = arith.addi %squeeze3A_1222, %add3A_1250 : i32
      %get3A_1252 = arith.index_cast %add3A_1218 : i32 to index
      %get3A_1253 = arith.index_cast %add3A_1251 : i32 to index
      %get3A_1254 = tpu.vector_load %arg14[%get3A_1252, %get3A_1253] {strides = array<i32>} : memref<256x128xf32, #tpu.memory_space<vmem>>, vector<16xf32>,
      %mul3A_1255 = arith.mulf %get3A_1249, %get3A_1254 : vector<16xf32>
      %add3A_1256 = arith.addf %add3A_1240, %mul3A_1255 : vector<16xf32>
      %mul3A_1257 = arith.mulf %get3A_1249, %get3A_1249 : vector<16xf32>
      %add3A_1258 = arith.addf %add3A_1242, %mul3A_1257 : vector<16xf32>
      %mul3A_1259 = arith.mulf %get3A_1254, %get3A_1254 : vector<16xf32>
      %add3A_1260 = arith.addf %add3A_1244, %mul3A_1259 : vector<16xf32>
      %add3A_1261 = arith.constant 32 : i32
      %add3A_1262 = arith.addi %squeeze3A_1220, %add3A_1261 : i32
      %get3A_1263 = arith.index_cast %add3A_1218 : i32 to index
      %get3A_1264 = arith.index_cast %add3A_1262 : i32 to index
      %get3A_1265 = tpu.vector_load %arg13[%get3A_1263, %get3A_1264] {strides = array<i32>} : memref<256x128xf32, #tpu.memory_space<vmem>>, vector<16xf32>,
      %add3A_1266 = arith.constant 32 : i32
      %add3A_1267 = arith.addi %squeeze3A_1222, %add3A_1266 : i32
      %get3A_1268 = arith.index_cast %add3A_1218 : i32 to index
      %get3A_1269 = arith.index_cast %add3A_1267 : i32 to index
      %get3A_1270 = tpu.vector_load %arg14[%get3A_1268, %get3A_1269] {strides = array<i32>} : memref<256x128xf32, #tpu.memory_space<vmem>>, vector<16xf32>,
      %mul3A_1271 = arith.mulf %get3A_1265, %get3A_1270 : vector<16xf32>
      %add3A_1272 = arith.addf %add3A_1256, %mul3A_1271 : vector<16xf32>
      %mul3A_1273 = arith.mulf %get3A_1265, %get3A_1265 : vector<16xf32>
      %add3A_1274 = arith.addf %add3A_1258, %mul3A_1273 : vector<16xf32>
      %mul3A_1275 = arith.mulf %get3A_1270, %get3A_1270 : vector<16xf32>
      %add3A_1276 = arith.addf %add3A_1260, %mul3A_1275 : vector<16xf32>
      %add3A_1277 = arith.constant 48 : i32
      %add3A_1278 = arith.addi %squeeze3A_1220, %add3A_1277 : i32
      %get3A_1279 = arith.index_cast %add3A_1218 : i32 to index
      %get3A_1280 = arith.index_cast %add3A_1278 : i32 to index
      %get3A_1281 = tpu.vector_load %arg13[%get3A_1279, %get3A_1280] {strides = array<i32>} : memref<256x128xf32, #tpu.memory_space<vmem>>, vector<16xf32>,
      %add3A_1282 = arith.constant 48 : i32
      %add3A_1283 = arith.addi %squeeze3A_1222, %add3A_1282 : i32
      %get3A_1284 = arith.index_cast %add3A_1218 : i32 to index
      %get3A_1285 = arith.index_cast %add3A_1283 : i32 to index
      %get3A_1286 = tpu.vector_load %arg14[%get3A_1284, %get3A_1285] {strides = array<i32>} : memref<256x128xf32, #tpu.memory_space<vmem>>, vector<16xf32>,
      %mul3A_1287 = arith.mulf %get3A_1281, %get3A_1286 : vector<16xf32>
      %add3A_1288 = arith.addf %add3A_1272, %mul3A_1287 : vector<16xf32>
      %mul3A_1289 = arith.mulf %get3A_1281, %get3A_1281 : vector<16xf32>
      %add3A_1290 = arith.addf %add3A_1274, %mul3A_1289 : vector<16xf32>
      %mul3A_1291 = arith.mulf %get3A_1286, %get3A_1286 : vector<16xf32>
      %add3A_1292 = arith.addf %add3A_1276, %mul3A_1291 : vector<16xf32>
      %eq3A_1293 = arith.constant 10 : i32
      %eq3A_1294 = vector.broadcast %eq3A_1293 : i32 to vector<16xi32>
      %eq3A_1295 = arith.cmpi eq, %iota3A, %eq3A_1294 : vector<16xi32>
      %reduce_sum3A_1296 = arith.constant true
      %reduce_sum3A_1297 = vector.broadcast %reduce_sum3A_1296 : i1 to vector<16xi1>
      %reduce_sum3A_1298 = tpu.scan <sum>, %add3A_1288 masked %reduce_sum3A_1297 : vector<16xf32>, vector<16xi1> -> vector<16xf32>
      %reduce_sum3A_1299 = vector.extract %reduce_sum3A_1298[15] : f32 from vector<16xf32>
      %broadcast_in_dim3A_1300 = vector.broadcast %reduce_sum3A_1299 : f32 to vector<16xf32>
      %select_n3A_1301 = arith.select %eq3A_1295, %broadcast_in_dim3A_1300, %select_n3A_1196 : vector<16xi1>, vector<16xf32>
      %eq3A_1302 = arith.constant 10 : i32
      %eq3A_1303 = vector.broadcast %eq3A_1302 : i32 to vector<16xi32>
      %eq3A_1304 = arith.cmpi eq, %iota3A, %eq3A_1303 : vector<16xi32>
      %reduce_sum3A_1305 = arith.constant true
      %reduce_sum3A_1306 = vector.broadcast %reduce_sum3A_1305 : i1 to vector<16xi1>
      %reduce_sum3A_1307 = tpu.scan <sum>, %add3A_1290 masked %reduce_sum3A_1306 : vector<16xf32>, vector<16xi1> -> vector<16xf32>
      %reduce_sum3A_1308 = vector.extract %reduce_sum3A_1307[15] : f32 from vector<16xf32>
      %broadcast_in_dim3A_1309 = vector.broadcast %reduce_sum3A_1308 : f32 to vector<16xf32>
      %select_n3A_1310 = arith.select %eq3A_1304, %broadcast_in_dim3A_1309, %select_n3A_1205 : vector<16xi1>, vector<16xf32>
      %eq3A_1311 = arith.constant 10 : i32
      %eq3A_1312 = vector.broadcast %eq3A_1311 : i32 to vector<16xi32>
      %eq3A_1313 = arith.cmpi eq, %iota3A, %eq3A_1312 : vector<16xi32>
      %reduce_sum3A_1314 = arith.constant true
      %reduce_sum3A_1315 = vector.broadcast %reduce_sum3A_1314 : i1 to vector<16xi1>
      %reduce_sum3A_1316 = tpu.scan <sum>, %add3A_1292 masked %reduce_sum3A_1315 : vector<16xf32>, vector<16xi1> -> vector<16xf32>
      %reduce_sum3A_1317 = vector.extract %reduce_sum3A_1316[15] : f32 from vector<16xf32>
      %broadcast_in_dim3A_1318 = vector.broadcast %reduce_sum3A_1317 : f32 to vector<16xf32>
      %select_n3A_1319 = arith.select %eq3A_1313, %broadcast_in_dim3A_1318, %select_n3A_1214 : vector<16xi1>, vector<16xf32>
      %mul3A_1320 = arith.constant 16 : i32
      %mul3A_1321 = arith.muli %scan3A_146, %mul3A_1320 : i32
      %add3A_1322 = arith.constant 11 : i32
      %add3A_1323 = arith.addi %mul3A_1321, %add3A_1322 : i32
      %slice3A_1324 = vector.extract_strided_slice %mul3A_156 {offsets = [11], sizes = [1], strides = [1]} : vector<16xi32> to vector<1xi32>
      %squeeze3A_1325 = vector.extract %slice3A_1324[0] : i32 from vector<1xi32>
      %slice3A_1326 = vector.extract_strided_slice %mul3A_164 {offsets = [11], sizes = [1], strides = [1]} : vector<16xi32> to vector<1xi32>
      %squeeze3A_1327 = vector.extract %slice3A_1326[0] : i32 from vector<1xi32>
      %broadcast_in_dim3A_1328 = arith.constant 0.000000e+00 : f32
      %broadcast_in_dim3A_1329 = vector.broadcast %broadcast_in_dim3A_1328 : f32 to vector<16xf32>
      %broadcast_in_dim3A_1330 = arith.constant 0.000000e+00 : f32
      %broadcast_in_dim3A_1331 = vector.broadcast %broadcast_in_dim3A_1330 : f32 to vector<16xf32>
      %broadcast_in_dim3A_1332 = arith.constant 0.000000e+00 : f32
      %broadcast_in_dim3A_1333 = vector.broadcast %broadcast_in_dim3A_1332 : f32 to vector<16xf32>
      %add3A_1334 = arith.constant 0 : i32
      %add3A_1335 = arith.addi %squeeze3A_1325, %add3A_1334 : i32
      %get3A_1336 = arith.index_cast %add3A_1323 : i32 to index
      %get3A_1337 = arith.index_cast %add3A_1335 : i32 to index
      %get3A_1338 = tpu.vector_load %arg13[%get3A_1336, %get3A_1337] {strides = array<i32>} : memref<256x128xf32, #tpu.memory_space<vmem>>, vector<16xf32>,
      %add3A_1339 = arith.constant 0 : i32
      %add3A_1340 = arith.addi %squeeze3A_1327, %add3A_1339 : i32
      %get3A_1341 = arith.index_cast %add3A_1323 : i32 to index
      %get3A_1342 = arith.index_cast %add3A_1340 : i32 to index
      %get3A_1343 = tpu.vector_load %arg14[%get3A_1341, %get3A_1342] {strides = array<i32>} : memref<256x128xf32, #tpu.memory_space<vmem>>, vector<16xf32>,
      %mul3A_1344 = arith.mulf %get3A_1338, %get3A_1343 : vector<16xf32>
      %add3A_1345 = arith.addf %broadcast_in_dim3A_1329, %mul3A_1344 : vector<16xf32>
      %mul3A_1346 = arith.mulf %get3A_1338, %get3A_1338 : vector<16xf32>
      %add3A_1347 = arith.addf %broadcast_in_dim3A_1331, %mul3A_1346 : vector<16xf32>
      %mul3A_1348 = arith.mulf %get3A_1343, %get3A_1343 : vector<16xf32>
      %add3A_1349 = arith.addf %broadcast_in_dim3A_1333, %mul3A_1348 : vector<16xf32>
      %add3A_1350 = arith.constant 16 : i32
      %add3A_1351 = arith.addi %squeeze3A_1325, %add3A_1350 : i32
      %get3A_1352 = arith.index_cast %add3A_1323 : i32 to index
      %get3A_1353 = arith.index_cast %add3A_1351 : i32 to index
      %get3A_1354 = tpu.vector_load %arg13[%get3A_1352, %get3A_1353] {strides = array<i32>} : memref<256x128xf32, #tpu.memory_space<vmem>>, vector<16xf32>,
      %add3A_1355 = arith.constant 16 : i32
      %add3A_1356 = arith.addi %squeeze3A_1327, %add3A_1355 : i32
      %get3A_1357 = arith.index_cast %add3A_1323 : i32 to index
      %get3A_1358 = arith.index_cast %add3A_1356 : i32 to index
      %get3A_1359 = tpu.vector_load %arg14[%get3A_1357, %get3A_1358] {strides = array<i32>} : memref<256x128xf32, #tpu.memory_space<vmem>>, vector<16xf32>,
      %mul3A_1360 = arith.mulf %get3A_1354, %get3A_1359 : vector<16xf32>
      %add3A_1361 = arith.addf %add3A_1345, %mul3A_1360 : vector<16xf32>
      %mul3A_1362 = arith.mulf %get3A_1354, %get3A_1354 : vector<16xf32>
      %add3A_1363 = arith.addf %add3A_1347, %mul3A_1362 : vector<16xf32>
      %mul3A_1364 = arith.mulf %get3A_1359, %get3A_1359 : vector<16xf32>
      %add3A_1365 = arith.addf %add3A_1349, %mul3A_1364 : vector<16xf32>
      %add3A_1366 = arith.constant 32 : i32
      %add3A_1367 = arith.addi %squeeze3A_1325, %add3A_1366 : i32
      %get3A_1368 = arith.index_cast %add3A_1323 : i32 to index
      %get3A_1369 = arith.index_cast %add3A_1367 : i32 to index
      %get3A_1370 = tpu.vector_load %arg13[%get3A_1368, %get3A_1369] {strides = array<i32>} : memref<256x128xf32, #tpu.memory_space<vmem>>, vector<16xf32>,
      %add3A_1371 = arith.constant 32 : i32
      %add3A_1372 = arith.addi %squeeze3A_1327, %add3A_1371 : i32
      %get3A_1373 = arith.index_cast %add3A_1323 : i32 to index
      %get3A_1374 = arith.index_cast %add3A_1372 : i32 to index
      %get3A_1375 = tpu.vector_load %arg14[%get3A_1373, %get3A_1374] {strides = array<i32>} : memref<256x128xf32, #tpu.memory_space<vmem>>, vector<16xf32>,
      %mul3A_1376 = arith.mulf %get3A_1370, %get3A_1375 : vector<16xf32>
      %add3A_1377 = arith.addf %add3A_1361, %mul3A_1376 : vector<16xf32>
      %mul3A_1378 = arith.mulf %get3A_1370, %get3A_1370 : vector<16xf32>
      %add3A_1379 = arith.addf %add3A_1363, %mul3A_1378 : vector<16xf32>
      %mul3A_1380 = arith.mulf %get3A_1375, %get3A_1375 : vector<16xf32>
      %add3A_1381 = arith.addf %add3A_1365, %mul3A_1380 : vector<16xf32>
      %add3A_1382 = arith.constant 48 : i32
      %add3A_1383 = arith.addi %squeeze3A_1325, %add3A_1382 : i32
      %get3A_1384 = arith.index_cast %add3A_1323 : i32 to index
      %get3A_1385 = arith.index_cast %add3A_1383 : i32 to index
      %get3A_1386 = tpu.vector_load %arg13[%get3A_1384, %get3A_1385] {strides = array<i32>} : memref<256x128xf32, #tpu.memory_space<vmem>>, vector<16xf32>,
      %add3A_1387 = arith.constant 48 : i32
      %add3A_1388 = arith.addi %squeeze3A_1327, %add3A_1387 : i32
      %get3A_1389 = arith.index_cast %add3A_1323 : i32 to index
      %get3A_1390 = arith.index_cast %add3A_1388 : i32 to index
      %get3A_1391 = tpu.vector_load %arg14[%get3A_1389, %get3A_1390] {strides = array<i32>} : memref<256x128xf32, #tpu.memory_space<vmem>>, vector<16xf32>,
      %mul3A_1392 = arith.mulf %get3A_1386, %get3A_1391 : vector<16xf32>
      %add3A_1393 = arith.addf %add3A_1377, %mul3A_1392 : vector<16xf32>
      %mul3A_1394 = arith.mulf %get3A_1386, %get3A_1386 : vector<16xf32>
      %add3A_1395 = arith.addf %add3A_1379, %mul3A_1394 : vector<16xf32>
      %mul3A_1396 = arith.mulf %get3A_1391, %get3A_1391 : vector<16xf32>
      %add3A_1397 = arith.addf %add3A_1381, %mul3A_1396 : vector<16xf32>
      %eq3A_1398 = arith.constant 11 : i32
      %eq3A_1399 = vector.broadcast %eq3A_1398 : i32 to vector<16xi32>
      %eq3A_1400 = arith.cmpi eq, %iota3A, %eq3A_1399 : vector<16xi32>
      %reduce_sum3A_1401 = arith.constant true
      %reduce_sum3A_1402 = vector.broadcast %reduce_sum3A_1401 : i1 to vector<16xi1>
      %reduce_sum3A_1403 = tpu.scan <sum>, %add3A_1393 masked %reduce_sum3A_1402 : vector<16xf32>, vector<16xi1> -> vector<16xf32>
      %reduce_sum3A_1404 = vector.extract %reduce_sum3A_1403[15] : f32 from vector<16xf32>
      %broadcast_in_dim3A_1405 = vector.broadcast %reduce_sum3A_1404 : f32 to vector<16xf32>
      %select_n3A_1406 = arith.select %eq3A_1400, %broadcast_in_dim3A_1405, %select_n3A_1301 : vector<16xi1>, vector<16xf32>
      %eq3A_1407 = arith.constant 11 : i32
      %eq3A_1408 = vector.broadcast %eq3A_1407 : i32 to vector<16xi32>
      %eq3A_1409 = arith.cmpi eq, %iota3A, %eq3A_1408 : vector<16xi32>
      %reduce_sum3A_1410 = arith.constant true
      %reduce_sum3A_1411 = vector.broadcast %reduce_sum3A_1410 : i1 to vector<16xi1>
      %reduce_sum3A_1412 = tpu.scan <sum>, %add3A_1395 masked %reduce_sum3A_1411 : vector<16xf32>, vector<16xi1> -> vector<16xf32>
      %reduce_sum3A_1413 = vector.extract %reduce_sum3A_1412[15] : f32 from vector<16xf32>
      %broadcast_in_dim3A_1414 = vector.broadcast %reduce_sum3A_1413 : f32 to vector<16xf32>
      %select_n3A_1415 = arith.select %eq3A_1409, %broadcast_in_dim3A_1414, %select_n3A_1310 : vector<16xi1>, vector<16xf32>
      %eq3A_1416 = arith.constant 11 : i32
      %eq3A_1417 = vector.broadcast %eq3A_1416 : i32 to vector<16xi32>
      %eq3A_1418 = arith.cmpi eq, %iota3A, %eq3A_1417 : vector<16xi32>
      %reduce_sum3A_1419 = arith.constant true
      %reduce_sum3A_1420 = vector.broadcast %reduce_sum3A_1419 : i1 to vector<16xi1>
      %reduce_sum3A_1421 = tpu.scan <sum>, %add3A_1397 masked %reduce_sum3A_1420 : vector<16xf32>, vector<16xi1> -> vector<16xf32>
      %reduce_sum3A_1422 = vector.extract %reduce_sum3A_1421[15] : f32 from vector<16xf32>
      %broadcast_in_dim3A_1423 = vector.broadcast %reduce_sum3A_1422 : f32 to vector<16xf32>
      %select_n3A_1424 = arith.select %eq3A_1418, %broadcast_in_dim3A_1423, %select_n3A_1319 : vector<16xi1>, vector<16xf32>
      %mul3A_1425 = arith.constant 16 : i32
      %mul3A_1426 = arith.muli %scan3A_146, %mul3A_1425 : i32
      %add3A_1427 = arith.constant 12 : i32
      %add3A_1428 = arith.addi %mul3A_1426, %add3A_1427 : i32
      %slice3A_1429 = vector.extract_strided_slice %mul3A_156 {offsets = [12], sizes = [1], strides = [1]} : vector<16xi32> to vector<1xi32>
      %squeeze3A_1430 = vector.extract %slice3A_1429[0] : i32 from vector<1xi32>
      %slice3A_1431 = vector.extract_strided_slice %mul3A_164 {offsets = [12], sizes = [1], strides = [1]} : vector<16xi32> to vector<1xi32>
      %squeeze3A_1432 = vector.extract %slice3A_1431[0] : i32 from vector<1xi32>
      %broadcast_in_dim3A_1433 = arith.constant 0.000000e+00 : f32
      %broadcast_in_dim3A_1434 = vector.broadcast %broadcast_in_dim3A_1433 : f32 to vector<16xf32>
      %broadcast_in_dim3A_1435 = arith.constant 0.000000e+00 : f32
      %broadcast_in_dim3A_1436 = vector.broadcast %broadcast_in_dim3A_1435 : f32 to vector<16xf32>
      %broadcast_in_dim3A_1437 = arith.constant 0.000000e+00 : f32
      %broadcast_in_dim3A_1438 = vector.broadcast %broadcast_in_dim3A_1437 : f32 to vector<16xf32>
      %add3A_1439 = arith.constant 0 : i32
      %add3A_1440 = arith.addi %squeeze3A_1430, %add3A_1439 : i32
      %get3A_1441 = arith.index_cast %add3A_1428 : i32 to index
      %get3A_1442 = arith.index_cast %add3A_1440 : i32 to index
      %get3A_1443 = tpu.vector_load %arg13[%get3A_1441, %get3A_1442] {strides = array<i32>} : memref<256x128xf32, #tpu.memory_space<vmem>>, vector<16xf32>,
      %add3A_1444 = arith.constant 0 : i32
      %add3A_1445 = arith.addi %squeeze3A_1432, %add3A_1444 : i32
      %get3A_1446 = arith.index_cast %add3A_1428 : i32 to index
      %get3A_1447 = arith.index_cast %add3A_1445 : i32 to index
      %get3A_1448 = tpu.vector_load %arg14[%get3A_1446, %get3A_1447] {strides = array<i32>} : memref<256x128xf32, #tpu.memory_space<vmem>>, vector<16xf32>,
      %mul3A_1449 = arith.mulf %get3A_1443, %get3A_1448 : vector<16xf32>
      %add3A_1450 = arith.addf %broadcast_in_dim3A_1434, %mul3A_1449 : vector<16xf32>
      %mul3A_1451 = arith.mulf %get3A_1443, %get3A_1443 : vector<16xf32>
      %add3A_1452 = arith.addf %broadcast_in_dim3A_1436, %mul3A_1451 : vector<16xf32>
      %mul3A_1453 = arith.mulf %get3A_1448, %get3A_1448 : vector<16xf32>
      %add3A_1454 = arith.addf %broadcast_in_dim3A_1438, %mul3A_1453 : vector<16xf32>
      %add3A_1455 = arith.constant 16 : i32
      %add3A_1456 = arith.addi %squeeze3A_1430, %add3A_1455 : i32
      %get3A_1457 = arith.index_cast %add3A_1428 : i32 to index
      %get3A_1458 = arith.index_cast %add3A_1456 : i32 to index
      %get3A_1459 = tpu.vector_load %arg13[%get3A_1457, %get3A_1458] {strides = array<i32>} : memref<256x128xf32, #tpu.memory_space<vmem>>, vector<16xf32>,
      %add3A_1460 = arith.constant 16 : i32
      %add3A_1461 = arith.addi %squeeze3A_1432, %add3A_1460 : i32
      %get3A_1462 = arith.index_cast %add3A_1428 : i32 to index
      %get3A_1463 = arith.index_cast %add3A_1461 : i32 to index
      %get3A_1464 = tpu.vector_load %arg14[%get3A_1462, %get3A_1463] {strides = array<i32>} : memref<256x128xf32, #tpu.memory_space<vmem>>, vector<16xf32>,
      %mul3A_1465 = arith.mulf %get3A_1459, %get3A_1464 : vector<16xf32>
      %add3A_1466 = arith.addf %add3A_1450, %mul3A_1465 : vector<16xf32>
      %mul3A_1467 = arith.mulf %get3A_1459, %get3A_1459 : vector<16xf32>
      %add3A_1468 = arith.addf %add3A_1452, %mul3A_1467 : vector<16xf32>
      %mul3A_1469 = arith.mulf %get3A_1464, %get3A_1464 : vector<16xf32>
      %add3A_1470 = arith.addf %add3A_1454, %mul3A_1469 : vector<16xf32>
      %add3A_1471 = arith.constant 32 : i32
      %add3A_1472 = arith.addi %squeeze3A_1430, %add3A_1471 : i32
      %get3A_1473 = arith.index_cast %add3A_1428 : i32 to index
      %get3A_1474 = arith.index_cast %add3A_1472 : i32 to index
      %get3A_1475 = tpu.vector_load %arg13[%get3A_1473, %get3A_1474] {strides = array<i32>} : memref<256x128xf32, #tpu.memory_space<vmem>>, vector<16xf32>,
      %add3A_1476 = arith.constant 32 : i32
      %add3A_1477 = arith.addi %squeeze3A_1432, %add3A_1476 : i32
      %get3A_1478 = arith.index_cast %add3A_1428 : i32 to index
      %get3A_1479 = arith.index_cast %add3A_1477 : i32 to index
      %get3A_1480 = tpu.vector_load %arg14[%get3A_1478, %get3A_1479] {strides = array<i32>} : memref<256x128xf32, #tpu.memory_space<vmem>>, vector<16xf32>,
      %mul3A_1481 = arith.mulf %get3A_1475, %get3A_1480 : vector<16xf32>
      %add3A_1482 = arith.addf %add3A_1466, %mul3A_1481 : vector<16xf32>
      %mul3A_1483 = arith.mulf %get3A_1475, %get3A_1475 : vector<16xf32>
      %add3A_1484 = arith.addf %add3A_1468, %mul3A_1483 : vector<16xf32>
      %mul3A_1485 = arith.mulf %get3A_1480, %get3A_1480 : vector<16xf32>
      %add3A_1486 = arith.addf %add3A_1470, %mul3A_1485 : vector<16xf32>
      %add3A_1487 = arith.constant 48 : i32
      %add3A_1488 = arith.addi %squeeze3A_1430, %add3A_1487 : i32
      %get3A_1489 = arith.index_cast %add3A_1428 : i32 to index
      %get3A_1490 = arith.index_cast %add3A_1488 : i32 to index
      %get3A_1491 = tpu.vector_load %arg13[%get3A_1489, %get3A_1490] {strides = array<i32>} : memref<256x128xf32, #tpu.memory_space<vmem>>, vector<16xf32>,
      %add3A_1492 = arith.constant 48 : i32
      %add3A_1493 = arith.addi %squeeze3A_1432, %add3A_1492 : i32
      %get3A_1494 = arith.index_cast %add3A_1428 : i32 to index
      %get3A_1495 = arith.index_cast %add3A_1493 : i32 to index
      %get3A_1496 = tpu.vector_load %arg14[%get3A_1494, %get3A_1495] {strides = array<i32>} : memref<256x128xf32, #tpu.memory_space<vmem>>, vector<16xf32>,
      %mul3A_1497 = arith.mulf %get3A_1491, %get3A_1496 : vector<16xf32>
      %add3A_1498 = arith.addf %add3A_1482, %mul3A_1497 : vector<16xf32>
      %mul3A_1499 = arith.mulf %get3A_1491, %get3A_1491 : vector<16xf32>
      %add3A_1500 = arith.addf %add3A_1484, %mul3A_1499 : vector<16xf32>
      %mul3A_1501 = arith.mulf %get3A_1496, %get3A_1496 : vector<16xf32>
      %add3A_1502 = arith.addf %add3A_1486, %mul3A_1501 : vector<16xf32>
      %eq3A_1503 = arith.constant 12 : i32
      %eq3A_1504 = vector.broadcast %eq3A_1503 : i32 to vector<16xi32>
      %eq3A_1505 = arith.cmpi eq, %iota3A, %eq3A_1504 : vector<16xi32>
      %reduce_sum3A_1506 = arith.constant true
      %reduce_sum3A_1507 = vector.broadcast %reduce_sum3A_1506 : i1 to vector<16xi1>
      %reduce_sum3A_1508 = tpu.scan <sum>, %add3A_1498 masked %reduce_sum3A_1507 : vector<16xf32>, vector<16xi1> -> vector<16xf32>
      %reduce_sum3A_1509 = vector.extract %reduce_sum3A_1508[15] : f32 from vector<16xf32>
      %broadcast_in_dim3A_1510 = vector.broadcast %reduce_sum3A_1509 : f32 to vector<16xf32>
      %select_n3A_1511 = arith.select %eq3A_1505, %broadcast_in_dim3A_1510, %select_n3A_1406 : vector<16xi1>, vector<16xf32>
      %eq3A_1512 = arith.constant 12 : i32
      %eq3A_1513 = vector.broadcast %eq3A_1512 : i32 to vector<16xi32>
      %eq3A_1514 = arith.cmpi eq, %iota3A, %eq3A_1513 : vector<16xi32>
      %reduce_sum3A_1515 = arith.constant true
      %reduce_sum3A_1516 = vector.broadcast %reduce_sum3A_1515 : i1 to vector<16xi1>
      %reduce_sum3A_1517 = tpu.scan <sum>, %add3A_1500 masked %reduce_sum3A_1516 : vector<16xf32>, vector<16xi1> -> vector<16xf32>
      %reduce_sum3A_1518 = vector.extract %reduce_sum3A_1517[15] : f32 from vector<16xf32>
      %broadcast_in_dim3A_1519 = vector.broadcast %reduce_sum3A_1518 : f32 to vector<16xf32>
      %select_n3A_1520 = arith.select %eq3A_1514, %broadcast_in_dim3A_1519, %select_n3A_1415 : vector<16xi1>, vector<16xf32>
      %eq3A_1521 = arith.constant 12 : i32
      %eq3A_1522 = vector.broadcast %eq3A_1521 : i32 to vector<16xi32>
      %eq3A_1523 = arith.cmpi eq, %iota3A, %eq3A_1522 : vector<16xi32>
      %reduce_sum3A_1524 = arith.constant true
      %reduce_sum3A_1525 = vector.broadcast %reduce_sum3A_1524 : i1 to vector<16xi1>
      %reduce_sum3A_1526 = tpu.scan <sum>, %add3A_1502 masked %reduce_sum3A_1525 : vector<16xf32>, vector<16xi1> -> vector<16xf32>
      %reduce_sum3A_1527 = vector.extract %reduce_sum3A_1526[15] : f32 from vector<16xf32>
      %broadcast_in_dim3A_1528 = vector.broadcast %reduce_sum3A_1527 : f32 to vector<16xf32>
      %select_n3A_1529 = arith.select %eq3A_1523, %broadcast_in_dim3A_1528, %select_n3A_1424 : vector<16xi1>, vector<16xf32>
      %mul3A_1530 = arith.constant 16 : i32
      %mul3A_1531 = arith.muli %scan3A_146, %mul3A_1530 : i32
      %add3A_1532 = arith.constant 13 : i32
      %add3A_1533 = arith.addi %mul3A_1531, %add3A_1532 : i32
      %slice3A_1534 = vector.extract_strided_slice %mul3A_156 {offsets = [13], sizes = [1], strides = [1]} : vector<16xi32> to vector<1xi32>
      %squeeze3A_1535 = vector.extract %slice3A_1534[0] : i32 from vector<1xi32>
      %slice3A_1536 = vector.extract_strided_slice %mul3A_164 {offsets = [13], sizes = [1], strides = [1]} : vector<16xi32> to vector<1xi32>
      %squeeze3A_1537 = vector.extract %slice3A_1536[0] : i32 from vector<1xi32>
      %broadcast_in_dim3A_1538 = arith.constant 0.000000e+00 : f32
      %broadcast_in_dim3A_1539 = vector.broadcast %broadcast_in_dim3A_1538 : f32 to vector<16xf32>
      %broadcast_in_dim3A_1540 = arith.constant 0.000000e+00 : f32
      %broadcast_in_dim3A_1541 = vector.broadcast %broadcast_in_dim3A_1540 : f32 to vector<16xf32>
      %broadcast_in_dim3A_1542 = arith.constant 0.000000e+00 : f32
      %broadcast_in_dim3A_1543 = vector.broadcast %broadcast_in_dim3A_1542 : f32 to vector<16xf32>
      %add3A_1544 = arith.constant 0 : i32
      %add3A_1545 = arith.addi %squeeze3A_1535, %add3A_1544 : i32
      %get3A_1546 = arith.index_cast %add3A_1533 : i32 to index
      %get3A_1547 = arith.index_cast %add3A_1545 : i32 to index
      %get3A_1548 = tpu.vector_load %arg13[%get3A_1546, %get3A_1547] {strides = array<i32>} : memref<256x128xf32, #tpu.memory_space<vmem>>, vector<16xf32>,
      %add3A_1549 = arith.constant 0 : i32
      %add3A_1550 = arith.addi %squeeze3A_1537, %add3A_1549 : i32
      %get3A_1551 = arith.index_cast %add3A_1533 : i32 to index
      %get3A_1552 = arith.index_cast %add3A_1550 : i32 to index
      %get3A_1553 = tpu.vector_load %arg14[%get3A_1551, %get3A_1552] {strides = array<i32>} : memref<256x128xf32, #tpu.memory_space<vmem>>, vector<16xf32>,
      %mul3A_1554 = arith.mulf %get3A_1548, %get3A_1553 : vector<16xf32>
      %add3A_1555 = arith.addf %broadcast_in_dim3A_1539, %mul3A_1554 : vector<16xf32>
      %mul3A_1556 = arith.mulf %get3A_1548, %get3A_1548 : vector<16xf32>
      %add3A_1557 = arith.addf %broadcast_in_dim3A_1541, %mul3A_1556 : vector<16xf32>
      %mul3A_1558 = arith.mulf %get3A_1553, %get3A_1553 : vector<16xf32>
      %add3A_1559 = arith.addf %broadcast_in_dim3A_1543, %mul3A_1558 : vector<16xf32>
      %add3A_1560 = arith.constant 16 : i32
      %add3A_1561 = arith.addi %squeeze3A_1535, %add3A_1560 : i32
      %get3A_1562 = arith.index_cast %add3A_1533 : i32 to index
      %get3A_1563 = arith.index_cast %add3A_1561 : i32 to index
      %get3A_1564 = tpu.vector_load %arg13[%get3A_1562, %get3A_1563] {strides = array<i32>} : memref<256x128xf32, #tpu.memory_space<vmem>>, vector<16xf32>,
      %add3A_1565 = arith.constant 16 : i32
      %add3A_1566 = arith.addi %squeeze3A_1537, %add3A_1565 : i32
      %get3A_1567 = arith.index_cast %add3A_1533 : i32 to index
      %get3A_1568 = arith.index_cast %add3A_1566 : i32 to index
      %get3A_1569 = tpu.vector_load %arg14[%get3A_1567, %get3A_1568] {strides = array<i32>} : memref<256x128xf32, #tpu.memory_space<vmem>>, vector<16xf32>,
      %mul3A_1570 = arith.mulf %get3A_1564, %get3A_1569 : vector<16xf32>
      %add3A_1571 = arith.addf %add3A_1555, %mul3A_1570 : vector<16xf32>
      %mul3A_1572 = arith.mulf %get3A_1564, %get3A_1564 : vector<16xf32>
      %add3A_1573 = arith.addf %add3A_1557, %mul3A_1572 : vector<16xf32>
      %mul3A_1574 = arith.mulf %get3A_1569, %get3A_1569 : vector<16xf32>
      %add3A_1575 = arith.addf %add3A_1559, %mul3A_1574 : vector<16xf32>
      %add3A_1576 = arith.constant 32 : i32
      %add3A_1577 = arith.addi %squeeze3A_1535, %add3A_1576 : i32
      %get3A_1578 = arith.index_cast %add3A_1533 : i32 to index
      %get3A_1579 = arith.index_cast %add3A_1577 : i32 to index
      %get3A_1580 = tpu.vector_load %arg13[%get3A_1578, %get3A_1579] {strides = array<i32>} : memref<256x128xf32, #tpu.memory_space<vmem>>, vector<16xf32>,
      %add3A_1581 = arith.constant 32 : i32
      %add3A_1582 = arith.addi %squeeze3A_1537, %add3A_1581 : i32
      %get3A_1583 = arith.index_cast %add3A_1533 : i32 to index
      %get3A_1584 = arith.index_cast %add3A_1582 : i32 to index
      %get3A_1585 = tpu.vector_load %arg14[%get3A_1583, %get3A_1584] {strides = array<i32>} : memref<256x128xf32, #tpu.memory_space<vmem>>, vector<16xf32>,
      %mul3A_1586 = arith.mulf %get3A_1580, %get3A_1585 : vector<16xf32>
      %add3A_1587 = arith.addf %add3A_1571, %mul3A_1586 : vector<16xf32>
      %mul3A_1588 = arith.mulf %get3A_1580, %get3A_1580 : vector<16xf32>
      %add3A_1589 = arith.addf %add3A_1573, %mul3A_1588 : vector<16xf32>
      %mul3A_1590 = arith.mulf %get3A_1585, %get3A_1585 : vector<16xf32>
      %add3A_1591 = arith.addf %add3A_1575, %mul3A_1590 : vector<16xf32>
      %add3A_1592 = arith.constant 48 : i32
      %add3A_1593 = arith.addi %squeeze3A_1535, %add3A_1592 : i32
      %get3A_1594 = arith.index_cast %add3A_1533 : i32 to index
      %get3A_1595 = arith.index_cast %add3A_1593 : i32 to index
      %get3A_1596 = tpu.vector_load %arg13[%get3A_1594, %get3A_1595] {strides = array<i32>} : memref<256x128xf32, #tpu.memory_space<vmem>>, vector<16xf32>,
      %add3A_1597 = arith.constant 48 : i32
      %add3A_1598 = arith.addi %squeeze3A_1537, %add3A_1597 : i32
      %get3A_1599 = arith.index_cast %add3A_1533 : i32 to index
      %get3A_1600 = arith.index_cast %add3A_1598 : i32 to index
      %get3A_1601 = tpu.vector_load %arg14[%get3A_1599, %get3A_1600] {strides = array<i32>} : memref<256x128xf32, #tpu.memory_space<vmem>>, vector<16xf32>,
      %mul3A_1602 = arith.mulf %get3A_1596, %get3A_1601 : vector<16xf32>
      %add3A_1603 = arith.addf %add3A_1587, %mul3A_1602 : vector<16xf32>
      %mul3A_1604 = arith.mulf %get3A_1596, %get3A_1596 : vector<16xf32>
      %add3A_1605 = arith.addf %add3A_1589, %mul3A_1604 : vector<16xf32>
      %mul3A_1606 = arith.mulf %get3A_1601, %get3A_1601 : vector<16xf32>
      %add3A_1607 = arith.addf %add3A_1591, %mul3A_1606 : vector<16xf32>
      %eq3A_1608 = arith.constant 13 : i32
      %eq3A_1609 = vector.broadcast %eq3A_1608 : i32 to vector<16xi32>
      %eq3A_1610 = arith.cmpi eq, %iota3A, %eq3A_1609 : vector<16xi32>
      %reduce_sum3A_1611 = arith.constant true
      %reduce_sum3A_1612 = vector.broadcast %reduce_sum3A_1611 : i1 to vector<16xi1>
      %reduce_sum3A_1613 = tpu.scan <sum>, %add3A_1603 masked %reduce_sum3A_1612 : vector<16xf32>, vector<16xi1> -> vector<16xf32>
      %reduce_sum3A_1614 = vector.extract %reduce_sum3A_1613[15] : f32 from vector<16xf32>
      %broadcast_in_dim3A_1615 = vector.broadcast %reduce_sum3A_1614 : f32 to vector<16xf32>
      %select_n3A_1616 = arith.select %eq3A_1610, %broadcast_in_dim3A_1615, %select_n3A_1511 : vector<16xi1>, vector<16xf32>
      %eq3A_1617 = arith.constant 13 : i32
      %eq3A_1618 = vector.broadcast %eq3A_1617 : i32 to vector<16xi32>
      %eq3A_1619 = arith.cmpi eq, %iota3A, %eq3A_1618 : vector<16xi32>
      %reduce_sum3A_1620 = arith.constant true
      %reduce_sum3A_1621 = vector.broadcast %reduce_sum3A_1620 : i1 to vector<16xi1>
      %reduce_sum3A_1622 = tpu.scan <sum>, %add3A_1605 masked %reduce_sum3A_1621 : vector<16xf32>, vector<16xi1> -> vector<16xf32>
      %reduce_sum3A_1623 = vector.extract %reduce_sum3A_1622[15] : f32 from vector<16xf32>
      %broadcast_in_dim3A_1624 = vector.broadcast %reduce_sum3A_1623 : f32 to vector<16xf32>
      %select_n3A_1625 = arith.select %eq3A_1619, %broadcast_in_dim3A_1624, %select_n3A_1520 : vector<16xi1>, vector<16xf32>
      %eq3A_1626 = arith.constant 13 : i32
      %eq3A_1627 = vector.broadcast %eq3A_1626 : i32 to vector<16xi32>
      %eq3A_1628 = arith.cmpi eq, %iota3A, %eq3A_1627 : vector<16xi32>
      %reduce_sum3A_1629 = arith.constant true
      %reduce_sum3A_1630 = vector.broadcast %reduce_sum3A_1629 : i1 to vector<16xi1>
      %reduce_sum3A_1631 = tpu.scan <sum>, %add3A_1607 masked %reduce_sum3A_1630 : vector<16xf32>, vector<16xi1> -> vector<16xf32>
      %reduce_sum3A_1632 = vector.extract %reduce_sum3A_1631[15] : f32 from vector<16xf32>
      %broadcast_in_dim3A_1633 = vector.broadcast %reduce_sum3A_1632 : f32 to vector<16xf32>
      %select_n3A_1634 = arith.select %eq3A_1628, %broadcast_in_dim3A_1633, %select_n3A_1529 : vector<16xi1>, vector<16xf32>
      %mul3A_1635 = arith.constant 16 : i32
      %mul3A_1636 = arith.muli %scan3A_146, %mul3A_1635 : i32
      %add3A_1637 = arith.constant 14 : i32
      %add3A_1638 = arith.addi %mul3A_1636, %add3A_1637 : i32
      %slice3A_1639 = vector.extract_strided_slice %mul3A_156 {offsets = [14], sizes = [1], strides = [1]} : vector<16xi32> to vector<1xi32>
      %squeeze3A_1640 = vector.extract %slice3A_1639[0] : i32 from vector<1xi32>
      %slice3A_1641 = vector.extract_strided_slice %mul3A_164 {offsets = [14], sizes = [1], strides = [1]} : vector<16xi32> to vector<1xi32>
      %squeeze3A_1642 = vector.extract %slice3A_1641[0] : i32 from vector<1xi32>
      %broadcast_in_dim3A_1643 = arith.constant 0.000000e+00 : f32
      %broadcast_in_dim3A_1644 = vector.broadcast %broadcast_in_dim3A_1643 : f32 to vector<16xf32>
      %broadcast_in_dim3A_1645 = arith.constant 0.000000e+00 : f32
      %broadcast_in_dim3A_1646 = vector.broadcast %broadcast_in_dim3A_1645 : f32 to vector<16xf32>
      %broadcast_in_dim3A_1647 = arith.constant 0.000000e+00 : f32
      %broadcast_in_dim3A_1648 = vector.broadcast %broadcast_in_dim3A_1647 : f32 to vector<16xf32>
      %add3A_1649 = arith.constant 0 : i32
      %add3A_1650 = arith.addi %squeeze3A_1640, %add3A_1649 : i32
      %get3A_1651 = arith.index_cast %add3A_1638 : i32 to index
      %get3A_1652 = arith.index_cast %add3A_1650 : i32 to index
      %get3A_1653 = tpu.vector_load %arg13[%get3A_1651, %get3A_1652] {strides = array<i32>} : memref<256x128xf32, #tpu.memory_space<vmem>>, vector<16xf32>,
      %add3A_1654 = arith.constant 0 : i32
      %add3A_1655 = arith.addi %squeeze3A_1642, %add3A_1654 : i32
      %get3A_1656 = arith.index_cast %add3A_1638 : i32 to index
      %get3A_1657 = arith.index_cast %add3A_1655 : i32 to index
      %get3A_1658 = tpu.vector_load %arg14[%get3A_1656, %get3A_1657] {strides = array<i32>} : memref<256x128xf32, #tpu.memory_space<vmem>>, vector<16xf32>,
      %mul3A_1659 = arith.mulf %get3A_1653, %get3A_1658 : vector<16xf32>
      %add3A_1660 = arith.addf %broadcast_in_dim3A_1644, %mul3A_1659 : vector<16xf32>
      %mul3A_1661 = arith.mulf %get3A_1653, %get3A_1653 : vector<16xf32>
      %add3A_1662 = arith.addf %broadcast_in_dim3A_1646, %mul3A_1661 : vector<16xf32>
      %mul3A_1663 = arith.mulf %get3A_1658, %get3A_1658 : vector<16xf32>
      %add3A_1664 = arith.addf %broadcast_in_dim3A_1648, %mul3A_1663 : vector<16xf32>
      %add3A_1665 = arith.constant 16 : i32
      %add3A_1666 = arith.addi %squeeze3A_1640, %add3A_1665 : i32
      %get3A_1667 = arith.index_cast %add3A_1638 : i32 to index
      %get3A_1668 = arith.index_cast %add3A_1666 : i32 to index
      %get3A_1669 = tpu.vector_load %arg13[%get3A_1667, %get3A_1668] {strides = array<i32>} : memref<256x128xf32, #tpu.memory_space<vmem>>, vector<16xf32>,
      %add3A_1670 = arith.constant 16 : i32
      %add3A_1671 = arith.addi %squeeze3A_1642, %add3A_1670 : i32
      %get3A_1672 = arith.index_cast %add3A_1638 : i32 to index
      %get3A_1673 = arith.index_cast %add3A_1671 : i32 to index
      %get3A_1674 = tpu.vector_load %arg14[%get3A_1672, %get3A_1673] {strides = array<i32>} : memref<256x128xf32, #tpu.memory_space<vmem>>, vector<16xf32>,
      %mul3A_1675 = arith.mulf %get3A_1669, %get3A_1674 : vector<16xf32>
      %add3A_1676 = arith.addf %add3A_1660, %mul3A_1675 : vector<16xf32>
      %mul3A_1677 = arith.mulf %get3A_1669, %get3A_1669 : vector<16xf32>
      %add3A_1678 = arith.addf %add3A_1662, %mul3A_1677 : vector<16xf32>
      %mul3A_1679 = arith.mulf %get3A_1674, %get3A_1674 : vector<16xf32>
      %add3A_1680 = arith.addf %add3A_1664, %mul3A_1679 : vector<16xf32>
      %add3A_1681 = arith.constant 32 : i32
      %add3A_1682 = arith.addi %squeeze3A_1640, %add3A_1681 : i32
      %get3A_1683 = arith.index_cast %add3A_1638 : i32 to index
      %get3A_1684 = arith.index_cast %add3A_1682 : i32 to index
      %get3A_1685 = tpu.vector_load %arg13[%get3A_1683, %get3A_1684] {strides = array<i32>} : memref<256x128xf32, #tpu.memory_space<vmem>>, vector<16xf32>,
      %add3A_1686 = arith.constant 32 : i32
      %add3A_1687 = arith.addi %squeeze3A_1642, %add3A_1686 : i32
      %get3A_1688 = arith.index_cast %add3A_1638 : i32 to index
      %get3A_1689 = arith.index_cast %add3A_1687 : i32 to index
      %get3A_1690 = tpu.vector_load %arg14[%get3A_1688, %get3A_1689] {strides = array<i32>} : memref<256x128xf32, #tpu.memory_space<vmem>>, vector<16xf32>,
      %mul3A_1691 = arith.mulf %get3A_1685, %get3A_1690 : vector<16xf32>
      %add3A_1692 = arith.addf %add3A_1676, %mul3A_1691 : vector<16xf32>
      %mul3A_1693 = arith.mulf %get3A_1685, %get3A_1685 : vector<16xf32>
      %add3A_1694 = arith.addf %add3A_1678, %mul3A_1693 : vector<16xf32>
      %mul3A_1695 = arith.mulf %get3A_1690, %get3A_1690 : vector<16xf32>
      %add3A_1696 = arith.addf %add3A_1680, %mul3A_1695 : vector<16xf32>
      %add3A_1697 = arith.constant 48 : i32
      %add3A_1698 = arith.addi %squeeze3A_1640, %add3A_1697 : i32
      %get3A_1699 = arith.index_cast %add3A_1638 : i32 to index
      %get3A_1700 = arith.index_cast %add3A_1698 : i32 to index
      %get3A_1701 = tpu.vector_load %arg13[%get3A_1699, %get3A_1700] {strides = array<i32>} : memref<256x128xf32, #tpu.memory_space<vmem>>, vector<16xf32>,
      %add3A_1702 = arith.constant 48 : i32
      %add3A_1703 = arith.addi %squeeze3A_1642, %add3A_1702 : i32
      %get3A_1704 = arith.index_cast %add3A_1638 : i32 to index
      %get3A_1705 = arith.index_cast %add3A_1703 : i32 to index
      %get3A_1706 = tpu.vector_load %arg14[%get3A_1704, %get3A_1705] {strides = array<i32>} : memref<256x128xf32, #tpu.memory_space<vmem>>, vector<16xf32>,
      %mul3A_1707 = arith.mulf %get3A_1701, %get3A_1706 : vector<16xf32>
      %add3A_1708 = arith.addf %add3A_1692, %mul3A_1707 : vector<16xf32>
      %mul3A_1709 = arith.mulf %get3A_1701, %get3A_1701 : vector<16xf32>
      %add3A_1710 = arith.addf %add3A_1694, %mul3A_1709 : vector<16xf32>
      %mul3A_1711 = arith.mulf %get3A_1706, %get3A_1706 : vector<16xf32>
      %add3A_1712 = arith.addf %add3A_1696, %mul3A_1711 : vector<16xf32>
      %eq3A_1713 = arith.constant 14 : i32
      %eq3A_1714 = vector.broadcast %eq3A_1713 : i32 to vector<16xi32>
      %eq3A_1715 = arith.cmpi eq, %iota3A, %eq3A_1714 : vector<16xi32>
      %reduce_sum3A_1716 = arith.constant true
      %reduce_sum3A_1717 = vector.broadcast %reduce_sum3A_1716 : i1 to vector<16xi1>
      %reduce_sum3A_1718 = tpu.scan <sum>, %add3A_1708 masked %reduce_sum3A_1717 : vector<16xf32>, vector<16xi1> -> vector<16xf32>
      %reduce_sum3A_1719 = vector.extract %reduce_sum3A_1718[15] : f32 from vector<16xf32>
      %broadcast_in_dim3A_1720 = vector.broadcast %reduce_sum3A_1719 : f32 to vector<16xf32>
      %select_n3A_1721 = arith.select %eq3A_1715, %broadcast_in_dim3A_1720, %select_n3A_1616 : vector<16xi1>, vector<16xf32>
      %eq3A_1722 = arith.constant 14 : i32
      %eq3A_1723 = vector.broadcast %eq3A_1722 : i32 to vector<16xi32>
      %eq3A_1724 = arith.cmpi eq, %iota3A, %eq3A_1723 : vector<16xi32>
      %reduce_sum3A_1725 = arith.constant true
      %reduce_sum3A_1726 = vector.broadcast %reduce_sum3A_1725 : i1 to vector<16xi1>
      %reduce_sum3A_1727 = tpu.scan <sum>, %add3A_1710 masked %reduce_sum3A_1726 : vector<16xf32>, vector<16xi1> -> vector<16xf32>
      %reduce_sum3A_1728 = vector.extract %reduce_sum3A_1727[15] : f32 from vector<16xf32>
      %broadcast_in_dim3A_1729 = vector.broadcast %reduce_sum3A_1728 : f32 to vector<16xf32>
      %select_n3A_1730 = arith.select %eq3A_1724, %broadcast_in_dim3A_1729, %select_n3A_1625 : vector<16xi1>, vector<16xf32>
      %eq3A_1731 = arith.constant 14 : i32
      %eq3A_1732 = vector.broadcast %eq3A_1731 : i32 to vector<16xi32>
      %eq3A_1733 = arith.cmpi eq, %iota3A, %eq3A_1732 : vector<16xi32>
      %reduce_sum3A_1734 = arith.constant true
      %reduce_sum3A_1735 = vector.broadcast %reduce_sum3A_1734 : i1 to vector<16xi1>
      %reduce_sum3A_1736 = tpu.scan <sum>, %add3A_1712 masked %reduce_sum3A_1735 : vector<16xf32>, vector<16xi1> -> vector<16xf32>
      %reduce_sum3A_1737 = vector.extract %reduce_sum3A_1736[15] : f32 from vector<16xf32>
      %broadcast_in_dim3A_1738 = vector.broadcast %reduce_sum3A_1737 : f32 to vector<16xf32>
      %select_n3A_1739 = arith.select %eq3A_1733, %broadcast_in_dim3A_1738, %select_n3A_1634 : vector<16xi1>, vector<16xf32>
      %mul3A_1740 = arith.constant 16 : i32
      %mul3A_1741 = arith.muli %scan3A_146, %mul3A_1740 : i32
      %add3A_1742 = arith.constant 15 : i32
      %add3A_1743 = arith.addi %mul3A_1741, %add3A_1742 : i32
      %slice3A_1744 = vector.extract_strided_slice %mul3A_156 {offsets = [15], sizes = [1], strides = [1]} : vector<16xi32> to vector<1xi32>
      %squeeze3A_1745 = vector.extract %slice3A_1744[0] : i32 from vector<1xi32>
      %slice3A_1746 = vector.extract_strided_slice %mul3A_164 {offsets = [15], sizes = [1], strides = [1]} : vector<16xi32> to vector<1xi32>
      %squeeze3A_1747 = vector.extract %slice3A_1746[0] : i32 from vector<1xi32>
      %broadcast_in_dim3A_1748 = arith.constant 0.000000e+00 : f32
      %broadcast_in_dim3A_1749 = vector.broadcast %broadcast_in_dim3A_1748 : f32 to vector<16xf32>
      %broadcast_in_dim3A_1750 = arith.constant 0.000000e+00 : f32
      %broadcast_in_dim3A_1751 = vector.broadcast %broadcast_in_dim3A_1750 : f32 to vector<16xf32>
      %broadcast_in_dim3A_1752 = arith.constant 0.000000e+00 : f32
      %broadcast_in_dim3A_1753 = vector.broadcast %broadcast_in_dim3A_1752 : f32 to vector<16xf32>
      %add3A_1754 = arith.constant 0 : i32
      %add3A_1755 = arith.addi %squeeze3A_1745, %add3A_1754 : i32
      %get3A_1756 = arith.index_cast %add3A_1743 : i32 to index
      %get3A_1757 = arith.index_cast %add3A_1755 : i32 to index
      %get3A_1758 = tpu.vector_load %arg13[%get3A_1756, %get3A_1757] {strides = array<i32>} : memref<256x128xf32, #tpu.memory_space<vmem>>, vector<16xf32>,
      %add3A_1759 = arith.constant 0 : i32
      %add3A_1760 = arith.addi %squeeze3A_1747, %add3A_1759 : i32
      %get3A_1761 = arith.index_cast %add3A_1743 : i32 to index
      %get3A_1762 = arith.index_cast %add3A_1760 : i32 to index
      %get3A_1763 = tpu.vector_load %arg14[%get3A_1761, %get3A_1762] {strides = array<i32>} : memref<256x128xf32, #tpu.memory_space<vmem>>, vector<16xf32>,
      %mul3A_1764 = arith.mulf %get3A_1758, %get3A_1763 : vector<16xf32>
      %add3A_1765 = arith.addf %broadcast_in_dim3A_1749, %mul3A_1764 : vector<16xf32>
      %mul3A_1766 = arith.mulf %get3A_1758, %get3A_1758 : vector<16xf32>
      %add3A_1767 = arith.addf %broadcast_in_dim3A_1751, %mul3A_1766 : vector<16xf32>
      %mul3A_1768 = arith.mulf %get3A_1763, %get3A_1763 : vector<16xf32>
      %add3A_1769 = arith.addf %broadcast_in_dim3A_1753, %mul3A_1768 : vector<16xf32>
      %add3A_1770 = arith.constant 16 : i32
      %add3A_1771 = arith.addi %squeeze3A_1745, %add3A_1770 : i32
      %get3A_1772 = arith.index_cast %add3A_1743 : i32 to index
      %get3A_1773 = arith.index_cast %add3A_1771 : i32 to index
      %get3A_1774 = tpu.vector_load %arg13[%get3A_1772, %get3A_1773] {strides = array<i32>} : memref<256x128xf32, #tpu.memory_space<vmem>>, vector<16xf32>,
      %add3A_1775 = arith.constant 16 : i32
      %add3A_1776 = arith.addi %squeeze3A_1747, %add3A_1775 : i32
      %get3A_1777 = arith.index_cast %add3A_1743 : i32 to index
      %get3A_1778 = arith.index_cast %add3A_1776 : i32 to index
      %get3A_1779 = tpu.vector_load %arg14[%get3A_1777, %get3A_1778] {strides = array<i32>} : memref<256x128xf32, #tpu.memory_space<vmem>>, vector<16xf32>,
      %mul3A_1780 = arith.mulf %get3A_1774, %get3A_1779 : vector<16xf32>
      %add3A_1781 = arith.addf %add3A_1765, %mul3A_1780 : vector<16xf32>
      %mul3A_1782 = arith.mulf %get3A_1774, %get3A_1774 : vector<16xf32>
      %add3A_1783 = arith.addf %add3A_1767, %mul3A_1782 : vector<16xf32>
      %mul3A_1784 = arith.mulf %get3A_1779, %get3A_1779 : vector<16xf32>
      %add3A_1785 = arith.addf %add3A_1769, %mul3A_1784 : vector<16xf32>
      %add3A_1786 = arith.constant 32 : i32
      %add3A_1787 = arith.addi %squeeze3A_1745, %add3A_1786 : i32
      %get3A_1788 = arith.index_cast %add3A_1743 : i32 to index
      %get3A_1789 = arith.index_cast %add3A_1787 : i32 to index
      %get3A_1790 = tpu.vector_load %arg13[%get3A_1788, %get3A_1789] {strides = array<i32>} : memref<256x128xf32, #tpu.memory_space<vmem>>, vector<16xf32>,
      %add3A_1791 = arith.constant 32 : i32
      %add3A_1792 = arith.addi %squeeze3A_1747, %add3A_1791 : i32
      %get3A_1793 = arith.index_cast %add3A_1743 : i32 to index
      %get3A_1794 = arith.index_cast %add3A_1792 : i32 to index
      %get3A_1795 = tpu.vector_load %arg14[%get3A_1793, %get3A_1794] {strides = array<i32>} : memref<256x128xf32, #tpu.memory_space<vmem>>, vector<16xf32>,
      %mul3A_1796 = arith.mulf %get3A_1790, %get3A_1795 : vector<16xf32>
      %add3A_1797 = arith.addf %add3A_1781, %mul3A_1796 : vector<16xf32>
      %mul3A_1798 = arith.mulf %get3A_1790, %get3A_1790 : vector<16xf32>
      %add3A_1799 = arith.addf %add3A_1783, %mul3A_1798 : vector<16xf32>
      %mul3A_1800 = arith.mulf %get3A_1795, %get3A_1795 : vector<16xf32>
      %add3A_1801 = arith.addf %add3A_1785, %mul3A_1800 : vector<16xf32>
      %add3A_1802 = arith.constant 48 : i32
      %add3A_1803 = arith.addi %squeeze3A_1745, %add3A_1802 : i32
      %get3A_1804 = arith.index_cast %add3A_1743 : i32 to index
      %get3A_1805 = arith.index_cast %add3A_1803 : i32 to index
      %get3A_1806 = tpu.vector_load %arg13[%get3A_1804, %get3A_1805] {strides = array<i32>} : memref<256x128xf32, #tpu.memory_space<vmem>>, vector<16xf32>,
      %add3A_1807 = arith.constant 48 : i32
      %add3A_1808 = arith.addi %squeeze3A_1747, %add3A_1807 : i32
      %get3A_1809 = arith.index_cast %add3A_1743 : i32 to index
      %get3A_1810 = arith.index_cast %add3A_1808 : i32 to index
      %get3A_1811 = tpu.vector_load %arg14[%get3A_1809, %get3A_1810] {strides = array<i32>} : memref<256x128xf32, #tpu.memory_space<vmem>>, vector<16xf32>,
      %mul3A_1812 = arith.mulf %get3A_1806, %get3A_1811 : vector<16xf32>
      %add3A_1813 = arith.addf %add3A_1797, %mul3A_1812 : vector<16xf32>
      %mul3A_1814 = arith.mulf %get3A_1806, %get3A_1806 : vector<16xf32>
      %add3A_1815 = arith.addf %add3A_1799, %mul3A_1814 : vector<16xf32>
      %mul3A_1816 = arith.mulf %get3A_1811, %get3A_1811 : vector<16xf32>
      %add3A_1817 = arith.addf %add3A_1801, %mul3A_1816 : vector<16xf32>
      %eq3A_1818 = arith.constant 15 : i32
      %eq3A_1819 = vector.broadcast %eq3A_1818 : i32 to vector<16xi32>
      %eq3A_1820 = arith.cmpi eq, %iota3A, %eq3A_1819 : vector<16xi32>
      %reduce_sum3A_1821 = arith.constant true
      %reduce_sum3A_1822 = vector.broadcast %reduce_sum3A_1821 : i1 to vector<16xi1>
      %reduce_sum3A_1823 = tpu.scan <sum>, %add3A_1813 masked %reduce_sum3A_1822 : vector<16xf32>, vector<16xi1> -> vector<16xf32>
      %reduce_sum3A_1824 = vector.extract %reduce_sum3A_1823[15] : f32 from vector<16xf32>
      %broadcast_in_dim3A_1825 = vector.broadcast %reduce_sum3A_1824 : f32 to vector<16xf32>
      %select_n3A_1826 = arith.select %eq3A_1820, %broadcast_in_dim3A_1825, %select_n3A_1721 : vector<16xi1>, vector<16xf32>
      %eq3A_1827 = arith.constant 15 : i32
      %eq3A_1828 = vector.broadcast %eq3A_1827 : i32 to vector<16xi32>
      %eq3A_1829 = arith.cmpi eq, %iota3A, %eq3A_1828 : vector<16xi32>
      %reduce_sum3A_1830 = arith.constant true
      %reduce_sum3A_1831 = vector.broadcast %reduce_sum3A_1830 : i1 to vector<16xi1>
      %reduce_sum3A_1832 = tpu.scan <sum>, %add3A_1815 masked %reduce_sum3A_1831 : vector<16xf32>, vector<16xi1> -> vector<16xf32>
      %reduce_sum3A_1833 = vector.extract %reduce_sum3A_1832[15] : f32 from vector<16xf32>
      %broadcast_in_dim3A_1834 = vector.broadcast %reduce_sum3A_1833 : f32 to vector<16xf32>
      %select_n3A_1835 = arith.select %eq3A_1829, %broadcast_in_dim3A_1834, %select_n3A_1730 : vector<16xi1>, vector<16xf32>
      %eq3A_1836 = arith.constant 15 : i32
      %eq3A_1837 = vector.broadcast %eq3A_1836 : i32 to vector<16xi32>
      %eq3A_1838 = arith.cmpi eq, %iota3A, %eq3A_1837 : vector<16xi32>
      %reduce_sum3A_1839 = arith.constant true
      %reduce_sum3A_1840 = vector.broadcast %reduce_sum3A_1839 : i1 to vector<16xi1>
      %reduce_sum3A_1841 = tpu.scan <sum>, %add3A_1817 masked %reduce_sum3A_1840 : vector<16xf32>, vector<16xi1> -> vector<16xf32>
      %reduce_sum3A_1842 = vector.extract %reduce_sum3A_1841[15] : f32 from vector<16xf32>
      %broadcast_in_dim3A_1843 = vector.broadcast %reduce_sum3A_1842 : f32 to vector<16xf32>
      %select_n3A_1844 = arith.select %eq3A_1838, %broadcast_in_dim3A_1843, %select_n3A_1739 : vector<16xi1>, vector<16xf32>
      %swap3A = arith.index_cast %add3A_150 : i32 to index
      %swap3A_1845 = tpu.vector_load %arg15[%swap3A] {strides = array<i32>} : memref<512xf32, #tpu.memory_space<vmem>>, vector<16xf32>,
      tpu.vector_store %arg15[%swap3A], %select_n3A_1826 {strides = array<i32>} : memref<512xf32, #tpu.memory_space<vmem>>, vector<16xf32>,
      %swap3A_1846 = arith.index_cast %add3A_150 : i32 to index
      %swap3A_1847 = tpu.vector_load %arg16[%swap3A_1846] {strides = array<i32>} : memref<512xf32, #tpu.memory_space<vmem>>, vector<16xf32>,
      tpu.vector_store %arg16[%swap3A_1846], %select_n3A_1835 {strides = array<i32>} : memref<512xf32, #tpu.memory_space<vmem>>, vector<16xf32>,
      %swap3A_1848 = arith.index_cast %add3A_150 : i32 to index
      %swap3A_1849 = tpu.vector_load %arg17[%swap3A_1848] {strides = array<i32>} : memref<512xf32, #tpu.memory_space<vmem>>, vector<16xf32>,
      tpu.vector_store %arg17[%swap3A_1848], %select_n3A_1844 {strides = array<i32>} : memref<512xf32, #tpu.memory_space<vmem>>, vector<16xf32>,
    }
    %scan3A_75 = arith.constant 16 : i32
    %dma_start3A_76 = arith.constant 0 : i32
    %dma_start3A_77 = arith.constant 0 : i32
    %dma_start3A_78 = tpu.memref_slice %arg13[%dma_start3A_76, %dma_start3A_77] : memref<256x128xf32, #tpu.memory_space<vmem>> -> memref<128x128xf32, #tpu.memory_space<vmem>>
    %dma_start3A_79 = arith.constant 256 : i32
    %dma_start3A_80 = tpu.memref_slice %arg11[%dma_start3A_79] : memref<512xi32, #tpu.memory_space<vmem>> -> memref<128xi32, #tpu.memory_space<vmem>>
    %dma_start3A_81 = arith.constant 0 : i32
    %dma_start3A_82 = arith.constant 0 : i32
    %dma_start3A_83 = tpu.memref_slice %arg4[%dma_start3A_81, %dma_start3A_82] : memref<50000x128xf32, #tpu.memory_space<hbm>> -> memref<50000x128xf32, #tpu.memory_space<hbm>>
    tpu.enqueue_indirect_dma source(%dma_start3A_83 : memref<50000x128xf32, #tpu.memory_space<hbm>>) target(%dma_start3A_78 : memref<128x128xf32, #tpu.memory_space<vmem>>) offsets(%dma_start3A_80 : memref<128xi32, #tpu.memory_space<vmem>>) semaphore(%arg18 : memref<!tpu.dma_semaphore, #tpu.memory_space<semaphore_mem>>)
    %dma_start3A_84 = arith.constant 0 : i32
    %dma_start3A_85 = arith.constant 0 : i32
    %dma_start3A_86 = tpu.memref_slice %arg14[%dma_start3A_84, %dma_start3A_85] : memref<256x128xf32, #tpu.memory_space<vmem>> -> memref<128x128xf32, #tpu.memory_space<vmem>>
    %dma_start3A_87 = arith.constant 256 : i32
    %dma_start3A_88 = tpu.memref_slice %arg12[%dma_start3A_87] : memref<512xi32, #tpu.memory_space<vmem>> -> memref<128xi32, #tpu.memory_space<vmem>>
    %dma_start3A_89 = arith.constant 0 : i32
    %dma_start3A_90 = arith.constant 0 : i32
    %dma_start3A_91 = tpu.memref_slice %arg5[%dma_start3A_89, %dma_start3A_90] : memref<50000x128xf32, #tpu.memory_space<hbm>> -> memref<50000x128xf32, #tpu.memory_space<hbm>>
    tpu.enqueue_indirect_dma source(%dma_start3A_91 : memref<50000x128xf32, #tpu.memory_space<hbm>>) target(%dma_start3A_86 : memref<128x128xf32, #tpu.memory_space<vmem>>) offsets(%dma_start3A_88 : memref<128xi32, #tpu.memory_space<vmem>>) semaphore(%arg18 : memref<!tpu.dma_semaphore, #tpu.memory_space<semaphore_mem>>)
    %dma_start3A_92 = arith.constant 128 : i32
    %dma_start3A_93 = arith.constant 0 : i32
    %dma_start3A_94 = tpu.memref_slice %arg13[%dma_start3A_92, %dma_start3A_93] : memref<256x128xf32, #tpu.memory_space<vmem>> -> memref<128x128xf32, #tpu.memory_space<vmem>>
    %dma_start3A_95 = arith.constant 384 : i32
    %dma_start3A_96 = tpu.memref_slice %arg11[%dma_start3A_95] : memref<512xi32, #tpu.memory_space<vmem>> -> memref<128xi32, #tpu.memory_space<vmem>>
    %dma_start3A_97 = arith.constant 0 : i32
    %dma_start3A_98 = arith.constant 0 : i32
    %dma_start3A_99 = tpu.memref_slice %arg4[%dma_start3A_97, %dma_start3A_98] : memref<50000x128xf32, #tpu.memory_space<hbm>> -> memref<50000x128xf32, #tpu.memory_space<hbm>>
    tpu.enqueue_indirect_dma source(%dma_start3A_99 : memref<50000x128xf32, #tpu.memory_space<hbm>>) target(%dma_start3A_94 : memref<128x128xf32, #tpu.memory_space<vmem>>) offsets(%dma_start3A_96 : memref<128xi32, #tpu.memory_space<vmem>>) semaphore(%arg18 : memref<!tpu.dma_semaphore, #tpu.memory_space<semaphore_mem>>)
    %dma_start3A_100 = arith.constant 128 : i32
    %dma_start3A_101 = arith.constant 0 : i32
    %dma_start3A_102 = tpu.memref_slice %arg14[%dma_start3A_100, %dma_start3A_101] : memref<256x128xf32, #tpu.memory_space<vmem>> -> memref<128x128xf32, #tpu.memory_space<vmem>>
    %dma_start3A_103 = arith.constant 384 : i32
    %dma_start3A_104 = tpu.memref_slice %arg12[%dma_start3A_103] : memref<512xi32, #tpu.memory_space<vmem>> -> memref<128xi32, #tpu.memory_space<vmem>>
    %dma_start3A_105 = arith.constant 0 : i32
    %dma_start3A_106 = arith.constant 0 : i32
    %dma_start3A_107 = tpu.memref_slice %arg5[%dma_start3A_105, %dma_start3A_106] : memref<50000x128xf32, #tpu.memory_space<hbm>> -> memref<50000x128xf32, #tpu.memory_space<hbm>>
    tpu.enqueue_indirect_dma source(%dma_start3A_107 : memref<50000x128xf32, #tpu.memory_space<hbm>>) target(%dma_start3A_102 : memref<128x128xf32, #tpu.memory_space<vmem>>) offsets(%dma_start3A_104 : memref<128xi32, #tpu.memory_space<vmem>>) semaphore(%arg18 : memref<!tpu.dma_semaphore, #tpu.memory_space<semaphore_mem>>)
    %dma_wait3A_108 = arith.constant 0 : i32
    %dma_wait3A_109 = arith.constant 0 : i32
    %dma_wait3A_110 = tpu.memref_slice %arg13[%dma_wait3A_108, %dma_wait3A_109] : memref<256x128xf32, #tpu.memory_space<vmem>> -> memref<128x128xf32, #tpu.memory_space<vmem>>
    %dma_wait3A_111 = arith.constant 256 : i32
    %dma_wait3A_112 = tpu.memref_slice %arg11[%dma_wait3A_111] : memref<512xi32, #tpu.memory_space<vmem>> -> memref<128xi32, #tpu.memory_space<vmem>>
    %dma_wait3A_113 = arith.constant 0 : i32
    %dma_wait3A_114 = arith.constant 0 : i32
    %dma_wait3A_115 = tpu.memref_slice %arg4[%dma_wait3A_113, %dma_wait3A_114] : memref<50000x128xf32, #tpu.memory_space<hbm>> -> memref<50000x128xf32, #tpu.memory_space<hbm>>
    tpu.wait_indirect_dma semaphore(%arg18 : memref<!tpu.dma_semaphore, #tpu.memory_space<semaphore_mem>>) src(%dma_wait3A_115 : memref<50000x128xf32, #tpu.memory_space<hbm>>) dst(%dma_wait3A_110 : memref<128x128xf32, #tpu.memory_space<vmem>>)
    %dma_wait3A_116 = arith.constant 0 : i32
    %dma_wait3A_117 = arith.constant 0 : i32
    %dma_wait3A_118 = tpu.memref_slice %arg14[%dma_wait3A_116, %dma_wait3A_117] : memref<256x128xf32, #tpu.memory_space<vmem>> -> memref<128x128xf32, #tpu.memory_space<vmem>>
    %dma_wait3A_119 = arith.constant 256 : i32
    %dma_wait3A_120 = tpu.memref_slice %arg12[%dma_wait3A_119] : memref<512xi32, #tpu.memory_space<vmem>> -> memref<128xi32, #tpu.memory_space<vmem>>
    %dma_wait3A_121 = arith.constant 0 : i32
    %dma_wait3A_122 = arith.constant 0 : i32
    %dma_wait3A_123 = tpu.memref_slice %arg5[%dma_wait3A_121, %dma_wait3A_122] : memref<50000x128xf32, #tpu.memory_space<hbm>> -> memref<50000x128xf32, #tpu.memory_space<hbm>>
    tpu.wait_indirect_dma semaphore(%arg18 : memref<!tpu.dma_semaphore, #tpu.memory_space<semaphore_mem>>) src(%dma_wait3A_123 : memref<50000x128xf32, #tpu.memory_space<hbm>>) dst(%dma_wait3A_118 : memref<128x128xf32, #tpu.memory_space<vmem>>)
    %dma_wait3A_124 = arith.constant 128 : i32
    %dma_wait3A_125 = arith.constant 0 : i32
    %dma_wait3A_126 = tpu.memref_slice %arg13[%dma_wait3A_124, %dma_wait3A_125] : memref<256x128xf32, #tpu.memory_space<vmem>> -> memref<128x128xf32, #tpu.memory_space<vmem>>
    %dma_wait3A_127 = arith.constant 384 : i32
    %dma_wait3A_128 = tpu.memref_slice %arg11[%dma_wait3A_127] : memref<512xi32, #tpu.memory_space<vmem>> -> memref<128xi32, #tpu.memory_space<vmem>>
    %dma_wait3A_129 = arith.constant 0 : i32
    %dma_wait3A_130 = arith.constant 0 : i32
    %dma_wait3A_131 = tpu.memref_slice %arg4[%dma_wait3A_129, %dma_wait3A_130] : memref<50000x128xf32, #tpu.memory_space<hbm>> -> memref<50000x128xf32, #tpu.memory_space<hbm>>
    tpu.wait_indirect_dma semaphore(%arg18 : memref<!tpu.dma_semaphore, #tpu.memory_space<semaphore_mem>>) src(%dma_wait3A_131 : memref<50000x128xf32, #tpu.memory_space<hbm>>) dst(%dma_wait3A_126 : memref<128x128xf32, #tpu.memory_space<vmem>>)
    %dma_wait3A_132 = arith.constant 128 : i32
    %dma_wait3A_133 = arith.constant 0 : i32
    %dma_wait3A_134 = tpu.memref_slice %arg14[%dma_wait3A_132, %dma_wait3A_133] : memref<256x128xf32, #tpu.memory_space<vmem>> -> memref<128x128xf32, #tpu.memory_space<vmem>>
    %dma_wait3A_135 = arith.constant 384 : i32
    %dma_wait3A_136 = tpu.memref_slice %arg12[%dma_wait3A_135] : memref<512xi32, #tpu.memory_space<vmem>> -> memref<128xi32, #tpu.memory_space<vmem>>
    %dma_wait3A_137 = arith.constant 0 : i32
    %dma_wait3A_138 = arith.constant 0 : i32
    %dma_wait3A_139 = tpu.memref_slice %arg5[%dma_wait3A_137, %dma_wait3A_138] : memref<50000x128xf32, #tpu.memory_space<hbm>> -> memref<50000x128xf32, #tpu.memory_space<hbm>>
    tpu.wait_indirect_dma semaphore(%arg18 : memref<!tpu.dma_semaphore, #tpu.memory_space<semaphore_mem>>) src(%dma_wait3A_139 : memref<50000x128xf32, #tpu.memory_space<hbm>>) dst(%dma_wait3A_134 : memref<128x128xf32, #tpu.memory_space<vmem>>)
    %scan3A_140 = arith.constant 0 : i32
    %scan3A_141 = arith.constant 0 : i32
    %scan3A_142 = arith.constant 16 : i32
    %scan3A_143 = arith.addi %scan3A_141, %scan3A_142 : i32
    %scan3A_144 = arith.constant 1 : i32
    scf.for %scan3A_146 = %scan3A_141 to %scan3A_143 step %scan3A_144  : i32 {
      %mul3A_147 = arith.constant 16 : i32
      %mul3A_148 = arith.muli %scan3A_146, %mul3A_147 : i32
      %add3A_149 = arith.constant 256 : i32
      %add3A_150 = arith.addi %add3A_149, %mul3A_148 : i32
      %get3A = arith.index_cast %add3A_150 : i32 to index
      %get3A_151 = tpu.vector_load %arg9[%get3A] {strides = array<i32>} : memref<512xi32, #tpu.memory_space<vmem>>, vector<16xi32>,
      %and3A = arith.constant 1 : i32
      %and3A_152 = vector.broadcast %and3A : i32 to vector<16xi32>
      %and3A_153 = arith.andi %get3A_151, %and3A_152 : vector<16xi32>
      %mul3A_154 = arith.constant 64 : i32
      %mul3A_155 = vector.broadcast %mul3A_154 : i32 to vector<16xi32>
      %mul3A_156 = arith.muli %and3A_153, %mul3A_155 : vector<16xi32>
      %get3A_157 = arith.index_cast %add3A_150 : i32 to index
      %get3A_158 = tpu.vector_load %arg10[%get3A_157] {strides = array<i32>} : memref<512xi32, #tpu.memory_space<vmem>>, vector<16xi32>,
      %and3A_159 = arith.constant 1 : i32
      %and3A_160 = vector.broadcast %and3A_159 : i32 to vector<16xi32>
      %and3A_161 = arith.andi %get3A_158, %and3A_160 : vector<16xi32>
      %mul3A_162 = arith.constant 64 : i32
      %mul3A_163 = vector.broadcast %mul3A_162 : i32 to vector<16xi32>
      %mul3A_164 = arith.muli %and3A_161, %mul3A_163 : vector<16xi32>
      %broadcast_in_dim3A = arith.constant 0.000000e+00 : f32
      %broadcast_in_dim3A_165 = vector.broadcast %broadcast_in_dim3A : f32 to vector<16xf32>
      %broadcast_in_dim3A_166 = arith.constant 0.000000e+00 : f32
      %broadcast_in_dim3A_167 = vector.broadcast %broadcast_in_dim3A_166 : f32 to vector<16xf32>
      %broadcast_in_dim3A_168 = arith.constant 0.000000e+00 : f32
      %broadcast_in_dim3A_169 = vector.broadcast %broadcast_in_dim3A_168 : f32 to vector<16xf32>
      %mul3A_170 = arith.constant 16 : i32
      %mul3A_171 = arith.muli %scan3A_146, %mul3A_170 : i32
      %add3A_172 = arith.constant 0 : i32
      %add3A_173 = arith.addi %mul3A_171, %add3A_172 : i32
      %slice3A = vector.extract_strided_slice %mul3A_156 {offsets = [0], sizes = [1], strides = [1]} : vector<16xi32> to vector<1xi32>
      %squeeze3A = vector.extract %slice3A[0] : i32 from vector<1xi32>
      %slice3A_174 = vector.extract_strided_slice %mul3A_164 {offsets = [0], sizes = [1], strides = [1]} : vector<16xi32> to vector<1xi32>
      %squeeze3A_175 = vector.extract %slice3A_174[0] : i32 from vector<1xi32>
      %broadcast_in_dim3A_176 = arith.constant 0.000000e+00 : f32
      %broadcast_in_dim3A_177 = vector.broadcast %broadcast_in_dim3A_176 : f32 to vector<16xf32>
      %broadcast_in_dim3A_178 = arith.constant 0.000000e+00 : f32
      %broadcast_in_dim3A_179 = vector.broadcast %broadcast_in_dim3A_178 : f32 to vector<16xf32>
      %broadcast_in_dim3A_180 = arith.constant 0.000000e+00 : f32
      %broadcast_in_dim3A_181 = vector.broadcast %broadcast_in_dim3A_180 : f32 to vector<16xf32>
      %add3A_182 = arith.constant 0 : i32
      %add3A_183 = arith.addi %squeeze3A, %add3A_182 : i32
      %get3A_184 = arith.index_cast %add3A_173 : i32 to index
      %get3A_185 = arith.index_cast %add3A_183 : i32 to index
      %get3A_186 = tpu.vector_load %arg13[%get3A_184, %get3A_185] {strides = array<i32>} : memref<256x128xf32, #tpu.memory_space<vmem>>, vector<16xf32>,
      %add3A_187 = arith.constant 0 : i32
      %add3A_188 = arith.addi %squeeze3A_175, %add3A_187 : i32
      %get3A_189 = arith.index_cast %add3A_173 : i32 to index
      %get3A_190 = arith.index_cast %add3A_188 : i32 to index
      %get3A_191 = tpu.vector_load %arg14[%get3A_189, %get3A_190] {strides = array<i32>} : memref<256x128xf32, #tpu.memory_space<vmem>>, vector<16xf32>,
      %mul3A_192 = arith.mulf %get3A_186, %get3A_191 : vector<16xf32>
      %add3A_193 = arith.addf %broadcast_in_dim3A_177, %mul3A_192 : vector<16xf32>
      %mul3A_194 = arith.mulf %get3A_186, %get3A_186 : vector<16xf32>
      %add3A_195 = arith.addf %broadcast_in_dim3A_179, %mul3A_194 : vector<16xf32>
      %mul3A_196 = arith.mulf %get3A_191, %get3A_191 : vector<16xf32>
      %add3A_197 = arith.addf %broadcast_in_dim3A_181, %mul3A_196 : vector<16xf32>
      %add3A_198 = arith.constant 16 : i32
      %add3A_199 = arith.addi %squeeze3A, %add3A_198 : i32
      %get3A_200 = arith.index_cast %add3A_173 : i32 to index
      %get3A_201 = arith.index_cast %add3A_199 : i32 to index
      %get3A_202 = tpu.vector_load %arg13[%get3A_200, %get3A_201] {strides = array<i32>} : memref<256x128xf32, #tpu.memory_space<vmem>>, vector<16xf32>,
      %add3A_203 = arith.constant 16 : i32
      %add3A_204 = arith.addi %squeeze3A_175, %add3A_203 : i32
      %get3A_205 = arith.index_cast %add3A_173 : i32 to index
      %get3A_206 = arith.index_cast %add3A_204 : i32 to index
      %get3A_207 = tpu.vector_load %arg14[%get3A_205, %get3A_206] {strides = array<i32>} : memref<256x128xf32, #tpu.memory_space<vmem>>, vector<16xf32>,
      %mul3A_208 = arith.mulf %get3A_202, %get3A_207 : vector<16xf32>
      %add3A_209 = arith.addf %add3A_193, %mul3A_208 : vector<16xf32>
      %mul3A_210 = arith.mulf %get3A_202, %get3A_202 : vector<16xf32>
      %add3A_211 = arith.addf %add3A_195, %mul3A_210 : vector<16xf32>
      %mul3A_212 = arith.mulf %get3A_207, %get3A_207 : vector<16xf32>
      %add3A_213 = arith.addf %add3A_197, %mul3A_212 : vector<16xf32>
      %add3A_214 = arith.constant 32 : i32
      %add3A_215 = arith.addi %squeeze3A, %add3A_214 : i32
      %get3A_216 = arith.index_cast %add3A_173 : i32 to index
      %get3A_217 = arith.index_cast %add3A_215 : i32 to index
      %get3A_218 = tpu.vector_load %arg13[%get3A_216, %get3A_217] {strides = array<i32>} : memref<256x128xf32, #tpu.memory_space<vmem>>, vector<16xf32>,
      %add3A_219 = arith.constant 32 : i32
      %add3A_220 = arith.addi %squeeze3A_175, %add3A_219 : i32
      %get3A_221 = arith.index_cast %add3A_173 : i32 to index
      %get3A_222 = arith.index_cast %add3A_220 : i32 to index
      %get3A_223 = tpu.vector_load %arg14[%get3A_221, %get3A_222] {strides = array<i32>} : memref<256x128xf32, #tpu.memory_space<vmem>>, vector<16xf32>,
      %mul3A_224 = arith.mulf %get3A_218, %get3A_223 : vector<16xf32>
      %add3A_225 = arith.addf %add3A_209, %mul3A_224 : vector<16xf32>
      %mul3A_226 = arith.mulf %get3A_218, %get3A_218 : vector<16xf32>
      %add3A_227 = arith.addf %add3A_211, %mul3A_226 : vector<16xf32>
      %mul3A_228 = arith.mulf %get3A_223, %get3A_223 : vector<16xf32>
      %add3A_229 = arith.addf %add3A_213, %mul3A_228 : vector<16xf32>
      %add3A_230 = arith.constant 48 : i32
      %add3A_231 = arith.addi %squeeze3A, %add3A_230 : i32
      %get3A_232 = arith.index_cast %add3A_173 : i32 to index
      %get3A_233 = arith.index_cast %add3A_231 : i32 to index
      %get3A_234 = tpu.vector_load %arg13[%get3A_232, %get3A_233] {strides = array<i32>} : memref<256x128xf32, #tpu.memory_space<vmem>>, vector<16xf32>,
      %add3A_235 = arith.constant 48 : i32
      %add3A_236 = arith.addi %squeeze3A_175, %add3A_235 : i32
      %get3A_237 = arith.index_cast %add3A_173 : i32 to index
      %get3A_238 = arith.index_cast %add3A_236 : i32 to index
      %get3A_239 = tpu.vector_load %arg14[%get3A_237, %get3A_238] {strides = array<i32>} : memref<256x128xf32, #tpu.memory_space<vmem>>, vector<16xf32>,
      %mul3A_240 = arith.mulf %get3A_234, %get3A_239 : vector<16xf32>
      %add3A_241 = arith.addf %add3A_225, %mul3A_240 : vector<16xf32>
      %mul3A_242 = arith.mulf %get3A_234, %get3A_234 : vector<16xf32>
      %add3A_243 = arith.addf %add3A_227, %mul3A_242 : vector<16xf32>
      %mul3A_244 = arith.mulf %get3A_239, %get3A_239 : vector<16xf32>
      %add3A_245 = arith.addf %add3A_229, %mul3A_244 : vector<16xf32>
      %eq3A = arith.constant 0 : i32
      %eq3A_246 = vector.broadcast %eq3A : i32 to vector<16xi32>
      %eq3A_247 = arith.cmpi eq, %iota3A, %eq3A_246 : vector<16xi32>
      %reduce_sum3A = arith.constant true
      %reduce_sum3A_248 = vector.broadcast %reduce_sum3A : i1 to vector<16xi1>
      %reduce_sum3A_249 = tpu.scan <sum>, %add3A_241 masked %reduce_sum3A_248 : vector<16xf32>, vector<16xi1> -> vector<16xf32>
      %reduce_sum3A_250 = vector.extract %reduce_sum3A_249[15] : f32 from vector<16xf32>
      %broadcast_in_dim3A_251 = vector.broadcast %reduce_sum3A_250 : f32 to vector<16xf32>
      %select_n3A = arith.select %eq3A_247, %broadcast_in_dim3A_251, %broadcast_in_dim3A_165 : vector<16xi1>, vector<16xf32>
      %eq3A_252 = arith.constant 0 : i32
      %eq3A_253 = vector.broadcast %eq3A_252 : i32 to vector<16xi32>
      %eq3A_254 = arith.cmpi eq, %iota3A, %eq3A_253 : vector<16xi32>
      %reduce_sum3A_255 = arith.constant true
      %reduce_sum3A_256 = vector.broadcast %reduce_sum3A_255 : i1 to vector<16xi1>
      %reduce_sum3A_257 = tpu.scan <sum>, %add3A_243 masked %reduce_sum3A_256 : vector<16xf32>, vector<16xi1> -> vector<16xf32>
      %reduce_sum3A_258 = vector.extract %reduce_sum3A_257[15] : f32 from vector<16xf32>
      %broadcast_in_dim3A_259 = vector.broadcast %reduce_sum3A_258 : f32 to vector<16xf32>
      %select_n3A_260 = arith.select %eq3A_254, %broadcast_in_dim3A_259, %broadcast_in_dim3A_167 : vector<16xi1>, vector<16xf32>
      %eq3A_261 = arith.constant 0 : i32
      %eq3A_262 = vector.broadcast %eq3A_261 : i32 to vector<16xi32>
      %eq3A_263 = arith.cmpi eq, %iota3A, %eq3A_262 : vector<16xi32>
      %reduce_sum3A_264 = arith.constant true
      %reduce_sum3A_265 = vector.broadcast %reduce_sum3A_264 : i1 to vector<16xi1>
      %reduce_sum3A_266 = tpu.scan <sum>, %add3A_245 masked %reduce_sum3A_265 : vector<16xf32>, vector<16xi1> -> vector<16xf32>
      %reduce_sum3A_267 = vector.extract %reduce_sum3A_266[15] : f32 from vector<16xf32>
      %broadcast_in_dim3A_268 = vector.broadcast %reduce_sum3A_267 : f32 to vector<16xf32>
      %select_n3A_269 = arith.select %eq3A_263, %broadcast_in_dim3A_268, %broadcast_in_dim3A_169 : vector<16xi1>, vector<16xf32>
      %mul3A_270 = arith.constant 16 : i32
      %mul3A_271 = arith.muli %scan3A_146, %mul3A_270 : i32
      %add3A_272 = arith.constant 1 : i32
      %add3A_273 = arith.addi %mul3A_271, %add3A_272 : i32
      %slice3A_274 = vector.extract_strided_slice %mul3A_156 {offsets = [1], sizes = [1], strides = [1]} : vector<16xi32> to vector<1xi32>
      %squeeze3A_275 = vector.extract %slice3A_274[0] : i32 from vector<1xi32>
      %slice3A_276 = vector.extract_strided_slice %mul3A_164 {offsets = [1], sizes = [1], strides = [1]} : vector<16xi32> to vector<1xi32>
      %squeeze3A_277 = vector.extract %slice3A_276[0] : i32 from vector<1xi32>
      %broadcast_in_dim3A_278 = arith.constant 0.000000e+00 : f32
      %broadcast_in_dim3A_279 = vector.broadcast %broadcast_in_dim3A_278 : f32 to vector<16xf32>
      %broadcast_in_dim3A_280 = arith.constant 0.000000e+00 : f32
      %broadcast_in_dim3A_281 = vector.broadcast %broadcast_in_dim3A_280 : f32 to vector<16xf32>
      %broadcast_in_dim3A_282 = arith.constant 0.000000e+00 : f32
      %broadcast_in_dim3A_283 = vector.broadcast %broadcast_in_dim3A_282 : f32 to vector<16xf32>
      %add3A_284 = arith.constant 0 : i32
      %add3A_285 = arith.addi %squeeze3A_275, %add3A_284 : i32
      %get3A_286 = arith.index_cast %add3A_273 : i32 to index
      %get3A_287 = arith.index_cast %add3A_285 : i32 to index
      %get3A_288 = tpu.vector_load %arg13[%get3A_286, %get3A_287] {strides = array<i32>} : memref<256x128xf32, #tpu.memory_space<vmem>>, vector<16xf32>,
      %add3A_289 = arith.constant 0 : i32
      %add3A_290 = arith.addi %squeeze3A_277, %add3A_289 : i32
      %get3A_291 = arith.index_cast %add3A_273 : i32 to index
      %get3A_292 = arith.index_cast %add3A_290 : i32 to index
      %get3A_293 = tpu.vector_load %arg14[%get3A_291, %get3A_292] {strides = array<i32>} : memref<256x128xf32, #tpu.memory_space<vmem>>, vector<16xf32>,
      %mul3A_294 = arith.mulf %get3A_288, %get3A_293 : vector<16xf32>
      %add3A_295 = arith.addf %broadcast_in_dim3A_279, %mul3A_294 : vector<16xf32>
      %mul3A_296 = arith.mulf %get3A_288, %get3A_288 : vector<16xf32>
      %add3A_297 = arith.addf %broadcast_in_dim3A_281, %mul3A_296 : vector<16xf32>
      %mul3A_298 = arith.mulf %get3A_293, %get3A_293 : vector<16xf32>
      %add3A_299 = arith.addf %broadcast_in_dim3A_283, %mul3A_298 : vector<16xf32>
      %add3A_300 = arith.constant 16 : i32
      %add3A_301 = arith.addi %squeeze3A_275, %add3A_300 : i32
      %get3A_302 = arith.index_cast %add3A_273 : i32 to index
      %get3A_303 = arith.index_cast %add3A_301 : i32 to index
      %get3A_304 = tpu.vector_load %arg13[%get3A_302, %get3A_303] {strides = array<i32>} : memref<256x128xf32, #tpu.memory_space<vmem>>, vector<16xf32>,
      %add3A_305 = arith.constant 16 : i32
      %add3A_306 = arith.addi %squeeze3A_277, %add3A_305 : i32
      %get3A_307 = arith.index_cast %add3A_273 : i32 to index
      %get3A_308 = arith.index_cast %add3A_306 : i32 to index
      %get3A_309 = tpu.vector_load %arg14[%get3A_307, %get3A_308] {strides = array<i32>} : memref<256x128xf32, #tpu.memory_space<vmem>>, vector<16xf32>,
      %mul3A_310 = arith.mulf %get3A_304, %get3A_309 : vector<16xf32>
      %add3A_311 = arith.addf %add3A_295, %mul3A_310 : vector<16xf32>
      %mul3A_312 = arith.mulf %get3A_304, %get3A_304 : vector<16xf32>
      %add3A_313 = arith.addf %add3A_297, %mul3A_312 : vector<16xf32>
      %mul3A_314 = arith.mulf %get3A_309, %get3A_309 : vector<16xf32>
      %add3A_315 = arith.addf %add3A_299, %mul3A_314 : vector<16xf32>
      %add3A_316 = arith.constant 32 : i32
      %add3A_317 = arith.addi %squeeze3A_275, %add3A_316 : i32
      %get3A_318 = arith.index_cast %add3A_273 : i32 to index
      %get3A_319 = arith.index_cast %add3A_317 : i32 to index
      %get3A_320 = tpu.vector_load %arg13[%get3A_318, %get3A_319] {strides = array<i32>} : memref<256x128xf32, #tpu.memory_space<vmem>>, vector<16xf32>,
      %add3A_321 = arith.constant 32 : i32
      %add3A_322 = arith.addi %squeeze3A_277, %add3A_321 : i32
      %get3A_323 = arith.index_cast %add3A_273 : i32 to index
      %get3A_324 = arith.index_cast %add3A_322 : i32 to index
      %get3A_325 = tpu.vector_load %arg14[%get3A_323, %get3A_324] {strides = array<i32>} : memref<256x128xf32, #tpu.memory_space<vmem>>, vector<16xf32>,
      %mul3A_326 = arith.mulf %get3A_320, %get3A_325 : vector<16xf32>
      %add3A_327 = arith.addf %add3A_311, %mul3A_326 : vector<16xf32>
      %mul3A_328 = arith.mulf %get3A_320, %get3A_320 : vector<16xf32>
      %add3A_329 = arith.addf %add3A_313, %mul3A_328 : vector<16xf32>
      %mul3A_330 = arith.mulf %get3A_325, %get3A_325 : vector<16xf32>
      %add3A_331 = arith.addf %add3A_315, %mul3A_330 : vector<16xf32>
      %add3A_332 = arith.constant 48 : i32
      %add3A_333 = arith.addi %squeeze3A_275, %add3A_332 : i32
      %get3A_334 = arith.index_cast %add3A_273 : i32 to index
      %get3A_335 = arith.index_cast %add3A_333 : i32 to index
      %get3A_336 = tpu.vector_load %arg13[%get3A_334, %get3A_335] {strides = array<i32>} : memref<256x128xf32, #tpu.memory_space<vmem>>, vector<16xf32>,
      %add3A_337 = arith.constant 48 : i32
      %add3A_338 = arith.addi %squeeze3A_277, %add3A_337 : i32
      %get3A_339 = arith.index_cast %add3A_273 : i32 to index
      %get3A_340 = arith.index_cast %add3A_338 : i32 to index
      %get3A_341 = tpu.vector_load %arg14[%get3A_339, %get3A_340] {strides = array<i32>} : memref<256x128xf32, #tpu.memory_space<vmem>>, vector<16xf32>,
      %mul3A_342 = arith.mulf %get3A_336, %get3A_341 : vector<16xf32>
      %add3A_343 = arith.addf %add3A_327, %mul3A_342 : vector<16xf32>
      %mul3A_344 = arith.mulf %get3A_336, %get3A_336 : vector<16xf32>
      %add3A_345 = arith.addf %add3A_329, %mul3A_344 : vector<16xf32>
      %mul3A_346 = arith.mulf %get3A_341, %get3A_341 : vector<16xf32>
      %add3A_347 = arith.addf %add3A_331, %mul3A_346 : vector<16xf32>
      %eq3A_348 = arith.constant 1 : i32
      %eq3A_349 = vector.broadcast %eq3A_348 : i32 to vector<16xi32>
      %eq3A_350 = arith.cmpi eq, %iota3A, %eq3A_349 : vector<16xi32>
      %reduce_sum3A_351 = arith.constant true
      %reduce_sum3A_352 = vector.broadcast %reduce_sum3A_351 : i1 to vector<16xi1>
      %reduce_sum3A_353 = tpu.scan <sum>, %add3A_343 masked %reduce_sum3A_352 : vector<16xf32>, vector<16xi1> -> vector<16xf32>
      %reduce_sum3A_354 = vector.extract %reduce_sum3A_353[15] : f32 from vector<16xf32>
      %broadcast_in_dim3A_355 = vector.broadcast %reduce_sum3A_354 : f32 to vector<16xf32>
      %select_n3A_356 = arith.select %eq3A_350, %broadcast_in_dim3A_355, %select_n3A : vector<16xi1>, vector<16xf32>
      %eq3A_357 = arith.constant 1 : i32
      %eq3A_358 = vector.broadcast %eq3A_357 : i32 to vector<16xi32>
      %eq3A_359 = arith.cmpi eq, %iota3A, %eq3A_358 : vector<16xi32>
      %reduce_sum3A_360 = arith.constant true
      %reduce_sum3A_361 = vector.broadcast %reduce_sum3A_360 : i1 to vector<16xi1>
      %reduce_sum3A_362 = tpu.scan <sum>, %add3A_345 masked %reduce_sum3A_361 : vector<16xf32>, vector<16xi1> -> vector<16xf32>
      %reduce_sum3A_363 = vector.extract %reduce_sum3A_362[15] : f32 from vector<16xf32>
      %broadcast_in_dim3A_364 = vector.broadcast %reduce_sum3A_363 : f32 to vector<16xf32>
      %select_n3A_365 = arith.select %eq3A_359, %broadcast_in_dim3A_364, %select_n3A_260 : vector<16xi1>, vector<16xf32>
      %eq3A_366 = arith.constant 1 : i32
      %eq3A_367 = vector.broadcast %eq3A_366 : i32 to vector<16xi32>
      %eq3A_368 = arith.cmpi eq, %iota3A, %eq3A_367 : vector<16xi32>
      %reduce_sum3A_369 = arith.constant true
      %reduce_sum3A_370 = vector.broadcast %reduce_sum3A_369 : i1 to vector<16xi1>
      %reduce_sum3A_371 = tpu.scan <sum>, %add3A_347 masked %reduce_sum3A_370 : vector<16xf32>, vector<16xi1> -> vector<16xf32>
      %reduce_sum3A_372 = vector.extract %reduce_sum3A_371[15] : f32 from vector<16xf32>
      %broadcast_in_dim3A_373 = vector.broadcast %reduce_sum3A_372 : f32 to vector<16xf32>
      %select_n3A_374 = arith.select %eq3A_368, %broadcast_in_dim3A_373, %select_n3A_269 : vector<16xi1>, vector<16xf32>
      %mul3A_375 = arith.constant 16 : i32
      %mul3A_376 = arith.muli %scan3A_146, %mul3A_375 : i32
      %add3A_377 = arith.constant 2 : i32
      %add3A_378 = arith.addi %mul3A_376, %add3A_377 : i32
      %slice3A_379 = vector.extract_strided_slice %mul3A_156 {offsets = [2], sizes = [1], strides = [1]} : vector<16xi32> to vector<1xi32>
      %squeeze3A_380 = vector.extract %slice3A_379[0] : i32 from vector<1xi32>
      %slice3A_381 = vector.extract_strided_slice %mul3A_164 {offsets = [2], sizes = [1], strides = [1]} : vector<16xi32> to vector<1xi32>
      %squeeze3A_382 = vector.extract %slice3A_381[0] : i32 from vector<1xi32>
      %broadcast_in_dim3A_383 = arith.constant 0.000000e+00 : f32
      %broadcast_in_dim3A_384 = vector.broadcast %broadcast_in_dim3A_383 : f32 to vector<16xf32>
      %broadcast_in_dim3A_385 = arith.constant 0.000000e+00 : f32
      %broadcast_in_dim3A_386 = vector.broadcast %broadcast_in_dim3A_385 : f32 to vector<16xf32>
      %broadcast_in_dim3A_387 = arith.constant 0.000000e+00 : f32
      %broadcast_in_dim3A_388 = vector.broadcast %broadcast_in_dim3A_387 : f32 to vector<16xf32>
      %add3A_389 = arith.constant 0 : i32
      %add3A_390 = arith.addi %squeeze3A_380, %add3A_389 : i32
      %get3A_391 = arith.index_cast %add3A_378 : i32 to index
      %get3A_392 = arith.index_cast %add3A_390 : i32 to index
      %get3A_393 = tpu.vector_load %arg13[%get3A_391, %get3A_392] {strides = array<i32>} : memref<256x128xf32, #tpu.memory_space<vmem>>, vector<16xf32>,
      %add3A_394 = arith.constant 0 : i32
      %add3A_395 = arith.addi %squeeze3A_382, %add3A_394 : i32
      %get3A_396 = arith.index_cast %add3A_378 : i32 to index
      %get3A_397 = arith.index_cast %add3A_395 : i32 to index
      %get3A_398 = tpu.vector_load %arg14[%get3A_396, %get3A_397] {strides = array<i32>} : memref<256x128xf32, #tpu.memory_space<vmem>>, vector<16xf32>,
      %mul3A_399 = arith.mulf %get3A_393, %get3A_398 : vector<16xf32>
      %add3A_400 = arith.addf %broadcast_in_dim3A_384, %mul3A_399 : vector<16xf32>
      %mul3A_401 = arith.mulf %get3A_393, %get3A_393 : vector<16xf32>
      %add3A_402 = arith.addf %broadcast_in_dim3A_386, %mul3A_401 : vector<16xf32>
      %mul3A_403 = arith.mulf %get3A_398, %get3A_398 : vector<16xf32>
      %add3A_404 = arith.addf %broadcast_in_dim3A_388, %mul3A_403 : vector<16xf32>
      %add3A_405 = arith.constant 16 : i32
      %add3A_406 = arith.addi %squeeze3A_380, %add3A_405 : i32
      %get3A_407 = arith.index_cast %add3A_378 : i32 to index
      %get3A_408 = arith.index_cast %add3A_406 : i32 to index
      %get3A_409 = tpu.vector_load %arg13[%get3A_407, %get3A_408] {strides = array<i32>} : memref<256x128xf32, #tpu.memory_space<vmem>>, vector<16xf32>,
      %add3A_410 = arith.constant 16 : i32
      %add3A_411 = arith.addi %squeeze3A_382, %add3A_410 : i32
      %get3A_412 = arith.index_cast %add3A_378 : i32 to index
      %get3A_413 = arith.index_cast %add3A_411 : i32 to index
      %get3A_414 = tpu.vector_load %arg14[%get3A_412, %get3A_413] {strides = array<i32>} : memref<256x128xf32, #tpu.memory_space<vmem>>, vector<16xf32>,
      %mul3A_415 = arith.mulf %get3A_409, %get3A_414 : vector<16xf32>
      %add3A_416 = arith.addf %add3A_400, %mul3A_415 : vector<16xf32>
      %mul3A_417 = arith.mulf %get3A_409, %get3A_409 : vector<16xf32>
      %add3A_418 = arith.addf %add3A_402, %mul3A_417 : vector<16xf32>
      %mul3A_419 = arith.mulf %get3A_414, %get3A_414 : vector<16xf32>
      %add3A_420 = arith.addf %add3A_404, %mul3A_419 : vector<16xf32>
      %add3A_421 = arith.constant 32 : i32
      %add3A_422 = arith.addi %squeeze3A_380, %add3A_421 : i32
      %get3A_423 = arith.index_cast %add3A_378 : i32 to index
      %get3A_424 = arith.index_cast %add3A_422 : i32 to index
      %get3A_425 = tpu.vector_load %arg13[%get3A_423, %get3A_424] {strides = array<i32>} : memref<256x128xf32, #tpu.memory_space<vmem>>, vector<16xf32>,
      %add3A_426 = arith.constant 32 : i32
      %add3A_427 = arith.addi %squeeze3A_382, %add3A_426 : i32
      %get3A_428 = arith.index_cast %add3A_378 : i32 to index
      %get3A_429 = arith.index_cast %add3A_427 : i32 to index
      %get3A_430 = tpu.vector_load %arg14[%get3A_428, %get3A_429] {strides = array<i32>} : memref<256x128xf32, #tpu.memory_space<vmem>>, vector<16xf32>,
      %mul3A_431 = arith.mulf %get3A_425, %get3A_430 : vector<16xf32>
      %add3A_432 = arith.addf %add3A_416, %mul3A_431 : vector<16xf32>
      %mul3A_433 = arith.mulf %get3A_425, %get3A_425 : vector<16xf32>
      %add3A_434 = arith.addf %add3A_418, %mul3A_433 : vector<16xf32>
      %mul3A_435 = arith.mulf %get3A_430, %get3A_430 : vector<16xf32>
      %add3A_436 = arith.addf %add3A_420, %mul3A_435 : vector<16xf32>
      %add3A_437 = arith.constant 48 : i32
      %add3A_438 = arith.addi %squeeze3A_380, %add3A_437 : i32
      %get3A_439 = arith.index_cast %add3A_378 : i32 to index
      %get3A_440 = arith.index_cast %add3A_438 : i32 to index
      %get3A_441 = tpu.vector_load %arg13[%get3A_439, %get3A_440] {strides = array<i32>} : memref<256x128xf32, #tpu.memory_space<vmem>>, vector<16xf32>,
      %add3A_442 = arith.constant 48 : i32
      %add3A_443 = arith.addi %squeeze3A_382, %add3A_442 : i32
      %get3A_444 = arith.index_cast %add3A_378 : i32 to index
      %get3A_445 = arith.index_cast %add3A_443 : i32 to index
      %get3A_446 = tpu.vector_load %arg14[%get3A_444, %get3A_445] {strides = array<i32>} : memref<256x128xf32, #tpu.memory_space<vmem>>, vector<16xf32>,
      %mul3A_447 = arith.mulf %get3A_441, %get3A_446 : vector<16xf32>
      %add3A_448 = arith.addf %add3A_432, %mul3A_447 : vector<16xf32>
      %mul3A_449 = arith.mulf %get3A_441, %get3A_441 : vector<16xf32>
      %add3A_450 = arith.addf %add3A_434, %mul3A_449 : vector<16xf32>
      %mul3A_451 = arith.mulf %get3A_446, %get3A_446 : vector<16xf32>
      %add3A_452 = arith.addf %add3A_436, %mul3A_451 : vector<16xf32>
      %eq3A_453 = arith.constant 2 : i32
      %eq3A_454 = vector.broadcast %eq3A_453 : i32 to vector<16xi32>
      %eq3A_455 = arith.cmpi eq, %iota3A, %eq3A_454 : vector<16xi32>
      %reduce_sum3A_456 = arith.constant true
      %reduce_sum3A_457 = vector.broadcast %reduce_sum3A_456 : i1 to vector<16xi1>
      %reduce_sum3A_458 = tpu.scan <sum>, %add3A_448 masked %reduce_sum3A_457 : vector<16xf32>, vector<16xi1> -> vector<16xf32>
      %reduce_sum3A_459 = vector.extract %reduce_sum3A_458[15] : f32 from vector<16xf32>
      %broadcast_in_dim3A_460 = vector.broadcast %reduce_sum3A_459 : f32 to vector<16xf32>
      %select_n3A_461 = arith.select %eq3A_455, %broadcast_in_dim3A_460, %select_n3A_356 : vector<16xi1>, vector<16xf32>
      %eq3A_462 = arith.constant 2 : i32
      %eq3A_463 = vector.broadcast %eq3A_462 : i32 to vector<16xi32>
      %eq3A_464 = arith.cmpi eq, %iota3A, %eq3A_463 : vector<16xi32>
      %reduce_sum3A_465 = arith.constant true
      %reduce_sum3A_466 = vector.broadcast %reduce_sum3A_465 : i1 to vector<16xi1>
      %reduce_sum3A_467 = tpu.scan <sum>, %add3A_450 masked %reduce_sum3A_466 : vector<16xf32>, vector<16xi1> -> vector<16xf32>
      %reduce_sum3A_468 = vector.extract %reduce_sum3A_467[15] : f32 from vector<16xf32>
      %broadcast_in_dim3A_469 = vector.broadcast %reduce_sum3A_468 : f32 to vector<16xf32>
      %select_n3A_470 = arith.select %eq3A_464, %broadcast_in_dim3A_469, %select_n3A_365 : vector<16xi1>, vector<16xf32>
      %eq3A_471 = arith.constant 2 : i32
      %eq3A_472 = vector.broadcast %eq3A_471 : i32 to vector<16xi32>
      %eq3A_473 = arith.cmpi eq, %iota3A, %eq3A_472 : vector<16xi32>
      %reduce_sum3A_474 = arith.constant true
      %reduce_sum3A_475 = vector.broadcast %reduce_sum3A_474 : i1 to vector<16xi1>
      %reduce_sum3A_476 = tpu.scan <sum>, %add3A_452 masked %reduce_sum3A_475 : vector<16xf32>, vector<16xi1> -> vector<16xf32>
      %reduce_sum3A_477 = vector.extract %reduce_sum3A_476[15] : f32 from vector<16xf32>
      %broadcast_in_dim3A_478 = vector.broadcast %reduce_sum3A_477 : f32 to vector<16xf32>
      %select_n3A_479 = arith.select %eq3A_473, %broadcast_in_dim3A_478, %select_n3A_374 : vector<16xi1>, vector<16xf32>
      %mul3A_480 = arith.constant 16 : i32
      %mul3A_481 = arith.muli %scan3A_146, %mul3A_480 : i32
      %add3A_482 = arith.constant 3 : i32
      %add3A_483 = arith.addi %mul3A_481, %add3A_482 : i32
      %slice3A_484 = vector.extract_strided_slice %mul3A_156 {offsets = [3], sizes = [1], strides = [1]} : vector<16xi32> to vector<1xi32>
      %squeeze3A_485 = vector.extract %slice3A_484[0] : i32 from vector<1xi32>
      %slice3A_486 = vector.extract_strided_slice %mul3A_164 {offsets = [3], sizes = [1], strides = [1]} : vector<16xi32> to vector<1xi32>
      %squeeze3A_487 = vector.extract %slice3A_486[0] : i32 from vector<1xi32>
      %broadcast_in_dim3A_488 = arith.constant 0.000000e+00 : f32
      %broadcast_in_dim3A_489 = vector.broadcast %broadcast_in_dim3A_488 : f32 to vector<16xf32>
      %broadcast_in_dim3A_490 = arith.constant 0.000000e+00 : f32
      %broadcast_in_dim3A_491 = vector.broadcast %broadcast_in_dim3A_490 : f32 to vector<16xf32>
      %broadcast_in_dim3A_492 = arith.constant 0.000000e+00 : f32
      %broadcast_in_dim3A_493 = vector.broadcast %broadcast_in_dim3A_492 : f32 to vector<16xf32>
      %add3A_494 = arith.constant 0 : i32
      %add3A_495 = arith.addi %squeeze3A_485, %add3A_494 : i32
      %get3A_496 = arith.index_cast %add3A_483 : i32 to index
      %get3A_497 = arith.index_cast %add3A_495 : i32 to index
      %get3A_498 = tpu.vector_load %arg13[%get3A_496, %get3A_497] {strides = array<i32>} : memref<256x128xf32, #tpu.memory_space<vmem>>, vector<16xf32>,
      %add3A_499 = arith.constant 0 : i32
      %add3A_500 = arith.addi %squeeze3A_487, %add3A_499 : i32
      %get3A_501 = arith.index_cast %add3A_483 : i32 to index
      %get3A_502 = arith.index_cast %add3A_500 : i32 to index
      %get3A_503 = tpu.vector_load %arg14[%get3A_501, %get3A_502] {strides = array<i32>} : memref<256x128xf32, #tpu.memory_space<vmem>>, vector<16xf32>,
      %mul3A_504 = arith.mulf %get3A_498, %get3A_503 : vector<16xf32>
      %add3A_505 = arith.addf %broadcast_in_dim3A_489, %mul3A_504 : vector<16xf32>
      %mul3A_506 = arith.mulf %get3A_498, %get3A_498 : vector<16xf32>
      %add3A_507 = arith.addf %broadcast_in_dim3A_491, %mul3A_506 : vector<16xf32>
      %mul3A_508 = arith.mulf %get3A_503, %get3A_503 : vector<16xf32>
      %add3A_509 = arith.addf %broadcast_in_dim3A_493, %mul3A_508 : vector<16xf32>
      %add3A_510 = arith.constant 16 : i32
      %add3A_511 = arith.addi %squeeze3A_485, %add3A_510 : i32
      %get3A_512 = arith.index_cast %add3A_483 : i32 to index
      %get3A_513 = arith.index_cast %add3A_511 : i32 to index
      %get3A_514 = tpu.vector_load %arg13[%get3A_512, %get3A_513] {strides = array<i32>} : memref<256x128xf32, #tpu.memory_space<vmem>>, vector<16xf32>,
      %add3A_515 = arith.constant 16 : i32
      %add3A_516 = arith.addi %squeeze3A_487, %add3A_515 : i32
      %get3A_517 = arith.index_cast %add3A_483 : i32 to index
      %get3A_518 = arith.index_cast %add3A_516 : i32 to index
      %get3A_519 = tpu.vector_load %arg14[%get3A_517, %get3A_518] {strides = array<i32>} : memref<256x128xf32, #tpu.memory_space<vmem>>, vector<16xf32>,
      %mul3A_520 = arith.mulf %get3A_514, %get3A_519 : vector<16xf32>
      %add3A_521 = arith.addf %add3A_505, %mul3A_520 : vector<16xf32>
      %mul3A_522 = arith.mulf %get3A_514, %get3A_514 : vector<16xf32>
      %add3A_523 = arith.addf %add3A_507, %mul3A_522 : vector<16xf32>
      %mul3A_524 = arith.mulf %get3A_519, %get3A_519 : vector<16xf32>
      %add3A_525 = arith.addf %add3A_509, %mul3A_524 : vector<16xf32>
      %add3A_526 = arith.constant 32 : i32
      %add3A_527 = arith.addi %squeeze3A_485, %add3A_526 : i32
      %get3A_528 = arith.index_cast %add3A_483 : i32 to index
      %get3A_529 = arith.index_cast %add3A_527 : i32 to index
      %get3A_530 = tpu.vector_load %arg13[%get3A_528, %get3A_529] {strides = array<i32>} : memref<256x128xf32, #tpu.memory_space<vmem>>, vector<16xf32>,
      %add3A_531 = arith.constant 32 : i32
      %add3A_532 = arith.addi %squeeze3A_487, %add3A_531 : i32
      %get3A_533 = arith.index_cast %add3A_483 : i32 to index
      %get3A_534 = arith.index_cast %add3A_532 : i32 to index
      %get3A_535 = tpu.vector_load %arg14[%get3A_533, %get3A_534] {strides = array<i32>} : memref<256x128xf32, #tpu.memory_space<vmem>>, vector<16xf32>,
      %mul3A_536 = arith.mulf %get3A_530, %get3A_535 : vector<16xf32>
      %add3A_537 = arith.addf %add3A_521, %mul3A_536 : vector<16xf32>
      %mul3A_538 = arith.mulf %get3A_530, %get3A_530 : vector<16xf32>
      %add3A_539 = arith.addf %add3A_523, %mul3A_538 : vector<16xf32>
      %mul3A_540 = arith.mulf %get3A_535, %get3A_535 : vector<16xf32>
      %add3A_541 = arith.addf %add3A_525, %mul3A_540 : vector<16xf32>
      %add3A_542 = arith.constant 48 : i32
      %add3A_543 = arith.addi %squeeze3A_485, %add3A_542 : i32
      %get3A_544 = arith.index_cast %add3A_483 : i32 to index
      %get3A_545 = arith.index_cast %add3A_543 : i32 to index
      %get3A_546 = tpu.vector_load %arg13[%get3A_544, %get3A_545] {strides = array<i32>} : memref<256x128xf32, #tpu.memory_space<vmem>>, vector<16xf32>,
      %add3A_547 = arith.constant 48 : i32
      %add3A_548 = arith.addi %squeeze3A_487, %add3A_547 : i32
      %get3A_549 = arith.index_cast %add3A_483 : i32 to index
      %get3A_550 = arith.index_cast %add3A_548 : i32 to index
      %get3A_551 = tpu.vector_load %arg14[%get3A_549, %get3A_550] {strides = array<i32>} : memref<256x128xf32, #tpu.memory_space<vmem>>, vector<16xf32>,
      %mul3A_552 = arith.mulf %get3A_546, %get3A_551 : vector<16xf32>
      %add3A_553 = arith.addf %add3A_537, %mul3A_552 : vector<16xf32>
      %mul3A_554 = arith.mulf %get3A_546, %get3A_546 : vector<16xf32>
      %add3A_555 = arith.addf %add3A_539, %mul3A_554 : vector<16xf32>
      %mul3A_556 = arith.mulf %get3A_551, %get3A_551 : vector<16xf32>
      %add3A_557 = arith.addf %add3A_541, %mul3A_556 : vector<16xf32>
      %eq3A_558 = arith.constant 3 : i32
      %eq3A_559 = vector.broadcast %eq3A_558 : i32 to vector<16xi32>
      %eq3A_560 = arith.cmpi eq, %iota3A, %eq3A_559 : vector<16xi32>
      %reduce_sum3A_561 = arith.constant true
      %reduce_sum3A_562 = vector.broadcast %reduce_sum3A_561 : i1 to vector<16xi1>
      %reduce_sum3A_563 = tpu.scan <sum>, %add3A_553 masked %reduce_sum3A_562 : vector<16xf32>, vector<16xi1> -> vector<16xf32>
      %reduce_sum3A_564 = vector.extract %reduce_sum3A_563[15] : f32 from vector<16xf32>
      %broadcast_in_dim3A_565 = vector.broadcast %reduce_sum3A_564 : f32 to vector<16xf32>
      %select_n3A_566 = arith.select %eq3A_560, %broadcast_in_dim3A_565, %select_n3A_461 : vector<16xi1>, vector<16xf32>
      %eq3A_567 = arith.constant 3 : i32
      %eq3A_568 = vector.broadcast %eq3A_567 : i32 to vector<16xi32>
      %eq3A_569 = arith.cmpi eq, %iota3A, %eq3A_568 : vector<16xi32>
      %reduce_sum3A_570 = arith.constant true
      %reduce_sum3A_571 = vector.broadcast %reduce_sum3A_570 : i1 to vector<16xi1>
      %reduce_sum3A_572 = tpu.scan <sum>, %add3A_555 masked %reduce_sum3A_571 : vector<16xf32>, vector<16xi1> -> vector<16xf32>
      %reduce_sum3A_573 = vector.extract %reduce_sum3A_572[15] : f32 from vector<16xf32>
      %broadcast_in_dim3A_574 = vector.broadcast %reduce_sum3A_573 : f32 to vector<16xf32>
      %select_n3A_575 = arith.select %eq3A_569, %broadcast_in_dim3A_574, %select_n3A_470 : vector<16xi1>, vector<16xf32>
      %eq3A_576 = arith.constant 3 : i32
      %eq3A_577 = vector.broadcast %eq3A_576 : i32 to vector<16xi32>
      %eq3A_578 = arith.cmpi eq, %iota3A, %eq3A_577 : vector<16xi32>
      %reduce_sum3A_579 = arith.constant true
      %reduce_sum3A_580 = vector.broadcast %reduce_sum3A_579 : i1 to vector<16xi1>
      %reduce_sum3A_581 = tpu.scan <sum>, %add3A_557 masked %reduce_sum3A_580 : vector<16xf32>, vector<16xi1> -> vector<16xf32>
      %reduce_sum3A_582 = vector.extract %reduce_sum3A_581[15] : f32 from vector<16xf32>
      %broadcast_in_dim3A_583 = vector.broadcast %reduce_sum3A_582 : f32 to vector<16xf32>
      %select_n3A_584 = arith.select %eq3A_578, %broadcast_in_dim3A_583, %select_n3A_479 : vector<16xi1>, vector<16xf32>
      %mul3A_585 = arith.constant 16 : i32
      %mul3A_586 = arith.muli %scan3A_146, %mul3A_585 : i32
      %add3A_587 = arith.constant 4 : i32
      %add3A_588 = arith.addi %mul3A_586, %add3A_587 : i32
      %slice3A_589 = vector.extract_strided_slice %mul3A_156 {offsets = [4], sizes = [1], strides = [1]} : vector<16xi32> to vector<1xi32>
      %squeeze3A_590 = vector.extract %slice3A_589[0] : i32 from vector<1xi32>
      %slice3A_591 = vector.extract_strided_slice %mul3A_164 {offsets = [4], sizes = [1], strides = [1]} : vector<16xi32> to vector<1xi32>
      %squeeze3A_592 = vector.extract %slice3A_591[0] : i32 from vector<1xi32>
      %broadcast_in_dim3A_593 = arith.constant 0.000000e+00 : f32
      %broadcast_in_dim3A_594 = vector.broadcast %broadcast_in_dim3A_593 : f32 to vector<16xf32>
      %broadcast_in_dim3A_595 = arith.constant 0.000000e+00 : f32
      %broadcast_in_dim3A_596 = vector.broadcast %broadcast_in_dim3A_595 : f32 to vector<16xf32>
      %broadcast_in_dim3A_597 = arith.constant 0.000000e+00 : f32
      %broadcast_in_dim3A_598 = vector.broadcast %broadcast_in_dim3A_597 : f32 to vector<16xf32>
      %add3A_599 = arith.constant 0 : i32
      %add3A_600 = arith.addi %squeeze3A_590, %add3A_599 : i32
      %get3A_601 = arith.index_cast %add3A_588 : i32 to index
      %get3A_602 = arith.index_cast %add3A_600 : i32 to index
      %get3A_603 = tpu.vector_load %arg13[%get3A_601, %get3A_602] {strides = array<i32>} : memref<256x128xf32, #tpu.memory_space<vmem>>, vector<16xf32>,
      %add3A_604 = arith.constant 0 : i32
      %add3A_605 = arith.addi %squeeze3A_592, %add3A_604 : i32
      %get3A_606 = arith.index_cast %add3A_588 : i32 to index
      %get3A_607 = arith.index_cast %add3A_605 : i32 to index
      %get3A_608 = tpu.vector_load %arg14[%get3A_606, %get3A_607] {strides = array<i32>} : memref<256x128xf32, #tpu.memory_space<vmem>>, vector<16xf32>,
      %mul3A_609 = arith.mulf %get3A_603, %get3A_608 : vector<16xf32>
      %add3A_610 = arith.addf %broadcast_in_dim3A_594, %mul3A_609 : vector<16xf32>
      %mul3A_611 = arith.mulf %get3A_603, %get3A_603 : vector<16xf32>
      %add3A_612 = arith.addf %broadcast_in_dim3A_596, %mul3A_611 : vector<16xf32>
      %mul3A_613 = arith.mulf %get3A_608, %get3A_608 : vector<16xf32>
      %add3A_614 = arith.addf %broadcast_in_dim3A_598, %mul3A_613 : vector<16xf32>
      %add3A_615 = arith.constant 16 : i32
      %add3A_616 = arith.addi %squeeze3A_590, %add3A_615 : i32
      %get3A_617 = arith.index_cast %add3A_588 : i32 to index
      %get3A_618 = arith.index_cast %add3A_616 : i32 to index
      %get3A_619 = tpu.vector_load %arg13[%get3A_617, %get3A_618] {strides = array<i32>} : memref<256x128xf32, #tpu.memory_space<vmem>>, vector<16xf32>,
      %add3A_620 = arith.constant 16 : i32
      %add3A_621 = arith.addi %squeeze3A_592, %add3A_620 : i32
      %get3A_622 = arith.index_cast %add3A_588 : i32 to index
      %get3A_623 = arith.index_cast %add3A_621 : i32 to index
      %get3A_624 = tpu.vector_load %arg14[%get3A_622, %get3A_623] {strides = array<i32>} : memref<256x128xf32, #tpu.memory_space<vmem>>, vector<16xf32>,
      %mul3A_625 = arith.mulf %get3A_619, %get3A_624 : vector<16xf32>
      %add3A_626 = arith.addf %add3A_610, %mul3A_625 : vector<16xf32>
      %mul3A_627 = arith.mulf %get3A_619, %get3A_619 : vector<16xf32>
      %add3A_628 = arith.addf %add3A_612, %mul3A_627 : vector<16xf32>
      %mul3A_629 = arith.mulf %get3A_624, %get3A_624 : vector<16xf32>
      %add3A_630 = arith.addf %add3A_614, %mul3A_629 : vector<16xf32>
      %add3A_631 = arith.constant 32 : i32
      %add3A_632 = arith.addi %squeeze3A_590, %add3A_631 : i32
      %get3A_633 = arith.index_cast %add3A_588 : i32 to index
      %get3A_634 = arith.index_cast %add3A_632 : i32 to index
      %get3A_635 = tpu.vector_load %arg13[%get3A_633, %get3A_634] {strides = array<i32>} : memref<256x128xf32, #tpu.memory_space<vmem>>, vector<16xf32>,
      %add3A_636 = arith.constant 32 : i32
      %add3A_637 = arith.addi %squeeze3A_592, %add3A_636 : i32
      %get3A_638 = arith.index_cast %add3A_588 : i32 to index
      %get3A_639 = arith.index_cast %add3A_637 : i32 to index
      %get3A_640 = tpu.vector_load %arg14[%get3A_638, %get3A_639] {strides = array<i32>} : memref<256x128xf32, #tpu.memory_space<vmem>>, vector<16xf32>,
      %mul3A_641 = arith.mulf %get3A_635, %get3A_640 : vector<16xf32>
      %add3A_642 = arith.addf %add3A_626, %mul3A_641 : vector<16xf32>
      %mul3A_643 = arith.mulf %get3A_635, %get3A_635 : vector<16xf32>
      %add3A_644 = arith.addf %add3A_628, %mul3A_643 : vector<16xf32>
      %mul3A_645 = arith.mulf %get3A_640, %get3A_640 : vector<16xf32>
      %add3A_646 = arith.addf %add3A_630, %mul3A_645 : vector<16xf32>
      %add3A_647 = arith.constant 48 : i32
      %add3A_648 = arith.addi %squeeze3A_590, %add3A_647 : i32
      %get3A_649 = arith.index_cast %add3A_588 : i32 to index
      %get3A_650 = arith.index_cast %add3A_648 : i32 to index
      %get3A_651 = tpu.vector_load %arg13[%get3A_649, %get3A_650] {strides = array<i32>} : memref<256x128xf32, #tpu.memory_space<vmem>>, vector<16xf32>,
      %add3A_652 = arith.constant 48 : i32
      %add3A_653 = arith.addi %squeeze3A_592, %add3A_652 : i32
      %get3A_654 = arith.index_cast %add3A_588 : i32 to index
      %get3A_655 = arith.index_cast %add3A_653 : i32 to index
      %get3A_656 = tpu.vector_load %arg14[%get3A_654, %get3A_655] {strides = array<i32>} : memref<256x128xf32, #tpu.memory_space<vmem>>, vector<16xf32>,
      %mul3A_657 = arith.mulf %get3A_651, %get3A_656 : vector<16xf32>
      %add3A_658 = arith.addf %add3A_642, %mul3A_657 : vector<16xf32>
      %mul3A_659 = arith.mulf %get3A_651, %get3A_651 : vector<16xf32>
      %add3A_660 = arith.addf %add3A_644, %mul3A_659 : vector<16xf32>
      %mul3A_661 = arith.mulf %get3A_656, %get3A_656 : vector<16xf32>
      %add3A_662 = arith.addf %add3A_646, %mul3A_661 : vector<16xf32>
      %eq3A_663 = arith.constant 4 : i32
      %eq3A_664 = vector.broadcast %eq3A_663 : i32 to vector<16xi32>
      %eq3A_665 = arith.cmpi eq, %iota3A, %eq3A_664 : vector<16xi32>
      %reduce_sum3A_666 = arith.constant true
      %reduce_sum3A_667 = vector.broadcast %reduce_sum3A_666 : i1 to vector<16xi1>
      %reduce_sum3A_668 = tpu.scan <sum>, %add3A_658 masked %reduce_sum3A_667 : vector<16xf32>, vector<16xi1> -> vector<16xf32>
      %reduce_sum3A_669 = vector.extract %reduce_sum3A_668[15] : f32 from vector<16xf32>
      %broadcast_in_dim3A_670 = vector.broadcast %reduce_sum3A_669 : f32 to vector<16xf32>
      %select_n3A_671 = arith.select %eq3A_665, %broadcast_in_dim3A_670, %select_n3A_566 : vector<16xi1>, vector<16xf32>
      %eq3A_672 = arith.constant 4 : i32
      %eq3A_673 = vector.broadcast %eq3A_672 : i32 to vector<16xi32>
      %eq3A_674 = arith.cmpi eq, %iota3A, %eq3A_673 : vector<16xi32>
      %reduce_sum3A_675 = arith.constant true
      %reduce_sum3A_676 = vector.broadcast %reduce_sum3A_675 : i1 to vector<16xi1>
      %reduce_sum3A_677 = tpu.scan <sum>, %add3A_660 masked %reduce_sum3A_676 : vector<16xf32>, vector<16xi1> -> vector<16xf32>
      %reduce_sum3A_678 = vector.extract %reduce_sum3A_677[15] : f32 from vector<16xf32>
      %broadcast_in_dim3A_679 = vector.broadcast %reduce_sum3A_678 : f32 to vector<16xf32>
      %select_n3A_680 = arith.select %eq3A_674, %broadcast_in_dim3A_679, %select_n3A_575 : vector<16xi1>, vector<16xf32>
      %eq3A_681 = arith.constant 4 : i32
      %eq3A_682 = vector.broadcast %eq3A_681 : i32 to vector<16xi32>
      %eq3A_683 = arith.cmpi eq, %iota3A, %eq3A_682 : vector<16xi32>
      %reduce_sum3A_684 = arith.constant true
      %reduce_sum3A_685 = vector.broadcast %reduce_sum3A_684 : i1 to vector<16xi1>
      %reduce_sum3A_686 = tpu.scan <sum>, %add3A_662 masked %reduce_sum3A_685 : vector<16xf32>, vector<16xi1> -> vector<16xf32>
      %reduce_sum3A_687 = vector.extract %reduce_sum3A_686[15] : f32 from vector<16xf32>
      %broadcast_in_dim3A_688 = vector.broadcast %reduce_sum3A_687 : f32 to vector<16xf32>
      %select_n3A_689 = arith.select %eq3A_683, %broadcast_in_dim3A_688, %select_n3A_584 : vector<16xi1>, vector<16xf32>
      %mul3A_690 = arith.constant 16 : i32
      %mul3A_691 = arith.muli %scan3A_146, %mul3A_690 : i32
      %add3A_692 = arith.constant 5 : i32
      %add3A_693 = arith.addi %mul3A_691, %add3A_692 : i32
      %slice3A_694 = vector.extract_strided_slice %mul3A_156 {offsets = [5], sizes = [1], strides = [1]} : vector<16xi32> to vector<1xi32>
      %squeeze3A_695 = vector.extract %slice3A_694[0] : i32 from vector<1xi32>
      %slice3A_696 = vector.extract_strided_slice %mul3A_164 {offsets = [5], sizes = [1], strides = [1]} : vector<16xi32> to vector<1xi32>
      %squeeze3A_697 = vector.extract %slice3A_696[0] : i32 from vector<1xi32>
      %broadcast_in_dim3A_698 = arith.constant 0.000000e+00 : f32
      %broadcast_in_dim3A_699 = vector.broadcast %broadcast_in_dim3A_698 : f32 to vector<16xf32>
      %broadcast_in_dim3A_700 = arith.constant 0.000000e+00 : f32
      %broadcast_in_dim3A_701 = vector.broadcast %broadcast_in_dim3A_700 : f32 to vector<16xf32>
      %broadcast_in_dim3A_702 = arith.constant 0.000000e+00 : f32
      %broadcast_in_dim3A_703 = vector.broadcast %broadcast_in_dim3A_702 : f32 to vector<16xf32>
      %add3A_704 = arith.constant 0 : i32
      %add3A_705 = arith.addi %squeeze3A_695, %add3A_704 : i32
      %get3A_706 = arith.index_cast %add3A_693 : i32 to index
      %get3A_707 = arith.index_cast %add3A_705 : i32 to index
      %get3A_708 = tpu.vector_load %arg13[%get3A_706, %get3A_707] {strides = array<i32>} : memref<256x128xf32, #tpu.memory_space<vmem>>, vector<16xf32>,
      %add3A_709 = arith.constant 0 : i32
      %add3A_710 = arith.addi %squeeze3A_697, %add3A_709 : i32
      %get3A_711 = arith.index_cast %add3A_693 : i32 to index
      %get3A_712 = arith.index_cast %add3A_710 : i32 to index
      %get3A_713 = tpu.vector_load %arg14[%get3A_711, %get3A_712] {strides = array<i32>} : memref<256x128xf32, #tpu.memory_space<vmem>>, vector<16xf32>,
      %mul3A_714 = arith.mulf %get3A_708, %get3A_713 : vector<16xf32>
      %add3A_715 = arith.addf %broadcast_in_dim3A_699, %mul3A_714 : vector<16xf32>
      %mul3A_716 = arith.mulf %get3A_708, %get3A_708 : vector<16xf32>
      %add3A_717 = arith.addf %broadcast_in_dim3A_701, %mul3A_716 : vector<16xf32>
      %mul3A_718 = arith.mulf %get3A_713, %get3A_713 : vector<16xf32>
      %add3A_719 = arith.addf %broadcast_in_dim3A_703, %mul3A_718 : vector<16xf32>
      %add3A_720 = arith.constant 16 : i32
      %add3A_721 = arith.addi %squeeze3A_695, %add3A_720 : i32
      %get3A_722 = arith.index_cast %add3A_693 : i32 to index
      %get3A_723 = arith.index_cast %add3A_721 : i32 to index
      %get3A_724 = tpu.vector_load %arg13[%get3A_722, %get3A_723] {strides = array<i32>} : memref<256x128xf32, #tpu.memory_space<vmem>>, vector<16xf32>,
      %add3A_725 = arith.constant 16 : i32
      %add3A_726 = arith.addi %squeeze3A_697, %add3A_725 : i32
      %get3A_727 = arith.index_cast %add3A_693 : i32 to index
      %get3A_728 = arith.index_cast %add3A_726 : i32 to index
      %get3A_729 = tpu.vector_load %arg14[%get3A_727, %get3A_728] {strides = array<i32>} : memref<256x128xf32, #tpu.memory_space<vmem>>, vector<16xf32>,
      %mul3A_730 = arith.mulf %get3A_724, %get3A_729 : vector<16xf32>
      %add3A_731 = arith.addf %add3A_715, %mul3A_730 : vector<16xf32>
      %mul3A_732 = arith.mulf %get3A_724, %get3A_724 : vector<16xf32>
      %add3A_733 = arith.addf %add3A_717, %mul3A_732 : vector<16xf32>
      %mul3A_734 = arith.mulf %get3A_729, %get3A_729 : vector<16xf32>
      %add3A_735 = arith.addf %add3A_719, %mul3A_734 : vector<16xf32>
      %add3A_736 = arith.constant 32 : i32
      %add3A_737 = arith.addi %squeeze3A_695, %add3A_736 : i32
      %get3A_738 = arith.index_cast %add3A_693 : i32 to index
      %get3A_739 = arith.index_cast %add3A_737 : i32 to index
      %get3A_740 = tpu.vector_load %arg13[%get3A_738, %get3A_739] {strides = array<i32>} : memref<256x128xf32, #tpu.memory_space<vmem>>, vector<16xf32>,
      %add3A_741 = arith.constant 32 : i32
      %add3A_742 = arith.addi %squeeze3A_697, %add3A_741 : i32
      %get3A_743 = arith.index_cast %add3A_693 : i32 to index
      %get3A_744 = arith.index_cast %add3A_742 : i32 to index
      %get3A_745 = tpu.vector_load %arg14[%get3A_743, %get3A_744] {strides = array<i32>} : memref<256x128xf32, #tpu.memory_space<vmem>>, vector<16xf32>,
      %mul3A_746 = arith.mulf %get3A_740, %get3A_745 : vector<16xf32>
      %add3A_747 = arith.addf %add3A_731, %mul3A_746 : vector<16xf32>
      %mul3A_748 = arith.mulf %get3A_740, %get3A_740 : vector<16xf32>
      %add3A_749 = arith.addf %add3A_733, %mul3A_748 : vector<16xf32>
      %mul3A_750 = arith.mulf %get3A_745, %get3A_745 : vector<16xf32>
      %add3A_751 = arith.addf %add3A_735, %mul3A_750 : vector<16xf32>
      %add3A_752 = arith.constant 48 : i32
      %add3A_753 = arith.addi %squeeze3A_695, %add3A_752 : i32
      %get3A_754 = arith.index_cast %add3A_693 : i32 to index
      %get3A_755 = arith.index_cast %add3A_753 : i32 to index
      %get3A_756 = tpu.vector_load %arg13[%get3A_754, %get3A_755] {strides = array<i32>} : memref<256x128xf32, #tpu.memory_space<vmem>>, vector<16xf32>,
      %add3A_757 = arith.constant 48 : i32
      %add3A_758 = arith.addi %squeeze3A_697, %add3A_757 : i32
      %get3A_759 = arith.index_cast %add3A_693 : i32 to index
      %get3A_760 = arith.index_cast %add3A_758 : i32 to index
      %get3A_761 = tpu.vector_load %arg14[%get3A_759, %get3A_760] {strides = array<i32>} : memref<256x128xf32, #tpu.memory_space<vmem>>, vector<16xf32>,
      %mul3A_762 = arith.mulf %get3A_756, %get3A_761 : vector<16xf32>
      %add3A_763 = arith.addf %add3A_747, %mul3A_762 : vector<16xf32>
      %mul3A_764 = arith.mulf %get3A_756, %get3A_756 : vector<16xf32>
      %add3A_765 = arith.addf %add3A_749, %mul3A_764 : vector<16xf32>
      %mul3A_766 = arith.mulf %get3A_761, %get3A_761 : vector<16xf32>
      %add3A_767 = arith.addf %add3A_751, %mul3A_766 : vector<16xf32>
      %eq3A_768 = arith.constant 5 : i32
      %eq3A_769 = vector.broadcast %eq3A_768 : i32 to vector<16xi32>
      %eq3A_770 = arith.cmpi eq, %iota3A, %eq3A_769 : vector<16xi32>
      %reduce_sum3A_771 = arith.constant true
      %reduce_sum3A_772 = vector.broadcast %reduce_sum3A_771 : i1 to vector<16xi1>
      %reduce_sum3A_773 = tpu.scan <sum>, %add3A_763 masked %reduce_sum3A_772 : vector<16xf32>, vector<16xi1> -> vector<16xf32>
      %reduce_sum3A_774 = vector.extract %reduce_sum3A_773[15] : f32 from vector<16xf32>
      %broadcast_in_dim3A_775 = vector.broadcast %reduce_sum3A_774 : f32 to vector<16xf32>
      %select_n3A_776 = arith.select %eq3A_770, %broadcast_in_dim3A_775, %select_n3A_671 : vector<16xi1>, vector<16xf32>
      %eq3A_777 = arith.constant 5 : i32
      %eq3A_778 = vector.broadcast %eq3A_777 : i32 to vector<16xi32>
      %eq3A_779 = arith.cmpi eq, %iota3A, %eq3A_778 : vector<16xi32>
      %reduce_sum3A_780 = arith.constant true
      %reduce_sum3A_781 = vector.broadcast %reduce_sum3A_780 : i1 to vector<16xi1>
      %reduce_sum3A_782 = tpu.scan <sum>, %add3A_765 masked %reduce_sum3A_781 : vector<16xf32>, vector<16xi1> -> vector<16xf32>
      %reduce_sum3A_783 = vector.extract %reduce_sum3A_782[15] : f32 from vector<16xf32>
      %broadcast_in_dim3A_784 = vector.broadcast %reduce_sum3A_783 : f32 to vector<16xf32>
      %select_n3A_785 = arith.select %eq3A_779, %broadcast_in_dim3A_784, %select_n3A_680 : vector<16xi1>, vector<16xf32>
      %eq3A_786 = arith.constant 5 : i32
      %eq3A_787 = vector.broadcast %eq3A_786 : i32 to vector<16xi32>
      %eq3A_788 = arith.cmpi eq, %iota3A, %eq3A_787 : vector<16xi32>
      %reduce_sum3A_789 = arith.constant true
      %reduce_sum3A_790 = vector.broadcast %reduce_sum3A_789 : i1 to vector<16xi1>
      %reduce_sum3A_791 = tpu.scan <sum>, %add3A_767 masked %reduce_sum3A_790 : vector<16xf32>, vector<16xi1> -> vector<16xf32>
      %reduce_sum3A_792 = vector.extract %reduce_sum3A_791[15] : f32 from vector<16xf32>
      %broadcast_in_dim3A_793 = vector.broadcast %reduce_sum3A_792 : f32 to vector<16xf32>
      %select_n3A_794 = arith.select %eq3A_788, %broadcast_in_dim3A_793, %select_n3A_689 : vector<16xi1>, vector<16xf32>
      %mul3A_795 = arith.constant 16 : i32
      %mul3A_796 = arith.muli %scan3A_146, %mul3A_795 : i32
      %add3A_797 = arith.constant 6 : i32
      %add3A_798 = arith.addi %mul3A_796, %add3A_797 : i32
      %slice3A_799 = vector.extract_strided_slice %mul3A_156 {offsets = [6], sizes = [1], strides = [1]} : vector<16xi32> to vector<1xi32>
      %squeeze3A_800 = vector.extract %slice3A_799[0] : i32 from vector<1xi32>
      %slice3A_801 = vector.extract_strided_slice %mul3A_164 {offsets = [6], sizes = [1], strides = [1]} : vector<16xi32> to vector<1xi32>
      %squeeze3A_802 = vector.extract %slice3A_801[0] : i32 from vector<1xi32>
      %broadcast_in_dim3A_803 = arith.constant 0.000000e+00 : f32
      %broadcast_in_dim3A_804 = vector.broadcast %broadcast_in_dim3A_803 : f32 to vector<16xf32>
      %broadcast_in_dim3A_805 = arith.constant 0.000000e+00 : f32
      %broadcast_in_dim3A_806 = vector.broadcast %broadcast_in_dim3A_805 : f32 to vector<16xf32>
      %broadcast_in_dim3A_807 = arith.constant 0.000000e+00 : f32
      %broadcast_in_dim3A_808 = vector.broadcast %broadcast_in_dim3A_807 : f32 to vector<16xf32>
      %add3A_809 = arith.constant 0 : i32
      %add3A_810 = arith.addi %squeeze3A_800, %add3A_809 : i32
      %get3A_811 = arith.index_cast %add3A_798 : i32 to index
      %get3A_812 = arith.index_cast %add3A_810 : i32 to index
      %get3A_813 = tpu.vector_load %arg13[%get3A_811, %get3A_812] {strides = array<i32>} : memref<256x128xf32, #tpu.memory_space<vmem>>, vector<16xf32>,
      %add3A_814 = arith.constant 0 : i32
      %add3A_815 = arith.addi %squeeze3A_802, %add3A_814 : i32
      %get3A_816 = arith.index_cast %add3A_798 : i32 to index
      %get3A_817 = arith.index_cast %add3A_815 : i32 to index
      %get3A_818 = tpu.vector_load %arg14[%get3A_816, %get3A_817] {strides = array<i32>} : memref<256x128xf32, #tpu.memory_space<vmem>>, vector<16xf32>,
      %mul3A_819 = arith.mulf %get3A_813, %get3A_818 : vector<16xf32>
      %add3A_820 = arith.addf %broadcast_in_dim3A_804, %mul3A_819 : vector<16xf32>
      %mul3A_821 = arith.mulf %get3A_813, %get3A_813 : vector<16xf32>
      %add3A_822 = arith.addf %broadcast_in_dim3A_806, %mul3A_821 : vector<16xf32>
      %mul3A_823 = arith.mulf %get3A_818, %get3A_818 : vector<16xf32>
      %add3A_824 = arith.addf %broadcast_in_dim3A_808, %mul3A_823 : vector<16xf32>
      %add3A_825 = arith.constant 16 : i32
      %add3A_826 = arith.addi %squeeze3A_800, %add3A_825 : i32
      %get3A_827 = arith.index_cast %add3A_798 : i32 to index
      %get3A_828 = arith.index_cast %add3A_826 : i32 to index
      %get3A_829 = tpu.vector_load %arg13[%get3A_827, %get3A_828] {strides = array<i32>} : memref<256x128xf32, #tpu.memory_space<vmem>>, vector<16xf32>,
      %add3A_830 = arith.constant 16 : i32
      %add3A_831 = arith.addi %squeeze3A_802, %add3A_830 : i32
      %get3A_832 = arith.index_cast %add3A_798 : i32 to index
      %get3A_833 = arith.index_cast %add3A_831 : i32 to index
      %get3A_834 = tpu.vector_load %arg14[%get3A_832, %get3A_833] {strides = array<i32>} : memref<256x128xf32, #tpu.memory_space<vmem>>, vector<16xf32>,
      %mul3A_835 = arith.mulf %get3A_829, %get3A_834 : vector<16xf32>
      %add3A_836 = arith.addf %add3A_820, %mul3A_835 : vector<16xf32>
      %mul3A_837 = arith.mulf %get3A_829, %get3A_829 : vector<16xf32>
      %add3A_838 = arith.addf %add3A_822, %mul3A_837 : vector<16xf32>
      %mul3A_839 = arith.mulf %get3A_834, %get3A_834 : vector<16xf32>
      %add3A_840 = arith.addf %add3A_824, %mul3A_839 : vector<16xf32>
      %add3A_841 = arith.constant 32 : i32
      %add3A_842 = arith.addi %squeeze3A_800, %add3A_841 : i32
      %get3A_843 = arith.index_cast %add3A_798 : i32 to index
      %get3A_844 = arith.index_cast %add3A_842 : i32 to index
      %get3A_845 = tpu.vector_load %arg13[%get3A_843, %get3A_844] {strides = array<i32>} : memref<256x128xf32, #tpu.memory_space<vmem>>, vector<16xf32>,
      %add3A_846 = arith.constant 32 : i32
      %add3A_847 = arith.addi %squeeze3A_802, %add3A_846 : i32
      %get3A_848 = arith.index_cast %add3A_798 : i32 to index
      %get3A_849 = arith.index_cast %add3A_847 : i32 to index
      %get3A_850 = tpu.vector_load %arg14[%get3A_848, %get3A_849] {strides = array<i32>} : memref<256x128xf32, #tpu.memory_space<vmem>>, vector<16xf32>,
      %mul3A_851 = arith.mulf %get3A_845, %get3A_850 : vector<16xf32>
      %add3A_852 = arith.addf %add3A_836, %mul3A_851 : vector<16xf32>
      %mul3A_853 = arith.mulf %get3A_845, %get3A_845 : vector<16xf32>
      %add3A_854 = arith.addf %add3A_838, %mul3A_853 : vector<16xf32>
      %mul3A_855 = arith.mulf %get3A_850, %get3A_850 : vector<16xf32>
      %add3A_856 = arith.addf %add3A_840, %mul3A_855 : vector<16xf32>
      %add3A_857 = arith.constant 48 : i32
      %add3A_858 = arith.addi %squeeze3A_800, %add3A_857 : i32
      %get3A_859 = arith.index_cast %add3A_798 : i32 to index
      %get3A_860 = arith.index_cast %add3A_858 : i32 to index
      %get3A_861 = tpu.vector_load %arg13[%get3A_859, %get3A_860] {strides = array<i32>} : memref<256x128xf32, #tpu.memory_space<vmem>>, vector<16xf32>,
      %add3A_862 = arith.constant 48 : i32
      %add3A_863 = arith.addi %squeeze3A_802, %add3A_862 : i32
      %get3A_864 = arith.index_cast %add3A_798 : i32 to index
      %get3A_865 = arith.index_cast %add3A_863 : i32 to index
      %get3A_866 = tpu.vector_load %arg14[%get3A_864, %get3A_865] {strides = array<i32>} : memref<256x128xf32, #tpu.memory_space<vmem>>, vector<16xf32>,
      %mul3A_867 = arith.mulf %get3A_861, %get3A_866 : vector<16xf32>
      %add3A_868 = arith.addf %add3A_852, %mul3A_867 : vector<16xf32>
      %mul3A_869 = arith.mulf %get3A_861, %get3A_861 : vector<16xf32>
      %add3A_870 = arith.addf %add3A_854, %mul3A_869 : vector<16xf32>
      %mul3A_871 = arith.mulf %get3A_866, %get3A_866 : vector<16xf32>
      %add3A_872 = arith.addf %add3A_856, %mul3A_871 : vector<16xf32>
      %eq3A_873 = arith.constant 6 : i32
      %eq3A_874 = vector.broadcast %eq3A_873 : i32 to vector<16xi32>
      %eq3A_875 = arith.cmpi eq, %iota3A, %eq3A_874 : vector<16xi32>
      %reduce_sum3A_876 = arith.constant true
      %reduce_sum3A_877 = vector.broadcast %reduce_sum3A_876 : i1 to vector<16xi1>
      %reduce_sum3A_878 = tpu.scan <sum>, %add3A_868 masked %reduce_sum3A_877 : vector<16xf32>, vector<16xi1> -> vector<16xf32>
      %reduce_sum3A_879 = vector.extract %reduce_sum3A_878[15] : f32 from vector<16xf32>
      %broadcast_in_dim3A_880 = vector.broadcast %reduce_sum3A_879 : f32 to vector<16xf32>
      %select_n3A_881 = arith.select %eq3A_875, %broadcast_in_dim3A_880, %select_n3A_776 : vector<16xi1>, vector<16xf32>
      %eq3A_882 = arith.constant 6 : i32
      %eq3A_883 = vector.broadcast %eq3A_882 : i32 to vector<16xi32>
      %eq3A_884 = arith.cmpi eq, %iota3A, %eq3A_883 : vector<16xi32>
      %reduce_sum3A_885 = arith.constant true
      %reduce_sum3A_886 = vector.broadcast %reduce_sum3A_885 : i1 to vector<16xi1>
      %reduce_sum3A_887 = tpu.scan <sum>, %add3A_870 masked %reduce_sum3A_886 : vector<16xf32>, vector<16xi1> -> vector<16xf32>
      %reduce_sum3A_888 = vector.extract %reduce_sum3A_887[15] : f32 from vector<16xf32>
      %broadcast_in_dim3A_889 = vector.broadcast %reduce_sum3A_888 : f32 to vector<16xf32>
      %select_n3A_890 = arith.select %eq3A_884, %broadcast_in_dim3A_889, %select_n3A_785 : vector<16xi1>, vector<16xf32>
      %eq3A_891 = arith.constant 6 : i32
      %eq3A_892 = vector.broadcast %eq3A_891 : i32 to vector<16xi32>
      %eq3A_893 = arith.cmpi eq, %iota3A, %eq3A_892 : vector<16xi32>
      %reduce_sum3A_894 = arith.constant true
      %reduce_sum3A_895 = vector.broadcast %reduce_sum3A_894 : i1 to vector<16xi1>
      %reduce_sum3A_896 = tpu.scan <sum>, %add3A_872 masked %reduce_sum3A_895 : vector<16xf32>, vector<16xi1> -> vector<16xf32>
      %reduce_sum3A_897 = vector.extract %reduce_sum3A_896[15] : f32 from vector<16xf32>
      %broadcast_in_dim3A_898 = vector.broadcast %reduce_sum3A_897 : f32 to vector<16xf32>
      %select_n3A_899 = arith.select %eq3A_893, %broadcast_in_dim3A_898, %select_n3A_794 : vector<16xi1>, vector<16xf32>
      %mul3A_900 = arith.constant 16 : i32
      %mul3A_901 = arith.muli %scan3A_146, %mul3A_900 : i32
      %add3A_902 = arith.constant 7 : i32
      %add3A_903 = arith.addi %mul3A_901, %add3A_902 : i32
      %slice3A_904 = vector.extract_strided_slice %mul3A_156 {offsets = [7], sizes = [1], strides = [1]} : vector<16xi32> to vector<1xi32>
      %squeeze3A_905 = vector.extract %slice3A_904[0] : i32 from vector<1xi32>
      %slice3A_906 = vector.extract_strided_slice %mul3A_164 {offsets = [7], sizes = [1], strides = [1]} : vector<16xi32> to vector<1xi32>
      %squeeze3A_907 = vector.extract %slice3A_906[0] : i32 from vector<1xi32>
      %broadcast_in_dim3A_908 = arith.constant 0.000000e+00 : f32
      %broadcast_in_dim3A_909 = vector.broadcast %broadcast_in_dim3A_908 : f32 to vector<16xf32>
      %broadcast_in_dim3A_910 = arith.constant 0.000000e+00 : f32
      %broadcast_in_dim3A_911 = vector.broadcast %broadcast_in_dim3A_910 : f32 to vector<16xf32>
      %broadcast_in_dim3A_912 = arith.constant 0.000000e+00 : f32
      %broadcast_in_dim3A_913 = vector.broadcast %broadcast_in_dim3A_912 : f32 to vector<16xf32>
      %add3A_914 = arith.constant 0 : i32
      %add3A_915 = arith.addi %squeeze3A_905, %add3A_914 : i32
      %get3A_916 = arith.index_cast %add3A_903 : i32 to index
      %get3A_917 = arith.index_cast %add3A_915 : i32 to index
      %get3A_918 = tpu.vector_load %arg13[%get3A_916, %get3A_917] {strides = array<i32>} : memref<256x128xf32, #tpu.memory_space<vmem>>, vector<16xf32>,
      %add3A_919 = arith.constant 0 : i32
      %add3A_920 = arith.addi %squeeze3A_907, %add3A_919 : i32
      %get3A_921 = arith.index_cast %add3A_903 : i32 to index
      %get3A_922 = arith.index_cast %add3A_920 : i32 to index
      %get3A_923 = tpu.vector_load %arg14[%get3A_921, %get3A_922] {strides = array<i32>} : memref<256x128xf32, #tpu.memory_space<vmem>>, vector<16xf32>,
      %mul3A_924 = arith.mulf %get3A_918, %get3A_923 : vector<16xf32>
      %add3A_925 = arith.addf %broadcast_in_dim3A_909, %mul3A_924 : vector<16xf32>
      %mul3A_926 = arith.mulf %get3A_918, %get3A_918 : vector<16xf32>
      %add3A_927 = arith.addf %broadcast_in_dim3A_911, %mul3A_926 : vector<16xf32>
      %mul3A_928 = arith.mulf %get3A_923, %get3A_923 : vector<16xf32>
      %add3A_929 = arith.addf %broadcast_in_dim3A_913, %mul3A_928 : vector<16xf32>
      %add3A_930 = arith.constant 16 : i32
      %add3A_931 = arith.addi %squeeze3A_905, %add3A_930 : i32
      %get3A_932 = arith.index_cast %add3A_903 : i32 to index
      %get3A_933 = arith.index_cast %add3A_931 : i32 to index
      %get3A_934 = tpu.vector_load %arg13[%get3A_932, %get3A_933] {strides = array<i32>} : memref<256x128xf32, #tpu.memory_space<vmem>>, vector<16xf32>,
      %add3A_935 = arith.constant 16 : i32
      %add3A_936 = arith.addi %squeeze3A_907, %add3A_935 : i32
      %get3A_937 = arith.index_cast %add3A_903 : i32 to index
      %get3A_938 = arith.index_cast %add3A_936 : i32 to index
      %get3A_939 = tpu.vector_load %arg14[%get3A_937, %get3A_938] {strides = array<i32>} : memref<256x128xf32, #tpu.memory_space<vmem>>, vector<16xf32>,
      %mul3A_940 = arith.mulf %get3A_934, %get3A_939 : vector<16xf32>
      %add3A_941 = arith.addf %add3A_925, %mul3A_940 : vector<16xf32>
      %mul3A_942 = arith.mulf %get3A_934, %get3A_934 : vector<16xf32>
      %add3A_943 = arith.addf %add3A_927, %mul3A_942 : vector<16xf32>
      %mul3A_944 = arith.mulf %get3A_939, %get3A_939 : vector<16xf32>
      %add3A_945 = arith.addf %add3A_929, %mul3A_944 : vector<16xf32>
      %add3A_946 = arith.constant 32 : i32
      %add3A_947 = arith.addi %squeeze3A_905, %add3A_946 : i32
      %get3A_948 = arith.index_cast %add3A_903 : i32 to index
      %get3A_949 = arith.index_cast %add3A_947 : i32 to index
      %get3A_950 = tpu.vector_load %arg13[%get3A_948, %get3A_949] {strides = array<i32>} : memref<256x128xf32, #tpu.memory_space<vmem>>, vector<16xf32>,
      %add3A_951 = arith.constant 32 : i32
      %add3A_952 = arith.addi %squeeze3A_907, %add3A_951 : i32
      %get3A_953 = arith.index_cast %add3A_903 : i32 to index
      %get3A_954 = arith.index_cast %add3A_952 : i32 to index
      %get3A_955 = tpu.vector_load %arg14[%get3A_953, %get3A_954] {strides = array<i32>} : memref<256x128xf32, #tpu.memory_space<vmem>>, vector<16xf32>,
      %mul3A_956 = arith.mulf %get3A_950, %get3A_955 : vector<16xf32>
      %add3A_957 = arith.addf %add3A_941, %mul3A_956 : vector<16xf32>
      %mul3A_958 = arith.mulf %get3A_950, %get3A_950 : vector<16xf32>
      %add3A_959 = arith.addf %add3A_943, %mul3A_958 : vector<16xf32>
      %mul3A_960 = arith.mulf %get3A_955, %get3A_955 : vector<16xf32>
      %add3A_961 = arith.addf %add3A_945, %mul3A_960 : vector<16xf32>
      %add3A_962 = arith.constant 48 : i32
      %add3A_963 = arith.addi %squeeze3A_905, %add3A_962 : i32
      %get3A_964 = arith.index_cast %add3A_903 : i32 to index
      %get3A_965 = arith.index_cast %add3A_963 : i32 to index
      %get3A_966 = tpu.vector_load %arg13[%get3A_964, %get3A_965] {strides = array<i32>} : memref<256x128xf32, #tpu.memory_space<vmem>>, vector<16xf32>,
      %add3A_967 = arith.constant 48 : i32
      %add3A_968 = arith.addi %squeeze3A_907, %add3A_967 : i32
      %get3A_969 = arith.index_cast %add3A_903 : i32 to index
      %get3A_970 = arith.index_cast %add3A_968 : i32 to index
      %get3A_971 = tpu.vector_load %arg14[%get3A_969, %get3A_970] {strides = array<i32>} : memref<256x128xf32, #tpu.memory_space<vmem>>, vector<16xf32>,
      %mul3A_972 = arith.mulf %get3A_966, %get3A_971 : vector<16xf32>
      %add3A_973 = arith.addf %add3A_957, %mul3A_972 : vector<16xf32>
      %mul3A_974 = arith.mulf %get3A_966, %get3A_966 : vector<16xf32>
      %add3A_975 = arith.addf %add3A_959, %mul3A_974 : vector<16xf32>
      %mul3A_976 = arith.mulf %get3A_971, %get3A_971 : vector<16xf32>
      %add3A_977 = arith.addf %add3A_961, %mul3A_976 : vector<16xf32>
      %eq3A_978 = arith.constant 7 : i32
      %eq3A_979 = vector.broadcast %eq3A_978 : i32 to vector<16xi32>
      %eq3A_980 = arith.cmpi eq, %iota3A, %eq3A_979 : vector<16xi32>
      %reduce_sum3A_981 = arith.constant true
      %reduce_sum3A_982 = vector.broadcast %reduce_sum3A_981 : i1 to vector<16xi1>
      %reduce_sum3A_983 = tpu.scan <sum>, %add3A_973 masked %reduce_sum3A_982 : vector<16xf32>, vector<16xi1> -> vector<16xf32>
      %reduce_sum3A_984 = vector.extract %reduce_sum3A_983[15] : f32 from vector<16xf32>
      %broadcast_in_dim3A_985 = vector.broadcast %reduce_sum3A_984 : f32 to vector<16xf32>
      %select_n3A_986 = arith.select %eq3A_980, %broadcast_in_dim3A_985, %select_n3A_881 : vector<16xi1>, vector<16xf32>
      %eq3A_987 = arith.constant 7 : i32
      %eq3A_988 = vector.broadcast %eq3A_987 : i32 to vector<16xi32>
      %eq3A_989 = arith.cmpi eq, %iota3A, %eq3A_988 : vector<16xi32>
      %reduce_sum3A_990 = arith.constant true
      %reduce_sum3A_991 = vector.broadcast %reduce_sum3A_990 : i1 to vector<16xi1>
      %reduce_sum3A_992 = tpu.scan <sum>, %add3A_975 masked %reduce_sum3A_991 : vector<16xf32>, vector<16xi1> -> vector<16xf32>
      %reduce_sum3A_993 = vector.extract %reduce_sum3A_992[15] : f32 from vector<16xf32>
      %broadcast_in_dim3A_994 = vector.broadcast %reduce_sum3A_993 : f32 to vector<16xf32>
      %select_n3A_995 = arith.select %eq3A_989, %broadcast_in_dim3A_994, %select_n3A_890 : vector<16xi1>, vector<16xf32>
      %eq3A_996 = arith.constant 7 : i32
      %eq3A_997 = vector.broadcast %eq3A_996 : i32 to vector<16xi32>
      %eq3A_998 = arith.cmpi eq, %iota3A, %eq3A_997 : vector<16xi32>
      %reduce_sum3A_999 = arith.constant true
      %reduce_sum3A_1000 = vector.broadcast %reduce_sum3A_999 : i1 to vector<16xi1>
      %reduce_sum3A_1001 = tpu.scan <sum>, %add3A_977 masked %reduce_sum3A_1000 : vector<16xf32>, vector<16xi1> -> vector<16xf32>
      %reduce_sum3A_1002 = vector.extract %reduce_sum3A_1001[15] : f32 from vector<16xf32>
      %broadcast_in_dim3A_1003 = vector.broadcast %reduce_sum3A_1002 : f32 to vector<16xf32>
      %select_n3A_1004 = arith.select %eq3A_998, %broadcast_in_dim3A_1003, %select_n3A_899 : vector<16xi1>, vector<16xf32>
      %mul3A_1005 = arith.constant 16 : i32
      %mul3A_1006 = arith.muli %scan3A_146, %mul3A_1005 : i32
      %add3A_1007 = arith.constant 8 : i32
      %add3A_1008 = arith.addi %mul3A_1006, %add3A_1007 : i32
      %slice3A_1009 = vector.extract_strided_slice %mul3A_156 {offsets = [8], sizes = [1], strides = [1]} : vector<16xi32> to vector<1xi32>
      %squeeze3A_1010 = vector.extract %slice3A_1009[0] : i32 from vector<1xi32>
      %slice3A_1011 = vector.extract_strided_slice %mul3A_164 {offsets = [8], sizes = [1], strides = [1]} : vector<16xi32> to vector<1xi32>
      %squeeze3A_1012 = vector.extract %slice3A_1011[0] : i32 from vector<1xi32>
      %broadcast_in_dim3A_1013 = arith.constant 0.000000e+00 : f32
      %broadcast_in_dim3A_1014 = vector.broadcast %broadcast_in_dim3A_1013 : f32 to vector<16xf32>
      %broadcast_in_dim3A_1015 = arith.constant 0.000000e+00 : f32
      %broadcast_in_dim3A_1016 = vector.broadcast %broadcast_in_dim3A_1015 : f32 to vector<16xf32>
      %broadcast_in_dim3A_1017 = arith.constant 0.000000e+00 : f32
      %broadcast_in_dim3A_1018 = vector.broadcast %broadcast_in_dim3A_1017 : f32 to vector<16xf32>
      %add3A_1019 = arith.constant 0 : i32
      %add3A_1020 = arith.addi %squeeze3A_1010, %add3A_1019 : i32
      %get3A_1021 = arith.index_cast %add3A_1008 : i32 to index
      %get3A_1022 = arith.index_cast %add3A_1020 : i32 to index
      %get3A_1023 = tpu.vector_load %arg13[%get3A_1021, %get3A_1022] {strides = array<i32>} : memref<256x128xf32, #tpu.memory_space<vmem>>, vector<16xf32>,
      %add3A_1024 = arith.constant 0 : i32
      %add3A_1025 = arith.addi %squeeze3A_1012, %add3A_1024 : i32
      %get3A_1026 = arith.index_cast %add3A_1008 : i32 to index
      %get3A_1027 = arith.index_cast %add3A_1025 : i32 to index
      %get3A_1028 = tpu.vector_load %arg14[%get3A_1026, %get3A_1027] {strides = array<i32>} : memref<256x128xf32, #tpu.memory_space<vmem>>, vector<16xf32>,
      %mul3A_1029 = arith.mulf %get3A_1023, %get3A_1028 : vector<16xf32>
      %add3A_1030 = arith.addf %broadcast_in_dim3A_1014, %mul3A_1029 : vector<16xf32>
      %mul3A_1031 = arith.mulf %get3A_1023, %get3A_1023 : vector<16xf32>
      %add3A_1032 = arith.addf %broadcast_in_dim3A_1016, %mul3A_1031 : vector<16xf32>
      %mul3A_1033 = arith.mulf %get3A_1028, %get3A_1028 : vector<16xf32>
      %add3A_1034 = arith.addf %broadcast_in_dim3A_1018, %mul3A_1033 : vector<16xf32>
      %add3A_1035 = arith.constant 16 : i32
      %add3A_1036 = arith.addi %squeeze3A_1010, %add3A_1035 : i32
      %get3A_1037 = arith.index_cast %add3A_1008 : i32 to index
      %get3A_1038 = arith.index_cast %add3A_1036 : i32 to index
      %get3A_1039 = tpu.vector_load %arg13[%get3A_1037, %get3A_1038] {strides = array<i32>} : memref<256x128xf32, #tpu.memory_space<vmem>>, vector<16xf32>,
      %add3A_1040 = arith.constant 16 : i32
      %add3A_1041 = arith.addi %squeeze3A_1012, %add3A_1040 : i32
      %get3A_1042 = arith.index_cast %add3A_1008 : i32 to index
      %get3A_1043 = arith.index_cast %add3A_1041 : i32 to index
      %get3A_1044 = tpu.vector_load %arg14[%get3A_1042, %get3A_1043] {strides = array<i32>} : memref<256x128xf32, #tpu.memory_space<vmem>>, vector<16xf32>,
      %mul3A_1045 = arith.mulf %get3A_1039, %get3A_1044 : vector<16xf32>
      %add3A_1046 = arith.addf %add3A_1030, %mul3A_1045 : vector<16xf32>
      %mul3A_1047 = arith.mulf %get3A_1039, %get3A_1039 : vector<16xf32>
      %add3A_1048 = arith.addf %add3A_1032, %mul3A_1047 : vector<16xf32>
      %mul3A_1049 = arith.mulf %get3A_1044, %get3A_1044 : vector<16xf32>
      %add3A_1050 = arith.addf %add3A_1034, %mul3A_1049 : vector<16xf32>
      %add3A_1051 = arith.constant 32 : i32
      %add3A_1052 = arith.addi %squeeze3A_1010, %add3A_1051 : i32
      %get3A_1053 = arith.index_cast %add3A_1008 : i32 to index
      %get3A_1054 = arith.index_cast %add3A_1052 : i32 to index
      %get3A_1055 = tpu.vector_load %arg13[%get3A_1053, %get3A_1054] {strides = array<i32>} : memref<256x128xf32, #tpu.memory_space<vmem>>, vector<16xf32>,
      %add3A_1056 = arith.constant 32 : i32
      %add3A_1057 = arith.addi %squeeze3A_1012, %add3A_1056 : i32
      %get3A_1058 = arith.index_cast %add3A_1008 : i32 to index
      %get3A_1059 = arith.index_cast %add3A_1057 : i32 to index
      %get3A_1060 = tpu.vector_load %arg14[%get3A_1058, %get3A_1059] {strides = array<i32>} : memref<256x128xf32, #tpu.memory_space<vmem>>, vector<16xf32>,
      %mul3A_1061 = arith.mulf %get3A_1055, %get3A_1060 : vector<16xf32>
      %add3A_1062 = arith.addf %add3A_1046, %mul3A_1061 : vector<16xf32>
      %mul3A_1063 = arith.mulf %get3A_1055, %get3A_1055 : vector<16xf32>
      %add3A_1064 = arith.addf %add3A_1048, %mul3A_1063 : vector<16xf32>
      %mul3A_1065 = arith.mulf %get3A_1060, %get3A_1060 : vector<16xf32>
      %add3A_1066 = arith.addf %add3A_1050, %mul3A_1065 : vector<16xf32>
      %add3A_1067 = arith.constant 48 : i32
      %add3A_1068 = arith.addi %squeeze3A_1010, %add3A_1067 : i32
      %get3A_1069 = arith.index_cast %add3A_1008 : i32 to index
      %get3A_1070 = arith.index_cast %add3A_1068 : i32 to index
      %get3A_1071 = tpu.vector_load %arg13[%get3A_1069, %get3A_1070] {strides = array<i32>} : memref<256x128xf32, #tpu.memory_space<vmem>>, vector<16xf32>,
      %add3A_1072 = arith.constant 48 : i32
      %add3A_1073 = arith.addi %squeeze3A_1012, %add3A_1072 : i32
      %get3A_1074 = arith.index_cast %add3A_1008 : i32 to index
      %get3A_1075 = arith.index_cast %add3A_1073 : i32 to index
      %get3A_1076 = tpu.vector_load %arg14[%get3A_1074, %get3A_1075] {strides = array<i32>} : memref<256x128xf32, #tpu.memory_space<vmem>>, vector<16xf32>,
      %mul3A_1077 = arith.mulf %get3A_1071, %get3A_1076 : vector<16xf32>
      %add3A_1078 = arith.addf %add3A_1062, %mul3A_1077 : vector<16xf32>
      %mul3A_1079 = arith.mulf %get3A_1071, %get3A_1071 : vector<16xf32>
      %add3A_1080 = arith.addf %add3A_1064, %mul3A_1079 : vector<16xf32>
      %mul3A_1081 = arith.mulf %get3A_1076, %get3A_1076 : vector<16xf32>
      %add3A_1082 = arith.addf %add3A_1066, %mul3A_1081 : vector<16xf32>
      %eq3A_1083 = arith.constant 8 : i32
      %eq3A_1084 = vector.broadcast %eq3A_1083 : i32 to vector<16xi32>
      %eq3A_1085 = arith.cmpi eq, %iota3A, %eq3A_1084 : vector<16xi32>
      %reduce_sum3A_1086 = arith.constant true
      %reduce_sum3A_1087 = vector.broadcast %reduce_sum3A_1086 : i1 to vector<16xi1>
      %reduce_sum3A_1088 = tpu.scan <sum>, %add3A_1078 masked %reduce_sum3A_1087 : vector<16xf32>, vector<16xi1> -> vector<16xf32>
      %reduce_sum3A_1089 = vector.extract %reduce_sum3A_1088[15] : f32 from vector<16xf32>
      %broadcast_in_dim3A_1090 = vector.broadcast %reduce_sum3A_1089 : f32 to vector<16xf32>
      %select_n3A_1091 = arith.select %eq3A_1085, %broadcast_in_dim3A_1090, %select_n3A_986 : vector<16xi1>, vector<16xf32>
      %eq3A_1092 = arith.constant 8 : i32
      %eq3A_1093 = vector.broadcast %eq3A_1092 : i32 to vector<16xi32>
      %eq3A_1094 = arith.cmpi eq, %iota3A, %eq3A_1093 : vector<16xi32>
      %reduce_sum3A_1095 = arith.constant true
      %reduce_sum3A_1096 = vector.broadcast %reduce_sum3A_1095 : i1 to vector<16xi1>
      %reduce_sum3A_1097 = tpu.scan <sum>, %add3A_1080 masked %reduce_sum3A_1096 : vector<16xf32>, vector<16xi1> -> vector<16xf32>
      %reduce_sum3A_1098 = vector.extract %reduce_sum3A_1097[15] : f32 from vector<16xf32>
      %broadcast_in_dim3A_1099 = vector.broadcast %reduce_sum3A_1098 : f32 to vector<16xf32>
      %select_n3A_1100 = arith.select %eq3A_1094, %broadcast_in_dim3A_1099, %select_n3A_995 : vector<16xi1>, vector<16xf32>
      %eq3A_1101 = arith.constant 8 : i32
      %eq3A_1102 = vector.broadcast %eq3A_1101 : i32 to vector<16xi32>
      %eq3A_1103 = arith.cmpi eq, %iota3A, %eq3A_1102 : vector<16xi32>
      %reduce_sum3A_1104 = arith.constant true
      %reduce_sum3A_1105 = vector.broadcast %reduce_sum3A_1104 : i1 to vector<16xi1>
      %reduce_sum3A_1106 = tpu.scan <sum>, %add3A_1082 masked %reduce_sum3A_1105 : vector<16xf32>, vector<16xi1> -> vector<16xf32>
      %reduce_sum3A_1107 = vector.extract %reduce_sum3A_1106[15] : f32 from vector<16xf32>
      %broadcast_in_dim3A_1108 = vector.broadcast %reduce_sum3A_1107 : f32 to vector<16xf32>
      %select_n3A_1109 = arith.select %eq3A_1103, %broadcast_in_dim3A_1108, %select_n3A_1004 : vector<16xi1>, vector<16xf32>
      %mul3A_1110 = arith.constant 16 : i32
      %mul3A_1111 = arith.muli %scan3A_146, %mul3A_1110 : i32
      %add3A_1112 = arith.constant 9 : i32
      %add3A_1113 = arith.addi %mul3A_1111, %add3A_1112 : i32
      %slice3A_1114 = vector.extract_strided_slice %mul3A_156 {offsets = [9], sizes = [1], strides = [1]} : vector<16xi32> to vector<1xi32>
      %squeeze3A_1115 = vector.extract %slice3A_1114[0] : i32 from vector<1xi32>
      %slice3A_1116 = vector.extract_strided_slice %mul3A_164 {offsets = [9], sizes = [1], strides = [1]} : vector<16xi32> to vector<1xi32>
      %squeeze3A_1117 = vector.extract %slice3A_1116[0] : i32 from vector<1xi32>
      %broadcast_in_dim3A_1118 = arith.constant 0.000000e+00 : f32
      %broadcast_in_dim3A_1119 = vector.broadcast %broadcast_in_dim3A_1118 : f32 to vector<16xf32>
      %broadcast_in_dim3A_1120 = arith.constant 0.000000e+00 : f32
      %broadcast_in_dim3A_1121 = vector.broadcast %broadcast_in_dim3A_1120 : f32 to vector<16xf32>
      %broadcast_in_dim3A_1122 = arith.constant 0.000000e+00 : f32
      %broadcast_in_dim3A_1123 = vector.broadcast %broadcast_in_dim3A_1122 : f32 to vector<16xf32>
      %add3A_1124 = arith.constant 0 : i32
      %add3A_1125 = arith.addi %squeeze3A_1115, %add3A_1124 : i32
      %get3A_1126 = arith.index_cast %add3A_1113 : i32 to index
      %get3A_1127 = arith.index_cast %add3A_1125 : i32 to index
      %get3A_1128 = tpu.vector_load %arg13[%get3A_1126, %get3A_1127] {strides = array<i32>} : memref<256x128xf32, #tpu.memory_space<vmem>>, vector<16xf32>,
      %add3A_1129 = arith.constant 0 : i32
      %add3A_1130 = arith.addi %squeeze3A_1117, %add3A_1129 : i32
      %get3A_1131 = arith.index_cast %add3A_1113 : i32 to index
      %get3A_1132 = arith.index_cast %add3A_1130 : i32 to index
      %get3A_1133 = tpu.vector_load %arg14[%get3A_1131, %get3A_1132] {strides = array<i32>} : memref<256x128xf32, #tpu.memory_space<vmem>>, vector<16xf32>,
      %mul3A_1134 = arith.mulf %get3A_1128, %get3A_1133 : vector<16xf32>
      %add3A_1135 = arith.addf %broadcast_in_dim3A_1119, %mul3A_1134 : vector<16xf32>
      %mul3A_1136 = arith.mulf %get3A_1128, %get3A_1128 : vector<16xf32>
      %add3A_1137 = arith.addf %broadcast_in_dim3A_1121, %mul3A_1136 : vector<16xf32>
      %mul3A_1138 = arith.mulf %get3A_1133, %get3A_1133 : vector<16xf32>
      %add3A_1139 = arith.addf %broadcast_in_dim3A_1123, %mul3A_1138 : vector<16xf32>
      %add3A_1140 = arith.constant 16 : i32
      %add3A_1141 = arith.addi %squeeze3A_1115, %add3A_1140 : i32
      %get3A_1142 = arith.index_cast %add3A_1113 : i32 to index
      %get3A_1143 = arith.index_cast %add3A_1141 : i32 to index
      %get3A_1144 = tpu.vector_load %arg13[%get3A_1142, %get3A_1143] {strides = array<i32>} : memref<256x128xf32, #tpu.memory_space<vmem>>, vector<16xf32>,
      %add3A_1145 = arith.constant 16 : i32
      %add3A_1146 = arith.addi %squeeze3A_1117, %add3A_1145 : i32
      %get3A_1147 = arith.index_cast %add3A_1113 : i32 to index
      %get3A_1148 = arith.index_cast %add3A_1146 : i32 to index
      %get3A_1149 = tpu.vector_load %arg14[%get3A_1147, %get3A_1148] {strides = array<i32>} : memref<256x128xf32, #tpu.memory_space<vmem>>, vector<16xf32>,
      %mul3A_1150 = arith.mulf %get3A_1144, %get3A_1149 : vector<16xf32>
      %add3A_1151 = arith.addf %add3A_1135, %mul3A_1150 : vector<16xf32>
      %mul3A_1152 = arith.mulf %get3A_1144, %get3A_1144 : vector<16xf32>
      %add3A_1153 = arith.addf %add3A_1137, %mul3A_1152 : vector<16xf32>
      %mul3A_1154 = arith.mulf %get3A_1149, %get3A_1149 : vector<16xf32>
      %add3A_1155 = arith.addf %add3A_1139, %mul3A_1154 : vector<16xf32>
      %add3A_1156 = arith.constant 32 : i32
      %add3A_1157 = arith.addi %squeeze3A_1115, %add3A_1156 : i32
      %get3A_1158 = arith.index_cast %add3A_1113 : i32 to index
      %get3A_1159 = arith.index_cast %add3A_1157 : i32 to index
      %get3A_1160 = tpu.vector_load %arg13[%get3A_1158, %get3A_1159] {strides = array<i32>} : memref<256x128xf32, #tpu.memory_space<vmem>>, vector<16xf32>,
      %add3A_1161 = arith.constant 32 : i32
      %add3A_1162 = arith.addi %squeeze3A_1117, %add3A_1161 : i32
      %get3A_1163 = arith.index_cast %add3A_1113 : i32 to index
      %get3A_1164 = arith.index_cast %add3A_1162 : i32 to index
      %get3A_1165 = tpu.vector_load %arg14[%get3A_1163, %get3A_1164] {strides = array<i32>} : memref<256x128xf32, #tpu.memory_space<vmem>>, vector<16xf32>,
      %mul3A_1166 = arith.mulf %get3A_1160, %get3A_1165 : vector<16xf32>
      %add3A_1167 = arith.addf %add3A_1151, %mul3A_1166 : vector<16xf32>
      %mul3A_1168 = arith.mulf %get3A_1160, %get3A_1160 : vector<16xf32>
      %add3A_1169 = arith.addf %add3A_1153, %mul3A_1168 : vector<16xf32>
      %mul3A_1170 = arith.mulf %get3A_1165, %get3A_1165 : vector<16xf32>
      %add3A_1171 = arith.addf %add3A_1155, %mul3A_1170 : vector<16xf32>
      %add3A_1172 = arith.constant 48 : i32
      %add3A_1173 = arith.addi %squeeze3A_1115, %add3A_1172 : i32
      %get3A_1174 = arith.index_cast %add3A_1113 : i32 to index
      %get3A_1175 = arith.index_cast %add3A_1173 : i32 to index
      %get3A_1176 = tpu.vector_load %arg13[%get3A_1174, %get3A_1175] {strides = array<i32>} : memref<256x128xf32, #tpu.memory_space<vmem>>, vector<16xf32>,
      %add3A_1177 = arith.constant 48 : i32
      %add3A_1178 = arith.addi %squeeze3A_1117, %add3A_1177 : i32
      %get3A_1179 = arith.index_cast %add3A_1113 : i32 to index
      %get3A_1180 = arith.index_cast %add3A_1178 : i32 to index
      %get3A_1181 = tpu.vector_load %arg14[%get3A_1179, %get3A_1180] {strides = array<i32>} : memref<256x128xf32, #tpu.memory_space<vmem>>, vector<16xf32>,
      %mul3A_1182 = arith.mulf %get3A_1176, %get3A_1181 : vector<16xf32>
      %add3A_1183 = arith.addf %add3A_1167, %mul3A_1182 : vector<16xf32>
      %mul3A_1184 = arith.mulf %get3A_1176, %get3A_1176 : vector<16xf32>
      %add3A_1185 = arith.addf %add3A_1169, %mul3A_1184 : vector<16xf32>
      %mul3A_1186 = arith.mulf %get3A_1181, %get3A_1181 : vector<16xf32>
      %add3A_1187 = arith.addf %add3A_1171, %mul3A_1186 : vector<16xf32>
      %eq3A_1188 = arith.constant 9 : i32
      %eq3A_1189 = vector.broadcast %eq3A_1188 : i32 to vector<16xi32>
      %eq3A_1190 = arith.cmpi eq, %iota3A, %eq3A_1189 : vector<16xi32>
      %reduce_sum3A_1191 = arith.constant true
      %reduce_sum3A_1192 = vector.broadcast %reduce_sum3A_1191 : i1 to vector<16xi1>
      %reduce_sum3A_1193 = tpu.scan <sum>, %add3A_1183 masked %reduce_sum3A_1192 : vector<16xf32>, vector<16xi1> -> vector<16xf32>
      %reduce_sum3A_1194 = vector.extract %reduce_sum3A_1193[15] : f32 from vector<16xf32>
      %broadcast_in_dim3A_1195 = vector.broadcast %reduce_sum3A_1194 : f32 to vector<16xf32>
      %select_n3A_1196 = arith.select %eq3A_1190, %broadcast_in_dim3A_1195, %select_n3A_1091 : vector<16xi1>, vector<16xf32>
      %eq3A_1197 = arith.constant 9 : i32
      %eq3A_1198 = vector.broadcast %eq3A_1197 : i32 to vector<16xi32>
      %eq3A_1199 = arith.cmpi eq, %iota3A, %eq3A_1198 : vector<16xi32>
      %reduce_sum3A_1200 = arith.constant true
      %reduce_sum3A_1201 = vector.broadcast %reduce_sum3A_1200 : i1 to vector<16xi1>
      %reduce_sum3A_1202 = tpu.scan <sum>, %add3A_1185 masked %reduce_sum3A_1201 : vector<16xf32>, vector<16xi1> -> vector<16xf32>
      %reduce_sum3A_1203 = vector.extract %reduce_sum3A_1202[15] : f32 from vector<16xf32>
      %broadcast_in_dim3A_1204 = vector.broadcast %reduce_sum3A_1203 : f32 to vector<16xf32>
      %select_n3A_1205 = arith.select %eq3A_1199, %broadcast_in_dim3A_1204, %select_n3A_1100 : vector<16xi1>, vector<16xf32>
      %eq3A_1206 = arith.constant 9 : i32
      %eq3A_1207 = vector.broadcast %eq3A_1206 : i32 to vector<16xi32>
      %eq3A_1208 = arith.cmpi eq, %iota3A, %eq3A_1207 : vector<16xi32>
      %reduce_sum3A_1209 = arith.constant true
      %reduce_sum3A_1210 = vector.broadcast %reduce_sum3A_1209 : i1 to vector<16xi1>
      %reduce_sum3A_1211 = tpu.scan <sum>, %add3A_1187 masked %reduce_sum3A_1210 : vector<16xf32>, vector<16xi1> -> vector<16xf32>
      %reduce_sum3A_1212 = vector.extract %reduce_sum3A_1211[15] : f32 from vector<16xf32>
      %broadcast_in_dim3A_1213 = vector.broadcast %reduce_sum3A_1212 : f32 to vector<16xf32>
      %select_n3A_1214 = arith.select %eq3A_1208, %broadcast_in_dim3A_1213, %select_n3A_1109 : vector<16xi1>, vector<16xf32>
      %mul3A_1215 = arith.constant 16 : i32
      %mul3A_1216 = arith.muli %scan3A_146, %mul3A_1215 : i32
      %add3A_1217 = arith.constant 10 : i32
      %add3A_1218 = arith.addi %mul3A_1216, %add3A_1217 : i32
      %slice3A_1219 = vector.extract_strided_slice %mul3A_156 {offsets = [10], sizes = [1], strides = [1]} : vector<16xi32> to vector<1xi32>
      %squeeze3A_1220 = vector.extract %slice3A_1219[0] : i32 from vector<1xi32>
      %slice3A_1221 = vector.extract_strided_slice %mul3A_164 {offsets = [10], sizes = [1], strides = [1]} : vector<16xi32> to vector<1xi32>
      %squeeze3A_1222 = vector.extract %slice3A_1221[0] : i32 from vector<1xi32>
      %broadcast_in_dim3A_1223 = arith.constant 0.000000e+00 : f32
      %broadcast_in_dim3A_1224 = vector.broadcast %broadcast_in_dim3A_1223 : f32 to vector<16xf32>
      %broadcast_in_dim3A_1225 = arith.constant 0.000000e+00 : f32
      %broadcast_in_dim3A_1226 = vector.broadcast %broadcast_in_dim3A_1225 : f32 to vector<16xf32>
      %broadcast_in_dim3A_1227 = arith.constant 0.000000e+00 : f32
      %broadcast_in_dim3A_1228 = vector.broadcast %broadcast_in_dim3A_1227 : f32 to vector<16xf32>
      %add3A_1229 = arith.constant 0 : i32
      %add3A_1230 = arith.addi %squeeze3A_1220, %add3A_1229 : i32
      %get3A_1231 = arith.index_cast %add3A_1218 : i32 to index
      %get3A_1232 = arith.index_cast %add3A_1230 : i32 to index
      %get3A_1233 = tpu.vector_load %arg13[%get3A_1231, %get3A_1232] {strides = array<i32>} : memref<256x128xf32, #tpu.memory_space<vmem>>, vector<16xf32>,
      %add3A_1234 = arith.constant 0 : i32
      %add3A_1235 = arith.addi %squeeze3A_1222, %add3A_1234 : i32
      %get3A_1236 = arith.index_cast %add3A_1218 : i32 to index
      %get3A_1237 = arith.index_cast %add3A_1235 : i32 to index
      %get3A_1238 = tpu.vector_load %arg14[%get3A_1236, %get3A_1237] {strides = array<i32>} : memref<256x128xf32, #tpu.memory_space<vmem>>, vector<16xf32>,
      %mul3A_1239 = arith.mulf %get3A_1233, %get3A_1238 : vector<16xf32>
      %add3A_1240 = arith.addf %broadcast_in_dim3A_1224, %mul3A_1239 : vector<16xf32>
      %mul3A_1241 = arith.mulf %get3A_1233, %get3A_1233 : vector<16xf32>
      %add3A_1242 = arith.addf %broadcast_in_dim3A_1226, %mul3A_1241 : vector<16xf32>
      %mul3A_1243 = arith.mulf %get3A_1238, %get3A_1238 : vector<16xf32>
      %add3A_1244 = arith.addf %broadcast_in_dim3A_1228, %mul3A_1243 : vector<16xf32>
      %add3A_1245 = arith.constant 16 : i32
      %add3A_1246 = arith.addi %squeeze3A_1220, %add3A_1245 : i32
      %get3A_1247 = arith.index_cast %add3A_1218 : i32 to index
      %get3A_1248 = arith.index_cast %add3A_1246 : i32 to index
      %get3A_1249 = tpu.vector_load %arg13[%get3A_1247, %get3A_1248] {strides = array<i32>} : memref<256x128xf32, #tpu.memory_space<vmem>>, vector<16xf32>,
      %add3A_1250 = arith.constant 16 : i32
      %add3A_1251 = arith.addi %squeeze3A_1222, %add3A_1250 : i32
      %get3A_1252 = arith.index_cast %add3A_1218 : i32 to index
      %get3A_1253 = arith.index_cast %add3A_1251 : i32 to index
      %get3A_1254 = tpu.vector_load %arg14[%get3A_1252, %get3A_1253] {strides = array<i32>} : memref<256x128xf32, #tpu.memory_space<vmem>>, vector<16xf32>,
      %mul3A_1255 = arith.mulf %get3A_1249, %get3A_1254 : vector<16xf32>
      %add3A_1256 = arith.addf %add3A_1240, %mul3A_1255 : vector<16xf32>
      %mul3A_1257 = arith.mulf %get3A_1249, %get3A_1249 : vector<16xf32>
      %add3A_1258 = arith.addf %add3A_1242, %mul3A_1257 : vector<16xf32>
      %mul3A_1259 = arith.mulf %get3A_1254, %get3A_1254 : vector<16xf32>
      %add3A_1260 = arith.addf %add3A_1244, %mul3A_1259 : vector<16xf32>
      %add3A_1261 = arith.constant 32 : i32
      %add3A_1262 = arith.addi %squeeze3A_1220, %add3A_1261 : i32
      %get3A_1263 = arith.index_cast %add3A_1218 : i32 to index
      %get3A_1264 = arith.index_cast %add3A_1262 : i32 to index
      %get3A_1265 = tpu.vector_load %arg13[%get3A_1263, %get3A_1264] {strides = array<i32>} : memref<256x128xf32, #tpu.memory_space<vmem>>, vector<16xf32>,
      %add3A_1266 = arith.constant 32 : i32
      %add3A_1267 = arith.addi %squeeze3A_1222, %add3A_1266 : i32
      %get3A_1268 = arith.index_cast %add3A_1218 : i32 to index
      %get3A_1269 = arith.index_cast %add3A_1267 : i32 to index
      %get3A_1270 = tpu.vector_load %arg14[%get3A_1268, %get3A_1269] {strides = array<i32>} : memref<256x128xf32, #tpu.memory_space<vmem>>, vector<16xf32>,
      %mul3A_1271 = arith.mulf %get3A_1265, %get3A_1270 : vector<16xf32>
      %add3A_1272 = arith.addf %add3A_1256, %mul3A_1271 : vector<16xf32>
      %mul3A_1273 = arith.mulf %get3A_1265, %get3A_1265 : vector<16xf32>
      %add3A_1274 = arith.addf %add3A_1258, %mul3A_1273 : vector<16xf32>
      %mul3A_1275 = arith.mulf %get3A_1270, %get3A_1270 : vector<16xf32>
      %add3A_1276 = arith.addf %add3A_1260, %mul3A_1275 : vector<16xf32>
      %add3A_1277 = arith.constant 48 : i32
      %add3A_1278 = arith.addi %squeeze3A_1220, %add3A_1277 : i32
      %get3A_1279 = arith.index_cast %add3A_1218 : i32 to index
      %get3A_1280 = arith.index_cast %add3A_1278 : i32 to index
      %get3A_1281 = tpu.vector_load %arg13[%get3A_1279, %get3A_1280] {strides = array<i32>} : memref<256x128xf32, #tpu.memory_space<vmem>>, vector<16xf32>,
      %add3A_1282 = arith.constant 48 : i32
      %add3A_1283 = arith.addi %squeeze3A_1222, %add3A_1282 : i32
      %get3A_1284 = arith.index_cast %add3A_1218 : i32 to index
      %get3A_1285 = arith.index_cast %add3A_1283 : i32 to index
      %get3A_1286 = tpu.vector_load %arg14[%get3A_1284, %get3A_1285] {strides = array<i32>} : memref<256x128xf32, #tpu.memory_space<vmem>>, vector<16xf32>,
      %mul3A_1287 = arith.mulf %get3A_1281, %get3A_1286 : vector<16xf32>
      %add3A_1288 = arith.addf %add3A_1272, %mul3A_1287 : vector<16xf32>
      %mul3A_1289 = arith.mulf %get3A_1281, %get3A_1281 : vector<16xf32>
      %add3A_1290 = arith.addf %add3A_1274, %mul3A_1289 : vector<16xf32>
      %mul3A_1291 = arith.mulf %get3A_1286, %get3A_1286 : vector<16xf32>
      %add3A_1292 = arith.addf %add3A_1276, %mul3A_1291 : vector<16xf32>
      %eq3A_1293 = arith.constant 10 : i32
      %eq3A_1294 = vector.broadcast %eq3A_1293 : i32 to vector<16xi32>
      %eq3A_1295 = arith.cmpi eq, %iota3A, %eq3A_1294 : vector<16xi32>
      %reduce_sum3A_1296 = arith.constant true
      %reduce_sum3A_1297 = vector.broadcast %reduce_sum3A_1296 : i1 to vector<16xi1>
      %reduce_sum3A_1298 = tpu.scan <sum>, %add3A_1288 masked %reduce_sum3A_1297 : vector<16xf32>, vector<16xi1> -> vector<16xf32>
      %reduce_sum3A_1299 = vector.extract %reduce_sum3A_1298[15] : f32 from vector<16xf32>
      %broadcast_in_dim3A_1300 = vector.broadcast %reduce_sum3A_1299 : f32 to vector<16xf32>
      %select_n3A_1301 = arith.select %eq3A_1295, %broadcast_in_dim3A_1300, %select_n3A_1196 : vector<16xi1>, vector<16xf32>
      %eq3A_1302 = arith.constant 10 : i32
      %eq3A_1303 = vector.broadcast %eq3A_1302 : i32 to vector<16xi32>
      %eq3A_1304 = arith.cmpi eq, %iota3A, %eq3A_1303 : vector<16xi32>
      %reduce_sum3A_1305 = arith.constant true
      %reduce_sum3A_1306 = vector.broadcast %reduce_sum3A_1305 : i1 to vector<16xi1>
      %reduce_sum3A_1307 = tpu.scan <sum>, %add3A_1290 masked %reduce_sum3A_1306 : vector<16xf32>, vector<16xi1> -> vector<16xf32>
      %reduce_sum3A_1308 = vector.extract %reduce_sum3A_1307[15] : f32 from vector<16xf32>
      %broadcast_in_dim3A_1309 = vector.broadcast %reduce_sum3A_1308 : f32 to vector<16xf32>
      %select_n3A_1310 = arith.select %eq3A_1304, %broadcast_in_dim3A_1309, %select_n3A_1205 : vector<16xi1>, vector<16xf32>
      %eq3A_1311 = arith.constant 10 : i32
      %eq3A_1312 = vector.broadcast %eq3A_1311 : i32 to vector<16xi32>
      %eq3A_1313 = arith.cmpi eq, %iota3A, %eq3A_1312 : vector<16xi32>
      %reduce_sum3A_1314 = arith.constant true
      %reduce_sum3A_1315 = vector.broadcast %reduce_sum3A_1314 : i1 to vector<16xi1>
      %reduce_sum3A_1316 = tpu.scan <sum>, %add3A_1292 masked %reduce_sum3A_1315 : vector<16xf32>, vector<16xi1> -> vector<16xf32>
      %reduce_sum3A_1317 = vector.extract %reduce_sum3A_1316[15] : f32 from vector<16xf32>
      %broadcast_in_dim3A_1318 = vector.broadcast %reduce_sum3A_1317 : f32 to vector<16xf32>
      %select_n3A_1319 = arith.select %eq3A_1313, %broadcast_in_dim3A_1318, %select_n3A_1214 : vector<16xi1>, vector<16xf32>
      %mul3A_1320 = arith.constant 16 : i32
      %mul3A_1321 = arith.muli %scan3A_146, %mul3A_1320 : i32
      %add3A_1322 = arith.constant 11 : i32
      %add3A_1323 = arith.addi %mul3A_1321, %add3A_1322 : i32
      %slice3A_1324 = vector.extract_strided_slice %mul3A_156 {offsets = [11], sizes = [1], strides = [1]} : vector<16xi32> to vector<1xi32>
      %squeeze3A_1325 = vector.extract %slice3A_1324[0] : i32 from vector<1xi32>
      %slice3A_1326 = vector.extract_strided_slice %mul3A_164 {offsets = [11], sizes = [1], strides = [1]} : vector<16xi32> to vector<1xi32>
      %squeeze3A_1327 = vector.extract %slice3A_1326[0] : i32 from vector<1xi32>
      %broadcast_in_dim3A_1328 = arith.constant 0.000000e+00 : f32
      %broadcast_in_dim3A_1329 = vector.broadcast %broadcast_in_dim3A_1328 : f32 to vector<16xf32>
      %broadcast_in_dim3A_1330 = arith.constant 0.000000e+00 : f32
      %broadcast_in_dim3A_1331 = vector.broadcast %broadcast_in_dim3A_1330 : f32 to vector<16xf32>
      %broadcast_in_dim3A_1332 = arith.constant 0.000000e+00 : f32
      %broadcast_in_dim3A_1333 = vector.broadcast %broadcast_in_dim3A_1332 : f32 to vector<16xf32>
      %add3A_1334 = arith.constant 0 : i32
      %add3A_1335 = arith.addi %squeeze3A_1325, %add3A_1334 : i32
      %get3A_1336 = arith.index_cast %add3A_1323 : i32 to index
      %get3A_1337 = arith.index_cast %add3A_1335 : i32 to index
      %get3A_1338 = tpu.vector_load %arg13[%get3A_1336, %get3A_1337] {strides = array<i32>} : memref<256x128xf32, #tpu.memory_space<vmem>>, vector<16xf32>,
      %add3A_1339 = arith.constant 0 : i32
      %add3A_1340 = arith.addi %squeeze3A_1327, %add3A_1339 : i32
      %get3A_1341 = arith.index_cast %add3A_1323 : i32 to index
      %get3A_1342 = arith.index_cast %add3A_1340 : i32 to index
      %get3A_1343 = tpu.vector_load %arg14[%get3A_1341, %get3A_1342] {strides = array<i32>} : memref<256x128xf32, #tpu.memory_space<vmem>>, vector<16xf32>,
      %mul3A_1344 = arith.mulf %get3A_1338, %get3A_1343 : vector<16xf32>
      %add3A_1345 = arith.addf %broadcast_in_dim3A_1329, %mul3A_1344 : vector<16xf32>
      %mul3A_1346 = arith.mulf %get3A_1338, %get3A_1338 : vector<16xf32>
      %add3A_1347 = arith.addf %broadcast_in_dim3A_1331, %mul3A_1346 : vector<16xf32>
      %mul3A_1348 = arith.mulf %get3A_1343, %get3A_1343 : vector<16xf32>
      %add3A_1349 = arith.addf %broadcast_in_dim3A_1333, %mul3A_1348 : vector<16xf32>
      %add3A_1350 = arith.constant 16 : i32
      %add3A_1351 = arith.addi %squeeze3A_1325, %add3A_1350 : i32
      %get3A_1352 = arith.index_cast %add3A_1323 : i32 to index
      %get3A_1353 = arith.index_cast %add3A_1351 : i32 to index
      %get3A_1354 = tpu.vector_load %arg13[%get3A_1352, %get3A_1353] {strides = array<i32>} : memref<256x128xf32, #tpu.memory_space<vmem>>, vector<16xf32>,
      %add3A_1355 = arith.constant 16 : i32
      %add3A_1356 = arith.addi %squeeze3A_1327, %add3A_1355 : i32
      %get3A_1357 = arith.index_cast %add3A_1323 : i32 to index
      %get3A_1358 = arith.index_cast %add3A_1356 : i32 to index
      %get3A_1359 = tpu.vector_load %arg14[%get3A_1357, %get3A_1358] {strides = array<i32>} : memref<256x128xf32, #tpu.memory_space<vmem>>, vector<16xf32>,
      %mul3A_1360 = arith.mulf %get3A_1354, %get3A_1359 : vector<16xf32>
      %add3A_1361 = arith.addf %add3A_1345, %mul3A_1360 : vector<16xf32>
      %mul3A_1362 = arith.mulf %get3A_1354, %get3A_1354 : vector<16xf32>
      %add3A_1363 = arith.addf %add3A_1347, %mul3A_1362 : vector<16xf32>
      %mul3A_1364 = arith.mulf %get3A_1359, %get3A_1359 : vector<16xf32>
      %add3A_1365 = arith.addf %add3A_1349, %mul3A_1364 : vector<16xf32>
      %add3A_1366 = arith.constant 32 : i32
      %add3A_1367 = arith.addi %squeeze3A_1325, %add3A_1366 : i32
      %get3A_1368 = arith.index_cast %add3A_1323 : i32 to index
      %get3A_1369 = arith.index_cast %add3A_1367 : i32 to index
      %get3A_1370 = tpu.vector_load %arg13[%get3A_1368, %get3A_1369] {strides = array<i32>} : memref<256x128xf32, #tpu.memory_space<vmem>>, vector<16xf32>,
      %add3A_1371 = arith.constant 32 : i32
      %add3A_1372 = arith.addi %squeeze3A_1327, %add3A_1371 : i32
      %get3A_1373 = arith.index_cast %add3A_1323 : i32 to index
      %get3A_1374 = arith.index_cast %add3A_1372 : i32 to index
      %get3A_1375 = tpu.vector_load %arg14[%get3A_1373, %get3A_1374] {strides = array<i32>} : memref<256x128xf32, #tpu.memory_space<vmem>>, vector<16xf32>,
      %mul3A_1376 = arith.mulf %get3A_1370, %get3A_1375 : vector<16xf32>
      %add3A_1377 = arith.addf %add3A_1361, %mul3A_1376 : vector<16xf32>
      %mul3A_1378 = arith.mulf %get3A_1370, %get3A_1370 : vector<16xf32>
      %add3A_1379 = arith.addf %add3A_1363, %mul3A_1378 : vector<16xf32>
      %mul3A_1380 = arith.mulf %get3A_1375, %get3A_1375 : vector<16xf32>
      %add3A_1381 = arith.addf %add3A_1365, %mul3A_1380 : vector<16xf32>
      %add3A_1382 = arith.constant 48 : i32
      %add3A_1383 = arith.addi %squeeze3A_1325, %add3A_1382 : i32
      %get3A_1384 = arith.index_cast %add3A_1323 : i32 to index
      %get3A_1385 = arith.index_cast %add3A_1383 : i32 to index
      %get3A_1386 = tpu.vector_load %arg13[%get3A_1384, %get3A_1385] {strides = array<i32>} : memref<256x128xf32, #tpu.memory_space<vmem>>, vector<16xf32>,
      %add3A_1387 = arith.constant 48 : i32
      %add3A_1388 = arith.addi %squeeze3A_1327, %add3A_1387 : i32
      %get3A_1389 = arith.index_cast %add3A_1323 : i32 to index
      %get3A_1390 = arith.index_cast %add3A_1388 : i32 to index
      %get3A_1391 = tpu.vector_load %arg14[%get3A_1389, %get3A_1390] {strides = array<i32>} : memref<256x128xf32, #tpu.memory_space<vmem>>, vector<16xf32>,
      %mul3A_1392 = arith.mulf %get3A_1386, %get3A_1391 : vector<16xf32>
      %add3A_1393 = arith.addf %add3A_1377, %mul3A_1392 : vector<16xf32>
      %mul3A_1394 = arith.mulf %get3A_1386, %get3A_1386 : vector<16xf32>
      %add3A_1395 = arith.addf %add3A_1379, %mul3A_1394 : vector<16xf32>
      %mul3A_1396 = arith.mulf %get3A_1391, %get3A_1391 : vector<16xf32>
      %add3A_1397 = arith.addf %add3A_1381, %mul3A_1396 : vector<16xf32>
      %eq3A_1398 = arith.constant 11 : i32
      %eq3A_1399 = vector.broadcast %eq3A_1398 : i32 to vector<16xi32>
      %eq3A_1400 = arith.cmpi eq, %iota3A, %eq3A_1399 : vector<16xi32>
      %reduce_sum3A_1401 = arith.constant true
      %reduce_sum3A_1402 = vector.broadcast %reduce_sum3A_1401 : i1 to vector<16xi1>
      %reduce_sum3A_1403 = tpu.scan <sum>, %add3A_1393 masked %reduce_sum3A_1402 : vector<16xf32>, vector<16xi1> -> vector<16xf32>
      %reduce_sum3A_1404 = vector.extract %reduce_sum3A_1403[15] : f32 from vector<16xf32>
      %broadcast_in_dim3A_1405 = vector.broadcast %reduce_sum3A_1404 : f32 to vector<16xf32>
      %select_n3A_1406 = arith.select %eq3A_1400, %broadcast_in_dim3A_1405, %select_n3A_1301 : vector<16xi1>, vector<16xf32>
      %eq3A_1407 = arith.constant 11 : i32
      %eq3A_1408 = vector.broadcast %eq3A_1407 : i32 to vector<16xi32>
      %eq3A_1409 = arith.cmpi eq, %iota3A, %eq3A_1408 : vector<16xi32>
      %reduce_sum3A_1410 = arith.constant true
      %reduce_sum3A_1411 = vector.broadcast %reduce_sum3A_1410 : i1 to vector<16xi1>
      %reduce_sum3A_1412 = tpu.scan <sum>, %add3A_1395 masked %reduce_sum3A_1411 : vector<16xf32>, vector<16xi1> -> vector<16xf32>
      %reduce_sum3A_1413 = vector.extract %reduce_sum3A_1412[15] : f32 from vector<16xf32>
      %broadcast_in_dim3A_1414 = vector.broadcast %reduce_sum3A_1413 : f32 to vector<16xf32>
      %select_n3A_1415 = arith.select %eq3A_1409, %broadcast_in_dim3A_1414, %select_n3A_1310 : vector<16xi1>, vector<16xf32>
      %eq3A_1416 = arith.constant 11 : i32
      %eq3A_1417 = vector.broadcast %eq3A_1416 : i32 to vector<16xi32>
      %eq3A_1418 = arith.cmpi eq, %iota3A, %eq3A_1417 : vector<16xi32>
      %reduce_sum3A_1419 = arith.constant true
      %reduce_sum3A_1420 = vector.broadcast %reduce_sum3A_1419 : i1 to vector<16xi1>
      %reduce_sum3A_1421 = tpu.scan <sum>, %add3A_1397 masked %reduce_sum3A_1420 : vector<16xf32>, vector<16xi1> -> vector<16xf32>
      %reduce_sum3A_1422 = vector.extract %reduce_sum3A_1421[15] : f32 from vector<16xf32>
      %broadcast_in_dim3A_1423 = vector.broadcast %reduce_sum3A_1422 : f32 to vector<16xf32>
      %select_n3A_1424 = arith.select %eq3A_1418, %broadcast_in_dim3A_1423, %select_n3A_1319 : vector<16xi1>, vector<16xf32>
      %mul3A_1425 = arith.constant 16 : i32
      %mul3A_1426 = arith.muli %scan3A_146, %mul3A_1425 : i32
      %add3A_1427 = arith.constant 12 : i32
      %add3A_1428 = arith.addi %mul3A_1426, %add3A_1427 : i32
      %slice3A_1429 = vector.extract_strided_slice %mul3A_156 {offsets = [12], sizes = [1], strides = [1]} : vector<16xi32> to vector<1xi32>
      %squeeze3A_1430 = vector.extract %slice3A_1429[0] : i32 from vector<1xi32>
      %slice3A_1431 = vector.extract_strided_slice %mul3A_164 {offsets = [12], sizes = [1], strides = [1]} : vector<16xi32> to vector<1xi32>
      %squeeze3A_1432 = vector.extract %slice3A_1431[0] : i32 from vector<1xi32>
      %broadcast_in_dim3A_1433 = arith.constant 0.000000e+00 : f32
      %broadcast_in_dim3A_1434 = vector.broadcast %broadcast_in_dim3A_1433 : f32 to vector<16xf32>
      %broadcast_in_dim3A_1435 = arith.constant 0.000000e+00 : f32
      %broadcast_in_dim3A_1436 = vector.broadcast %broadcast_in_dim3A_1435 : f32 to vector<16xf32>
      %broadcast_in_dim3A_1437 = arith.constant 0.000000e+00 : f32
      %broadcast_in_dim3A_1438 = vector.broadcast %broadcast_in_dim3A_1437 : f32 to vector<16xf32>
      %add3A_1439 = arith.constant 0 : i32
      %add3A_1440 = arith.addi %squeeze3A_1430, %add3A_1439 : i32
      %get3A_1441 = arith.index_cast %add3A_1428 : i32 to index
      %get3A_1442 = arith.index_cast %add3A_1440 : i32 to index
      %get3A_1443 = tpu.vector_load %arg13[%get3A_1441, %get3A_1442] {strides = array<i32>} : memref<256x128xf32, #tpu.memory_space<vmem>>, vector<16xf32>,
      %add3A_1444 = arith.constant 0 : i32
      %add3A_1445 = arith.addi %squeeze3A_1432, %add3A_1444 : i32
      %get3A_1446 = arith.index_cast %add3A_1428 : i32 to index
      %get3A_1447 = arith.index_cast %add3A_1445 : i32 to index
      %get3A_1448 = tpu.vector_load %arg14[%get3A_1446, %get3A_1447] {strides = array<i32>} : memref<256x128xf32, #tpu.memory_space<vmem>>, vector<16xf32>,
      %mul3A_1449 = arith.mulf %get3A_1443, %get3A_1448 : vector<16xf32>
      %add3A_1450 = arith.addf %broadcast_in_dim3A_1434, %mul3A_1449 : vector<16xf32>
      %mul3A_1451 = arith.mulf %get3A_1443, %get3A_1443 : vector<16xf32>
      %add3A_1452 = arith.addf %broadcast_in_dim3A_1436, %mul3A_1451 : vector<16xf32>
      %mul3A_1453 = arith.mulf %get3A_1448, %get3A_1448 : vector<16xf32>
      %add3A_1454 = arith.addf %broadcast_in_dim3A_1438, %mul3A_1453 : vector<16xf32>
      %add3A_1455 = arith.constant 16 : i32
      %add3A_1456 = arith.addi %squeeze3A_1430, %add3A_1455 : i32
      %get3A_1457 = arith.index_cast %add3A_1428 : i32 to index
      %get3A_1458 = arith.index_cast %add3A_1456 : i32 to index
      %get3A_1459 = tpu.vector_load %arg13[%get3A_1457, %get3A_1458] {strides = array<i32>} : memref<256x128xf32, #tpu.memory_space<vmem>>, vector<16xf32>,
      %add3A_1460 = arith.constant 16 : i32
      %add3A_1461 = arith.addi %squeeze3A_1432, %add3A_1460 : i32
      %get3A_1462 = arith.index_cast %add3A_1428 : i32 to index
      %get3A_1463 = arith.index_cast %add3A_1461 : i32 to index
      %get3A_1464 = tpu.vector_load %arg14[%get3A_1462, %get3A_1463] {strides = array<i32>} : memref<256x128xf32, #tpu.memory_space<vmem>>, vector<16xf32>,
      %mul3A_1465 = arith.mulf %get3A_1459, %get3A_1464 : vector<16xf32>
      %add3A_1466 = arith.addf %add3A_1450, %mul3A_1465 : vector<16xf32>
      %mul3A_1467 = arith.mulf %get3A_1459, %get3A_1459 : vector<16xf32>
      %add3A_1468 = arith.addf %add3A_1452, %mul3A_1467 : vector<16xf32>
      %mul3A_1469 = arith.mulf %get3A_1464, %get3A_1464 : vector<16xf32>
      %add3A_1470 = arith.addf %add3A_1454, %mul3A_1469 : vector<16xf32>
      %add3A_1471 = arith.constant 32 : i32
      %add3A_1472 = arith.addi %squeeze3A_1430, %add3A_1471 : i32
      %get3A_1473 = arith.index_cast %add3A_1428 : i32 to index
      %get3A_1474 = arith.index_cast %add3A_1472 : i32 to index
      %get3A_1475 = tpu.vector_load %arg13[%get3A_1473, %get3A_1474] {strides = array<i32>} : memref<256x128xf32, #tpu.memory_space<vmem>>, vector<16xf32>,
      %add3A_1476 = arith.constant 32 : i32
      %add3A_1477 = arith.addi %squeeze3A_1432, %add3A_1476 : i32
      %get3A_1478 = arith.index_cast %add3A_1428 : i32 to index
      %get3A_1479 = arith.index_cast %add3A_1477 : i32 to index
      %get3A_1480 = tpu.vector_load %arg14[%get3A_1478, %get3A_1479] {strides = array<i32>} : memref<256x128xf32, #tpu.memory_space<vmem>>, vector<16xf32>,
      %mul3A_1481 = arith.mulf %get3A_1475, %get3A_1480 : vector<16xf32>
      %add3A_1482 = arith.addf %add3A_1466, %mul3A_1481 : vector<16xf32>
      %mul3A_1483 = arith.mulf %get3A_1475, %get3A_1475 : vector<16xf32>
      %add3A_1484 = arith.addf %add3A_1468, %mul3A_1483 : vector<16xf32>
      %mul3A_1485 = arith.mulf %get3A_1480, %get3A_1480 : vector<16xf32>
      %add3A_1486 = arith.addf %add3A_1470, %mul3A_1485 : vector<16xf32>
      %add3A_1487 = arith.constant 48 : i32
      %add3A_1488 = arith.addi %squeeze3A_1430, %add3A_1487 : i32
      %get3A_1489 = arith.index_cast %add3A_1428 : i32 to index
      %get3A_1490 = arith.index_cast %add3A_1488 : i32 to index
      %get3A_1491 = tpu.vector_load %arg13[%get3A_1489, %get3A_1490] {strides = array<i32>} : memref<256x128xf32, #tpu.memory_space<vmem>>, vector<16xf32>,
      %add3A_1492 = arith.constant 48 : i32
      %add3A_1493 = arith.addi %squeeze3A_1432, %add3A_1492 : i32
      %get3A_1494 = arith.index_cast %add3A_1428 : i32 to index
      %get3A_1495 = arith.index_cast %add3A_1493 : i32 to index
      %get3A_1496 = tpu.vector_load %arg14[%get3A_1494, %get3A_1495] {strides = array<i32>} : memref<256x128xf32, #tpu.memory_space<vmem>>, vector<16xf32>,
      %mul3A_1497 = arith.mulf %get3A_1491, %get3A_1496 : vector<16xf32>
      %add3A_1498 = arith.addf %add3A_1482, %mul3A_1497 : vector<16xf32>
      %mul3A_1499 = arith.mulf %get3A_1491, %get3A_1491 : vector<16xf32>
      %add3A_1500 = arith.addf %add3A_1484, %mul3A_1499 : vector<16xf32>
      %mul3A_1501 = arith.mulf %get3A_1496, %get3A_1496 : vector<16xf32>
      %add3A_1502 = arith.addf %add3A_1486, %mul3A_1501 : vector<16xf32>
      %eq3A_1503 = arith.constant 12 : i32
      %eq3A_1504 = vector.broadcast %eq3A_1503 : i32 to vector<16xi32>
      %eq3A_1505 = arith.cmpi eq, %iota3A, %eq3A_1504 : vector<16xi32>
      %reduce_sum3A_1506 = arith.constant true
      %reduce_sum3A_1507 = vector.broadcast %reduce_sum3A_1506 : i1 to vector<16xi1>
      %reduce_sum3A_1508 = tpu.scan <sum>, %add3A_1498 masked %reduce_sum3A_1507 : vector<16xf32>, vector<16xi1> -> vector<16xf32>
      %reduce_sum3A_1509 = vector.extract %reduce_sum3A_1508[15] : f32 from vector<16xf32>
      %broadcast_in_dim3A_1510 = vector.broadcast %reduce_sum3A_1509 : f32 to vector<16xf32>
      %select_n3A_1511 = arith.select %eq3A_1505, %broadcast_in_dim3A_1510, %select_n3A_1406 : vector<16xi1>, vector<16xf32>
      %eq3A_1512 = arith.constant 12 : i32
      %eq3A_1513 = vector.broadcast %eq3A_1512 : i32 to vector<16xi32>
      %eq3A_1514 = arith.cmpi eq, %iota3A, %eq3A_1513 : vector<16xi32>
      %reduce_sum3A_1515 = arith.constant true
      %reduce_sum3A_1516 = vector.broadcast %reduce_sum3A_1515 : i1 to vector<16xi1>
      %reduce_sum3A_1517 = tpu.scan <sum>, %add3A_1500 masked %reduce_sum3A_1516 : vector<16xf32>, vector<16xi1> -> vector<16xf32>
      %reduce_sum3A_1518 = vector.extract %reduce_sum3A_1517[15] : f32 from vector<16xf32>
      %broadcast_in_dim3A_1519 = vector.broadcast %reduce_sum3A_1518 : f32 to vector<16xf32>
      %select_n3A_1520 = arith.select %eq3A_1514, %broadcast_in_dim3A_1519, %select_n3A_1415 : vector<16xi1>, vector<16xf32>
      %eq3A_1521 = arith.constant 12 : i32
      %eq3A_1522 = vector.broadcast %eq3A_1521 : i32 to vector<16xi32>
      %eq3A_1523 = arith.cmpi eq, %iota3A, %eq3A_1522 : vector<16xi32>
      %reduce_sum3A_1524 = arith.constant true
      %reduce_sum3A_1525 = vector.broadcast %reduce_sum3A_1524 : i1 to vector<16xi1>
      %reduce_sum3A_1526 = tpu.scan <sum>, %add3A_1502 masked %reduce_sum3A_1525 : vector<16xf32>, vector<16xi1> -> vector<16xf32>
      %reduce_sum3A_1527 = vector.extract %reduce_sum3A_1526[15] : f32 from vector<16xf32>
      %broadcast_in_dim3A_1528 = vector.broadcast %reduce_sum3A_1527 : f32 to vector<16xf32>
      %select_n3A_1529 = arith.select %eq3A_1523, %broadcast_in_dim3A_1528, %select_n3A_1424 : vector<16xi1>, vector<16xf32>
      %mul3A_1530 = arith.constant 16 : i32
      %mul3A_1531 = arith.muli %scan3A_146, %mul3A_1530 : i32
      %add3A_1532 = arith.constant 13 : i32
      %add3A_1533 = arith.addi %mul3A_1531, %add3A_1532 : i32
      %slice3A_1534 = vector.extract_strided_slice %mul3A_156 {offsets = [13], sizes = [1], strides = [1]} : vector<16xi32> to vector<1xi32>
      %squeeze3A_1535 = vector.extract %slice3A_1534[0] : i32 from vector<1xi32>
      %slice3A_1536 = vector.extract_strided_slice %mul3A_164 {offsets = [13], sizes = [1], strides = [1]} : vector<16xi32> to vector<1xi32>
      %squeeze3A_1537 = vector.extract %slice3A_1536[0] : i32 from vector<1xi32>
      %broadcast_in_dim3A_1538 = arith.constant 0.000000e+00 : f32
      %broadcast_in_dim3A_1539 = vector.broadcast %broadcast_in_dim3A_1538 : f32 to vector<16xf32>
      %broadcast_in_dim3A_1540 = arith.constant 0.000000e+00 : f32
      %broadcast_in_dim3A_1541 = vector.broadcast %broadcast_in_dim3A_1540 : f32 to vector<16xf32>
      %broadcast_in_dim3A_1542 = arith.constant 0.000000e+00 : f32
      %broadcast_in_dim3A_1543 = vector.broadcast %broadcast_in_dim3A_1542 : f32 to vector<16xf32>
      %add3A_1544 = arith.constant 0 : i32
      %add3A_1545 = arith.addi %squeeze3A_1535, %add3A_1544 : i32
      %get3A_1546 = arith.index_cast %add3A_1533 : i32 to index
      %get3A_1547 = arith.index_cast %add3A_1545 : i32 to index
      %get3A_1548 = tpu.vector_load %arg13[%get3A_1546, %get3A_1547] {strides = array<i32>} : memref<256x128xf32, #tpu.memory_space<vmem>>, vector<16xf32>,
      %add3A_1549 = arith.constant 0 : i32
      %add3A_1550 = arith.addi %squeeze3A_1537, %add3A_1549 : i32
      %get3A_1551 = arith.index_cast %add3A_1533 : i32 to index
      %get3A_1552 = arith.index_cast %add3A_1550 : i32 to index
      %get3A_1553 = tpu.vector_load %arg14[%get3A_1551, %get3A_1552] {strides = array<i32>} : memref<256x128xf32, #tpu.memory_space<vmem>>, vector<16xf32>,
      %mul3A_1554 = arith.mulf %get3A_1548, %get3A_1553 : vector<16xf32>
      %add3A_1555 = arith.addf %broadcast_in_dim3A_1539, %mul3A_1554 : vector<16xf32>
      %mul3A_1556 = arith.mulf %get3A_1548, %get3A_1548 : vector<16xf32>
      %add3A_1557 = arith.addf %broadcast_in_dim3A_1541, %mul3A_1556 : vector<16xf32>
      %mul3A_1558 = arith.mulf %get3A_1553, %get3A_1553 : vector<16xf32>
      %add3A_1559 = arith.addf %broadcast_in_dim3A_1543, %mul3A_1558 : vector<16xf32>
      %add3A_1560 = arith.constant 16 : i32
      %add3A_1561 = arith.addi %squeeze3A_1535, %add3A_1560 : i32
      %get3A_1562 = arith.index_cast %add3A_1533 : i32 to index
      %get3A_1563 = arith.index_cast %add3A_1561 : i32 to index
      %get3A_1564 = tpu.vector_load %arg13[%get3A_1562, %get3A_1563] {strides = array<i32>} : memref<256x128xf32, #tpu.memory_space<vmem>>, vector<16xf32>,
      %add3A_1565 = arith.constant 16 : i32
      %add3A_1566 = arith.addi %squeeze3A_1537, %add3A_1565 : i32
      %get3A_1567 = arith.index_cast %add3A_1533 : i32 to index
      %get3A_1568 = arith.index_cast %add3A_1566 : i32 to index
      %get3A_1569 = tpu.vector_load %arg14[%get3A_1567, %get3A_1568] {strides = array<i32>} : memref<256x128xf32, #tpu.memory_space<vmem>>, vector<16xf32>,
      %mul3A_1570 = arith.mulf %get3A_1564, %get3A_1569 : vector<16xf32>
      %add3A_1571 = arith.addf %add3A_1555, %mul3A_1570 : vector<16xf32>
      %mul3A_1572 = arith.mulf %get3A_1564, %get3A_1564 : vector<16xf32>
      %add3A_1573 = arith.addf %add3A_1557, %mul3A_1572 : vector<16xf32>
      %mul3A_1574 = arith.mulf %get3A_1569, %get3A_1569 : vector<16xf32>
      %add3A_1575 = arith.addf %add3A_1559, %mul3A_1574 : vector<16xf32>
      %add3A_1576 = arith.constant 32 : i32
      %add3A_1577 = arith.addi %squeeze3A_1535, %add3A_1576 : i32
      %get3A_1578 = arith.index_cast %add3A_1533 : i32 to index
      %get3A_1579 = arith.index_cast %add3A_1577 : i32 to index
      %get3A_1580 = tpu.vector_load %arg13[%get3A_1578, %get3A_1579] {strides = array<i32>} : memref<256x128xf32, #tpu.memory_space<vmem>>, vector<16xf32>,
      %add3A_1581 = arith.constant 32 : i32
      %add3A_1582 = arith.addi %squeeze3A_1537, %add3A_1581 : i32
      %get3A_1583 = arith.index_cast %add3A_1533 : i32 to index
      %get3A_1584 = arith.index_cast %add3A_1582 : i32 to index
      %get3A_1585 = tpu.vector_load %arg14[%get3A_1583, %get3A_1584] {strides = array<i32>} : memref<256x128xf32, #tpu.memory_space<vmem>>, vector<16xf32>,
      %mul3A_1586 = arith.mulf %get3A_1580, %get3A_1585 : vector<16xf32>
      %add3A_1587 = arith.addf %add3A_1571, %mul3A_1586 : vector<16xf32>
      %mul3A_1588 = arith.mulf %get3A_1580, %get3A_1580 : vector<16xf32>
      %add3A_1589 = arith.addf %add3A_1573, %mul3A_1588 : vector<16xf32>
      %mul3A_1590 = arith.mulf %get3A_1585, %get3A_1585 : vector<16xf32>
      %add3A_1591 = arith.addf %add3A_1575, %mul3A_1590 : vector<16xf32>
      %add3A_1592 = arith.constant 48 : i32
      %add3A_1593 = arith.addi %squeeze3A_1535, %add3A_1592 : i32
      %get3A_1594 = arith.index_cast %add3A_1533 : i32 to index
      %get3A_1595 = arith.index_cast %add3A_1593 : i32 to index
      %get3A_1596 = tpu.vector_load %arg13[%get3A_1594, %get3A_1595] {strides = array<i32>} : memref<256x128xf32, #tpu.memory_space<vmem>>, vector<16xf32>,
      %add3A_1597 = arith.constant 48 : i32
      %add3A_1598 = arith.addi %squeeze3A_1537, %add3A_1597 : i32
      %get3A_1599 = arith.index_cast %add3A_1533 : i32 to index
      %get3A_1600 = arith.index_cast %add3A_1598 : i32 to index
      %get3A_1601 = tpu.vector_load %arg14[%get3A_1599, %get3A_1600] {strides = array<i32>} : memref<256x128xf32, #tpu.memory_space<vmem>>, vector<16xf32>,
      %mul3A_1602 = arith.mulf %get3A_1596, %get3A_1601 : vector<16xf32>
      %add3A_1603 = arith.addf %add3A_1587, %mul3A_1602 : vector<16xf32>
      %mul3A_1604 = arith.mulf %get3A_1596, %get3A_1596 : vector<16xf32>
      %add3A_1605 = arith.addf %add3A_1589, %mul3A_1604 : vector<16xf32>
      %mul3A_1606 = arith.mulf %get3A_1601, %get3A_1601 : vector<16xf32>
      %add3A_1607 = arith.addf %add3A_1591, %mul3A_1606 : vector<16xf32>
      %eq3A_1608 = arith.constant 13 : i32
      %eq3A_1609 = vector.broadcast %eq3A_1608 : i32 to vector<16xi32>
      %eq3A_1610 = arith.cmpi eq, %iota3A, %eq3A_1609 : vector<16xi32>
      %reduce_sum3A_1611 = arith.constant true
      %reduce_sum3A_1612 = vector.broadcast %reduce_sum3A_1611 : i1 to vector<16xi1>
      %reduce_sum3A_1613 = tpu.scan <sum>, %add3A_1603 masked %reduce_sum3A_1612 : vector<16xf32>, vector<16xi1> -> vector<16xf32>
      %reduce_sum3A_1614 = vector.extract %reduce_sum3A_1613[15] : f32 from vector<16xf32>
      %broadcast_in_dim3A_1615 = vector.broadcast %reduce_sum3A_1614 : f32 to vector<16xf32>
      %select_n3A_1616 = arith.select %eq3A_1610, %broadcast_in_dim3A_1615, %select_n3A_1511 : vector<16xi1>, vector<16xf32>
      %eq3A_1617 = arith.constant 13 : i32
      %eq3A_1618 = vector.broadcast %eq3A_1617 : i32 to vector<16xi32>
      %eq3A_1619 = arith.cmpi eq, %iota3A, %eq3A_1618 : vector<16xi32>
      %reduce_sum3A_1620 = arith.constant true
      %reduce_sum3A_1621 = vector.broadcast %reduce_sum3A_1620 : i1 to vector<16xi1>
      %reduce_sum3A_1622 = tpu.scan <sum>, %add3A_1605 masked %reduce_sum3A_1621 : vector<16xf32>, vector<16xi1> -> vector<16xf32>
      %reduce_sum3A_1623 = vector.extract %reduce_sum3A_1622[15] : f32 from vector<16xf32>
      %broadcast_in_dim3A_1624 = vector.broadcast %reduce_sum3A_1623 : f32 to vector<16xf32>
      %select_n3A_1625 = arith.select %eq3A_1619, %broadcast_in_dim3A_1624, %select_n3A_1520 : vector<16xi1>, vector<16xf32>
      %eq3A_1626 = arith.constant 13 : i32
      %eq3A_1627 = vector.broadcast %eq3A_1626 : i32 to vector<16xi32>
      %eq3A_1628 = arith.cmpi eq, %iota3A, %eq3A_1627 : vector<16xi32>
      %reduce_sum3A_1629 = arith.constant true
      %reduce_sum3A_1630 = vector.broadcast %reduce_sum3A_1629 : i1 to vector<16xi1>
      %reduce_sum3A_1631 = tpu.scan <sum>, %add3A_1607 masked %reduce_sum3A_1630 : vector<16xf32>, vector<16xi1> -> vector<16xf32>
      %reduce_sum3A_1632 = vector.extract %reduce_sum3A_1631[15] : f32 from vector<16xf32>
      %broadcast_in_dim3A_1633 = vector.broadcast %reduce_sum3A_1632 : f32 to vector<16xf32>
      %select_n3A_1634 = arith.select %eq3A_1628, %broadcast_in_dim3A_1633, %select_n3A_1529 : vector<16xi1>, vector<16xf32>
      %mul3A_1635 = arith.constant 16 : i32
      %mul3A_1636 = arith.muli %scan3A_146, %mul3A_1635 : i32
      %add3A_1637 = arith.constant 14 : i32
      %add3A_1638 = arith.addi %mul3A_1636, %add3A_1637 : i32
      %slice3A_1639 = vector.extract_strided_slice %mul3A_156 {offsets = [14], sizes = [1], strides = [1]} : vector<16xi32> to vector<1xi32>
      %squeeze3A_1640 = vector.extract %slice3A_1639[0] : i32 from vector<1xi32>
      %slice3A_1641 = vector.extract_strided_slice %mul3A_164 {offsets = [14], sizes = [1], strides = [1]} : vector<16xi32> to vector<1xi32>
      %squeeze3A_1642 = vector.extract %slice3A_1641[0] : i32 from vector<1xi32>
      %broadcast_in_dim3A_1643 = arith.constant 0.000000e+00 : f32
      %broadcast_in_dim3A_1644 = vector.broadcast %broadcast_in_dim3A_1643 : f32 to vector<16xf32>
      %broadcast_in_dim3A_1645 = arith.constant 0.000000e+00 : f32
      %broadcast_in_dim3A_1646 = vector.broadcast %broadcast_in_dim3A_1645 : f32 to vector<16xf32>
      %broadcast_in_dim3A_1647 = arith.constant 0.000000e+00 : f32
      %broadcast_in_dim3A_1648 = vector.broadcast %broadcast_in_dim3A_1647 : f32 to vector<16xf32>
      %add3A_1649 = arith.constant 0 : i32
      %add3A_1650 = arith.addi %squeeze3A_1640, %add3A_1649 : i32
      %get3A_1651 = arith.index_cast %add3A_1638 : i32 to index
      %get3A_1652 = arith.index_cast %add3A_1650 : i32 to index
      %get3A_1653 = tpu.vector_load %arg13[%get3A_1651, %get3A_1652] {strides = array<i32>} : memref<256x128xf32, #tpu.memory_space<vmem>>, vector<16xf32>,
      %add3A_1654 = arith.constant 0 : i32
      %add3A_1655 = arith.addi %squeeze3A_1642, %add3A_1654 : i32
      %get3A_1656 = arith.index_cast %add3A_1638 : i32 to index
      %get3A_1657 = arith.index_cast %add3A_1655 : i32 to index
      %get3A_1658 = tpu.vector_load %arg14[%get3A_1656, %get3A_1657] {strides = array<i32>} : memref<256x128xf32, #tpu.memory_space<vmem>>, vector<16xf32>,
      %mul3A_1659 = arith.mulf %get3A_1653, %get3A_1658 : vector<16xf32>
      %add3A_1660 = arith.addf %broadcast_in_dim3A_1644, %mul3A_1659 : vector<16xf32>
      %mul3A_1661 = arith.mulf %get3A_1653, %get3A_1653 : vector<16xf32>
      %add3A_1662 = arith.addf %broadcast_in_dim3A_1646, %mul3A_1661 : vector<16xf32>
      %mul3A_1663 = arith.mulf %get3A_1658, %get3A_1658 : vector<16xf32>
      %add3A_1664 = arith.addf %broadcast_in_dim3A_1648, %mul3A_1663 : vector<16xf32>
      %add3A_1665 = arith.constant 16 : i32
      %add3A_1666 = arith.addi %squeeze3A_1640, %add3A_1665 : i32
      %get3A_1667 = arith.index_cast %add3A_1638 : i32 to index
      %get3A_1668 = arith.index_cast %add3A_1666 : i32 to index
      %get3A_1669 = tpu.vector_load %arg13[%get3A_1667, %get3A_1668] {strides = array<i32>} : memref<256x128xf32, #tpu.memory_space<vmem>>, vector<16xf32>,
      %add3A_1670 = arith.constant 16 : i32
      %add3A_1671 = arith.addi %squeeze3A_1642, %add3A_1670 : i32
      %get3A_1672 = arith.index_cast %add3A_1638 : i32 to index
      %get3A_1673 = arith.index_cast %add3A_1671 : i32 to index
      %get3A_1674 = tpu.vector_load %arg14[%get3A_1672, %get3A_1673] {strides = array<i32>} : memref<256x128xf32, #tpu.memory_space<vmem>>, vector<16xf32>,
      %mul3A_1675 = arith.mulf %get3A_1669, %get3A_1674 : vector<16xf32>
      %add3A_1676 = arith.addf %add3A_1660, %mul3A_1675 : vector<16xf32>
      %mul3A_1677 = arith.mulf %get3A_1669, %get3A_1669 : vector<16xf32>
      %add3A_1678 = arith.addf %add3A_1662, %mul3A_1677 : vector<16xf32>
      %mul3A_1679 = arith.mulf %get3A_1674, %get3A_1674 : vector<16xf32>
      %add3A_1680 = arith.addf %add3A_1664, %mul3A_1679 : vector<16xf32>
      %add3A_1681 = arith.constant 32 : i32
      %add3A_1682 = arith.addi %squeeze3A_1640, %add3A_1681 : i32
      %get3A_1683 = arith.index_cast %add3A_1638 : i32 to index
      %get3A_1684 = arith.index_cast %add3A_1682 : i32 to index
      %get3A_1685 = tpu.vector_load %arg13[%get3A_1683, %get3A_1684] {strides = array<i32>} : memref<256x128xf32, #tpu.memory_space<vmem>>, vector<16xf32>,
      %add3A_1686 = arith.constant 32 : i32
      %add3A_1687 = arith.addi %squeeze3A_1642, %add3A_1686 : i32
      %get3A_1688 = arith.index_cast %add3A_1638 : i32 to index
      %get3A_1689 = arith.index_cast %add3A_1687 : i32 to index
      %get3A_1690 = tpu.vector_load %arg14[%get3A_1688, %get3A_1689] {strides = array<i32>} : memref<256x128xf32, #tpu.memory_space<vmem>>, vector<16xf32>,
      %mul3A_1691 = arith.mulf %get3A_1685, %get3A_1690 : vector<16xf32>
      %add3A_1692 = arith.addf %add3A_1676, %mul3A_1691 : vector<16xf32>
      %mul3A_1693 = arith.mulf %get3A_1685, %get3A_1685 : vector<16xf32>
      %add3A_1694 = arith.addf %add3A_1678, %mul3A_1693 : vector<16xf32>
      %mul3A_1695 = arith.mulf %get3A_1690, %get3A_1690 : vector<16xf32>
      %add3A_1696 = arith.addf %add3A_1680, %mul3A_1695 : vector<16xf32>
      %add3A_1697 = arith.constant 48 : i32
      %add3A_1698 = arith.addi %squeeze3A_1640, %add3A_1697 : i32
      %get3A_1699 = arith.index_cast %add3A_1638 : i32 to index
      %get3A_1700 = arith.index_cast %add3A_1698 : i32 to index
      %get3A_1701 = tpu.vector_load %arg13[%get3A_1699, %get3A_1700] {strides = array<i32>} : memref<256x128xf32, #tpu.memory_space<vmem>>, vector<16xf32>,
      %add3A_1702 = arith.constant 48 : i32
      %add3A_1703 = arith.addi %squeeze3A_1642, %add3A_1702 : i32
      %get3A_1704 = arith.index_cast %add3A_1638 : i32 to index
      %get3A_1705 = arith.index_cast %add3A_1703 : i32 to index
      %get3A_1706 = tpu.vector_load %arg14[%get3A_1704, %get3A_1705] {strides = array<i32>} : memref<256x128xf32, #tpu.memory_space<vmem>>, vector<16xf32>,
      %mul3A_1707 = arith.mulf %get3A_1701, %get3A_1706 : vector<16xf32>
      %add3A_1708 = arith.addf %add3A_1692, %mul3A_1707 : vector<16xf32>
      %mul3A_1709 = arith.mulf %get3A_1701, %get3A_1701 : vector<16xf32>
      %add3A_1710 = arith.addf %add3A_1694, %mul3A_1709 : vector<16xf32>
      %mul3A_1711 = arith.mulf %get3A_1706, %get3A_1706 : vector<16xf32>
      %add3A_1712 = arith.addf %add3A_1696, %mul3A_1711 : vector<16xf32>
      %eq3A_1713 = arith.constant 14 : i32
      %eq3A_1714 = vector.broadcast %eq3A_1713 : i32 to vector<16xi32>
      %eq3A_1715 = arith.cmpi eq, %iota3A, %eq3A_1714 : vector<16xi32>
      %reduce_sum3A_1716 = arith.constant true
      %reduce_sum3A_1717 = vector.broadcast %reduce_sum3A_1716 : i1 to vector<16xi1>
      %reduce_sum3A_1718 = tpu.scan <sum>, %add3A_1708 masked %reduce_sum3A_1717 : vector<16xf32>, vector<16xi1> -> vector<16xf32>
      %reduce_sum3A_1719 = vector.extract %reduce_sum3A_1718[15] : f32 from vector<16xf32>
      %broadcast_in_dim3A_1720 = vector.broadcast %reduce_sum3A_1719 : f32 to vector<16xf32>
      %select_n3A_1721 = arith.select %eq3A_1715, %broadcast_in_dim3A_1720, %select_n3A_1616 : vector<16xi1>, vector<16xf32>
      %eq3A_1722 = arith.constant 14 : i32
      %eq3A_1723 = vector.broadcast %eq3A_1722 : i32 to vector<16xi32>
      %eq3A_1724 = arith.cmpi eq, %iota3A, %eq3A_1723 : vector<16xi32>
      %reduce_sum3A_1725 = arith.constant true
      %reduce_sum3A_1726 = vector.broadcast %reduce_sum3A_1725 : i1 to vector<16xi1>
      %reduce_sum3A_1727 = tpu.scan <sum>, %add3A_1710 masked %reduce_sum3A_1726 : vector<16xf32>, vector<16xi1> -> vector<16xf32>
      %reduce_sum3A_1728 = vector.extract %reduce_sum3A_1727[15] : f32 from vector<16xf32>
      %broadcast_in_dim3A_1729 = vector.broadcast %reduce_sum3A_1728 : f32 to vector<16xf32>
      %select_n3A_1730 = arith.select %eq3A_1724, %broadcast_in_dim3A_1729, %select_n3A_1625 : vector<16xi1>, vector<16xf32>
      %eq3A_1731 = arith.constant 14 : i32
      %eq3A_1732 = vector.broadcast %eq3A_1731 : i32 to vector<16xi32>
      %eq3A_1733 = arith.cmpi eq, %iota3A, %eq3A_1732 : vector<16xi32>
      %reduce_sum3A_1734 = arith.constant true
      %reduce_sum3A_1735 = vector.broadcast %reduce_sum3A_1734 : i1 to vector<16xi1>
      %reduce_sum3A_1736 = tpu.scan <sum>, %add3A_1712 masked %reduce_sum3A_1735 : vector<16xf32>, vector<16xi1> -> vector<16xf32>
      %reduce_sum3A_1737 = vector.extract %reduce_sum3A_1736[15] : f32 from vector<16xf32>
      %broadcast_in_dim3A_1738 = vector.broadcast %reduce_sum3A_1737 : f32 to vector<16xf32>
      %select_n3A_1739 = arith.select %eq3A_1733, %broadcast_in_dim3A_1738, %select_n3A_1634 : vector<16xi1>, vector<16xf32>
      %mul3A_1740 = arith.constant 16 : i32
      %mul3A_1741 = arith.muli %scan3A_146, %mul3A_1740 : i32
      %add3A_1742 = arith.constant 15 : i32
      %add3A_1743 = arith.addi %mul3A_1741, %add3A_1742 : i32
      %slice3A_1744 = vector.extract_strided_slice %mul3A_156 {offsets = [15], sizes = [1], strides = [1]} : vector<16xi32> to vector<1xi32>
      %squeeze3A_1745 = vector.extract %slice3A_1744[0] : i32 from vector<1xi32>
      %slice3A_1746 = vector.extract_strided_slice %mul3A_164 {offsets = [15], sizes = [1], strides = [1]} : vector<16xi32> to vector<1xi32>
      %squeeze3A_1747 = vector.extract %slice3A_1746[0] : i32 from vector<1xi32>
      %broadcast_in_dim3A_1748 = arith.constant 0.000000e+00 : f32
      %broadcast_in_dim3A_1749 = vector.broadcast %broadcast_in_dim3A_1748 : f32 to vector<16xf32>
      %broadcast_in_dim3A_1750 = arith.constant 0.000000e+00 : f32
      %broadcast_in_dim3A_1751 = vector.broadcast %broadcast_in_dim3A_1750 : f32 to vector<16xf32>
      %broadcast_in_dim3A_1752 = arith.constant 0.000000e+00 : f32
      %broadcast_in_dim3A_1753 = vector.broadcast %broadcast_in_dim3A_1752 : f32 to vector<16xf32>
      %add3A_1754 = arith.constant 0 : i32
      %add3A_1755 = arith.addi %squeeze3A_1745, %add3A_1754 : i32
      %get3A_1756 = arith.index_cast %add3A_1743 : i32 to index
      %get3A_1757 = arith.index_cast %add3A_1755 : i32 to index
      %get3A_1758 = tpu.vector_load %arg13[%get3A_1756, %get3A_1757] {strides = array<i32>} : memref<256x128xf32, #tpu.memory_space<vmem>>, vector<16xf32>,
      %add3A_1759 = arith.constant 0 : i32
      %add3A_1760 = arith.addi %squeeze3A_1747, %add3A_1759 : i32
      %get3A_1761 = arith.index_cast %add3A_1743 : i32 to index
      %get3A_1762 = arith.index_cast %add3A_1760 : i32 to index
      %get3A_1763 = tpu.vector_load %arg14[%get3A_1761, %get3A_1762] {strides = array<i32>} : memref<256x128xf32, #tpu.memory_space<vmem>>, vector<16xf32>,
      %mul3A_1764 = arith.mulf %get3A_1758, %get3A_1763 : vector<16xf32>
      %add3A_1765 = arith.addf %broadcast_in_dim3A_1749, %mul3A_1764 : vector<16xf32>
      %mul3A_1766 = arith.mulf %get3A_1758, %get3A_1758 : vector<16xf32>
      %add3A_1767 = arith.addf %broadcast_in_dim3A_1751, %mul3A_1766 : vector<16xf32>
      %mul3A_1768 = arith.mulf %get3A_1763, %get3A_1763 : vector<16xf32>
      %add3A_1769 = arith.addf %broadcast_in_dim3A_1753, %mul3A_1768 : vector<16xf32>
      %add3A_1770 = arith.constant 16 : i32
      %add3A_1771 = arith.addi %squeeze3A_1745, %add3A_1770 : i32
      %get3A_1772 = arith.index_cast %add3A_1743 : i32 to index
      %get3A_1773 = arith.index_cast %add3A_1771 : i32 to index
      %get3A_1774 = tpu.vector_load %arg13[%get3A_1772, %get3A_1773] {strides = array<i32>} : memref<256x128xf32, #tpu.memory_space<vmem>>, vector<16xf32>,
      %add3A_1775 = arith.constant 16 : i32
      %add3A_1776 = arith.addi %squeeze3A_1747, %add3A_1775 : i32
      %get3A_1777 = arith.index_cast %add3A_1743 : i32 to index
      %get3A_1778 = arith.index_cast %add3A_1776 : i32 to index
      %get3A_1779 = tpu.vector_load %arg14[%get3A_1777, %get3A_1778] {strides = array<i32>} : memref<256x128xf32, #tpu.memory_space<vmem>>, vector<16xf32>,
      %mul3A_1780 = arith.mulf %get3A_1774, %get3A_1779 : vector<16xf32>
      %add3A_1781 = arith.addf %add3A_1765, %mul3A_1780 : vector<16xf32>
      %mul3A_1782 = arith.mulf %get3A_1774, %get3A_1774 : vector<16xf32>
      %add3A_1783 = arith.addf %add3A_1767, %mul3A_1782 : vector<16xf32>
      %mul3A_1784 = arith.mulf %get3A_1779, %get3A_1779 : vector<16xf32>
      %add3A_1785 = arith.addf %add3A_1769, %mul3A_1784 : vector<16xf32>
      %add3A_1786 = arith.constant 32 : i32
      %add3A_1787 = arith.addi %squeeze3A_1745, %add3A_1786 : i32
      %get3A_1788 = arith.index_cast %add3A_1743 : i32 to index
      %get3A_1789 = arith.index_cast %add3A_1787 : i32 to index
      %get3A_1790 = tpu.vector_load %arg13[%get3A_1788, %get3A_1789] {strides = array<i32>} : memref<256x128xf32, #tpu.memory_space<vmem>>, vector<16xf32>,
      %add3A_1791 = arith.constant 32 : i32
      %add3A_1792 = arith.addi %squeeze3A_1747, %add3A_1791 : i32
      %get3A_1793 = arith.index_cast %add3A_1743 : i32 to index
      %get3A_1794 = arith.index_cast %add3A_1792 : i32 to index
      %get3A_1795 = tpu.vector_load %arg14[%get3A_1793, %get3A_1794] {strides = array<i32>} : memref<256x128xf32, #tpu.memory_space<vmem>>, vector<16xf32>,
      %mul3A_1796 = arith.mulf %get3A_1790, %get3A_1795 : vector<16xf32>
      %add3A_1797 = arith.addf %add3A_1781, %mul3A_1796 : vector<16xf32>
      %mul3A_1798 = arith.mulf %get3A_1790, %get3A_1790 : vector<16xf32>
      %add3A_1799 = arith.addf %add3A_1783, %mul3A_1798 : vector<16xf32>
      %mul3A_1800 = arith.mulf %get3A_1795, %get3A_1795 : vector<16xf32>
      %add3A_1801 = arith.addf %add3A_1785, %mul3A_1800 : vector<16xf32>
      %add3A_1802 = arith.constant 48 : i32
      %add3A_1803 = arith.addi %squeeze3A_1745, %add3A_1802 : i32
      %get3A_1804 = arith.index_cast %add3A_1743 : i32 to index
      %get3A_1805 = arith.index_cast %add3A_1803 : i32 to index
      %get3A_1806 = tpu.vector_load %arg13[%get3A_1804, %get3A_1805] {strides = array<i32>} : memref<256x128xf32, #tpu.memory_space<vmem>>, vector<16xf32>,
      %add3A_1807 = arith.constant 48 : i32
      %add3A_1808 = arith.addi %squeeze3A_1747, %add3A_1807 : i32
      %get3A_1809 = arith.index_cast %add3A_1743 : i32 to index
      %get3A_1810 = arith.index_cast %add3A_1808 : i32 to index
      %get3A_1811 = tpu.vector_load %arg14[%get3A_1809, %get3A_1810] {strides = array<i32>} : memref<256x128xf32, #tpu.memory_space<vmem>>, vector<16xf32>,
      %mul3A_1812 = arith.mulf %get3A_1806, %get3A_1811 : vector<16xf32>
      %add3A_1813 = arith.addf %add3A_1797, %mul3A_1812 : vector<16xf32>
      %mul3A_1814 = arith.mulf %get3A_1806, %get3A_1806 : vector<16xf32>
      %add3A_1815 = arith.addf %add3A_1799, %mul3A_1814 : vector<16xf32>
      %mul3A_1816 = arith.mulf %get3A_1811, %get3A_1811 : vector<16xf32>
      %add3A_1817 = arith.addf %add3A_1801, %mul3A_1816 : vector<16xf32>
      %eq3A_1818 = arith.constant 15 : i32
      %eq3A_1819 = vector.broadcast %eq3A_1818 : i32 to vector<16xi32>
      %eq3A_1820 = arith.cmpi eq, %iota3A, %eq3A_1819 : vector<16xi32>
      %reduce_sum3A_1821 = arith.constant true
      %reduce_sum3A_1822 = vector.broadcast %reduce_sum3A_1821 : i1 to vector<16xi1>
      %reduce_sum3A_1823 = tpu.scan <sum>, %add3A_1813 masked %reduce_sum3A_1822 : vector<16xf32>, vector<16xi1> -> vector<16xf32>
      %reduce_sum3A_1824 = vector.extract %reduce_sum3A_1823[15] : f32 from vector<16xf32>
      %broadcast_in_dim3A_1825 = vector.broadcast %reduce_sum3A_1824 : f32 to vector<16xf32>
      %select_n3A_1826 = arith.select %eq3A_1820, %broadcast_in_dim3A_1825, %select_n3A_1721 : vector<16xi1>, vector<16xf32>
      %eq3A_1827 = arith.constant 15 : i32
      %eq3A_1828 = vector.broadcast %eq3A_1827 : i32 to vector<16xi32>
      %eq3A_1829 = arith.cmpi eq, %iota3A, %eq3A_1828 : vector<16xi32>
      %reduce_sum3A_1830 = arith.constant true
      %reduce_sum3A_1831 = vector.broadcast %reduce_sum3A_1830 : i1 to vector<16xi1>
      %reduce_sum3A_1832 = tpu.scan <sum>, %add3A_1815 masked %reduce_sum3A_1831 : vector<16xf32>, vector<16xi1> -> vector<16xf32>
      %reduce_sum3A_1833 = vector.extract %reduce_sum3A_1832[15] : f32 from vector<16xf32>
      %broadcast_in_dim3A_1834 = vector.broadcast %reduce_sum3A_1833 : f32 to vector<16xf32>
      %select_n3A_1835 = arith.select %eq3A_1829, %broadcast_in_dim3A_1834, %select_n3A_1730 : vector<16xi1>, vector<16xf32>
      %eq3A_1836 = arith.constant 15 : i32
      %eq3A_1837 = vector.broadcast %eq3A_1836 : i32 to vector<16xi32>
      %eq3A_1838 = arith.cmpi eq, %iota3A, %eq3A_1837 : vector<16xi32>
      %reduce_sum3A_1839 = arith.constant true
      %reduce_sum3A_1840 = vector.broadcast %reduce_sum3A_1839 : i1 to vector<16xi1>
      %reduce_sum3A_1841 = tpu.scan <sum>, %add3A_1817 masked %reduce_sum3A_1840 : vector<16xf32>, vector<16xi1> -> vector<16xf32>
      %reduce_sum3A_1842 = vector.extract %reduce_sum3A_1841[15] : f32 from vector<16xf32>
      %broadcast_in_dim3A_1843 = vector.broadcast %reduce_sum3A_1842 : f32 to vector<16xf32>
      %select_n3A_1844 = arith.select %eq3A_1838, %broadcast_in_dim3A_1843, %select_n3A_1739 : vector<16xi1>, vector<16xf32>
      %swap3A = arith.index_cast %add3A_150 : i32 to index
      %swap3A_1845 = tpu.vector_load %arg15[%swap3A] {strides = array<i32>} : memref<512xf32, #tpu.memory_space<vmem>>, vector<16xf32>,
      tpu.vector_store %arg15[%swap3A], %select_n3A_1826 {strides = array<i32>} : memref<512xf32, #tpu.memory_space<vmem>>, vector<16xf32>,
      %swap3A_1846 = arith.index_cast %add3A_150 : i32 to index
      %swap3A_1847 = tpu.vector_load %arg16[%swap3A_1846] {strides = array<i32>} : memref<512xf32, #tpu.memory_space<vmem>>, vector<16xf32>,
      tpu.vector_store %arg16[%swap3A_1846], %select_n3A_1835 {strides = array<i32>} : memref<512xf32, #tpu.memory_space<vmem>>, vector<16xf32>,
      %swap3A_1848 = arith.index_cast %add3A_150 : i32 to index
      %swap3A_1849 = tpu.vector_load %arg17[%swap3A_1848] {strides = array<i32>} : memref<512xf32, #tpu.memory_space<vmem>>, vector<16xf32>,
      tpu.vector_store %arg17[%swap3A_1848], %select_n3A_1844 {strides = array<i32>} : memref<512xf32, #tpu.memory_space<vmem>>, vector<16xf32>,
    }
    %scan3A_145 = arith.constant 16 : i32
    "tpu.region"() ({
      %run_scoped3A = tpu.sem_alloc : memref<!tpu.dma_semaphore, #tpu.memory_space<semaphore_mem>>
      %dma_start3A_146 = tpu.memref_slice %arg6[%mul3A_2] : memref<16384xf32, #tpu.memory_space<hbm>> -> memref<512xf32, #tpu.memory_space<hbm>>
      %dma_start3A_147 = tpu.memref_slice %arg6[%mul3A_2] : memref<16384xf32, #tpu.memory_space<hbm>> -> memref<512xf32, #tpu.memory_space<hbm>>
      tpu.enqueue_dma source(%arg15 : memref<512xf32, #tpu.memory_space<vmem>>) target(%dma_start3A_147 : memref<512xf32, #tpu.memory_space<hbm>>) target_semaphore(%run_scoped3A : memref<!tpu.dma_semaphore, #tpu.memory_space<semaphore_mem>>)
      %dma_wait3A_148 = tpu.memref_slice %arg6[%mul3A_2] : memref<16384xf32, #tpu.memory_space<hbm>> -> memref<512xf32, #tpu.memory_space<hbm>>
      %dma_wait3A_149 = tpu.memref_slice %arg6[%mul3A_2] : memref<16384xf32, #tpu.memory_space<hbm>> -> memref<512xf32, #tpu.memory_space<hbm>>
      tpu.wait_dma2 semaphore(%run_scoped3A : memref<!tpu.dma_semaphore, #tpu.memory_space<semaphore_mem>>) src(%arg15 : memref<512xf32, #tpu.memory_space<vmem>>) dst(%dma_wait3A_149 : memref<512xf32, #tpu.memory_space<hbm>>)
      tpu.yield
    }) : () -> ()
    "tpu.region"() ({
      %run_scoped3A = tpu.sem_alloc : memref<!tpu.dma_semaphore, #tpu.memory_space<semaphore_mem>>
      %dma_start3A_146 = tpu.memref_slice %arg7[%mul3A_2] : memref<16384xf32, #tpu.memory_space<hbm>> -> memref<512xf32, #tpu.memory_space<hbm>>
      %dma_start3A_147 = tpu.memref_slice %arg7[%mul3A_2] : memref<16384xf32, #tpu.memory_space<hbm>> -> memref<512xf32, #tpu.memory_space<hbm>>
      tpu.enqueue_dma source(%arg16 : memref<512xf32, #tpu.memory_space<vmem>>) target(%dma_start3A_147 : memref<512xf32, #tpu.memory_space<hbm>>) target_semaphore(%run_scoped3A : memref<!tpu.dma_semaphore, #tpu.memory_space<semaphore_mem>>)
      %dma_wait3A_148 = tpu.memref_slice %arg7[%mul3A_2] : memref<16384xf32, #tpu.memory_space<hbm>> -> memref<512xf32, #tpu.memory_space<hbm>>
      %dma_wait3A_149 = tpu.memref_slice %arg7[%mul3A_2] : memref<16384xf32, #tpu.memory_space<hbm>> -> memref<512xf32, #tpu.memory_space<hbm>>
      tpu.wait_dma2 semaphore(%run_scoped3A : memref<!tpu.dma_semaphore, #tpu.memory_space<semaphore_mem>>) src(%arg16 : memref<512xf32, #tpu.memory_space<vmem>>) dst(%dma_wait3A_149 : memref<512xf32, #tpu.memory_space<hbm>>)
      tpu.yield
    }) : () -> ()
    "tpu.region"() ({
      %run_scoped3A = tpu.sem_alloc : memref<!tpu.dma_semaphore, #tpu.memory_space<semaphore_mem>>
      %dma_start3A_146 = tpu.memref_slice %arg8[%mul3A_2] : memref<16384xf32, #tpu.memory_space<hbm>> -> memref<512xf32, #tpu.memory_space<hbm>>
      %dma_start3A_147 = tpu.memref_slice %arg8[%mul3A_2] : memref<16384xf32, #tpu.memory_space<hbm>> -> memref<512xf32, #tpu.memory_space<hbm>>
      tpu.enqueue_dma source(%arg17 : memref<512xf32, #tpu.memory_space<vmem>>) target(%dma_start3A_147 : memref<512xf32, #tpu.memory_space<hbm>>) target_semaphore(%run_scoped3A : memref<!tpu.dma_semaphore, #tpu.memory_space<semaphore_mem>>)
      %dma_wait3A_148 = tpu.memref_slice %arg8[%mul3A_2] : memref<16384xf32, #tpu.memory_space<hbm>> -> memref<512xf32, #tpu.memory_space<hbm>>
      %dma_wait3A_149 = tpu.memref_slice %arg8[%mul3A_2] : memref<16384xf32, #tpu.memory_space<hbm>> -> memref<512xf32, #tpu.memory_space<hbm>>
      tpu.wait_dma2 semaphore(%run_scoped3A : memref<!tpu.dma_semaphore, #tpu.memory_space<semaphore_mem>>) src(%arg17 : memref<512xf32, #tpu.memory_space<vmem>>) dst(%dma_wait3A_149 : memref<512xf32, #tpu.memory_space<hbm>>)
      tpu.yield
    }) : () -> ()
    return
  }
}

</mosaic_0001>

<sc_bundles>
// kernel: kernel.3.cloned.1.call-start
scs
__scs_entry_jumppad:
0x0: {  	(pc) =	sbr.rel $0x88, $3  }
0x1: {  	(tag) =	ssettag $0x0;
	lr =	simm.s32 $0x1  }
0x2: {  	[smem:$0x3F9D] =	sst lr;
	_ =	strace $0xD0000000  }
0x3: {  	_ = 	snop  }
0x4: {  	_ = 	snop  }
0x5: {  	_ = 	snop  }
0x6: {  	_ = 	snop  }
0x7: {  	_ = 	snop  }
__scs_overlays_trampoline_lowered:
0x8: {  	[smem:$0x3FAC] =	sst s0  }
0x9: {  	[smem:$0x3FAD] =	sst s1  }
0xa: {  	[smem:$0x3FAE] =	sst s2  }
0xb: {  	[smem:$0x3FAF] =	sst s3  }
0xc: {  	[smem:$0x3FB0] =	sst s4  }
0xd: {  	[smem:$0x3FB1] =	sst s5  }
0xe: {  	[smem:$0x3FB2] =	sst s6  }
0xf: {  	[smem:$0x3FB3] =	sst s7  }
0x10: {  	[smem:$0x3FB4] =	sst s8  }
0x11: {  	[smem:$0x3FB5] =	sst s9;
	s0 =	simm.s32 @!p0 $0x0  }
0x12: {  	s1 =	sld [smem:$0x3F9B];
	s0 =	simm.s32 @p0 $0x1  }
0x13: {  	[smem:$0x3FB6] =	sst s0;
	s0 =	simm.s32 @!p1 $0x0  }
0x14: {  	s2 =	sld [smem:$0x3F9A];
	s0 =	simm.s32 @p1 $0x1  }
0x15: {  	[smem:$0x3FB7] =	sst s0;
	s0 =	simm.s32 @!p2 $0x0  }
0x16: {  	s3 =	sld [smem:$0x3FDB];
	s0 =	simm.s32 @p2 $0x1  }
0x17: {  	s4 =	simm.s32 $0x1BF5;
	[smem:$0x3FB9] =	sst s0  }
0x18: {  	s0 =	sld [smem:$0x3F9C];
	_ =	swait.ge [sflag:s4], $0x0  }
0x19: {  	s7 =	sld [smem:$0x3F9D]  }
0x1a: {  	s8 =	sadd.s32 $0xFFFFE003, lr  }
0x1b: {  	s9 =	sadd.s32 $0xFFFFFEF7, lr;
	s5 =	simm.s32 $0xFFFFFFFF;
	p2 =	slt.u32 s8, $0xFFFFF086  }
0x1c: {  	p1 =	slt.u32 s9, $0xF7A;
	s5 =	simm.s32 @!p2 $0x0  }
0x1d: {  	s5 =	simm.s32 @p1 $0x1;
	p0 =	seq.s32 s7, s2  }
0x1e: {  	s7 =	smul.u32 @!p0 $0xF7A, s2;
	p2 =	seq.s32 @!p0 s5, $0x0  }
0x1f: {  	s9 =	smul.u32 $0xF7A, s1;
	s8 =	simm.s32 @!p0 $0x1BF5;
	p2 =	por !p2, p0  }
0x20: {  	[sflag:s8] =	ssyncset.s32 @!p0 $0xFFFFF086;
	s6 =	sadd.s32 @!p0 s3, s7;
	s7 =	simm.s32 @!p0 $0x108  }
0x21: {  	s3 =	sadd.s32 s3, s9;
	s6 =	sadd.s32 @!p0 $0x88, s6;
	s7 =	simm.s32 @p2 $0x1082  }
0x22: {  	[simem:s7], [sflag:s8] =	dma.local @!p0 [hbm:s6], $0xF7A  }
0x23: {  	s9 =	sor.u32 $0xD0000000, s2;
	s6 =	simm.s32 $0x108;
	_ =	swait.ge @!p0 [sflag:s8], $0x0  }
0x24: {  	s3 =	sadd.s32 $0x88, s3;
	s6 =	simm.s32 @!p1 $0x1082;
	[sflag:s4] =	ssyncset.s32 $0xFFFFF086  }
0x25: {  	[simem:s6], [sflag:s4] =	dma.local [hbm:s3], $0xF7A  }
0x26: {  	[smem:$0x3F9D] =	sst s1;
	(tag) =	ssettag s2;
	_ =	strace s9  }
0x27: {  	s1 =	sld [smem:$0x3FAD]  }
0x28: {  	s2 =	sld [smem:$0x3FAE]  }
0x29: {  	s4 =	sld [smem:$0x3FB0]  }
0x2a: {  	p0 =	seq.s32 s5, $0x0;
	s5 =	sld [smem:$0x3FB1]  }
0x2b: {  	s6 =	sld [smem:$0x3FB2]  }
0x2c: {  	s7 =	sld [smem:$0x3FB3]  }
0x2d: {  	s3 =	simm.s32 $0x108;
	s8 =	sld [smem:$0x3FB4]  }
0x2e: {  	s3 =	simm.s32 @!p0 $0x1082;
	s9 =	sld [smem:$0x3FB5]  }
0x2f: {  	lr =	sadd.s32 s0, s3;
	s0 =	sld [smem:$0x3FAC]  }
0x30: {  	s3 =	sld [smem:$0x3FAF]  }
0x31: {  	[smem:$0x3FB8] =	sst s10  }
0x32: {  	s10 =	sld [smem:$0x3FB6];
	_ =	sdelay $0x3  }
0x33: {  	p0 =	seq.s32 s10, $0x1;
	s10 =	sld [smem:$0x3FB8];
	_ =	sdelay $0x3  }
0x34: {  	[smem:$0x3FB8] =	sst s10  }
0x35: {  	s10 =	sld [smem:$0x3FB7];
	_ =	sdelay $0x3  }
0x36: {  	p1 =	seq.s32 s10, $0x1;
	s10 =	sld [smem:$0x3FB8];
	_ =	sdelay $0x3  }
0x37: {  	[smem:$0x3FB8] =	sst s10  }
0x38: {  	s10 =	sld [smem:$0x3FB9]  }
0x39: {  	_ = 	snop;
	(pc) =	sbr.ind lr, $3  }
0x3a: {  	_ = 	snop  }
0x3b: {  	_ = 	snop  }
0x3c: {  	p2 =	seq.s32 s10, $0x1;
	s10 =	sld [smem:$0x3FB8]  }
0x3d: {  	_ =	shalt  }
0x3e: {  	_ =	shalt  }
0x3f: {  	_ =	shalt  }
0x40: {  	_ =	shalt  }
0x41: {  	_ =	shalt  }
0x42: {  	_ =	shalt  }
0x43: {  	_ =	shalt  }
0x44: {  	_ =	shalt  }
0x45: {  	_ =	shalt  }
0x46: {  	_ =	shalt  }
0x47: {  	_ =	shalt  }
0x48: {  	_ =	shalt  }
0x49: {  	_ =	shalt  }
0x4a: {  	_ =	shalt  }
0x4b: {  	_ =	shalt  }
0x4c: {  	_ =	shalt  }
0x4d: {  	_ =	shalt  }
0x4e: {  	_ =	shalt  }
0x4f: {  	_ =	shalt  }
0x50: {  	_ =	shalt  }
0x51: {  	_ =	shalt  }
0x52: {  	_ =	shalt  }
0x53: {  	_ =	shalt  }
0x54: {  	_ =	shalt  }
0x55: {  	_ =	shalt  }
0x56: {  	_ =	shalt  }
0x57: {  	_ =	shalt  }
0x58: {  	_ =	shalt  }
0x59: {  	_ =	shalt  }
0x5a: {  	_ =	shalt  }
0x5b: {  	_ =	shalt  }
0x5c: {  	_ =	shalt  }
0x5d: {  	_ =	shalt  }
0x5e: {  	_ =	shalt  }
0x5f: {  	_ =	shalt  }
0x60: {  	_ =	shalt  }
0x61: {  	_ =	shalt  }
0x62: {  	_ =	shalt  }
0x63: {  	_ =	shalt  }
0x64: {  	_ =	shalt  }
0x65: {  	_ =	shalt  }
0x66: {  	_ =	shalt  }
0x67: {  	_ =	shalt  }
0x68: {  	_ =	shalt  }
0x69: {  	_ =	shalt  }
0x6a: {  	_ =	shalt  }
0x6b: {  	_ =	shalt  }
0x6c: {  	_ =	shalt  }
0x6d: {  	_ =	shalt  }
0x6e: {  	_ =	shalt  }
0x6f: {  	_ =	shalt  }
0x70: {  	_ =	shalt  }
0x71: {  	_ =	shalt  }
0x72: {  	_ =	shalt  }
0x73: {  	_ =	shalt  }
0x74: {  	_ =	shalt  }
0x75: {  	_ =	shalt  }
0x76: {  	_ =	shalt  }
0x77: {  	_ =	shalt  }
0x78: {  	_ =	shalt  }
0x79: {  	_ =	shalt  }
0x7a: {  	_ =	shalt  }
0x7b: {  	_ =	shalt  }
0x7c: {  	_ =	shalt  }
0x7d: {  	_ =	shalt  }
0x7e: {  	_ =	shalt  }
0x7f: {  	_ =	shalt  }
0x80: {  	_ =	shalt  }
0x81: {  	_ =	shalt  }
0x82: {  	_ =	shalt  }
0x83: {  	_ =	shalt  }
0x84: {  	_ =	shalt  }
0x85: {  	_ =	shalt  }
0x86: {  	_ =	shalt  }
0x87: {  	_ =	shalt  }
.Lfunc_end0:
.L_simem_size_0:
called_computation_lowered:
.L_overlay_start_0:
0x88: {  	s2 =	sld [smem:$0x3FD9]  }
0x89: {  	s3 =	sld [smem:$0x3FFE];
	_ =	sdelay $0x1  }
0x8a: {  	s1 =	srdreg.scid  }
0x8b: {  	s0 =	sand.u32 $0x1, s1  }
0x8c: {  	s14 =	sshll.u32 s0, $0xA;
	s2 =	sadd.s32 s3, s2  }
0x8d: {  	s2 =	sadd.s32 s2, s14  }
0x8e: {  	[smem:$0x3FC4] =	sst s2  }
0x8f: {  	_ = 	snop  }
0x90: {  	s2 =	sld [smem:$0x3FD0];
	_ =	sdelay $0x1  }
0x91: {  	s15 =	sld [smem:$0x3FC9]  }
0x92: {  	s5 =	simm.s32 $0xA;
	s6 =	simm.s32 $0x10;
	s4 =	sld [smem:$0x3FC8]  }
0x93: {  	[smem:s6], [sflag:s5] =	dma.local [hbm:s2], $0x1  }
0x94: {  	_ =	swait.eq [sflag:s5], $0x1  }
0x95: {  	s16 =	sld [smem:$0x10];
	[sflag:s5] =	ssyncset.done $0x0  }
0x96: {  	s17 =	sld [smem:$0x11];
	[sflag:s5] =	ssyncadd.s32 $0xFFFFFFFF  }
0x97: {  	s18 =	sld [smem:$0x12];
	(tm) =	ssettm $0x1  }
0x98: {  	s7 =	sld [smem:$0x3FFB];
	_ =	sdelay $0x3  }
0x99: {  	_ =	strace s7  }
0x9a: {  	s7 =	sld [smem:$0x3FFC];
	_ =	sdelay $0x3  }
0x9b: {  	_ =	strace s7  }
0x9c: {  	s7 =	sld [smem:$0x3FFD];
	_ =	sdelay $0x3  }
0x9d: {  	_ =	strace s7  }
0x9e: {  	_ =	strace $0x8FFFFFFF  }
0x9f: {  	s19 =	sld [smem:$0x3FDB];
	_ =	sdelay $0x1  }
0xa0: {  	s8 =	simm.s32 $_scs_section_size  }
0xa1: {  	s9 =	simm.s32 $_size__tile_overlayer_lowered;
	s10 =	simm.s32 $_tile_overlayer_lowered  }
0xa2: {  	s22 =	simm.s32 $0x1BFF;
	s21 =	sshll.u32 s10, $0x1;
	s7 =	sadd.s32 s8, s19  }
0xa3: {  	s11 =	simm.s32 $0x0;
	s20 =	sshll.u32 s9, $0x1;
	s9 =	sadd.s32 s21, s7  }
0xa4: {  	[timem:s11], [sflag:s22] =	dma.local [hbm:s9], s20  }
0xa5: {  	_ =	swait.ge [sflag:s22], s20  }
0xa6: {  	s8 =	ssub.s32 $0x0, s20;
	[sflag:s22] =	ssyncset.done $0x0  }
0xa7: {  	[sflag:s22] =	ssyncadd.s32 s8;
	_ =	sdelay $0x1  }
0xa8: {  	s23 =	simm.s32 $0x1B8B  }
0xa9: {  	_ =	swait.ge [sflag:s23], $0x1  }
0xaa: {  	[sflag:s23] =	ssyncset.done $0x0  }
0xab: {  	s25 =	simm.s32 $0x1B8E;
	s24 =	sld [smem:$0x3FFE];
	[sflag:s23] =	ssyncadd.s32 $0xFFFFFFFF  }
0xac: {  	s26 =	simm.s32 $execute0_lowered;
	[smem:$0x3FD2] =	sst s25  }
0xad: {  	s9 =	sshll.u32 s26, $0x1;
	_ =	strace $0x80000046;
	[dreg:$0x1] =	wrdreg $0xFFFFFFFF  }
0xae: {  	s28 =	simm.s32 $_size_execute0_lowered;
	s7 =	sadd.s32 s7, s9;
	[dreg:$0x0] =	wrdreg $0x0  }
0xaf: {  	s9 =	sshll.u32 s28, $0x1;
	[dreg:$0x2] =	wrdreg s7  }
0xb0: {  	[dreg:$0x3] =	wrdreg s9  }
0xb1: {  	[dreg:$0x4] =	wrdreg $0xC0  }
0xb2: {  	_ =	task [dreg:s11], $0x5FFFF  }
0xb3: {  	[dreg:$0x1] =	wrdreg $0xFFFFFFFF  }
0xb4: {  	[dreg:$0x0] =	wrdreg $0x60  }
0xb5: {  	[dreg:$0x2] =	wrdreg s15  }
0xb6: {  	[dreg:$0x3] =	wrdreg s4  }
0xb7: {  	[dreg:$0x4] =	wrdreg s24  }
0xb8: {  	[dreg:$0x5] =	wrdreg s16  }
0xb9: {  	[dreg:$0x6] =	wrdreg s17  }
0xba: {  	[dreg:$0x7] =	wrdreg s18  }
0xbb: {  	[dreg:$0x8] =	wrdreg $0x9  }
0xbc: {  	_ =	task.clear_ibuf [dreg:s11], $0x9FFFF;
	_ =	strace $0x90000046  }
0xbd: {  	s29 =	simm.s32 $0x9;
	_ =	strace $0x80000048  }
0xbe: {  	_ =	swait.ge [sflag:s29], $0x1  }
0xbf: {  	[sflag:s29] =	ssyncadd.s32 $0xFFFFFFFF  }
0xc0: {  	_ =	strace $0x90000048  }
0xc1: {  	_ =	sfence  }
0xc2: {  	s30 =	sld [smem:$0x0];
	_ =	sdelay $0x2  }
0xc3: {  	s31 =	sshll.u32 s1, $0xD;
	s1 =	sshrl.u32 s1, $0x2  }
0xc4: {  	s3 =	sand.u32 $0x4000, s31;
	s1 =	sadd.s32 s1, s30  }
0xc5: {  	s0 =	sor.u32 s3, s0;
	s1 =	sshll.u32 s1, $0x11  }
0xc6: {  	s0 =	sor.u32 s1, s0  }
0xc7: {  	s0 =	sadd.s32 $0x8F2B, s0  }
0xc8: {  	[sflag:s0] =	ssyncadd.remote.s32 $0x1  }
0xc9: {  	_ =	sfence.sel $0xFFFF  }
0xca: {  	[dreg:$0x0] =	wrdreg $0xFFFFFFFF;
	(pc) =	sbr.abs _section_cstart, $3  }
0xcb: {  	[dreg:$0x1] =	wrdreg $0xFFFFFFFF  }
0xcc: {  	_ =	task.clear_ibuf [dreg:s11], $0x2FFFF;
	_ =	strace $0x9FFFFFFF  }
0xcd: {  	(tm) =	ssettm $0x7FFFFFFF  }
tec
execute0_lowered:
.L_overlay_start_1:
0x0: {  	(tag) =	ssettag $0x1  }
0x1: {  	s0 =	rddreg [dreg:$0x0]  }
0x2: {  	s2 =	rddreg [dreg:$0x1]  }
0x3: {  	s4 =	rddreg [dreg:$0x2]  }
0x4: {  	s7 =	rddreg [dreg:$0x3]  }
0x5: {  	s8 =	rddreg [dreg:$0x4]  }
0x6: {  	s9 =	rddreg [dreg:$0x5];
	s1 =	simm.s32 $0x0;
	s5 =	srdreg.scid  }
0x7: {  	s10 =	stileid.u32;
	s13 =	simm.s32 $0x80;
	s15 =	simm.s32 $0x800  }
0x8: {  	s17 =	simm.s32 $0x8800;
	s19 =	simm.s32 $0x4800;
	s21 =	simm.s32 $0xC800  }
0x9: {  	s22 =	simm.s32 $0x1;
	s26 =	simm.s32 $0x780;
	s28 =	simm.s32 $0x10800  }
0xa: {  	s29 =	simm.s32 $0x10A00;
	s30 =	simm.s32 $0x10C00;
	s31 =	simm.s32 $0x0  }
0xb: {  	[smem:$0x7FF] =	sst s1;
	s3 =	sadd.s32 $0x188C00, s4;
	s5 =	sand.u32 $0x1, s5  }
0xc: {  	vm0 =	vmmov $0x1;
	vm1 =	vmmov $0x3;
	vm2 =	vmmov $0x7;
	s10 =	sshll.u32 s10, $0x7;
	s6 =	ssub.s32 $0x2, s5;
	s5 =	sshll.u32 s5, $0x6  }
0xd: {  	vm3 =	vmmov $0xf;
	vm4 =	vmmov $0x1f;
	vm5 =	vmmov $0x3f;
	s4 =	sadd.s32 $0x24C200, s4;
	s11 =	sshrl.u32 s6, $0x1;
	s10 =	sor.u32 s5, s10  }
0xe: {  	vm6 =	vmmov $0x7f;
	vm7 =	vmmov $0xff;
	vm8 =	vmmov $0x1ff;
	_ =	strace $0x80000047;
	s11 =	ssub.s32 s6, s11;
	s5 =	sadd.s32 s0, s10  }
0xf: {  	vm9 =	vmmov $0x3ff;
	vm10 =	vmmov $0x7ff;
	vm11 =	vmmov $0xfff;
	s6 =	sadd.s32 s2, s10;
	s7 =	sadd.s32 s7, s10;
	s8 =	sadd.s32 s8, s10  }
0x10: {  	vm12 =	vmmov $0x1fff;
	vm13 =	vmmov $0x3fff;
	vm14 =	vmmov $0x7fff;
	s9 =	sadd.s32 s9, s10;
	s10 =	smax.u32 s11, $0x1;
	s11 =	simm.s32 $0x2  }
.LBB2_1:
0x11: {  	[tilespmem:s1], [sflag:$0x2] =	stream.linear.gather [hbm4b:s5+s1], $0x200, $0x38;
	[tilespmem:$0x10E00] =	vst v63  }
0x12: {  	_ =	swait.ge [sflag:s11], $0x200  }
0x13: {  	[sflag:s11] =	ssyncset.done $0x0  }
0x14: {  	s0 =	simm.s32 $0x200;
	[sflag:s11] =	ssyncadd.s32 $0xFFFFFE00  }
0x15: {  	[tilespmem:s0], [sflag:$0x2] =	stream.linear.gather [hbm4b:s6+s1], $0x200, $0x38;
	[tilespmem:$0x10E00] =	vst v63  }
0x16: {  	_ =	swait.ge [sflag:s11], $0x200  }
0x17: {  	[sflag:s11] =	ssyncset.done $0x0  }
0x18: {  	s0 =	simm.s32 $0x0;
	[sflag:s11] =	ssyncadd.s32 $0xFFFFFE00  }
0x19: {  	v0 =	vld [tilespmem:s0+$0x200]  }
0x1a: {  	s2 =	simm.s32 $0x40;
	v1 =	vld [tilespmem:s0+$0x0]  }
.LBB2_2:
0x1b: {  	p0 =	sne.s32 s2, $0x7C0  }
.Ltmp0:
0x1c: {  	_ = 	snop;
	(pc) =	sbr.rel @p0 .LBB2_2-.Ltmp0, $4  }
0x1d: {  	_ = 	snop  }
0x1e: {  	s12 =	sshra.s32 s2, $0x2;
	s2 =	sadd.s32 $0x40, s2;
	v2 =	vshrl.u32 v0, $0x1  }
0x1f: {  	v0 =	vld [tilespmem:s12+$0x200];
	v3 =	vshrl.u32 v1, $0x1;
	[tilespmem:s0+$0x600] =	vst v2  }
0x20: {  	v1 =	vld [tilespmem:s12+$0x0];
	[tilespmem:s0+$0x400] =	vst v3;
	s0 =	smov.u32 s12  }
0x21: {  	_ =	sdelay $0x2  }
0x22: {  	v0 =	vshrl.u32 v0, $0x1  }
0x23: {  	v1 =	vshrl.u32 v1, $0x1;
	[tilespmem:s0+$0x600] =	vst v0  }
0x24: {  	s20 =	simm.s32 $0x400;
	[tilespmem:s0+$0x400] =	vst v1  }
0x25: {  	[tilespmem:s15], [sflag:$0x1] =	stream.indirect.gather [hbm4b:s3+s13], $0x80, s20, s13, $0xb8;
	[tilespmem:$0x10E00] =	vst v63  }
0x26: {  	s23 =	simm.s32 $0x600  }
0x27: {  	[tilespmem:s17], [sflag:$0x1] =	stream.indirect.gather [hbm4b:s4+s13], $0x80, s23, s13, $0xb8;
	[tilespmem:$0x10E00] =	vst v63  }
0x28: {  	s24 =	simm.s32 $0x480  }
0x29: {  	[tilespmem:s19], [sflag:$0x1] =	stream.indirect.gather [hbm4b:s3+s13], $0x80, s24, s13, $0xb8;
	[tilespmem:$0x10E00] =	vst v63  }
0x2a: {  	s25 =	simm.s32 $0x680  }
0x2b: {  	[tilespmem:s21], [sflag:$0x1] =	stream.indirect.gather [hbm4b:s4+s13], $0x80, s25, s13, $0xb8;
	[tilespmem:$0x10E00] =	vst v63  }
0x2c: {  	_ =	swait.ge [sflag:s22], $0x4000  }
0x2d: {  	[sflag:s22] =	ssyncset.done $0x0  }
0x2e: {  	[sflag:s22] =	ssyncadd.s32 $0xFFFFC000  }
0x2f: {  	_ =	swait.ge [sflag:s22], $0x4000  }
0x30: {  	[sflag:s22] =	ssyncset.done $0x0  }
0x31: {  	[sflag:s22] =	ssyncadd.s32 $0xFFFFC000  }
0x32: {  	_ =	swait.ge [sflag:s22], $0x4000  }
0x33: {  	[sflag:s22] =	ssyncset.done $0x0  }
0x34: {  	[sflag:s22] =	ssyncadd.s32 $0xFFFFC000  }
0x35: {  	s2 =	simm.s32 $0x200;
	s12 =	simm.s32 $0x10800;
	_ =	swait.ge [sflag:s22], $0x4000  }
0x36: {  	s14 =	simm.s32 $0x10A00;
	s16 =	simm.s32 $0x10C00;
	[sflag:s22] =	ssyncset.done $0x0  }
0x37: {  	s18 =	simm.s32 $0x0;
	s0 =	simm.s32 $0x0;
	[sflag:s22] =	ssyncadd.s32 $0xFFFFC000  }
.LBB2_4:
0x38: {  	v0 =	vld [tilespmem:s0+$0x0];
	_ =	sdelay $0x1  }
0x39: {  	v1 =	vld [tilespmem:s2+$0x0];
	_ =	sdelay $0x2  }
0x3a: {  	v0 =	vshll.u32 v0, $0x6  }
0x3b: {  	s20 =	sshra.s32 s18, $0x2;
	v0 =	vand.u32 $0x40, v0  }
0x3c: {  	v2 =	vshll.u32 v1, $0x6;
	v1 =	vadd.s32 s20, v0  }
0x3d: {  	(v2sf) =	vpush v1, $0x1;
	_ =	sdelay $0x3  }
0x3e: {  	v49 =	vand.u32 $0x40, v2;
	(v2sf) =	vpush v1, $0x0  }
0x3f: {  	v0 =	vadd.s32 s20, v49  }
0x40: {  	(v2sf) =	vpush v0, $0x1  }
0x41: {  	(v2sf) =	vpush v0, $0x0;
	_ =	sdelay $0x7  }
0x42: {  	s23 =	spop (v2sf)  }
0x43: {  	(v2sf) =	vpush v1, $0x3;
	v11 =	vld [tilespmem:s23+$0x880]  }
0x44: {  	v14 =	vld [tilespmem:s23+$0x890]  }
0x45: {  	v52 =	vld [tilespmem:s23+$0x8A0]  }
0x46: {  	s20 =	spop (v2sf);
	(v2sf) =	vpush v1, $0x2;
	v16 =	vld [tilespmem:s23+$0x8B0]  }
0x47: {  	v50 =	vld [tilespmem:s20+$0x800]  }
0x48: {  	s24 =	spop (v2sf);
	v4 =	vld [tilespmem:s20+$0x810]  }
0x49: {  	v6 =	vld [tilespmem:s20+$0x820];
	s25 =	spop (v2sf)  }
0x4a: {  	(v2sf) =	vpush v0, $0x3;
	v3 =	vld [tilespmem:s25+$0x8800]  }
0x4b: {  	v5 =	vld [tilespmem:s25+$0x8810]  }
0x4c: {  	v12 =	vld [tilespmem:s24+$0x8880]  }
0x4d: {  	(v2sf) =	vpush v0, $0x2;
	v15 =	vld [tilespmem:s24+$0x8890];
	v61 =	vmul.f32 v14, v14  }
0x4e: {  	v7 =	vld [tilespmem:s25+$0x8820];
	v21 =	vmul.f32 v52, v52;
	v27 =	vmul.f32 v16, v16  }
0x4f: {  	v8 =	vld [tilespmem:s20+$0x830];
	v2 =	vmul.f32 v50, v50;
	v53 =	vmul.f32 v6, v6  }
0x50: {  	v55 =	vld [tilespmem:s24+$0x88A0];
	v10 =	vmul.f32 v3, v50;
	v13 =	vmul.f32 v5, v4  }
0x51: {  	v58 =	vld [tilespmem:s24+$0x88B0];
	v3 =	vmul.f32 v3, v3;
	v5 =	vmul.f32 v5, v5  }
0x52: {  	v9 =	vld [tilespmem:s25+$0x8830];
	v57 =	vmul.f32 v12, v11;
	v11 =	vmul.f32 v11, v11;
	s20 =	spop (v2sf)  }
0x53: {  	v17 =	vmul.f32 v15, v14;
	v54 =	vmul.f32 v7, v7;
	v3 =	vadd.f32 v5, v3;
	v46 =	vld [tilespmem:s20+$0x980]  }
0x54: {  	v60 =	vmul.f32 v12, v12;
	v4 =	vmul.f32 v4, v4;
	v50 =	vld [tilespmem:s20+$0x990]  }
0x55: {  	v15 =	vmul.f32 v15, v15;
	v10 =	vadd.f32 $0.0e+00, v10;
	v3 =	vadd.f32 v54, v3;
	s25 =	spop (v2sf);
	v54 =	vld [tilespmem:s20+$0x9A0]  }
0x56: {  	v51 =	vmul.f32 v7, v6;
	v2 =	vadd.f32 v4, v2;
	v5 =	vadd.f32 $0.0e+00, v57;
	v59 =	vld [tilespmem:s25+$0x900]  }
0x57: {  	v56 =	vmul.f32 v9, v8;
	v10 =	vadd.f32 v13, v10;
	(v2sf) =	vpush v1, $0x5;
	v62 =	vld [tilespmem:s25+$0x910]  }
0x58: {  	v8 =	vmul.f32 v8, v8;
	v2 =	vadd.f32 v53, v2;
	(v2sf) =	vpush v1, $0x4;
	v22 =	vld [tilespmem:s25+$0x920]  }
0x59: {  	v9 =	vmul.f32 v9, v9;
	v20 =	vadd.f32 v61, v11;
	v4 =	vadd.f32 v51, v10;
	s23 =	spop (v2sf);
	v26 =	vld [tilespmem:s25+$0x930]  }
0x5a: {  	v63 =	vmul.f32 v55, v52;
	v5 =	vadd.f32 v17, v5;
	v2 =	vadd.f32 v8, v2;
	v48 =	vld [tilespmem:s23+$0x8980]  }
0x5b: {  	v24 =	vmul.f32 v58, v16;
	v3 =	vadd.f32 v9, v3;
	v4 =	vadd.f32 v56, v4;
	v52 =	vld [tilespmem:s23+$0x8990]  }
0x5c: {  	v7 =	vmul.f32 v55, v55;
	v8 =	vadd.f32 v15, v60;
	v5 =	vadd.f32 v63, v5;
	s24 =	spop (v2sf);
	v56 =	vld [tilespmem:s23+$0x89A0]  }
0x5d: {  	v6 =	vmul.f32 v58, v58;
	v9 =	vadd.f32 v21, v20;
	(v2sf) =	vpush v0, $0x5;
	v18 =	vld [tilespmem:s24+$0x8900];
	(xrf2) =	vadd.scan.msk.f32 $0xffff, v4  }
0x5e: {  	v7 =	vadd.f32 v7, v8;
	v5 =	vadd.f32 v24, v5;
	v19 =	vld [tilespmem:s24+$0x8910];
	(xrf2) =	vadd.scan.msk.f32 $0xffff, v2;
	v31 =	vmul.f32 v59, v59  }
0x5f: {  	(v2sf) =	vpush v0, $0x4;
	v23 =	vld [tilespmem:s24+$0x8920];
	(xrf2) =	vadd.scan.msk.f32 $0xffff, v3;
	v35 =	vmul.f32 v62, v62;
	v38 =	vmul.f32 v22, v22  }
0x60: {  	v8 =	vadd.f32 v27, v9;
	(xrf2) =	vadd.scan.msk.f32 $0xffff, v5;
	v40 =	vmul.f32 v26, v26;
	v5 =	vmul.f32 v46, v46  }
0x61: {  	v28 =	vld [tilespmem:s24+$0x8930];
	v6 =	vadd.f32 v6, v7;
	v61 =	vmul.f32 v48, v46;
	v7 =	vmul.f32 v48, v48  }
0x62: {  	(xrf2) =	vadd.scan.msk.f32 $0xffff, v8;
	v8 =	vmul.f32 v50, v50;
	v10 =	vmul.f32 v52, v52  }
0x63: {  	v27 =	vmul.f32 v56, v54;
	v25 =	vmul.f32 v18, v59;
	v4 =	vadd.f32 v35, v31  }
0x64: {  	v30 =	vmul.f32 v19, v62;
	v33 =	vmul.f32 v23, v22;
	(xrf2) =	vadd.scan.msk.f32 $0xffff, v6  }
0x65: {  	v58 =	vld [tilespmem:s20+$0x9B0];
	v34 =	vmul.f32 v18, v18;
	v29 =	vadd.f32 $0.0e+00, v25;
	v4 =	vadd.f32 v38, v4  }
0x66: {  	v37 =	vmul.f32 v28, v26;
	v39 =	vmul.f32 v19, v19;
	v59 =	vld [tilespmem:s23+$0x89B0];
	s24 =	spop (v2sf)  }
0x67: {  	v43 =	vmul.f32 v28, v28;
	v32 =	vadd.f32 v30, v29;
	v42 =	vadd.f32 v40, v4;
	s25 =	spop (v2sf);
	v40 =	vld [tilespmem:s24+$0xA90]  }
0x68: {  	v28 =	vmul.f32 v54, v54;
	v5 =	vadd.f32 v8, v5;
	v2 =	vadd.f32 v39, v34;
	v62 =	vld [tilespmem:s25+$0xA00]  }
0x69: {  	v41 =	vmul.f32 v23, v23;
	v44, _, _ =	vpop (xrf2);
	v36 =	vadd.f32 v33, v32;
	(v2sf) =	vpush v1, $0x7;
	v24 =	vld [tilespmem:s25+$0xA10]  }
0x6a: {  	v23 =	vmul.f32 v52, v50;
	v7 =	vadd.f32 v10, v7;
	v5 =	vadd.f32 v28, v5;
	v45, _, _ =	vpop (xrf2);
	v20 =	vld [tilespmem:s25+$0xA20]  }
0x6b: {  	v35 =	vmul.f32 v58, v58;
	v2 =	vadd.f32 v41, v2;
	v47, _, _ =	vpop (xrf2);
	v3 =	vadd.f32 v37, v36;
	v32 =	vld [tilespmem:s25+$0xA30]  }
0x6c: {  	v30 =	vmul.f32 v56, v56;
	v31 =	vmul.f32 v59, v58;
	(v2sf) =	vpush v1, $0x6;
	v49, _, _ =	vpop (xrf2);
	s20 =	spop (v2sf);
	v36 =	vld [tilespmem:s24+$0xA80]  }
0x6d: {  	v2 =	vadd.f32 v43, v2;
	v4 =	vbroadcast v45, $0xF;
	v6 =	vbroadcast v47, $0xF;
	v51, _, _ =	vpop (xrf2);
	v21 =	vld [tilespmem:s20+$0x8A80];
	(xrf2) =	vadd.scan.msk.f32 $0xffff, v3  }
0x6e: {  	v5 =	vadd.f32 v35, v5;
	s23 =	spop (v2sf);
	v45 =	vld [tilespmem:s20+$0x8AA0];
	v3 =	vbroadcast v44, $0xF;
	v53, _, _ =	vpop (xrf2);
	v9 =	vbroadcast v51, $0xF;
	(xrf2) =	vadd.scan.msk.f32 $0xffff, v42  }
0x6f: {  	(v2sf) =	vpush v0, $0x7;
	v63 =	vld [tilespmem:s23+$0x8A00];
	v11 =	vbroadcast v53, $0xF;
	(xrf2) =	vadd.scan.msk.f32 $0xffff, v2;
	v2 =	vbroadcast v49, $0xF  }
0x70: {  	v26 =	vld [tilespmem:s23+$0x8A10];
	v4 =	vsel vm0, v4, v9;
	v9 =	vmul.f32 v59, v59;
	v52 =	vmul.f32 v40, v40  }
0x71: {  	v7 =	vadd.f32 v30, v7;
	v29 =	vld [tilespmem:s23+$0x8A20];
	v38 =	vmul.f32 v62, v62;
	v39 =	vmul.f32 v24, v24  }
0x72: {  	(v2sf) =	vpush v0, $0x6;
	v50 =	vmul.f32 v32, v32;
	v13 =	vmul.f32 v36, v36  }
0x73: {  	v34 =	vld [tilespmem:s23+$0x8A30];
	v6 =	vsel vm0, v6, v11;
	v48 =	vmul.f32 v21, v36;
	v21 =	vmul.f32 v21, v21  }
0x74: {  	v42 =	vld [tilespmem:s20+$0x8A90];
	v11 =	vadd.f32 $0.0e+00, v61;
	v14 =	vmul.f32 v45, v45;
	v33 =	vmul.f32 v63, v62  }
0x75: {  	v47 =	vld [tilespmem:s24+$0xAB0];
	v2 =	vsel vm0, v3, v2;
	v37 =	vmul.f32 v26, v24;
	v16 =	vmul.f32 v63, v63  }
0x76: {  	v7 =	vadd.f32 v9, v7;
	v41 =	vmul.f32 v26, v26;
	v43 =	vmul.f32 v29, v20  }
0x77: {  	v49 =	vld [tilespmem:s20+$0x8AB0];
	v11 =	vadd.f32 v23, v11;
	v20 =	vmul.f32 v20, v20;
	v10 =	vmul.f32 v29, v29  }
0x78: {  	v22 =	vld [tilespmem:s24+$0xAA0];
	v12 =	vadd.f32 v39, v38;
	v46 =	vmul.f32 v34, v32;
	v8 =	vmul.f32 v34, v34;
	s23 =	spop (v2sf)  }
0x79: {  	v13 =	vadd.f32 v52, v13;
	v53 =	vmul.f32 v42, v42;
	v11 =	vadd.f32 v27, v11;
	v30 =	vld [tilespmem:s23+$0xB80]  }
0x7a: {  	v62 =	vmul.f32 v47, v47;
	v44 =	vadd.f32 v41, v16;
	v12 =	vadd.f32 v20, v12;
	v27 =	vld [tilespmem:s23+$0xB90]  }
0x7b: {  	v24 =	vmul.f32 v42, v40;
	v56 =	vadd.f32 v53, v21;
	v55, _, _ =	vpop (xrf2);
	(v2sf) =	vpush v1, $0x9;
	s25 =	spop (v2sf);
	v40 =	vld [tilespmem:s23+$0xBA0]  }
0x7c: {  	v59 =	vmul.f32 v49, v47;
	v11 =	vadd.f32 v31, v11;
	v60, _, _ =	vpop (xrf2);
	(v2sf) =	vpush v1, $0x8;
	v51 =	vld [tilespmem:s25+$0xB00]  }
0x7d: {  	v9 =	vadd.f32 v10, v44;
	v10 =	vadd.f32 $0.0e+00, v48;
	v3 =	vbroadcast v60, $0xF;
	v26 =	vld [tilespmem:s25+$0xB20]  }
0x7e: {  	v12 =	vadd.f32 v50, v12;
	v31 =	vmul.f32 v49, v49;
	v14 =	vadd.f32 v14, v56;
	v25, _, _ =	vpop (xrf2);
	v60 =	vld [tilespmem:s25+$0xB30]  }
0x7f: {  	v57 =	vbroadcast v55, $0xF;
	s24 =	spop (v2sf);
	v3 =	vsel vm1, v4, v3;
	v4 =	vbroadcast v25, $0xF;
	v25 =	vld [tilespmem:s25+$0xB10]  }
0x80: {  	v10 =	vadd.f32 v24, v10;
	v55 =	vmul.f32 v45, v22;
	(v2sf) =	vpush v0, $0x9;
	v32 =	vld [tilespmem:s24+$0x8B80]  }
0x81: {  	v8 =	vadd.f32 v8, v9;
	s20 =	spop (v2sf);
	v35 =	vld [tilespmem:s24+$0x8B90];
	v4 =	vsel vm1, v6, v4;
	v6 =	vadd.f32 $0.0e+00, v33  }
0x82: {  	v2 =	vsel vm1, v2, v57;
	v57 =	vmul.f32 v22, v22;
	(v2sf) =	vpush v0, $0x8;
	v23 =	vld [tilespmem:s20+$0x8B00]  }
0x83: {  	(xrf2) =	vadd.scan.msk.f32 $0xffff, v11;
	v10 =	vadd.f32 v55, v10;
	v54 =	vld [tilespmem:s20+$0x8B10];
	v52 =	vmul.f32 v27, v27;
	v6 =	vadd.f32 v37, v6  }
0x84: {  	v61 =	vadd.f32 v57, v13;
	v57 =	vmul.f32 v40, v40;
	v17 =	vmul.f32 v51, v51  }
0x85: {  	v58 =	vld [tilespmem:s20+$0x8B20];
	v38 =	vmul.f32 v26, v26;
	v45 =	vmul.f32 v60, v60;
	v6 =	vadd.f32 v43, v6  }
0x86: {  	(xrf2) =	vadd.scan.msk.f32 $0xffff, v5;
	v63 =	vld [tilespmem:s20+$0x8B30];
	v10 =	vadd.f32 v59, v10;
	v42 =	vmul.f32 v32, v30;
	v49 =	vmul.f32 v35, v27  }
0x87: {  	(xrf2) =	vadd.scan.msk.f32 $0xffff, v7;
	v29 =	vmul.f32 v23, v51;
	v51 =	vmul.f32 v30, v30;
	v6 =	vadd.f32 v46, v6  }
0x88: {  	v50 =	vld [tilespmem:s24+$0x8BB0];
	v13 =	vadd.f32 v31, v14;
	v55 =	vmul.f32 v35, v35;
	v33 =	vmul.f32 v54, v25  }
0x89: {  	v25 =	vmul.f32 v25, v25;
	v34 =	vmul.f32 v23, v23;
	v43 =	vld [tilespmem:s24+$0x8BA0];
	(xrf2) =	vadd.scan.msk.f32 $0xffff, v6;
	v6 =	vadd.f32 v52, v51  }
0x8a: {  	v9 =	vadd.f32 v62, v61;
	v19 =	vmul.f32 v54, v54;
	v36 =	vmul.f32 v58, v26;
	v46 =	vld [tilespmem:s23+$0xBB0];
	s20 =	spop (v2sf)  }
0x8b: {  	v39 =	vmul.f32 v58, v58;
	v41 =	vmul.f32 v63, v60;
	v6 =	vadd.f32 v57, v6;
	s25 =	spop (v2sf);
	v57 =	vld [tilespmem:s20+$0xC80]  }
0x8c: {  	v54 =	vmul.f32 v32, v32;
	v48 =	vadd.f32 $0.0e+00, v42;
	v15 =	vadd.f32 $0.0e+00, v29;
	v53 =	vld [tilespmem:s25+$0xC00]  }
0x8d: {  	v59 =	vmul.f32 v63, v63;
	v24, _, _ =	vpop (xrf2);
	v17 =	vadd.f32 v25, v17;
	v37 =	vadd.f32 v19, v34;
	(xrf2) =	vadd.scan.msk.f32 $0xffff, v12;
	v58 =	vld [tilespmem:s25+$0xC10]  }
0x8e: {  	v28 =	vbroadcast v24, $0xF;
	v12 =	vadd.f32 v55, v54;
	v60 =	vmul.f32 v43, v43;
	(xrf2) =	vadd.scan.msk.f32 $0xffff, v8;
	v62 =	vld [tilespmem:s25+$0xC20]  }
0x8f: {  	v23 =	vmul.f32 v50, v50;
	v15 =	vadd.f32 v33, v15;
	v44 =	vadd.f32 v38, v17;
	(xrf2) =	vadd.scan.msk.f32 $0xffff, v10;
	s23 =	spop (v2sf);
	v27 =	vld [tilespmem:s25+$0xC30]  }
0x90: {  	v31, _, _ =	vpop (xrf2);
	v11 =	vadd.f32 v39, v37;
	v2 =	vsel vm2, v2, v28;
	v12 =	vadd.f32 v60, v12;
	(xrf2) =	vadd.scan.msk.f32 $0xffff, v9;
	v60 =	vld [tilespmem:s23+$0x8C80]  }
0x91: {  	v33, _, _ =	vpop (xrf2);
	v56 =	vmul.f32 v43, v40;
	v15 =	vadd.f32 v36, v15;
	s24 =	spop (v2sf);
	(xrf2) =	vadd.scan.msk.f32 $0xffff, v13;
	v13 =	vbroadcast v31, $0xF;
	v31 =	vld [tilespmem:s23+$0x8CA0]  }
0x92: {  	v5 =	vadd.f32 v45, v44;
	(v2sf) =	vpush v1, $0xB;
	v45 =	vbroadcast v33, $0xF;
	v20 =	vld [tilespmem:s24+$0x8C00]  }
0x93: {  	v61 =	vmul.f32 v50, v46;
	v10 =	vadd.f32 v59, v11;
	(v2sf) =	vpush v1, $0xA;
	v19 =	vld [tilespmem:s24+$0x8C10]  }
0x94: {  	v63 =	vmul.f32 v46, v46;
	v47 =	vadd.f32 v41, v15;
	v15 =	vadd.f32 v49, v48;
	v16 =	vld [tilespmem:s24+$0x8C20]  }
0x95: {  	v4 =	vsel vm2, v4, v45;
	v30 =	vadd.f32 v23, v12;
	v12 =	vld [tilespmem:s24+$0x8C30];
	v45 =	vmul.f32 v57, v57  }
0x96: {  	(v2sf) =	vpush v0, $0xB;
	v34 =	vmul.f32 v53, v53;
	v35 =	vmul.f32 v58, v58  }
0x97: {  	v29 =	vadd.f32 v63, v6;
	v40 =	vmul.f32 v62, v62;
	v44 =	vmul.f32 v27, v27  }
0x98: {  	(v2sf) =	vpush v0, $0xA;
	v11 =	vmul.f32 v60, v60;
	v14 =	vmul.f32 v31, v31  }
0x99: {  	v8 =	vadd.f32 v56, v15;
	v26 =	vmul.f32 v20, v53;
	v32 =	vmul.f32 v19, v58  }
0x9a: {  	(xrf2) =	vadd.scan.msk.f32 $0xffff, v47;
	v3 =	vsel vm2, v3, v13;
	v36, _, _ =	vpop (xrf2);
	v37 =	vmul.f32 v16, v62;
	v42 =	vmul.f32 v12, v27  }
0x9b: {  	(xrf2) =	vadd.scan.msk.f32 $0xffff, v5;
	v25 =	vadd.f32 v61, v8;
	v47 =	vbroadcast v36, $0xF;
	v23 =	vmul.f32 v20, v20  }
0x9c: {  	v63 =	vld [tilespmem:s20+$0xC90];
	(xrf2) =	vadd.scan.msk.f32 $0xffff, v10;
	v38, _, _ =	vpop (xrf2);
	v39 =	vadd.f32 v35, v34;
	v24 =	vmul.f32 v19, v19;
	v35 =	vmul.f32 v12, v12  }
0x9d: {  	(xrf2) =	vadd.scan.msk.f32 $0xffff, v25;
	v25 =	vld [tilespmem:s23+$0x8C90];
	v41, _, _ =	vpop (xrf2);
	v48 =	vbroadcast v38, $0xF;
	v38 =	vmul.f32 v60, v57;
	v8 =	vadd.f32 $0.0e+00, v26  }
0x9e: {  	(xrf2) =	vadd.scan.msk.f32 $0xffff, v29;
	v43, _, _ =	vpop (xrf2);
	v5 =	vadd.f32 v40, v39;
	v50 =	vbroadcast v41, $0xF;
	v2 =	vsel vm3, v2, v47  }
0x9f: {  	v27 =	vld [tilespmem:s20+$0xCA0];
	(xrf2) =	vadd.scan.msk.f32 $0xffff, v30;
	v29 =	vadd.f32 v24, v23;
	v30 =	vmul.f32 v16, v16;
	v51 =	vbroadcast v43, $0xF  }
0xa0: {  	v36 =	vld [tilespmem:s23+$0x8CB0];
	v46, _, _ =	vpop (xrf2);
	v3 =	vsel vm3, v3, v48;
	v12 =	vadd.f32 $0.0e+00, v38;
	v8 =	vadd.f32 v32, v8  }
0xa1: {  	v33 =	vld [tilespmem:s20+$0xCB0];
	v5 =	vadd.f32 v44, v5;
	v53 =	vbroadcast v46, $0xF;
	v4 =	vsel vm3, v4, v50;
	s24 =	spop (v2sf)  }
0xa2: {  	v34 =	vadd.f32 v30, v29;
	v43 =	vmul.f32 v25, v63;
	(v2sf) =	vpush v1, $0xD;
	s25 =	spop (v2sf);
	v30 =	vld [tilespmem:s24+$0xDA0]  }
0xa3: {  	v49, _, _ =	vpop (xrf2);
	v46 =	vmul.f32 v63, v63;
	v15 =	vmul.f32 v25, v25;
	v2 =	vsel vm4, v2, v51;
	v39 =	vld [tilespmem:s25+$0xD00]  }
0xa4: {  	v52, _, _ =	vpop (xrf2);
	v55 =	vbroadcast v49, $0xF;
	v49 =	vmul.f32 v31, v27;
	(v2sf) =	vpush v1, $0xC;
	v44 =	vld [tilespmem:s25+$0xD10]  }
0xa5: {  	v57 =	vmul.f32 v36, v36;
	v8 =	vadd.f32 v37, v8;
	v54, _, _ =	vpop (xrf2);
	v3 =	vsel vm4, v3, v53;
	v48 =	vld [tilespmem:s25+$0xD20]  }
0xa6: {  	v58 =	vbroadcast v52, $0xF;
	v12 =	vadd.f32 v43, v12;
	v11 =	vadd.f32 v15, v11;
	v56, _, _ =	vpop (xrf2);
	v51 =	vld [tilespmem:s25+$0xD30]  }
0xa7: {  	v52 =	vmul.f32 v36, v33;
	v8 =	vadd.f32 v42, v8;
	v61 =	vbroadcast v56, $0xF;
	s20 =	spop (v2sf);
	v56 =	vld [tilespmem:s24+$0xD80]  }
0xa8: {  	v9 =	vbroadcast v54, $0xF;
	v4 =	vsel vm4, v4, v55;
	(v2sf) =	vpush v0, $0xD;
	s23 =	spop (v2sf);
	v63 =	vld [tilespmem:s20+$0x8D90]  }
0xa9: {  	v54 =	vmul.f32 v33, v33;
	v2 =	vsel vm5, v2, v58;
	v7 =	vadd.f32 v49, v12;
	v59, _, _ =	vpop (xrf2);
	(xrf2) =	vadd.scan.msk.f32 $0xffff, v8;
	v42 =	vld [tilespmem:s23+$0x8D00]  }
0xaa: {  	v11 =	vadd.f32 v14, v11;
	(v2sf) =	vpush v0, $0xC;
	v62 =	vbroadcast v59, $0xF;
	v22, _, _ =	vpop (xrf2);
	v47 =	vld [tilespmem:s23+$0x8D10];
	(xrf2) =	vadd.scan.msk.f32 $0xffff, v5  }
0xab: {  	v3 =	vsel vm5, v3, v9;
	v8 =	vmul.f32 v27, v27;
	v50 =	vld [tilespmem:s23+$0x8D20];
	v26 =	vbroadcast v22, $0xF;
	v28, _, _ =	vpop (xrf2)  }
0xac: {  	v53 =	vld [tilespmem:s23+$0x8D30];
	v6 =	vsel vm6, v2, v62;
	v22 =	vmul.f32 v30, v30;
	v2 =	vbroadcast v28, $0xF  }
0xad: {  	v4 =	vsel vm5, v4, v61;
	v59 =	vld [tilespmem:s20+$0x8D80];
	v58 =	vmul.f32 v39, v39;
	v62 =	vmul.f32 v44, v44  }
0xae: {  	v7 =	vadd.f32 v52, v7;
	v61 =	vld [tilespmem:s24+$0xD90];
	v31 =	vmul.f32 v48, v48;
	v55 =	vmul.f32 v42, v39  }
0xaf: {  	v5 =	vadd.f32 v35, v34;
	v18 =	vmul.f32 v42, v42;
	v60 =	vmul.f32 v47, v44  }
0xb0: {  	v36 =	vld [tilespmem:s20+$0x8DB0];
	v32 =	vsel vm6, v3, v26;
	v10 =	vmul.f32 v47, v47;
	v29 =	vmul.f32 v50, v48  }
0xb1: {  	v34 =	vld [tilespmem:s24+$0xDB0];
	v2 =	vsel vm6, v4, v2;
	v33 =	vmul.f32 v50, v50;
	v35 =	vmul.f32 v53, v51;
	s23 =	spop (v2sf)  }
0xb2: {  	v9 =	vadd.f32 v62, v58;
	v38 =	vmul.f32 v59, v56;
	v13 =	vmul.f32 v59, v59;
	v59 =	vld [tilespmem:s23+$0xE80]  }
0xb3: {  	v43 =	vmul.f32 v63, v61;
	v48 =	vmul.f32 v63, v63;
	v37, _, _ =	vpop (xrf2);
	(v2sf) =	vpush v1, $0xF;
	s25 =	spop (v2sf);
	v63 =	vld [tilespmem:s23+$0xE90]  }
0xb4: {  	v42 =	vmul.f32 v53, v53;
	v16 =	vadd.f32 $0.0e+00, v55;
	v10 =	vadd.f32 v10, v18;
	v41, _, _ =	vpop (xrf2);
	v39 =	vld [tilespmem:s25+$0xE00]  }
0xb5: {  	v9 =	vadd.f32 v31, v9;
	v52 =	vadd.f32 v48, v13;
	v4 =	vbroadcast v41, $0xF;
	v44 =	vld [tilespmem:s25+$0xE10]  }
0xb6: {  	v28 =	vadd.f32 v60, v16;
	v40 =	vbroadcast v37, $0xF;
	(v2sf) =	vpush v1, $0xE;
	v49 =	vld [tilespmem:s25+$0xE20]  }
0xb7: {  	v37 =	vadd.f32 v33, v10;
	v10 =	vadd.f32 $0.0e+00, v38;
	s24 =	spop (v2sf);
	v4 =	vsel vm7, v32, v4;
	v32 =	vld [tilespmem:s20+$0x8DA0]  }
0xb8: {  	v3 =	vsel vm7, v6, v40;
	v6 =	vadd.f32 v46, v45;
	v46 =	vmul.f32 v61, v61;
	v61 =	vld [tilespmem:s24+$0x8E80]  }
0xb9: {  	v55 =	vmul.f32 v36, v34;
	(v2sf) =	vpush v0, $0xF;
	v10 =	vadd.f32 v43, v10;
	s20 =	spop (v2sf);
	v33 =	vld [tilespmem:s24+$0x8E90]  }
0xba: {  	v40 =	vmul.f32 v51, v51;
	(v2sf) =	vpush v0, $0xE;
	v0 =	vadd.f32 v42, v37;
	v41 =	vld [tilespmem:s20+$0x8E00]  }
0xbb: {  	v45 =	vmul.f32 v56, v56;
	v6 =	vadd.f32 v8, v6;
	v8 =	vadd.f32 v57, v11;
	v47 =	vld [tilespmem:s20+$0x8E10]  }
0xbc: {  	v60 =	vmul.f32 v36, v36;
	v38 =	vld [tilespmem:s24+$0x8EA0];
	v11 =	vadd.f32 v29, v28;
	v9 =	vadd.f32 v40, v9  }
0xbd: {  	v14 =	vadd.f32 v46, v45;
	v51 =	vld [tilespmem:s20+$0x8E20];
	v57 =	vmul.f32 v34, v34;
	v27 =	vmul.f32 v63, v63  }
0xbe: {  	v43 =	vld [tilespmem:s24+$0x8EB0];
	v6 =	vadd.f32 v54, v6;
	v16 =	vmul.f32 v39, v39;
	v50 =	vmul.f32 v32, v30  }
0xbf: {  	v56 =	vld [tilespmem:s20+$0x8E30];
	v11 =	vadd.f32 v35, v11;
	v53 =	vmul.f32 v32, v32;
	v58 =	vmul.f32 v41, v39  }
0xc0: {  	v54 =	vld [tilespmem:s25+$0xE30];
	v14 =	vadd.f32 v22, v14;
	v31 =	vmul.f32 v41, v41;
	v32 =	vmul.f32 v47, v47  }
0xc1: {  	v35 =	vld [tilespmem:s23+$0xEA0];
	v24 =	vmul.f32 v44, v44;
	v62 =	vmul.f32 v47, v44;
	v19 =	vadd.f32 $0.0e+00, v58  }
0xc2: {  	v12 =	vadd.f32 v57, v14;
	v37 =	vmul.f32 v51, v51;
	v41 =	vld [tilespmem:s23+$0xEB0];
	v14 =	vadd.f32 v32, v31;
	s20 =	spop (v2sf)  }
0xc3: {  	v34 =	vmul.f32 v51, v49;
	v44 =	vmul.f32 v59, v59;
	v19 =	vadd.f32 v62, v19;
	v30 =	vld [tilespmem:s20+$0xF80]  }
0xc4: {  	v36 =	vmul.f32 v49, v49;
	v42 =	vmul.f32 v61, v59;
	v14 =	vadd.f32 v37, v14;
	v37 =	vld [tilespmem:s20+$0xF90]  }
0xc5: {  	v28 =	vmul.f32 v33, v63;
	v39 =	vadd.f32 v34, v19;
	v19 =	vadd.f32 v27, v44;
	s25 =	spop (v2sf);
	v44 =	vld [tilespmem:s20+$0xFA0]  }
0xc6: {  	v46 =	vmul.f32 v61, v61;
	v63 =	vmul.f32 v43, v43;
	v16 =	vadd.f32 v24, v16;
	v45 =	vld [tilespmem:s25+$0xF00]  }
0xc7: {  	(xrf2) =	vadd.scan.msk.f32 $0xffff, v5;
	v47 =	vmul.f32 v33, v33;
	v10 =	vadd.f32 v50, v10;
	v1 =	vadd.f32 v53, v52;
	v48 =	vld [tilespmem:s25+$0xF10]  }
0xc8: {  	(xrf2) =	vadd.scan.msk.f32 $0xffff, v7;
	v40 =	vmul.f32 v56, v54;
	v15 =	vadd.f32 v36, v16;
	v13 =	vmul.f32 v54, v54;
	v52 =	vld [tilespmem:s25+$0xF20]  }
0xc9: {  	(xrf2) =	vadd.scan.msk.f32 $0xffff, v6;
	v16 =	vadd.f32 $0.0e+00, v42;
	v49 =	vmul.f32 v38, v35;
	v10 =	vadd.f32 v55, v10;
	s23 =	spop (v2sf);
	v59 =	vld [tilespmem:s25+$0xF30]  }
0xca: {  	(xrf2) =	vadd.scan.msk.f32 $0xffff, v8;
	v54 =	vmul.f32 v38, v38;
	v13 =	vadd.f32 v13, v15;
	v15 =	vadd.f32 v47, v46;
	v34 =	vld [tilespmem:s23+$0x8F80]  }
0xcb: {  	(xrf2) =	vadd.scan.msk.f32 $0xffff, v11;
	v16 =	vadd.f32 v28, v16;
	v55 =	vmul.f32 v43, v41;
	v61 =	vmul.f32 v41, v41;
	v41 =	vld [tilespmem:s23+$0x8F90]  }
0xcc: {  	v18 =	vmul.f32 v56, v56;
	(xrf2) =	vadd.scan.msk.f32 $0xffff, v9;
	v1 =	vadd.f32 v60, v1;
	v60 =	vadd.f32 v54, v15;
	s24 =	spop (v2sf);
	v47 =	vld [tilespmem:s23+$0x8FA0]  }
0xcd: {  	v51 =	vmul.f32 v35, v35;
	(xrf2) =	vadd.scan.msk.f32 $0xffff, v0;
	v53 =	vadd.f32 v49, v16;
	v29 =	vld [tilespmem:s24+$0x8F00];
	v54 =	vmul.f32 v30, v30  }
0xce: {  	(xrf2) =	vadd.scan.msk.f32 $0xffff, v10;
	v6 =	vadd.f32 v63, v60;
	v50 =	vld [tilespmem:s24+$0x8F10];
	v60 =	vmul.f32 v37, v37;
	v10 =	vmul.f32 v44, v44  }
0xcf: {  	v57 =	vadd.f32 v51, v19;
	v32 =	vmul.f32 v45, v45;
	v33 =	vmul.f32 v48, v48  }
0xd0: {  	v17 =	vadd.f32 v40, v39;
	v56 =	vld [tilespmem:s24+$0x8F20];
	v40 =	vmul.f32 v52, v52;
	v49 =	vmul.f32 v59, v59  }
0xd1: {  	v31 =	vadd.f32 v61, v57;
	v57 =	vmul.f32 v34, v34;
	v61 =	vmul.f32 v41, v41  }
0xd2: {  	v7 =	vadd.f32 v18, v14;
	v21 =	vmul.f32 v47, v44;
	v58 =	vmul.f32 v29, v45  }
0xd3: {  	v5 =	vadd.f32 v55, v53;
	v62 =	vld [tilespmem:s24+$0x8F30];
	v26 =	vmul.f32 v47, v47;
	v25 =	vmul.f32 v50, v48  }
0xd4: {  	(xrf2) =	vadd.scan.msk.f32 $0xffff, v12;
	v51 =	vld [tilespmem:s20+$0xFB0];
	v35 =	vmul.f32 v29, v29;
	v36 =	vmul.f32 v50, v50;
	v18 =	vadd.f32 $0.0e+00, v58  }
0xd5: {  	(xrf2) =	vadd.scan.msk.f32 $0xffff, v1;
	v55 =	vld [tilespmem:s23+$0x8FB0];
	v38 =	vadd.f32 v33, v32;
	v39 =	vmul.f32 v56, v52;
	v50 =	vmul.f32 v34, v30  }
0xd6: {  	v43 =	vmul.f32 v56, v56;
	v52, _, _ =	vpop (xrf2);
	(xrf2) =	vadd.scan.msk.f32 $0xffff, v17;
	v8 =	vadd.f32 v61, v57;
	v18 =	vadd.f32 v25, v18  }
0xd7: {  	v56, _, _ =	vpop (xrf2);
	(xrf2) =	vadd.scan.msk.f32 $0xffff, v13;
	v42 =	vadd.f32 v36, v35;
	v9 =	vadd.f32 $0.0e+00, v50;
	v58 =	vmul.f32 v41, v37  }
0xd8: {  	v46 =	vmul.f32 v62, v59;
	v0 =	vadd.f32 v40, v38;
	v59, _, _ =	vpop (xrf2);
	(xrf2) =	vadd.scan.msk.f32 $0xffff, v7;
	v45 =	vadd.f32 v39, v18  }
0xd9: {  	v53 =	vmul.f32 v62, v62;
	v7 =	vadd.f32 v60, v54;
	v62, _, _ =	vpop (xrf2);
	(xrf2) =	vadd.scan.msk.f32 $0xffff, v5;
	v63 =	vadd.f32 v58, v9  }
0xda: {  	v27 =	vmul.f32 v55, v51;
	v48 =	vadd.f32 v43, v42;
	v24, _, _ =	vpop (xrf2);
	(xrf2) =	vadd.scan.msk.f32 $0xffff, v31;
	v12 =	vadd.f32 v46, v45  }
0xdb: {  	v30 =	vmul.f32 v51, v51;
	v0 =	vadd.f32 v49, v0;
	v25, _, _ =	vpop (xrf2);
	(xrf2) =	vadd.scan.msk.f32 $0xffff, v6;
	v5 =	vadd.f32 v21, v63  }
0xdc: {  	v29 =	vbroadcast v52, $0xF;
	v7 =	vadd.f32 v10, v7;
	v1 =	vadd.f32 v53, v48;
	v28, _, _ =	vpop (xrf2);
	(xrf2) =	vadd.scan.msk.f32 $0xffff, v12  }
0xdd: {  	v33 =	vmul.f32 v55, v55;
	v32 =	vadd.f32 v26, v8;
	v31, _, _ =	vpop (xrf2);
	v5 =	vadd.f32 v27, v5;
	(xrf2) =	vadd.scan.msk.f32 $0xffff, v0  }
0xde: {  	v36 =	vbroadcast v56, $0xF;
	v2 =	vsel vm7, v2, v29;
	v35 =	vadd.f32 v30, v7;
	v34, _, _ =	vpop (xrf2);
	(xrf2) =	vadd.scan.msk.f32 $0xffff, v1  }
0xdf: {  	v38 =	vbroadcast v59, $0xF;
	v39 =	vbroadcast v62, $0xF;
	v37, _, _ =	vpop (xrf2);
	v0 =	vadd.f32 v33, v32;
	(xrf2) =	vadd.scan.msk.f32 $0xffff, v5  }
0xe0: {  	v3 =	vsel vm8, v3, v36;
	v41 =	vbroadcast v24, $0xF;
	v42 =	vbroadcast v25, $0xF;
	v40, _, _ =	vpop (xrf2);
	(xrf2) =	vadd.scan.msk.f32 $0xffff, v35  }
0xe1: {  	v4 =	vsel vm8, v4, v38;
	v43 =	vbroadcast v28, $0xF;
	v2 =	vsel vm8, v2, v39;
	v44, _, _ =	vpop (xrf2);
	(xrf2) =	vadd.scan.msk.f32 $0xffff, v0  }
0xe2: {  	v46 =	vsel vm9, v4, v42;
	v47 =	vbroadcast v31, $0xF;
	v49 =	vbroadcast v34, $0xF;
	v45, _, _ =	vpop (xrf2)  }
0xe3: {  	v2 =	vsel vm9, v2, v43;
	v6 =	vbroadcast v37, $0xF;
	v51 =	vbroadcast v40, $0xF;
	v48, _, _ =	vpop (xrf2)  }
0xe4: {  	v1 =	vsel vm9, v3, v41;
	v52 =	vbroadcast v44, $0xF;
	v3 =	vsel vm10, v46, v49;
	v50, _, _ =	vpop (xrf2)  }
0xe5: {  	v2 =	vsel vm10, v2, v6;
	v1 =	vsel vm10, v1, v47;
	v55 =	vbroadcast v48, $0xF;
	v53, _, _ =	vpop (xrf2)  }
0xe6: {  	v1 =	vsel vm11, v1, v51;
	v3 =	vsel vm11, v3, v52;
	v0 =	vbroadcast v45, $0xF;
	v54, _, _ =	vpop (xrf2)  }
0xe7: {  	v57 =	vbroadcast v50, $0xF;
	v1 =	vsel vm12, v1, v55;
	v56, _, _ =	vpop (xrf2);
	v5 =	vbroadcast v54, $0xF  }
0xe8: {  	p0 =	sne.s32 s18, $0x1E000;
	v59 =	vbroadcast v53, $0xF;
	v0 =	vsel vm11, v2, v0;
	v58, _, _ =	vpop (xrf2);
	v6 =	vbroadcast v56, $0xF  }
.Ltmp1:
0xe9: {  	v2 =	vsel vm12, v3, v57;
	v60, _, _ =	vpop (xrf2);
	v1 =	vsel vm13, v1, v5;
	v61 =	vbroadcast v58, $0xF;
	(pc) =	sbr.rel @p0 .LBB2_4-.Ltmp1, $4  }
0xea: {  	v0 =	vsel vm12, v0, v59;
	v62, _, _ =	vpop (xrf2);
	v2 =	vsel vm13, v2, v6;
	v1 =	vsel vm14, v1, v60  }
0xeb: {  	v0 =	vsel vm13, v0, v61;
	v2 =	vsel vm14, v2, v62;
	v63, _, _ =	vpop (xrf2);
	[tilespmem:s12+$0x0] =	vst v1  }
0xec: {  	s0 =	sadd.s32 $0x10, s0;
	s2 =	sadd.s32 $0x10, s2;
	s18 =	sadd.s32 $0x2000, s18;
	v0 =	vsel vm14, v0, v63;
	[tilespmem:s14+$0x0] =	vst v2  }
0xed: {  	s12 =	sadd.s32 $0x10, s12;
	s14 =	sadd.s32 $0x10, s14;
	[tilespmem:s16+$0x0] =	vst v0;
	s16 =	sadd.s32 $0x10, s16  }
0xee: {  	s0 =	simm.s32 $0x500  }
0xef: {  	[tilespmem:s15], [sflag:$0x1] =	stream.indirect.gather [hbm4b:s3+s13], $0x80, s0, s13, $0xb8;
	[tilespmem:$0x10E00] =	vst v63  }
0xf0: {  	s24 =	simm.s32 $0x700  }
0xf1: {  	[tilespmem:s17], [sflag:$0x1] =	stream.indirect.gather [hbm4b:s4+s13], $0x80, s24, s13, $0xb8;
	[tilespmem:$0x10E00] =	vst v63  }
0xf2: {  	s25 =	simm.s32 $0x580  }
0xf3: {  	[tilespmem:s19], [sflag:$0x1] =	stream.indirect.gather [hbm4b:s3+s13], $0x80, s25, s13, $0xb8;
	[tilespmem:$0x10E00] =	vst v63  }
0xf4: {  	_ = 	snop  }
0xf5: {  	[tilespmem:s21], [sflag:$0x1] =	stream.indirect.gather [hbm4b:s4+s13], $0x80, s26, s13, $0xb8;
	[tilespmem:$0x10E00] =	vst v63  }
0xf6: {  	_ =	swait.ge [sflag:s22], $0x4000  }
0xf7: {  	[sflag:s22] =	ssyncset.done $0x0  }
0xf8: {  	[sflag:s22] =	ssyncadd.s32 $0xFFFFC000  }
0xf9: {  	_ =	swait.ge [sflag:s22], $0x4000  }
0xfa: {  	[sflag:s22] =	ssyncset.done $0x0  }
0xfb: {  	[sflag:s22] =	ssyncadd.s32 $0xFFFFC000  }
0xfc: {  	_ =	swait.ge [sflag:s22], $0x4000  }
0xfd: {  	[sflag:s22] =	ssyncset.done $0x0  }
0xfe: {  	[sflag:s22] =	ssyncadd.s32 $0xFFFFC000  }
0xff: {  	s2 =	simm.s32 $0x100;
	s12 =	simm.s32 $0x300;
	_ =	swait.ge [sflag:s22], $0x4000  }
0x100: {  	s14 =	simm.s32 $0x10900;
	s16 =	simm.s32 $0x10B00;
	[sflag:s22] =	ssyncset.done $0x0  }
0x101: {  	s18 =	simm.s32 $0x10D00;
	s0 =	simm.s32 $0x0;
	[sflag:s22] =	ssyncadd.s32 $0xFFFFC000  }
.LBB2_6:
0x102: {  	v0 =	vld [tilespmem:s2+$0x0];
	_ =	sdelay $0x1  }
0x103: {  	v1 =	vld [tilespmem:s12+$0x0];
	_ =	sdelay $0x2  }
0x104: {  	v0 =	vshll.u32 v0, $0x6  }
0x105: {  	s20 =	sshra.s32 s0, $0x2;
	v0 =	vand.u32 $0x40, v0  }
0x106: {  	v2 =	vshll.u32 v1, $0x6;
	v1 =	vadd.s32 s20, v0  }
0x107: {  	(v2sf) =	vpush v1, $0x1;
	_ =	sdelay $0x3  }
0x108: {  	v49 =	vand.u32 $0x40, v2;
	(v2sf) =	vpush v1, $0x0  }
0x109: {  	v0 =	vadd.s32 s20, v49  }
0x10a: {  	(v2sf) =	vpush v0, $0x1  }
0x10b: {  	(v2sf) =	vpush v0, $0x0;
	_ =	sdelay $0x7  }
0x10c: {  	s23 =	spop (v2sf)  }
0x10d: {  	(v2sf) =	vpush v1, $0x3;
	v11 =	vld [tilespmem:s23+$0x880]  }
0x10e: {  	v14 =	vld [tilespmem:s23+$0x890]  }
0x10f: {  	v52 =	vld [tilespmem:s23+$0x8A0]  }
0x110: {  	s20 =	spop (v2sf);
	(v2sf) =	vpush v1, $0x2;
	v16 =	vld [tilespmem:s23+$0x8B0]  }
0x111: {  	v50 =	vld [tilespmem:s20+$0x800]  }
0x112: {  	s24 =	spop (v2sf);
	v4 =	vld [tilespmem:s20+$0x810]  }
0x113: {  	v6 =	vld [tilespmem:s20+$0x820];
	s25 =	spop (v2sf)  }
0x114: {  	(v2sf) =	vpush v0, $0x3;
	v3 =	vld [tilespmem:s25+$0x8800]  }
0x115: {  	v5 =	vld [tilespmem:s25+$0x8810]  }
0x116: {  	v12 =	vld [tilespmem:s24+$0x8880]  }
0x117: {  	(v2sf) =	vpush v0, $0x2;
	v15 =	vld [tilespmem:s24+$0x8890];
	v61 =	vmul.f32 v14, v14  }
0x118: {  	v7 =	vld [tilespmem:s25+$0x8820];
	v21 =	vmul.f32 v52, v52;
	v27 =	vmul.f32 v16, v16  }
0x119: {  	v8 =	vld [tilespmem:s20+$0x830];
	v2 =	vmul.f32 v50, v50;
	v53 =	vmul.f32 v6, v6  }
0x11a: {  	v55 =	vld [tilespmem:s24+$0x88A0];
	v10 =	vmul.f32 v3, v50;
	v13 =	vmul.f32 v5, v4  }
0x11b: {  	v58 =	vld [tilespmem:s24+$0x88B0];
	v3 =	vmul.f32 v3, v3;
	v5 =	vmul.f32 v5, v5  }
0x11c: {  	v9 =	vld [tilespmem:s25+$0x8830];
	v57 =	vmul.f32 v12, v11;
	v11 =	vmul.f32 v11, v11;
	s20 =	spop (v2sf)  }
0x11d: {  	v17 =	vmul.f32 v15, v14;
	v54 =	vmul.f32 v7, v7;
	v3 =	vadd.f32 v5, v3;
	v46 =	vld [tilespmem:s20+$0x980]  }
0x11e: {  	v60 =	vmul.f32 v12, v12;
	v4 =	vmul.f32 v4, v4;
	v50 =	vld [tilespmem:s20+$0x990]  }
0x11f: {  	v15 =	vmul.f32 v15, v15;
	v10 =	vadd.f32 $0.0e+00, v10;
	v3 =	vadd.f32 v54, v3;
	s25 =	spop (v2sf);
	v54 =	vld [tilespmem:s20+$0x9A0]  }
0x120: {  	v51 =	vmul.f32 v7, v6;
	v2 =	vadd.f32 v4, v2;
	v5 =	vadd.f32 $0.0e+00, v57;
	v59 =	vld [tilespmem:s25+$0x900]  }
0x121: {  	v56 =	vmul.f32 v9, v8;
	v10 =	vadd.f32 v13, v10;
	(v2sf) =	vpush v1, $0x5;
	v62 =	vld [tilespmem:s25+$0x910]  }
0x122: {  	v8 =	vmul.f32 v8, v8;
	v2 =	vadd.f32 v53, v2;
	(v2sf) =	vpush v1, $0x4;
	v22 =	vld [tilespmem:s25+$0x920]  }
0x123: {  	v9 =	vmul.f32 v9, v9;
	v20 =	vadd.f32 v61, v11;
	v4 =	vadd.f32 v51, v10;
	s23 =	spop (v2sf);
	v26 =	vld [tilespmem:s25+$0x930]  }
0x124: {  	v63 =	vmul.f32 v55, v52;
	v5 =	vadd.f32 v17, v5;
	v2 =	vadd.f32 v8, v2;
	v48 =	vld [tilespmem:s23+$0x8980]  }
0x125: {  	v24 =	vmul.f32 v58, v16;
	v3 =	vadd.f32 v9, v3;
	v4 =	vadd.f32 v56, v4;
	v52 =	vld [tilespmem:s23+$0x8990]  }
0x126: {  	v7 =	vmul.f32 v55, v55;
	v8 =	vadd.f32 v15, v60;
	v5 =	vadd.f32 v63, v5;
	s24 =	spop (v2sf);
	v56 =	vld [tilespmem:s23+$0x89A0]  }
0x127: {  	v6 =	vmul.f32 v58, v58;
	v9 =	vadd.f32 v21, v20;
	(v2sf) =	vpush v0, $0x5;
	v18 =	vld [tilespmem:s24+$0x8900];
	(xrf2) =	vadd.scan.msk.f32 $0xffff, v4  }
0x128: {  	v7 =	vadd.f32 v7, v8;
	v5 =	vadd.f32 v24, v5;
	v19 =	vld [tilespmem:s24+$0x8910];
	(xrf2) =	vadd.scan.msk.f32 $0xffff, v2;
	v31 =	vmul.f32 v59, v59  }
0x129: {  	(v2sf) =	vpush v0, $0x4;
	v23 =	vld [tilespmem:s24+$0x8920];
	(xrf2) =	vadd.scan.msk.f32 $0xffff, v3;
	v35 =	vmul.f32 v62, v62;
	v38 =	vmul.f32 v22, v22  }
0x12a: {  	v8 =	vadd.f32 v27, v9;
	(xrf2) =	vadd.scan.msk.f32 $0xffff, v5;
	v40 =	vmul.f32 v26, v26;
	v5 =	vmul.f32 v46, v46  }
0x12b: {  	v28 =	vld [tilespmem:s24+$0x8930];
	v6 =	vadd.f32 v6, v7;
	v61 =	vmul.f32 v48, v46;
	v7 =	vmul.f32 v48, v48  }
0x12c: {  	(xrf2) =	vadd.scan.msk.f32 $0xffff, v8;
	v8 =	vmul.f32 v50, v50;
	v10 =	vmul.f32 v52, v52  }
0x12d: {  	v27 =	vmul.f32 v56, v54;
	v25 =	vmul.f32 v18, v59;
	v4 =	vadd.f32 v35, v31  }
0x12e: {  	v30 =	vmul.f32 v19, v62;
	v33 =	vmul.f32 v23, v22;
	(xrf2) =	vadd.scan.msk.f32 $0xffff, v6  }
0x12f: {  	v58 =	vld [tilespmem:s20+$0x9B0];
	v34 =	vmul.f32 v18, v18;
	v29 =	vadd.f32 $0.0e+00, v25;
	v4 =	vadd.f32 v38, v4  }
0x130: {  	v37 =	vmul.f32 v28, v26;
	v39 =	vmul.f32 v19, v19;
	v59 =	vld [tilespmem:s23+$0x89B0];
	s24 =	spop (v2sf)  }
0x131: {  	v43 =	vmul.f32 v28, v28;
	v32 =	vadd.f32 v30, v29;
	v42 =	vadd.f32 v40, v4;
	s25 =	spop (v2sf);
	v40 =	vld [tilespmem:s24+$0xA90]  }
0x132: {  	v28 =	vmul.f32 v54, v54;
	v5 =	vadd.f32 v8, v5;
	v2 =	vadd.f32 v39, v34;
	v62 =	vld [tilespmem:s25+$0xA00]  }
0x133: {  	v41 =	vmul.f32 v23, v23;
	v44, _, _ =	vpop (xrf2);
	v36 =	vadd.f32 v33, v32;
	(v2sf) =	vpush v1, $0x7;
	v24 =	vld [tilespmem:s25+$0xA10]  }
0x134: {  	v23 =	vmul.f32 v52, v50;
	v7 =	vadd.f32 v10, v7;
	v5 =	vadd.f32 v28, v5;
	v45, _, _ =	vpop (xrf2);
	v20 =	vld [tilespmem:s25+$0xA20]  }
0x135: {  	v35 =	vmul.f32 v58, v58;
	v2 =	vadd.f32 v41, v2;
	v47, _, _ =	vpop (xrf2);
	v3 =	vadd.f32 v37, v36;
	v32 =	vld [tilespmem:s25+$0xA30]  }
0x136: {  	v30 =	vmul.f32 v56, v56;
	v31 =	vmul.f32 v59, v58;
	(v2sf) =	vpush v1, $0x6;
	v49, _, _ =	vpop (xrf2);
	s20 =	spop (v2sf);
	v36 =	vld [tilespmem:s24+$0xA80]  }
0x137: {  	v2 =	vadd.f32 v43, v2;
	v4 =	vbroadcast v45, $0xF;
	v6 =	vbroadcast v47, $0xF;
	v51, _, _ =	vpop (xrf2);
	v21 =	vld [tilespmem:s20+$0x8A80];
	(xrf2) =	vadd.scan.msk.f32 $0xffff, v3  }
0x138: {  	v5 =	vadd.f32 v35, v5;
	s23 =	spop (v2sf);
	v45 =	vld [tilespmem:s20+$0x8AA0];
	v3 =	vbroadcast v44, $0xF;
	v53, _, _ =	vpop (xrf2);
	v9 =	vbroadcast v51, $0xF;
	(xrf2) =	vadd.scan.msk.f32 $0xffff, v42  }
0x139: {  	(v2sf) =	vpush v0, $0x7;
	v63 =	vld [tilespmem:s23+$0x8A00];
	v11 =	vbroadcast v53, $0xF;
	(xrf2) =	vadd.scan.msk.f32 $0xffff, v2;
	v2 =	vbroadcast v49, $0xF  }
0x13a: {  	v26 =	vld [tilespmem:s23+$0x8A10];
	v4 =	vsel vm0, v4, v9;
	v9 =	vmul.f32 v59, v59;
	v52 =	vmul.f32 v40, v40  }
0x13b: {  	v7 =	vadd.f32 v30, v7;
	v29 =	vld [tilespmem:s23+$0x8A20];
	v38 =	vmul.f32 v62, v62;
	v39 =	vmul.f32 v24, v24  }
0x13c: {  	(v2sf) =	vpush v0, $0x6;
	v50 =	vmul.f32 v32, v32;
	v13 =	vmul.f32 v36, v36  }
0x13d: {  	v34 =	vld [tilespmem:s23+$0x8A30];
	v6 =	vsel vm0, v6, v11;
	v48 =	vmul.f32 v21, v36;
	v21 =	vmul.f32 v21, v21  }
0x13e: {  	v42 =	vld [tilespmem:s20+$0x8A90];
	v11 =	vadd.f32 $0.0e+00, v61;
	v14 =	vmul.f32 v45, v45;
	v33 =	vmul.f32 v63, v62  }
0x13f: {  	v47 =	vld [tilespmem:s24+$0xAB0];
	v2 =	vsel vm0, v3, v2;
	v37 =	vmul.f32 v26, v24;
	v16 =	vmul.f32 v63, v63  }
0x140: {  	v7 =	vadd.f32 v9, v7;
	v41 =	vmul.f32 v26, v26;
	v43 =	vmul.f32 v29, v20  }
0x141: {  	v49 =	vld [tilespmem:s20+$0x8AB0];
	v11 =	vadd.f32 v23, v11;
	v20 =	vmul.f32 v20, v20;
	v10 =	vmul.f32 v29, v29  }
0x142: {  	v22 =	vld [tilespmem:s24+$0xAA0];
	v12 =	vadd.f32 v39, v38;
	v46 =	vmul.f32 v34, v32;
	v8 =	vmul.f32 v34, v34;
	s23 =	spop (v2sf)  }
0x143: {  	v13 =	vadd.f32 v52, v13;
	v53 =	vmul.f32 v42, v42;
	v11 =	vadd.f32 v27, v11;
	v30 =	vld [tilespmem:s23+$0xB80]  }
0x144: {  	v62 =	vmul.f32 v47, v47;
	v44 =	vadd.f32 v41, v16;
	v12 =	vadd.f32 v20, v12;
	v27 =	vld [tilespmem:s23+$0xB90]  }
0x145: {  	v24 =	vmul.f32 v42, v40;
	v56 =	vadd.f32 v53, v21;
	v55, _, _ =	vpop (xrf2);
	(v2sf) =	vpush v1, $0x9;
	s25 =	spop (v2sf);
	v40 =	vld [tilespmem:s23+$0xBA0]  }
0x146: {  	v59 =	vmul.f32 v49, v47;
	v11 =	vadd.f32 v31, v11;
	v60, _, _ =	vpop (xrf2);
	(v2sf) =	vpush v1, $0x8;
	v51 =	vld [tilespmem:s25+$0xB00]  }
0x147: {  	v9 =	vadd.f32 v10, v44;
	v10 =	vadd.f32 $0.0e+00, v48;
	v3 =	vbroadcast v60, $0xF;
	v26 =	vld [tilespmem:s25+$0xB20]  }
0x148: {  	v12 =	vadd.f32 v50, v12;
	v31 =	vmul.f32 v49, v49;
	v14 =	vadd.f32 v14, v56;
	v25, _, _ =	vpop (xrf2);
	v60 =	vld [tilespmem:s25+$0xB30]  }
0x149: {  	v57 =	vbroadcast v55, $0xF;
	s24 =	spop (v2sf);
	v3 =	vsel vm1, v4, v3;
	v4 =	vbroadcast v25, $0xF;
	v25 =	vld [tilespmem:s25+$0xB10]  }
0x14a: {  	v10 =	vadd.f32 v24, v10;
	v55 =	vmul.f32 v45, v22;
	(v2sf) =	vpush v0, $0x9;
	v32 =	vld [tilespmem:s24+$0x8B80]  }
0x14b: {  	v8 =	vadd.f32 v8, v9;
	s20 =	spop (v2sf);
	v35 =	vld [tilespmem:s24+$0x8B90];
	v4 =	vsel vm1, v6, v4;
	v6 =	vadd.f32 $0.0e+00, v33  }
0x14c: {  	v2 =	vsel vm1, v2, v57;
	v57 =	vmul.f32 v22, v22;
	(v2sf) =	vpush v0, $0x8;
	v23 =	vld [tilespmem:s20+$0x8B00]  }
0x14d: {  	(xrf2) =	vadd.scan.msk.f32 $0xffff, v11;
	v10 =	vadd.f32 v55, v10;
	v54 =	vld [tilespmem:s20+$0x8B10];
	v52 =	vmul.f32 v27, v27;
	v6 =	vadd.f32 v37, v6  }
0x14e: {  	v61 =	vadd.f32 v57, v13;
	v57 =	vmul.f32 v40, v40;
	v17 =	vmul.f32 v51, v51  }
0x14f: {  	v58 =	vld [tilespmem:s20+$0x8B20];
	v38 =	vmul.f32 v26, v26;
	v45 =	vmul.f32 v60, v60;
	v6 =	vadd.f32 v43, v6  }
0x150: {  	(xrf2) =	vadd.scan.msk.f32 $0xffff, v5;
	v63 =	vld [tilespmem:s20+$0x8B30];
	v10 =	vadd.f32 v59, v10;
	v42 =	vmul.f32 v32, v30;
	v49 =	vmul.f32 v35, v27  }
0x151: {  	(xrf2) =	vadd.scan.msk.f32 $0xffff, v7;
	v29 =	vmul.f32 v23, v51;
	v51 =	vmul.f32 v30, v30;
	v6 =	vadd.f32 v46, v6  }
0x152: {  	v50 =	vld [tilespmem:s24+$0x8BB0];
	v13 =	vadd.f32 v31, v14;
	v55 =	vmul.f32 v35, v35;
	v33 =	vmul.f32 v54, v25  }
0x153: {  	v25 =	vmul.f32 v25, v25;
	v34 =	vmul.f32 v23, v23;
	v43 =	vld [tilespmem:s24+$0x8BA0];
	(xrf2) =	vadd.scan.msk.f32 $0xffff, v6;
	v6 =	vadd.f32 v52, v51  }
0x154: {  	v9 =	vadd.f32 v62, v61;
	v19 =	vmul.f32 v54, v54;
	v36 =	vmul.f32 v58, v26;
	v46 =	vld [tilespmem:s23+$0xBB0];
	s20 =	spop (v2sf)  }
0x155: {  	v39 =	vmul.f32 v58, v58;
	v41 =	vmul.f32 v63, v60;
	v6 =	vadd.f32 v57, v6;
	s25 =	spop (v2sf);
	v57 =	vld [tilespmem:s20+$0xC80]  }
0x156: {  	v54 =	vmul.f32 v32, v32;
	v48 =	vadd.f32 $0.0e+00, v42;
	v15 =	vadd.f32 $0.0e+00, v29;
	v53 =	vld [tilespmem:s25+$0xC00]  }
0x157: {  	v59 =	vmul.f32 v63, v63;
	v24, _, _ =	vpop (xrf2);
	v17 =	vadd.f32 v25, v17;
	v37 =	vadd.f32 v19, v34;
	(xrf2) =	vadd.scan.msk.f32 $0xffff, v12;
	v58 =	vld [tilespmem:s25+$0xC10]  }
0x158: {  	v28 =	vbroadcast v24, $0xF;
	v12 =	vadd.f32 v55, v54;
	v60 =	vmul.f32 v43, v43;
	(xrf2) =	vadd.scan.msk.f32 $0xffff, v8;
	v62 =	vld [tilespmem:s25+$0xC20]  }
0x159: {  	v23 =	vmul.f32 v50, v50;
	v15 =	vadd.f32 v33, v15;
	v44 =	vadd.f32 v38, v17;
	(xrf2) =	vadd.scan.msk.f32 $0xffff, v10;
	s23 =	spop (v2sf);
	v27 =	vld [tilespmem:s25+$0xC30]  }
0x15a: {  	v31, _, _ =	vpop (xrf2);
	v11 =	vadd.f32 v39, v37;
	v2 =	vsel vm2, v2, v28;
	v12 =	vadd.f32 v60, v12;
	(xrf2) =	vadd.scan.msk.f32 $0xffff, v9;
	v60 =	vld [tilespmem:s23+$0x8C80]  }
0x15b: {  	v33, _, _ =	vpop (xrf2);
	v56 =	vmul.f32 v43, v40;
	v15 =	vadd.f32 v36, v15;
	s24 =	spop (v2sf);
	(xrf2) =	vadd.scan.msk.f32 $0xffff, v13;
	v13 =	vbroadcast v31, $0xF;
	v31 =	vld [tilespmem:s23+$0x8CA0]  }
0x15c: {  	v5 =	vadd.f32 v45, v44;
	(v2sf) =	vpush v1, $0xB;
	v45 =	vbroadcast v33, $0xF;
	v20 =	vld [tilespmem:s24+$0x8C00]  }
0x15d: {  	v61 =	vmul.f32 v50, v46;
	v10 =	vadd.f32 v59, v11;
	(v2sf) =	vpush v1, $0xA;
	v19 =	vld [tilespmem:s24+$0x8C10]  }
0x15e: {  	v63 =	vmul.f32 v46, v46;
	v47 =	vadd.f32 v41, v15;
	v15 =	vadd.f32 v49, v48;
	v16 =	vld [tilespmem:s24+$0x8C20]  }
0x15f: {  	v4 =	vsel vm2, v4, v45;
	v30 =	vadd.f32 v23, v12;
	v12 =	vld [tilespmem:s24+$0x8C30];
	v45 =	vmul.f32 v57, v57  }
0x160: {  	(v2sf) =	vpush v0, $0xB;
	v34 =	vmul.f32 v53, v53;
	v35 =	vmul.f32 v58, v58  }
0x161: {  	v29 =	vadd.f32 v63, v6;
	v40 =	vmul.f32 v62, v62;
	v44 =	vmul.f32 v27, v27  }
0x162: {  	(v2sf) =	vpush v0, $0xA;
	v11 =	vmul.f32 v60, v60;
	v14 =	vmul.f32 v31, v31  }
0x163: {  	v8 =	vadd.f32 v56, v15;
	v26 =	vmul.f32 v20, v53;
	v32 =	vmul.f32 v19, v58  }
0x164: {  	(xrf2) =	vadd.scan.msk.f32 $0xffff, v47;
	v3 =	vsel vm2, v3, v13;
	v36, _, _ =	vpop (xrf2);
	v37 =	vmul.f32 v16, v62;
	v42 =	vmul.f32 v12, v27  }
0x165: {  	(xrf2) =	vadd.scan.msk.f32 $0xffff, v5;
	v25 =	vadd.f32 v61, v8;
	v47 =	vbroadcast v36, $0xF;
	v23 =	vmul.f32 v20, v20  }
0x166: {  	v63 =	vld [tilespmem:s20+$0xC90];
	(xrf2) =	vadd.scan.msk.f32 $0xffff, v10;
	v38, _, _ =	vpop (xrf2);
	v39 =	vadd.f32 v35, v34;
	v24 =	vmul.f32 v19, v19;
	v35 =	vmul.f32 v12, v12  }
0x167: {  	(xrf2) =	vadd.scan.msk.f32 $0xffff, v25;
	v25 =	vld [tilespmem:s23+$0x8C90];
	v41, _, _ =	vpop (xrf2);
	v48 =	vbroadcast v38, $0xF;
	v38 =	vmul.f32 v60, v57;
	v8 =	vadd.f32 $0.0e+00, v26  }
0x168: {  	(xrf2) =	vadd.scan.msk.f32 $0xffff, v29;
	v43, _, _ =	vpop (xrf2);
	v5 =	vadd.f32 v40, v39;
	v50 =	vbroadcast v41, $0xF;
	v2 =	vsel vm3, v2, v47  }
0x169: {  	v27 =	vld [tilespmem:s20+$0xCA0];
	(xrf2) =	vadd.scan.msk.f32 $0xffff, v30;
	v29 =	vadd.f32 v24, v23;
	v30 =	vmul.f32 v16, v16;
	v51 =	vbroadcast v43, $0xF  }
0x16a: {  	v36 =	vld [tilespmem:s23+$0x8CB0];
	v46, _, _ =	vpop (xrf2);
	v3 =	vsel vm3, v3, v48;
	v12 =	vadd.f32 $0.0e+00, v38;
	v8 =	vadd.f32 v32, v8  }
0x16b: {  	v33 =	vld [tilespmem:s20+$0xCB0];
	v5 =	vadd.f32 v44, v5;
	v53 =	vbroadcast v46, $0xF;
	v4 =	vsel vm3, v4, v50;
	s24 =	spop (v2sf)  }
0x16c: {  	v34 =	vadd.f32 v30, v29;
	v43 =	vmul.f32 v25, v63;
	(v2sf) =	vpush v1, $0xD;
	s25 =	spop (v2sf);
	v30 =	vld [tilespmem:s24+$0xDA0]  }
0x16d: {  	v49, _, _ =	vpop (xrf2);
	v46 =	vmul.f32 v63, v63;
	v15 =	vmul.f32 v25, v25;
	v2 =	vsel vm4, v2, v51;
	v39 =	vld [tilespmem:s25+$0xD00]  }
0x16e: {  	v52, _, _ =	vpop (xrf2);
	v55 =	vbroadcast v49, $0xF;
	v49 =	vmul.f32 v31, v27;
	(v2sf) =	vpush v1, $0xC;
	v44 =	vld [tilespmem:s25+$0xD10]  }
0x16f: {  	v57 =	vmul.f32 v36, v36;
	v8 =	vadd.f32 v37, v8;
	v54, _, _ =	vpop (xrf2);
	v3 =	vsel vm4, v3, v53;
	v48 =	vld [tilespmem:s25+$0xD20]  }
0x170: {  	v58 =	vbroadcast v52, $0xF;
	v12 =	vadd.f32 v43, v12;
	v11 =	vadd.f32 v15, v11;
	v56, _, _ =	vpop (xrf2);
	v51 =	vld [tilespmem:s25+$0xD30]  }
0x171: {  	v52 =	vmul.f32 v36, v33;
	v8 =	vadd.f32 v42, v8;
	v61 =	vbroadcast v56, $0xF;
	s20 =	spop (v2sf);
	v56 =	vld [tilespmem:s24+$0xD80]  }
0x172: {  	v9 =	vbroadcast v54, $0xF;
	v4 =	vsel vm4, v4, v55;
	(v2sf) =	vpush v0, $0xD;
	s23 =	spop (v2sf);
	v63 =	vld [tilespmem:s20+$0x8D90]  }
0x173: {  	v54 =	vmul.f32 v33, v33;
	v2 =	vsel vm5, v2, v58;
	v7 =	vadd.f32 v49, v12;
	v59, _, _ =	vpop (xrf2);
	(xrf2) =	vadd.scan.msk.f32 $0xffff, v8;
	v42 =	vld [tilespmem:s23+$0x8D00]  }
0x174: {  	v11 =	vadd.f32 v14, v11;
	(v2sf) =	vpush v0, $0xC;
	v62 =	vbroadcast v59, $0xF;
	v22, _, _ =	vpop (xrf2);
	v47 =	vld [tilespmem:s23+$0x8D10];
	(xrf2) =	vadd.scan.msk.f32 $0xffff, v5  }
0x175: {  	v3 =	vsel vm5, v3, v9;
	v8 =	vmul.f32 v27, v27;
	v50 =	vld [tilespmem:s23+$0x8D20];
	v26 =	vbroadcast v22, $0xF;
	v28, _, _ =	vpop (xrf2)  }
0x176: {  	v53 =	vld [tilespmem:s23+$0x8D30];
	v6 =	vsel vm6, v2, v62;
	v22 =	vmul.f32 v30, v30;
	v2 =	vbroadcast v28, $0xF  }
0x177: {  	v4 =	vsel vm5, v4, v61;
	v59 =	vld [tilespmem:s20+$0x8D80];
	v58 =	vmul.f32 v39, v39;
	v62 =	vmul.f32 v44, v44  }
0x178: {  	v7 =	vadd.f32 v52, v7;
	v61 =	vld [tilespmem:s24+$0xD90];
	v31 =	vmul.f32 v48, v48;
	v55 =	vmul.f32 v42, v39  }
0x179: {  	v5 =	vadd.f32 v35, v34;
	v18 =	vmul.f32 v42, v42;
	v60 =	vmul.f32 v47, v44  }
0x17a: {  	v36 =	vld [tilespmem:s20+$0x8DB0];
	v32 =	vsel vm6, v3, v26;
	v10 =	vmul.f32 v47, v47;
	v29 =	vmul.f32 v50, v48  }
0x17b: {  	v34 =	vld [tilespmem:s24+$0xDB0];
	v2 =	vsel vm6, v4, v2;
	v33 =	vmul.f32 v50, v50;
	v35 =	vmul.f32 v53, v51;
	s23 =	spop (v2sf)  }
0x17c: {  	v9 =	vadd.f32 v62, v58;
	v38 =	vmul.f32 v59, v56;
	v13 =	vmul.f32 v59, v59;
	v59 =	vld [tilespmem:s23+$0xE80]  }
0x17d: {  	v43 =	vmul.f32 v63, v61;
	v48 =	vmul.f32 v63, v63;
	v37, _, _ =	vpop (xrf2);
	(v2sf) =	vpush v1, $0xF;
	s25 =	spop (v2sf);
	v63 =	vld [tilespmem:s23+$0xE90]  }
0x17e: {  	v42 =	vmul.f32 v53, v53;
	v16 =	vadd.f32 $0.0e+00, v55;
	v10 =	vadd.f32 v10, v18;
	v41, _, _ =	vpop (xrf2);
	v39 =	vld [tilespmem:s25+$0xE00]  }
0x17f: {  	v9 =	vadd.f32 v31, v9;
	v52 =	vadd.f32 v48, v13;
	v4 =	vbroadcast v41, $0xF;
	v44 =	vld [tilespmem:s25+$0xE10]  }
0x180: {  	v28 =	vadd.f32 v60, v16;
	v40 =	vbroadcast v37, $0xF;
	(v2sf) =	vpush v1, $0xE;
	v49 =	vld [tilespmem:s25+$0xE20]  }
0x181: {  	v37 =	vadd.f32 v33, v10;
	v10 =	vadd.f32 $0.0e+00, v38;
	s24 =	spop (v2sf);
	v4 =	vsel vm7, v32, v4;
	v32 =	vld [tilespmem:s20+$0x8DA0]  }
0x182: {  	v3 =	vsel vm7, v6, v40;
	v6 =	vadd.f32 v46, v45;
	v46 =	vmul.f32 v61, v61;
	v61 =	vld [tilespmem:s24+$0x8E80]  }
0x183: {  	v55 =	vmul.f32 v36, v34;
	(v2sf) =	vpush v0, $0xF;
	v10 =	vadd.f32 v43, v10;
	s20 =	spop (v2sf);
	v33 =	vld [tilespmem:s24+$0x8E90]  }
0x184: {  	v40 =	vmul.f32 v51, v51;
	(v2sf) =	vpush v0, $0xE;
	v0 =	vadd.f32 v42, v37;
	v41 =	vld [tilespmem:s20+$0x8E00]  }
0x185: {  	v45 =	vmul.f32 v56, v56;
	v6 =	vadd.f32 v8, v6;
	v8 =	vadd.f32 v57, v11;
	v47 =	vld [tilespmem:s20+$0x8E10]  }
0x186: {  	v60 =	vmul.f32 v36, v36;
	v38 =	vld [tilespmem:s24+$0x8EA0];
	v11 =	vadd.f32 v29, v28;
	v9 =	vadd.f32 v40, v9  }
0x187: {  	v14 =	vadd.f32 v46, v45;
	v51 =	vld [tilespmem:s20+$0x8E20];
	v57 =	vmul.f32 v34, v34;
	v27 =	vmul.f32 v63, v63  }
0x188: {  	v43 =	vld [tilespmem:s24+$0x8EB0];
	v6 =	vadd.f32 v54, v6;
	v16 =	vmul.f32 v39, v39;
	v50 =	vmul.f32 v32, v30  }
0x189: {  	v56 =	vld [tilespmem:s20+$0x8E30];
	v11 =	vadd.f32 v35, v11;
	v53 =	vmul.f32 v32, v32;
	v58 =	vmul.f32 v41, v39  }
0x18a: {  	v54 =	vld [tilespmem:s25+$0xE30];
	v14 =	vadd.f32 v22, v14;
	v31 =	vmul.f32 v41, v41;
	v32 =	vmul.f32 v47, v47  }
0x18b: {  	v35 =	vld [tilespmem:s23+$0xEA0];
	v24 =	vmul.f32 v44, v44;
	v62 =	vmul.f32 v47, v44;
	v19 =	vadd.f32 $0.0e+00, v58  }
0x18c: {  	v12 =	vadd.f32 v57, v14;
	v37 =	vmul.f32 v51, v51;
	v41 =	vld [tilespmem:s23+$0xEB0];
	v14 =	vadd.f32 v32, v31;
	s20 =	spop (v2sf)  }
0x18d: {  	v34 =	vmul.f32 v51, v49;
	v44 =	vmul.f32 v59, v59;
	v19 =	vadd.f32 v62, v19;
	v30 =	vld [tilespmem:s20+$0xF80]  }
0x18e: {  	v36 =	vmul.f32 v49, v49;
	v42 =	vmul.f32 v61, v59;
	v14 =	vadd.f32 v37, v14;
	v37 =	vld [tilespmem:s20+$0xF90]  }
0x18f: {  	v28 =	vmul.f32 v33, v63;
	v39 =	vadd.f32 v34, v19;
	v19 =	vadd.f32 v27, v44;
	s25 =	spop (v2sf);
	v44 =	vld [tilespmem:s20+$0xFA0]  }
0x190: {  	v46 =	vmul.f32 v61, v61;
	v63 =	vmul.f32 v43, v43;
	v16 =	vadd.f32 v24, v16;
	v45 =	vld [tilespmem:s25+$0xF00]  }
0x191: {  	(xrf2) =	vadd.scan.msk.f32 $0xffff, v5;
	v47 =	vmul.f32 v33, v33;
	v10 =	vadd.f32 v50, v10;
	v1 =	vadd.f32 v53, v52;
	v48 =	vld [tilespmem:s25+$0xF10]  }
0x192: {  	(xrf2) =	vadd.scan.msk.f32 $0xffff, v7;
	v40 =	vmul.f32 v56, v54;
	v15 =	vadd.f32 v36, v16;
	v13 =	vmul.f32 v54, v54;
	v52 =	vld [tilespmem:s25+$0xF20]  }
0x193: {  	(xrf2) =	vadd.scan.msk.f32 $0xffff, v6;
	v16 =	vadd.f32 $0.0e+00, v42;
	v49 =	vmul.f32 v38, v35;
	v10 =	vadd.f32 v55, v10;
	s23 =	spop (v2sf);
	v59 =	vld [tilespmem:s25+$0xF30]  }
0x194: {  	(xrf2) =	vadd.scan.msk.f32 $0xffff, v8;
	v54 =	vmul.f32 v38, v38;
	v13 =	vadd.f32 v13, v15;
	v15 =	vadd.f32 v47, v46;
	v34 =	vld [tilespmem:s23+$0x8F80]  }
0x195: {  	(xrf2) =	vadd.scan.msk.f32 $0xffff, v11;
	v16 =	vadd.f32 v28, v16;
	v55 =	vmul.f32 v43, v41;
	v61 =	vmul.f32 v41, v41;
	v41 =	vld [tilespmem:s23+$0x8F90]  }
0x196: {  	v18 =	vmul.f32 v56, v56;
	(xrf2) =	vadd.scan.msk.f32 $0xffff, v9;
	v1 =	vadd.f32 v60, v1;
	v60 =	vadd.f32 v54, v15;
	s24 =	spop (v2sf);
	v47 =	vld [tilespmem:s23+$0x8FA0]  }
0x197: {  	v51 =	vmul.f32 v35, v35;
	(xrf2) =	vadd.scan.msk.f32 $0xffff, v0;
	v53 =	vadd.f32 v49, v16;
	v29 =	vld [tilespmem:s24+$0x8F00];
	v54 =	vmul.f32 v30, v30  }
0x198: {  	(xrf2) =	vadd.scan.msk.f32 $0xffff, v10;
	v6 =	vadd.f32 v63, v60;
	v50 =	vld [tilespmem:s24+$0x8F10];
	v60 =	vmul.f32 v37, v37;
	v10 =	vmul.f32 v44, v44  }
0x199: {  	v57 =	vadd.f32 v51, v19;
	v32 =	vmul.f32 v45, v45;
	v33 =	vmul.f32 v48, v48  }
0x19a: {  	v17 =	vadd.f32 v40, v39;
	v56 =	vld [tilespmem:s24+$0x8F20];
	v40 =	vmul.f32 v52, v52;
	v49 =	vmul.f32 v59, v59  }
0x19b: {  	v31 =	vadd.f32 v61, v57;
	v57 =	vmul.f32 v34, v34;
	v61 =	vmul.f32 v41, v41  }
0x19c: {  	v7 =	vadd.f32 v18, v14;
	v21 =	vmul.f32 v47, v44;
	v58 =	vmul.f32 v29, v45  }
0x19d: {  	v5 =	vadd.f32 v55, v53;
	v62 =	vld [tilespmem:s24+$0x8F30];
	v26 =	vmul.f32 v47, v47;
	v25 =	vmul.f32 v50, v48  }
0x19e: {  	(xrf2) =	vadd.scan.msk.f32 $0xffff, v12;
	v51 =	vld [tilespmem:s20+$0xFB0];
	v35 =	vmul.f32 v29, v29;
	v36 =	vmul.f32 v50, v50;
	v18 =	vadd.f32 $0.0e+00, v58  }
0x19f: {  	(xrf2) =	vadd.scan.msk.f32 $0xffff, v1;
	v55 =	vld [tilespmem:s23+$0x8FB0];
	v38 =	vadd.f32 v33, v32;
	v39 =	vmul.f32 v56, v52;
	v50 =	vmul.f32 v34, v30  }
0x1a0: {  	v43 =	vmul.f32 v56, v56;
	v52, _, _ =	vpop (xrf2);
	(xrf2) =	vadd.scan.msk.f32 $0xffff, v17;
	v8 =	vadd.f32 v61, v57;
	v18 =	vadd.f32 v25, v18  }
0x1a1: {  	v56, _, _ =	vpop (xrf2);
	(xrf2) =	vadd.scan.msk.f32 $0xffff, v13;
	v42 =	vadd.f32 v36, v35;
	v9 =	vadd.f32 $0.0e+00, v50;
	v58 =	vmul.f32 v41, v37  }
0x1a2: {  	v46 =	vmul.f32 v62, v59;
	v0 =	vadd.f32 v40, v38;
	v59, _, _ =	vpop (xrf2);
	(xrf2) =	vadd.scan.msk.f32 $0xffff, v7;
	v45 =	vadd.f32 v39, v18  }
0x1a3: {  	v53 =	vmul.f32 v62, v62;
	v7 =	vadd.f32 v60, v54;
	v62, _, _ =	vpop (xrf2);
	(xrf2) =	vadd.scan.msk.f32 $0xffff, v5;
	v63 =	vadd.f32 v58, v9  }
0x1a4: {  	v27 =	vmul.f32 v55, v51;
	v48 =	vadd.f32 v43, v42;
	v24, _, _ =	vpop (xrf2);
	(xrf2) =	vadd.scan.msk.f32 $0xffff, v31;
	v12 =	vadd.f32 v46, v45  }
0x1a5: {  	v30 =	vmul.f32 v51, v51;
	v0 =	vadd.f32 v49, v0;
	v25, _, _ =	vpop (xrf2);
	(xrf2) =	vadd.scan.msk.f32 $0xffff, v6;
	v5 =	vadd.f32 v21, v63  }
0x1a6: {  	v29 =	vbroadcast v52, $0xF;
	v7 =	vadd.f32 v10, v7;
	v1 =	vadd.f32 v53, v48;
	v28, _, _ =	vpop (xrf2);
	(xrf2) =	vadd.scan.msk.f32 $0xffff, v12  }
0x1a7: {  	v33 =	vmul.f32 v55, v55;
	v32 =	vadd.f32 v26, v8;
	v31, _, _ =	vpop (xrf2);
	v5 =	vadd.f32 v27, v5;
	(xrf2) =	vadd.scan.msk.f32 $0xffff, v0  }
0x1a8: {  	v36 =	vbroadcast v56, $0xF;
	v2 =	vsel vm7, v2, v29;
	v35 =	vadd.f32 v30, v7;
	v34, _, _ =	vpop (xrf2);
	(xrf2) =	vadd.scan.msk.f32 $0xffff, v1  }
0x1a9: {  	v38 =	vbroadcast v59, $0xF;
	v39 =	vbroadcast v62, $0xF;
	v37, _, _ =	vpop (xrf2);
	v0 =	vadd.f32 v33, v32;
	(xrf2) =	vadd.scan.msk.f32 $0xffff, v5  }
0x1aa: {  	v3 =	vsel vm8, v3, v36;
	v41 =	vbroadcast v24, $0xF;
	v42 =	vbroadcast v25, $0xF;
	v40, _, _ =	vpop (xrf2);
	(xrf2) =	vadd.scan.msk.f32 $0xffff, v35  }
0x1ab: {  	v4 =	vsel vm8, v4, v38;
	v43 =	vbroadcast v28, $0xF;
	v2 =	vsel vm8, v2, v39;
	v44, _, _ =	vpop (xrf2);
	(xrf2) =	vadd.scan.msk.f32 $0xffff, v0  }
0x1ac: {  	v46 =	vsel vm9, v4, v42;
	v47 =	vbroadcast v31, $0xF;
	v49 =	vbroadcast v34, $0xF;
	v45, _, _ =	vpop (xrf2)  }
0x1ad: {  	v2 =	vsel vm9, v2, v43;
	v6 =	vbroadcast v37, $0xF;
	v51 =	vbroadcast v40, $0xF;
	v48, _, _ =	vpop (xrf2)  }
0x1ae: {  	v1 =	vsel vm9, v3, v41;
	v52 =	vbroadcast v44, $0xF;
	v3 =	vsel vm10, v46, v49;
	v50, _, _ =	vpop (xrf2)  }
0x1af: {  	v2 =	vsel vm10, v2, v6;
	v1 =	vsel vm10, v1, v47;
	v55 =	vbroadcast v48, $0xF;
	v53, _, _ =	vpop (xrf2)  }
0x1b0: {  	v1 =	vsel vm11, v1, v51;
	v3 =	vsel vm11, v3, v52;
	v0 =	vbroadcast v45, $0xF;
	v54, _, _ =	vpop (xrf2)  }
0x1b1: {  	v57 =	vbroadcast v50, $0xF;
	v1 =	vsel vm12, v1, v55;
	v56, _, _ =	vpop (xrf2);
	v5 =	vbroadcast v54, $0xF  }
0x1b2: {  	p0 =	sne.s32 s0, $0x1E000;
	v59 =	vbroadcast v53, $0xF;
	v0 =	vsel vm11, v2, v0;
	v58, _, _ =	vpop (xrf2);
	v6 =	vbroadcast v56, $0xF  }
.Ltmp2:
0x1b3: {  	v2 =	vsel vm12, v3, v57;
	v60, _, _ =	vpop (xrf2);
	v1 =	vsel vm13, v1, v5;
	v61 =	vbroadcast v58, $0xF;
	(pc) =	sbr.rel @p0 .LBB2_6-.Ltmp2, $4  }
0x1b4: {  	v0 =	vsel vm12, v0, v59;
	v62, _, _ =	vpop (xrf2);
	v2 =	vsel vm13, v2, v6;
	v1 =	vsel vm14, v1, v60  }
0x1b5: {  	v0 =	vsel vm13, v0, v61;
	v2 =	vsel vm14, v2, v62;
	v63, _, _ =	vpop (xrf2);
	[tilespmem:s14+$0x0] =	vst v1  }
0x1b6: {  	s2 =	sadd.s32 $0x10, s2;
	s12 =	sadd.s32 $0x10, s12;
	s0 =	sadd.s32 $0x2000, s0;
	v0 =	vsel vm14, v0, v63;
	[tilespmem:s16+$0x0] =	vst v2  }
0x1b7: {  	s14 =	sadd.s32 $0x10, s14;
	s16 =	sadd.s32 $0x10, s16;
	[tilespmem:s18+$0x0] =	vst v0;
	s18 =	sadd.s32 $0x10, s18  }
0x1b8: {  	[hbm4b:s7+s1] =	stream.linear.scatter [tilespmem:s28], [sflag:$0x2], $0x200, $0x38;
	[tilespmem:$0x10E00] =	vst v63  }
0x1b9: {  	_ =	swait.ge [sflag:s11], $0x200  }
0x1ba: {  	[sflag:s11] =	ssyncset.done $0x0  }
0x1bb: {  	[sflag:s11] =	ssyncadd.s32 $0xFFFFFE00  }
0x1bc: {  	[hbm4b:s8+s1] =	stream.linear.scatter [tilespmem:s29], [sflag:$0x2], $0x200, $0x38;
	[tilespmem:$0x10E00] =	vst v63  }
0x1bd: {  	s31 =	sadd.s32 $0x1, s31;
	_ =	swait.ge [sflag:s11], $0x200  }
0x1be: {  	p0 =	sne.s32 s31, s10;
	[sflag:s11] =	ssyncset.done $0x0  }
.Ltmp3:
0x1bf: {  	[sflag:s11] =	ssyncadd.s32 $0xFFFFFE00;
	(pc) =	sbr.rel @p0 .LBB2_1-.Ltmp3, $4  }
0x1c0: {  	[hbm4b:s9+s1] =	stream.linear.scatter [tilespmem:s30], [sflag:$0x2], $0x200, $0x38;
	[tilespmem:$0x10E00] =	vst v63  }
0x1c1: {  	_ =	swait.ge [sflag:s11], $0x200  }
0x1c2: {  	[sflag:s11] =	ssyncset.done $0x0  }
0x1c3: {  	[sflag:s11] =	ssyncadd.s32 $0xFFFFFE00  }
0x1c4: {  	_ =	sfence.sel $0x180000  }
0x1c5: {  	[bflag:$0x0] =	sbarrier.arrive $0xFFFF  }
0x1c6: {  	_ =	strace $0x90000047  }
0x1c7: {  	s0 =	stileid.u32;
	[bflag:$0x2] =	sbarrier.arrive $0xFFFF  }
0x1c8: {  	p0 =	sne.s32 s0, $0x0;
	s0 =	rddreg [dreg:$0x6]  }
0x1c9: {  	s0 =	sadd.s32 @!p0 $0x100000, s0  }
0x1ca: {  	[sflag:s0] =	ssyncadd.tile.s32 @!p0 $0x1;
	_ =	shalt  }
.Lfunc_end2:
_tile_overlayer_lowered:
.L_overlay_start_2:
0x1cb: {  	(tag) =	ssettag $0x2  }
0x1cc: {  	s0 =	rddreg [dreg:$0x0];
	s2 =	stileid.u32  }
0x1cd: {  	s1 =	rddreg [dreg:$0x1];
	p0 =	sne.s32 s2, $0x0  }
0x1ce: {  	s3 =	rddreg [dreg:$0x2];
	[bflag:$0x3] =	sbarrier.arrive $0xFFFF;
	s2 =	simm.s32 @!p0 $0x1C02  }
0x1cf: {  	[timem:s3], [sflag:s2] =	dma.local @!p0 [hbm:s0], s1  }
0x1d0: {  	s0 =	simm.s32 @!p0 $0x2  }
0x1d1: {  	_ =	swait.ge @!p0 [sflag:s0], s1  }
0x1d2: {  	s1 =	ssub.s32 @!p0 $0x0, s1;
	[sflag:s0] =	ssyncset.done @!p0 $0x0  }
0x1d3: {  	[sflag:s0] =	ssyncadd.s32 @!p0 s1  }
0x1d4: {  	[bflag:$0x3] =	sbarrier.arrive $0xFFFF  }
0x1d5: {  	_ =	shalt  }

</sc_bundles>
